<compile_context>
chip_gen: v7x
topology: tpu7x:2x2x1
jax: 0.10.2.dev20260603
libtpu: 0.0.44.dev20260713+nightly
codegen_flags: <defaults>
</compile_context>

<pallas_src>
import functools

import jax
import jax.numpy as jnp
from jax import lax
from jax.experimental import pallas as pl
from jax.experimental.pallas import tpu as pltpu
from jax.experimental.pallas import tpu_sc as plsc

EMB = 64
BATCH = 16384
OUT = 2
NW = 32
BPW = BATCH // NW
GS = 16
NG = BPW // GS
HALF = 2 * GS

_mesh = plsc.VectorSubcoreMesh(core_axis_name="c", subcore_axis_name="s")


def _fire_group(g, idx_v, tbl_hbm, buf_v, base, sem):
    iv_a = idx_v[pl.ds(g * GS, 16)]
    iv_b = idx_v[pl.ds(BPW + g * GS, 16)]
    for j in range(GS):
        ra = iv_a[j]
        rb = iv_b[j]
        pltpu.async_copy(
            tbl_hbm.at[pl.ds(ra, 1), :],
            buf_v.at[pl.ds(base + j, 1), :], sem)
        pltpu.async_copy(
            tbl_hbm.at[pl.ds(rb, 1), :],
            buf_v.at[pl.ds(base + GS + j, 1), :], sem)


def _drain_group(tbl_hbm, buf_v, sem):
    pltpu.make_async_copy(
        tbl_hbm.at[pl.ds(0, 32), :], buf_v.at[pl.ds(0, 32), :], sem).wait()


def _compute_group(g, buf_v, base, wt0, wt1, b0, b1, out_v,
                   lanes, col0, col1):
    rows_a = base + lanes
    rows_b = base + GS + lanes
    acc0 = jnp.zeros((16,), jnp.float32)
    acc1 = jnp.zeros((16,), jnp.float32)
    for d in range(EMB):
        dvec = jnp.full((16,), d, jnp.int32)
        c0 = plsc.load_gather(buf_v, [rows_a, dvec])
        c1 = plsc.load_gather(buf_v, [rows_b, dvec])
        p = c0 * c1
        acc0 = acc0 + p * wt0[d // 16][d % 16]
        acc1 = acc1 + p * wt1[d // 16][d % 16]
    y0 = 1.0 / (1.0 + jnp.exp(-(acc0 + b0)))
    y1 = 1.0 / (1.0 + jnp.exp(-(acc1 + b1)))
    bidx = g * GS + lanes
    plsc.store_scatter(out_v, [bidx, col0], y0)
    plsc.store_scatter(out_v, [bidx, col1], y1)


@functools.partial(
    pl.kernel,
    out_type=jax.ShapeDtypeStruct((BATCH, OUT), jnp.float32),
    mesh=_mesh,
    compiler_params=pltpu.CompilerParams(
        needs_layout_passes=False, use_tc_tiling_on_sc=True),
    scratch_types=[
        pltpu.VMEM((2 * BPW,), jnp.int32),
        pltpu.VMEM((3 * HALF, EMB), jnp.float32),
        pltpu.VMEM((OUT, EMB), jnp.float32),
        pltpu.VMEM((16,), jnp.float32),
        pltpu.VMEM((BPW, OUT), jnp.float32),
        pltpu.SemaphoreType.DMA,
    ],
)
def _srn2vec_sc(xf_hbm, tbl_hbm, wt_hbm, b_hbm, out_hbm,
                idx_v, buf_v, wt_v, b_v, out_v, sem):
    wid = lax.axis_index("s") * 2 + lax.axis_index("c")
    pltpu.sync_copy(xf_hbm.at[pl.ds(wid * BPW, BPW)], idx_v.at[pl.ds(0, BPW)])
    pltpu.sync_copy(xf_hbm.at[pl.ds(BATCH + wid * BPW, BPW)],
                    idx_v.at[pl.ds(BPW, BPW)])
    pltpu.sync_copy(wt_hbm, wt_v)
    pltpu.sync_copy(b_hbm, b_v)

    wt0 = [wt_v[0, pl.ds(k * 16, 16)] for k in range(EMB // 16)]
    wt1 = [wt_v[1, pl.ds(k * 16, 16)] for k in range(EMB // 16)]
    bvec = b_v[...]
    b0 = bvec[0]
    b1 = bvec[1]
    lanes = lax.iota(jnp.int32, 16)
    col0 = jnp.zeros((16,), jnp.int32)
    col1 = col0 + 1

    _fire_group(0, idx_v, tbl_hbm, buf_v, 0, sem)
    _fire_group(1, idx_v, tbl_hbm, buf_v, HALF, sem)

    def group_loop(g, carry):
        nbase = lax.rem(g + 2, 3) * HALF
        base = lax.rem(g, 3) * HALF

        @pl.when(g < NG - 2)
        def _():
            _fire_group(g + 2, idx_v, tbl_hbm, buf_v, nbase, sem)

        _drain_group(tbl_hbm, buf_v, sem)
        _compute_group(g, buf_v, base, wt0, wt1, b0, b1, out_v,
                       lanes, col0, col1)
        return carry

    lax.fori_loop(0, NG, group_loop, 0)

    pltpu.sync_copy(out_v, out_hbm.at[pl.ds(wid * BPW, BPW), :])


def kernel(x, table, W_out, b_out):
    xf = x.T.reshape(-1)
    wt = W_out.T
    bp = jnp.zeros((16,), jnp.float32).at[:OUT].set(b_out)
    return _srn2vec_sc(xf, table, wt, bp)

# --- scband reference (transcript-rebuilt; emitter-appended) ---
"""Pipeline reference for scband-srn2-vec-module-38637525795175 (READ-ONLY COPY).

The authoritative reference and input builder live on the scoring server;
editing this copy changes nothing except your own understanding.
"""

import jax, jax.numpy as jnp
import numpy as np

NODE_NUM = 1000000
EMB_DIM = 64
OUT_DIM = 2
BATCH = 16384

def setup_inputs(seed: int = 0) -> dict:
    key = jax.random.key(seed)
    k1, k2, k3 = jax.random.split(key, 3)
    x = jax.random.randint(k1, (BATCH, 2), 0, NODE_NUM, dtype=jnp.int64 if jax.config.jax_enable_x64 else jnp.int32).astype(jnp.int32)
    table = jax.random.normal(k2, (NODE_NUM, EMB_DIM), dtype=jnp.float32)
    W_out = jax.random.normal(k3, (EMB_DIM, OUT_DIM), dtype=jnp.float32) * 0.1
    b_out = jnp.zeros((OUT_DIM,), dtype=jnp.float32)
    return {"x": x, "table": table, "W_out": W_out, "b_out": b_out}

def reference(x, table, W_out, b_out):
    # emb = self.embedding(x)  -> gather rows of the table
    emb = jnp.take(table, x, axis=0)  # [B, 2, emb_dim]
    # x = emb[:, 0, :] * emb[:, 1, :]
    h = emb[:, 0, :] * emb[:, 1, :]
    # x = self.lin_out(x); yh = sigmoid(x)
    logits = h @ W_out + b_out
    yh = jax.nn.sigmoid(logits)
    return yh

if __name__ == "__main__":
    import jax
    _d = setup_inputs()
    print(jax.jit(kernel)(*tuple(_d.values())))

</pallas_src>

<mosaic_0001>
#map = affine_map<(d0, d1) -> (0)>
#map1 = affine_map<(d0, d1) -> (0, 0)>
module attributes {stable_mosaic.version = 14 : i64} {
  func.func @_srn2vec_sc(%arg0: i32, %arg1: i32, %arg2: memref<32768xi32, #tpu.memory_space<hbm>>, %arg3: memref<1000000x64xf32, #tpu.memory_space<hbm>>, %arg4: memref<2x64xf32, #tpu.memory_space<hbm>>, %arg5: memref<16xf32, #tpu.memory_space<hbm>>, %arg6: memref<16384x2xf32, #tpu.memory_space<hbm>>, %arg7: memref<1024xi32, #tpu.memory_space<vmem>>, %arg8: memref<96x64xf32, #tpu.memory_space<vmem>>, %arg9: memref<2x64xf32, #tpu.memory_space<vmem>>, %arg10: memref<16xf32, #tpu.memory_space<vmem>>, %arg11: memref<512x2xf32, #tpu.memory_space<vmem>>, %arg12: memref<!tpu.dma_semaphore, #tpu.memory_space<semaphore_mem>>) attributes {dimension_semantics = [#tpu.dimension_semantics<core_parallel>, #tpu.dimension_semantics<subcore_parallel>], iteration_bounds = array<i64: 2, 16>, scalar_prefetch = 0 : i64, scratch_operands = 6 : i64, tpu.core_type = #tpu.core_type<sc_vector_subcore>, window_params = [{transform_indices = #map}, {transform_indices = #map1}, {transform_indices = #map1}, {transform_indices = #map}, {transform_indices = #map1}]} {
    %mul3A = arith.constant 2 : i32
    %mul3A_0 = arith.muli %arg1, %mul3A : i32
    %add3A = arith.addi %mul3A_0, %arg0 : i32
    %mul3A_1 = arith.constant 512 : i32
    %mul3A_2 = arith.muli %add3A, %mul3A_1 : i32
    "tpu.region"() ({
      %run_scoped3A = tpu.sem_alloc : memref<!tpu.dma_semaphore, #tpu.memory_space<semaphore_mem>>
      %dma_start3A_828 = arith.constant 0 : i32
      %dma_start3A_829 = tpu.memref_slice %arg7[%dma_start3A_828] : memref<1024xi32, #tpu.memory_space<vmem>> -> memref<512xi32, #tpu.memory_space<vmem>>
      %dma_start3A_830 = tpu.memref_slice %arg2[%mul3A_2] : memref<32768xi32, #tpu.memory_space<hbm>> -> memref<512xi32, #tpu.memory_space<hbm>>
      %dma_start3A_831 = arith.constant 0 : i32
      %dma_start3A_832 = tpu.memref_slice %arg7[%dma_start3A_831] : memref<1024xi32, #tpu.memory_space<vmem>> -> memref<512xi32, #tpu.memory_space<vmem>>
      %dma_start3A_833 = tpu.memref_slice %arg2[%mul3A_2] : memref<32768xi32, #tpu.memory_space<hbm>> -> memref<512xi32, #tpu.memory_space<hbm>>
      tpu.enqueue_dma source(%dma_start3A_833 : memref<512xi32, #tpu.memory_space<hbm>>) target(%dma_start3A_832 : memref<512xi32, #tpu.memory_space<vmem>>) target_semaphore(%run_scoped3A : memref<!tpu.dma_semaphore, #tpu.memory_space<semaphore_mem>>)
      %dma_wait3A = arith.constant 0 : i32
      %dma_wait3A_834 = tpu.memref_slice %arg7[%dma_wait3A] : memref<1024xi32, #tpu.memory_space<vmem>> -> memref<512xi32, #tpu.memory_space<vmem>>
      %dma_wait3A_835 = tpu.memref_slice %arg2[%mul3A_2] : memref<32768xi32, #tpu.memory_space<hbm>> -> memref<512xi32, #tpu.memory_space<hbm>>
      %dma_wait3A_836 = arith.constant 0 : i32
      %dma_wait3A_837 = tpu.memref_slice %arg7[%dma_wait3A_836] : memref<1024xi32, #tpu.memory_space<vmem>> -> memref<512xi32, #tpu.memory_space<vmem>>
      %dma_wait3A_838 = tpu.memref_slice %arg2[%mul3A_2] : memref<32768xi32, #tpu.memory_space<hbm>> -> memref<512xi32, #tpu.memory_space<hbm>>
      tpu.wait_dma2 semaphore(%run_scoped3A : memref<!tpu.dma_semaphore, #tpu.memory_space<semaphore_mem>>) src(%dma_wait3A_838 : memref<512xi32, #tpu.memory_space<hbm>>) dst(%dma_wait3A_837 : memref<512xi32, #tpu.memory_space<vmem>>)
      tpu.yield
    }) : () -> ()
    %mul3A_3 = arith.constant 512 : i32
    %mul3A_4 = arith.muli %add3A, %mul3A_3 : i32
    %add3A_5 = arith.constant 16384 : i32
    %add3A_6 = arith.addi %add3A_5, %mul3A_4 : i32
    "tpu.region"() ({
      %run_scoped3A = tpu.sem_alloc : memref<!tpu.dma_semaphore, #tpu.memory_space<semaphore_mem>>
      %dma_start3A_828 = arith.constant 512 : i32
      %dma_start3A_829 = tpu.memref_slice %arg7[%dma_start3A_828] : memref<1024xi32, #tpu.memory_space<vmem>> -> memref<512xi32, #tpu.memory_space<vmem>>
      %dma_start3A_830 = tpu.memref_slice %arg2[%add3A_6] : memref<32768xi32, #tpu.memory_space<hbm>> -> memref<512xi32, #tpu.memory_space<hbm>>
      %dma_start3A_831 = arith.constant 512 : i32
      %dma_start3A_832 = tpu.memref_slice %arg7[%dma_start3A_831] : memref<1024xi32, #tpu.memory_space<vmem>> -> memref<512xi32, #tpu.memory_space<vmem>>
      %dma_start3A_833 = tpu.memref_slice %arg2[%add3A_6] : memref<32768xi32, #tpu.memory_space<hbm>> -> memref<512xi32, #tpu.memory_space<hbm>>
      tpu.enqueue_dma source(%dma_start3A_833 : memref<512xi32, #tpu.memory_space<hbm>>) target(%dma_start3A_832 : memref<512xi32, #tpu.memory_space<vmem>>) target_semaphore(%run_scoped3A : memref<!tpu.dma_semaphore, #tpu.memory_space<semaphore_mem>>)
      %dma_wait3A = arith.constant 512 : i32
      %dma_wait3A_834 = tpu.memref_slice %arg7[%dma_wait3A] : memref<1024xi32, #tpu.memory_space<vmem>> -> memref<512xi32, #tpu.memory_space<vmem>>
      %dma_wait3A_835 = tpu.memref_slice %arg2[%add3A_6] : memref<32768xi32, #tpu.memory_space<hbm>> -> memref<512xi32, #tpu.memory_space<hbm>>
      %dma_wait3A_836 = arith.constant 512 : i32
      %dma_wait3A_837 = tpu.memref_slice %arg7[%dma_wait3A_836] : memref<1024xi32, #tpu.memory_space<vmem>> -> memref<512xi32, #tpu.memory_space<vmem>>
      %dma_wait3A_838 = tpu.memref_slice %arg2[%add3A_6] : memref<32768xi32, #tpu.memory_space<hbm>> -> memref<512xi32, #tpu.memory_space<hbm>>
      tpu.wait_dma2 semaphore(%run_scoped3A : memref<!tpu.dma_semaphore, #tpu.memory_space<semaphore_mem>>) src(%dma_wait3A_838 : memref<512xi32, #tpu.memory_space<hbm>>) dst(%dma_wait3A_837 : memref<512xi32, #tpu.memory_space<vmem>>)
      tpu.yield
    }) : () -> ()
    "tpu.region"() ({
      %run_scoped3A = tpu.sem_alloc : memref<!tpu.dma_semaphore, #tpu.memory_space<semaphore_mem>>
      tpu.enqueue_dma source(%arg4 : memref<2x64xf32, #tpu.memory_space<hbm>>) target(%arg9 : memref<2x64xf32, #tpu.memory_space<vmem>>) target_semaphore(%run_scoped3A : memref<!tpu.dma_semaphore, #tpu.memory_space<semaphore_mem>>)
      tpu.wait_dma2 semaphore(%run_scoped3A : memref<!tpu.dma_semaphore, #tpu.memory_space<semaphore_mem>>) src(%arg4 : memref<2x64xf32, #tpu.memory_space<hbm>>) dst(%arg9 : memref<2x64xf32, #tpu.memory_space<vmem>>)
      tpu.yield
    }) : () -> ()
    "tpu.region"() ({
      %run_scoped3A = tpu.sem_alloc : memref<!tpu.dma_semaphore, #tpu.memory_space<semaphore_mem>>
      tpu.enqueue_dma source(%arg5 : memref<16xf32, #tpu.memory_space<hbm>>) target(%arg10 : memref<16xf32, #tpu.memory_space<vmem>>) target_semaphore(%run_scoped3A : memref<!tpu.dma_semaphore, #tpu.memory_space<semaphore_mem>>)
      tpu.wait_dma2 semaphore(%run_scoped3A : memref<!tpu.dma_semaphore, #tpu.memory_space<semaphore_mem>>) src(%arg5 : memref<16xf32, #tpu.memory_space<hbm>>) dst(%arg10 : memref<16xf32, #tpu.memory_space<vmem>>)
      tpu.yield
    }) : () -> ()
    %get3A = arith.constant 0 : i32
    %get3A_7 = arith.index_cast %get3A : i32 to index
    %get3A_8 = arith.constant 0 : index
    %get3A_9 = tpu.vector_load %arg9[%get3A_7, %get3A_8] {strides = array<i32>} : memref<2x64xf32, #tpu.memory_space<vmem>>, vector<16xf32>,
    %get3A_10 = arith.constant 0 : i32
    %get3A_11 = arith.index_cast %get3A_10 : i32 to index
    %get3A_12 = arith.constant 16 : index
    %get3A_13 = tpu.vector_load %arg9[%get3A_11, %get3A_12] {strides = array<i32>} : memref<2x64xf32, #tpu.memory_space<vmem>>, vector<16xf32>,
    %get3A_14 = arith.constant 0 : i32
    %get3A_15 = arith.index_cast %get3A_14 : i32 to index
    %get3A_16 = arith.constant 32 : index
    %get3A_17 = tpu.vector_load %arg9[%get3A_15, %get3A_16] {strides = array<i32>} : memref<2x64xf32, #tpu.memory_space<vmem>>, vector<16xf32>,
    %get3A_18 = arith.constant 0 : i32
    %get3A_19 = arith.index_cast %get3A_18 : i32 to index
    %get3A_20 = arith.constant 48 : index
    %get3A_21 = tpu.vector_load %arg9[%get3A_19, %get3A_20] {strides = array<i32>} : memref<2x64xf32, #tpu.memory_space<vmem>>, vector<16xf32>,
    %get3A_22 = arith.constant 1 : i32
    %get3A_23 = arith.index_cast %get3A_22 : i32 to index
    %get3A_24 = arith.constant 0 : index
    %get3A_25 = tpu.vector_load %arg9[%get3A_23, %get3A_24] {strides = array<i32>} : memref<2x64xf32, #tpu.memory_space<vmem>>, vector<16xf32>,
    %get3A_26 = arith.constant 1 : i32
    %get3A_27 = arith.index_cast %get3A_26 : i32 to index
    %get3A_28 = arith.constant 16 : index
    %get3A_29 = tpu.vector_load %arg9[%get3A_27, %get3A_28] {strides = array<i32>} : memref<2x64xf32, #tpu.memory_space<vmem>>, vector<16xf32>,
    %get3A_30 = arith.constant 1 : i32
    %get3A_31 = arith.index_cast %get3A_30 : i32 to index
    %get3A_32 = arith.constant 32 : index
    %get3A_33 = tpu.vector_load %arg9[%get3A_31, %get3A_32] {strides = array<i32>} : memref<2x64xf32, #tpu.memory_space<vmem>>, vector<16xf32>,
    %get3A_34 = arith.constant 1 : i32
    %get3A_35 = arith.index_cast %get3A_34 : i32 to index
    %get3A_36 = arith.constant 48 : index
    %get3A_37 = tpu.vector_load %arg9[%get3A_35, %get3A_36] {strides = array<i32>} : memref<2x64xf32, #tpu.memory_space<vmem>>, vector<16xf32>,
    %get3A_38 = arith.constant 0 : index
    %get3A_39 = tpu.vector_load %arg10[%get3A_38] {strides = array<i32>} : memref<16xf32, #tpu.memory_space<vmem>>, vector<16xf32>,
    %slice3A = vector.extract_strided_slice %get3A_39 {offsets = [0], sizes = [1], strides = [1]} : vector<16xf32> to vector<1xf32>
    %squeeze3A = vector.extract %slice3A[0] : f32 from vector<1xf32>
    %slice3A_40 = vector.extract_strided_slice %get3A_39 {offsets = [1], sizes = [1], strides = [1]} : vector<16xf32> to vector<1xf32>
    %squeeze3A_41 = vector.extract %slice3A_40[0] : f32 from vector<1xf32>
    %iota3A = tpu.iota {dimensions = array<i32: 0>} : vector<16xi32>
    %broadcast_in_dim3A = arith.constant 0 : i32
    %broadcast_in_dim3A_42 = vector.broadcast %broadcast_in_dim3A : i32 to vector<16xi32>
    %add3A_43 = arith.constant 1 : i32
    %add3A_44 = vector.broadcast %add3A_43 : i32 to vector<16xi32>
    %add3A_45 = arith.addi %broadcast_in_dim3A_42, %add3A_44 : vector<16xi32>
    %get3A_46 = arith.constant 0 : index
    %get3A_47 = tpu.vector_load %arg7[%get3A_46] {strides = array<i32>} : memref<1024xi32, #tpu.memory_space<vmem>>, vector<16xi32>,
    %get3A_48 = arith.constant 512 : index
    %get3A_49 = tpu.vector_load %arg7[%get3A_48] {strides = array<i32>} : memref<1024xi32, #tpu.memory_space<vmem>>, vector<16xi32>,
    %slice3A_50 = vector.extract_strided_slice %get3A_47 {offsets = [0], sizes = [1], strides = [1]} : vector<16xi32> to vector<1xi32>
    %squeeze3A_51 = vector.extract %slice3A_50[0] : i32 from vector<1xi32>
    %slice3A_52 = vector.extract_strided_slice %get3A_49 {offsets = [0], sizes = [1], strides = [1]} : vector<16xi32> to vector<1xi32>
    %squeeze3A_53 = vector.extract %slice3A_52[0] : i32 from vector<1xi32>
    %dma_start3A = arith.constant 0 : i32
    %dma_start3A_54 = arith.constant 0 : i32
    %dma_start3A_55 = tpu.memref_slice %arg8[%dma_start3A, %dma_start3A_54] : memref<96x64xf32, #tpu.memory_space<vmem>> -> memref<1x64xf32, #tpu.memory_space<vmem>>
    %dma_start3A_56 = arith.constant 0 : i32
    %dma_start3A_57 = tpu.memref_slice %arg3[%squeeze3A_51, %dma_start3A_56] : memref<1000000x64xf32, #tpu.memory_space<hbm>> -> memref<1x64xf32, #tpu.memory_space<hbm>>
    %dma_start3A_58 = arith.constant 0 : i32
    %dma_start3A_59 = arith.constant 0 : i32
    %dma_start3A_60 = tpu.memref_slice %arg8[%dma_start3A_58, %dma_start3A_59] : memref<96x64xf32, #tpu.memory_space<vmem>> -> memref<1x64xf32, #tpu.memory_space<vmem>>
    %dma_start3A_61 = arith.constant 0 : i32
    %dma_start3A_62 = tpu.memref_slice %arg3[%squeeze3A_51, %dma_start3A_61] : memref<1000000x64xf32, #tpu.memory_space<hbm>> -> memref<1x64xf32, #tpu.memory_space<hbm>>
    tpu.enqueue_dma source(%dma_start3A_62 : memref<1x64xf32, #tpu.memory_space<hbm>>) target(%dma_start3A_60 : memref<1x64xf32, #tpu.memory_space<vmem>>) target_semaphore(%arg12 : memref<!tpu.dma_semaphore, #tpu.memory_space<semaphore_mem>>)
    %dma_start3A_63 = arith.constant 16 : i32
    %dma_start3A_64 = arith.constant 0 : i32
    %dma_start3A_65 = tpu.memref_slice %arg8[%dma_start3A_63, %dma_start3A_64] : memref<96x64xf32, #tpu.memory_space<vmem>> -> memref<1x64xf32, #tpu.memory_space<vmem>>
    %dma_start3A_66 = arith.constant 0 : i32
    %dma_start3A_67 = tpu.memref_slice %arg3[%squeeze3A_53, %dma_start3A_66] : memref<1000000x64xf32, #tpu.memory_space<hbm>> -> memref<1x64xf32, #tpu.memory_space<hbm>>
    %dma_start3A_68 = arith.constant 16 : i32
    %dma_start3A_69 = arith.constant 0 : i32
    %dma_start3A_70 = tpu.memref_slice %arg8[%dma_start3A_68, %dma_start3A_69] : memref<96x64xf32, #tpu.memory_space<vmem>> -> memref<1x64xf32, #tpu.memory_space<vmem>>
    %dma_start3A_71 = arith.constant 0 : i32
    %dma_start3A_72 = tpu.memref_slice %arg3[%squeeze3A_53, %dma_start3A_71] : memref<1000000x64xf32, #tpu.memory_space<hbm>> -> memref<1x64xf32, #tpu.memory_space<hbm>>
    tpu.enqueue_dma source(%dma_start3A_72 : memref<1x64xf32, #tpu.memory_space<hbm>>) target(%dma_start3A_70 : memref<1x64xf32, #tpu.memory_space<vmem>>) target_semaphore(%arg12 : memref<!tpu.dma_semaphore, #tpu.memory_space<semaphore_mem>>)
    %slice3A_73 = vector.extract_strided_slice %get3A_47 {offsets = [1], sizes = [1], strides = [1]} : vector<16xi32> to vector<1xi32>
    %squeeze3A_74 = vector.extract %slice3A_73[0] : i32 from vector<1xi32>
    %slice3A_75 = vector.extract_strided_slice %get3A_49 {offsets = [1], sizes = [1], strides = [1]} : vector<16xi32> to vector<1xi32>
    %squeeze3A_76 = vector.extract %slice3A_75[0] : i32 from vector<1xi32>
    %dma_start3A_77 = arith.constant 1 : i32
    %dma_start3A_78 = arith.constant 0 : i32
    %dma_start3A_79 = tpu.memref_slice %arg8[%dma_start3A_77, %dma_start3A_78] : memref<96x64xf32, #tpu.memory_space<vmem>> -> memref<1x64xf32, #tpu.memory_space<vmem>>
    %dma_start3A_80 = arith.constant 0 : i32
    %dma_start3A_81 = tpu.memref_slice %arg3[%squeeze3A_74, %dma_start3A_80] : memref<1000000x64xf32, #tpu.memory_space<hbm>> -> memref<1x64xf32, #tpu.memory_space<hbm>>
    %dma_start3A_82 = arith.constant 1 : i32
    %dma_start3A_83 = arith.constant 0 : i32
    %dma_start3A_84 = tpu.memref_slice %arg8[%dma_start3A_82, %dma_start3A_83] : memref<96x64xf32, #tpu.memory_space<vmem>> -> memref<1x64xf32, #tpu.memory_space<vmem>>
    %dma_start3A_85 = arith.constant 0 : i32
    %dma_start3A_86 = tpu.memref_slice %arg3[%squeeze3A_74, %dma_start3A_85] : memref<1000000x64xf32, #tpu.memory_space<hbm>> -> memref<1x64xf32, #tpu.memory_space<hbm>>
    tpu.enqueue_dma source(%dma_start3A_86 : memref<1x64xf32, #tpu.memory_space<hbm>>) target(%dma_start3A_84 : memref<1x64xf32, #tpu.memory_space<vmem>>) target_semaphore(%arg12 : memref<!tpu.dma_semaphore, #tpu.memory_space<semaphore_mem>>)
    %dma_start3A_87 = arith.constant 17 : i32
    %dma_start3A_88 = arith.constant 0 : i32
    %dma_start3A_89 = tpu.memref_slice %arg8[%dma_start3A_87, %dma_start3A_88] : memref<96x64xf32, #tpu.memory_space<vmem>> -> memref<1x64xf32, #tpu.memory_space<vmem>>
    %dma_start3A_90 = arith.constant 0 : i32
    %dma_start3A_91 = tpu.memref_slice %arg3[%squeeze3A_76, %dma_start3A_90] : memref<1000000x64xf32, #tpu.memory_space<hbm>> -> memref<1x64xf32, #tpu.memory_space<hbm>>
    %dma_start3A_92 = arith.constant 17 : i32
    %dma_start3A_93 = arith.constant 0 : i32
    %dma_start3A_94 = tpu.memref_slice %arg8[%dma_start3A_92, %dma_start3A_93] : memref<96x64xf32, #tpu.memory_space<vmem>> -> memref<1x64xf32, #tpu.memory_space<vmem>>
    %dma_start3A_95 = arith.constant 0 : i32
    %dma_start3A_96 = tpu.memref_slice %arg3[%squeeze3A_76, %dma_start3A_95] : memref<1000000x64xf32, #tpu.memory_space<hbm>> -> memref<1x64xf32, #tpu.memory_space<hbm>>
    tpu.enqueue_dma source(%dma_start3A_96 : memref<1x64xf32, #tpu.memory_space<hbm>>) target(%dma_start3A_94 : memref<1x64xf32, #tpu.memory_space<vmem>>) target_semaphore(%arg12 : memref<!tpu.dma_semaphore, #tpu.memory_space<semaphore_mem>>)
    %slice3A_97 = vector.extract_strided_slice %get3A_47 {offsets = [2], sizes = [1], strides = [1]} : vector<16xi32> to vector<1xi32>
    %squeeze3A_98 = vector.extract %slice3A_97[0] : i32 from vector<1xi32>
    %slice3A_99 = vector.extract_strided_slice %get3A_49 {offsets = [2], sizes = [1], strides = [1]} : vector<16xi32> to vector<1xi32>
    %squeeze3A_100 = vector.extract %slice3A_99[0] : i32 from vector<1xi32>
    %dma_start3A_101 = arith.constant 2 : i32
    %dma_start3A_102 = arith.constant 0 : i32
    %dma_start3A_103 = tpu.memref_slice %arg8[%dma_start3A_101, %dma_start3A_102] : memref<96x64xf32, #tpu.memory_space<vmem>> -> memref<1x64xf32, #tpu.memory_space<vmem>>
    %dma_start3A_104 = arith.constant 0 : i32
    %dma_start3A_105 = tpu.memref_slice %arg3[%squeeze3A_98, %dma_start3A_104] : memref<1000000x64xf32, #tpu.memory_space<hbm>> -> memref<1x64xf32, #tpu.memory_space<hbm>>
    %dma_start3A_106 = arith.constant 2 : i32
    %dma_start3A_107 = arith.constant 0 : i32
    %dma_start3A_108 = tpu.memref_slice %arg8[%dma_start3A_106, %dma_start3A_107] : memref<96x64xf32, #tpu.memory_space<vmem>> -> memref<1x64xf32, #tpu.memory_space<vmem>>
    %dma_start3A_109 = arith.constant 0 : i32
    %dma_start3A_110 = tpu.memref_slice %arg3[%squeeze3A_98, %dma_start3A_109] : memref<1000000x64xf32, #tpu.memory_space<hbm>> -> memref<1x64xf32, #tpu.memory_space<hbm>>
    tpu.enqueue_dma source(%dma_start3A_110 : memref<1x64xf32, #tpu.memory_space<hbm>>) target(%dma_start3A_108 : memref<1x64xf32, #tpu.memory_space<vmem>>) target_semaphore(%arg12 : memref<!tpu.dma_semaphore, #tpu.memory_space<semaphore_mem>>)
    %dma_start3A_111 = arith.constant 18 : i32
    %dma_start3A_112 = arith.constant 0 : i32
    %dma_start3A_113 = tpu.memref_slice %arg8[%dma_start3A_111, %dma_start3A_112] : memref<96x64xf32, #tpu.memory_space<vmem>> -> memref<1x64xf32, #tpu.memory_space<vmem>>
    %dma_start3A_114 = arith.constant 0 : i32
    %dma_start3A_115 = tpu.memref_slice %arg3[%squeeze3A_100, %dma_start3A_114] : memref<1000000x64xf32, #tpu.memory_space<hbm>> -> memref<1x64xf32, #tpu.memory_space<hbm>>
    %dma_start3A_116 = arith.constant 18 : i32
    %dma_start3A_117 = arith.constant 0 : i32
    %dma_start3A_118 = tpu.memref_slice %arg8[%dma_start3A_116, %dma_start3A_117] : memref<96x64xf32, #tpu.memory_space<vmem>> -> memref<1x64xf32, #tpu.memory_space<vmem>>
    %dma_start3A_119 = arith.constant 0 : i32
    %dma_start3A_120 = tpu.memref_slice %arg3[%squeeze3A_100, %dma_start3A_119] : memref<1000000x64xf32, #tpu.memory_space<hbm>> -> memref<1x64xf32, #tpu.memory_space<hbm>>
    tpu.enqueue_dma source(%dma_start3A_120 : memref<1x64xf32, #tpu.memory_space<hbm>>) target(%dma_start3A_118 : memref<1x64xf32, #tpu.memory_space<vmem>>) target_semaphore(%arg12 : memref<!tpu.dma_semaphore, #tpu.memory_space<semaphore_mem>>)
    %slice3A_121 = vector.extract_strided_slice %get3A_47 {offsets = [3], sizes = [1], strides = [1]} : vector<16xi32> to vector<1xi32>
    %squeeze3A_122 = vector.extract %slice3A_121[0] : i32 from vector<1xi32>
    %slice3A_123 = vector.extract_strided_slice %get3A_49 {offsets = [3], sizes = [1], strides = [1]} : vector<16xi32> to vector<1xi32>
    %squeeze3A_124 = vector.extract %slice3A_123[0] : i32 from vector<1xi32>
    %dma_start3A_125 = arith.constant 3 : i32
    %dma_start3A_126 = arith.constant 0 : i32
    %dma_start3A_127 = tpu.memref_slice %arg8[%dma_start3A_125, %dma_start3A_126] : memref<96x64xf32, #tpu.memory_space<vmem>> -> memref<1x64xf32, #tpu.memory_space<vmem>>
    %dma_start3A_128 = arith.constant 0 : i32
    %dma_start3A_129 = tpu.memref_slice %arg3[%squeeze3A_122, %dma_start3A_128] : memref<1000000x64xf32, #tpu.memory_space<hbm>> -> memref<1x64xf32, #tpu.memory_space<hbm>>
    %dma_start3A_130 = arith.constant 3 : i32
    %dma_start3A_131 = arith.constant 0 : i32
    %dma_start3A_132 = tpu.memref_slice %arg8[%dma_start3A_130, %dma_start3A_131] : memref<96x64xf32, #tpu.memory_space<vmem>> -> memref<1x64xf32, #tpu.memory_space<vmem>>
    %dma_start3A_133 = arith.constant 0 : i32
    %dma_start3A_134 = tpu.memref_slice %arg3[%squeeze3A_122, %dma_start3A_133] : memref<1000000x64xf32, #tpu.memory_space<hbm>> -> memref<1x64xf32, #tpu.memory_space<hbm>>
    tpu.enqueue_dma source(%dma_start3A_134 : memref<1x64xf32, #tpu.memory_space<hbm>>) target(%dma_start3A_132 : memref<1x64xf32, #tpu.memory_space<vmem>>) target_semaphore(%arg12 : memref<!tpu.dma_semaphore, #tpu.memory_space<semaphore_mem>>)
    %dma_start3A_135 = arith.constant 19 : i32
    %dma_start3A_136 = arith.constant 0 : i32
    %dma_start3A_137 = tpu.memref_slice %arg8[%dma_start3A_135, %dma_start3A_136] : memref<96x64xf32, #tpu.memory_space<vmem>> -> memref<1x64xf32, #tpu.memory_space<vmem>>
    %dma_start3A_138 = arith.constant 0 : i32
    %dma_start3A_139 = tpu.memref_slice %arg3[%squeeze3A_124, %dma_start3A_138] : memref<1000000x64xf32, #tpu.memory_space<hbm>> -> memref<1x64xf32, #tpu.memory_space<hbm>>
    %dma_start3A_140 = arith.constant 19 : i32
    %dma_start3A_141 = arith.constant 0 : i32
    %dma_start3A_142 = tpu.memref_slice %arg8[%dma_start3A_140, %dma_start3A_141] : memref<96x64xf32, #tpu.memory_space<vmem>> -> memref<1x64xf32, #tpu.memory_space<vmem>>
    %dma_start3A_143 = arith.constant 0 : i32
    %dma_start3A_144 = tpu.memref_slice %arg3[%squeeze3A_124, %dma_start3A_143] : memref<1000000x64xf32, #tpu.memory_space<hbm>> -> memref<1x64xf32, #tpu.memory_space<hbm>>
    tpu.enqueue_dma source(%dma_start3A_144 : memref<1x64xf32, #tpu.memory_space<hbm>>) target(%dma_start3A_142 : memref<1x64xf32, #tpu.memory_space<vmem>>) target_semaphore(%arg12 : memref<!tpu.dma_semaphore, #tpu.memory_space<semaphore_mem>>)
    %slice3A_145 = vector.extract_strided_slice %get3A_47 {offsets = [4], sizes = [1], strides = [1]} : vector<16xi32> to vector<1xi32>
    %squeeze3A_146 = vector.extract %slice3A_145[0] : i32 from vector<1xi32>
    %slice3A_147 = vector.extract_strided_slice %get3A_49 {offsets = [4], sizes = [1], strides = [1]} : vector<16xi32> to vector<1xi32>
    %squeeze3A_148 = vector.extract %slice3A_147[0] : i32 from vector<1xi32>
    %dma_start3A_149 = arith.constant 4 : i32
    %dma_start3A_150 = arith.constant 0 : i32
    %dma_start3A_151 = tpu.memref_slice %arg8[%dma_start3A_149, %dma_start3A_150] : memref<96x64xf32, #tpu.memory_space<vmem>> -> memref<1x64xf32, #tpu.memory_space<vmem>>
    %dma_start3A_152 = arith.constant 0 : i32
    %dma_start3A_153 = tpu.memref_slice %arg3[%squeeze3A_146, %dma_start3A_152] : memref<1000000x64xf32, #tpu.memory_space<hbm>> -> memref<1x64xf32, #tpu.memory_space<hbm>>
    %dma_start3A_154 = arith.constant 4 : i32
    %dma_start3A_155 = arith.constant 0 : i32
    %dma_start3A_156 = tpu.memref_slice %arg8[%dma_start3A_154, %dma_start3A_155] : memref<96x64xf32, #tpu.memory_space<vmem>> -> memref<1x64xf32, #tpu.memory_space<vmem>>
    %dma_start3A_157 = arith.constant 0 : i32
    %dma_start3A_158 = tpu.memref_slice %arg3[%squeeze3A_146, %dma_start3A_157] : memref<1000000x64xf32, #tpu.memory_space<hbm>> -> memref<1x64xf32, #tpu.memory_space<hbm>>
    tpu.enqueue_dma source(%dma_start3A_158 : memref<1x64xf32, #tpu.memory_space<hbm>>) target(%dma_start3A_156 : memref<1x64xf32, #tpu.memory_space<vmem>>) target_semaphore(%arg12 : memref<!tpu.dma_semaphore, #tpu.memory_space<semaphore_mem>>)
    %dma_start3A_159 = arith.constant 20 : i32
    %dma_start3A_160 = arith.constant 0 : i32
    %dma_start3A_161 = tpu.memref_slice %arg8[%dma_start3A_159, %dma_start3A_160] : memref<96x64xf32, #tpu.memory_space<vmem>> -> memref<1x64xf32, #tpu.memory_space<vmem>>
    %dma_start3A_162 = arith.constant 0 : i32
    %dma_start3A_163 = tpu.memref_slice %arg3[%squeeze3A_148, %dma_start3A_162] : memref<1000000x64xf32, #tpu.memory_space<hbm>> -> memref<1x64xf32, #tpu.memory_space<hbm>>
    %dma_start3A_164 = arith.constant 20 : i32
    %dma_start3A_165 = arith.constant 0 : i32
    %dma_start3A_166 = tpu.memref_slice %arg8[%dma_start3A_164, %dma_start3A_165] : memref<96x64xf32, #tpu.memory_space<vmem>> -> memref<1x64xf32, #tpu.memory_space<vmem>>
    %dma_start3A_167 = arith.constant 0 : i32
    %dma_start3A_168 = tpu.memref_slice %arg3[%squeeze3A_148, %dma_start3A_167] : memref<1000000x64xf32, #tpu.memory_space<hbm>> -> memref<1x64xf32, #tpu.memory_space<hbm>>
    tpu.enqueue_dma source(%dma_start3A_168 : memref<1x64xf32, #tpu.memory_space<hbm>>) target(%dma_start3A_166 : memref<1x64xf32, #tpu.memory_space<vmem>>) target_semaphore(%arg12 : memref<!tpu.dma_semaphore, #tpu.memory_space<semaphore_mem>>)
    %slice3A_169 = vector.extract_strided_slice %get3A_47 {offsets = [5], sizes = [1], strides = [1]} : vector<16xi32> to vector<1xi32>
    %squeeze3A_170 = vector.extract %slice3A_169[0] : i32 from vector<1xi32>
    %slice3A_171 = vector.extract_strided_slice %get3A_49 {offsets = [5], sizes = [1], strides = [1]} : vector<16xi32> to vector<1xi32>
    %squeeze3A_172 = vector.extract %slice3A_171[0] : i32 from vector<1xi32>
    %dma_start3A_173 = arith.constant 5 : i32
    %dma_start3A_174 = arith.constant 0 : i32
    %dma_start3A_175 = tpu.memref_slice %arg8[%dma_start3A_173, %dma_start3A_174] : memref<96x64xf32, #tpu.memory_space<vmem>> -> memref<1x64xf32, #tpu.memory_space<vmem>>
    %dma_start3A_176 = arith.constant 0 : i32
    %dma_start3A_177 = tpu.memref_slice %arg3[%squeeze3A_170, %dma_start3A_176] : memref<1000000x64xf32, #tpu.memory_space<hbm>> -> memref<1x64xf32, #tpu.memory_space<hbm>>
    %dma_start3A_178 = arith.constant 5 : i32
    %dma_start3A_179 = arith.constant 0 : i32
    %dma_start3A_180 = tpu.memref_slice %arg8[%dma_start3A_178, %dma_start3A_179] : memref<96x64xf32, #tpu.memory_space<vmem>> -> memref<1x64xf32, #tpu.memory_space<vmem>>
    %dma_start3A_181 = arith.constant 0 : i32
    %dma_start3A_182 = tpu.memref_slice %arg3[%squeeze3A_170, %dma_start3A_181] : memref<1000000x64xf32, #tpu.memory_space<hbm>> -> memref<1x64xf32, #tpu.memory_space<hbm>>
    tpu.enqueue_dma source(%dma_start3A_182 : memref<1x64xf32, #tpu.memory_space<hbm>>) target(%dma_start3A_180 : memref<1x64xf32, #tpu.memory_space<vmem>>) target_semaphore(%arg12 : memref<!tpu.dma_semaphore, #tpu.memory_space<semaphore_mem>>)
    %dma_start3A_183 = arith.constant 21 : i32
    %dma_start3A_184 = arith.constant 0 : i32
    %dma_start3A_185 = tpu.memref_slice %arg8[%dma_start3A_183, %dma_start3A_184] : memref<96x64xf32, #tpu.memory_space<vmem>> -> memref<1x64xf32, #tpu.memory_space<vmem>>
    %dma_start3A_186 = arith.constant 0 : i32
    %dma_start3A_187 = tpu.memref_slice %arg3[%squeeze3A_172, %dma_start3A_186] : memref<1000000x64xf32, #tpu.memory_space<hbm>> -> memref<1x64xf32, #tpu.memory_space<hbm>>
    %dma_start3A_188 = arith.constant 21 : i32
    %dma_start3A_189 = arith.constant 0 : i32
    %dma_start3A_190 = tpu.memref_slice %arg8[%dma_start3A_188, %dma_start3A_189] : memref<96x64xf32, #tpu.memory_space<vmem>> -> memref<1x64xf32, #tpu.memory_space<vmem>>
    %dma_start3A_191 = arith.constant 0 : i32
    %dma_start3A_192 = tpu.memref_slice %arg3[%squeeze3A_172, %dma_start3A_191] : memref<1000000x64xf32, #tpu.memory_space<hbm>> -> memref<1x64xf32, #tpu.memory_space<hbm>>
    tpu.enqueue_dma source(%dma_start3A_192 : memref<1x64xf32, #tpu.memory_space<hbm>>) target(%dma_start3A_190 : memref<1x64xf32, #tpu.memory_space<vmem>>) target_semaphore(%arg12 : memref<!tpu.dma_semaphore, #tpu.memory_space<semaphore_mem>>)
    %slice3A_193 = vector.extract_strided_slice %get3A_47 {offsets = [6], sizes = [1], strides = [1]} : vector<16xi32> to vector<1xi32>
    %squeeze3A_194 = vector.extract %slice3A_193[0] : i32 from vector<1xi32>
    %slice3A_195 = vector.extract_strided_slice %get3A_49 {offsets = [6], sizes = [1], strides = [1]} : vector<16xi32> to vector<1xi32>
    %squeeze3A_196 = vector.extract %slice3A_195[0] : i32 from vector<1xi32>
    %dma_start3A_197 = arith.constant 6 : i32
    %dma_start3A_198 = arith.constant 0 : i32
    %dma_start3A_199 = tpu.memref_slice %arg8[%dma_start3A_197, %dma_start3A_198] : memref<96x64xf32, #tpu.memory_space<vmem>> -> memref<1x64xf32, #tpu.memory_space<vmem>>
    %dma_start3A_200 = arith.constant 0 : i32
    %dma_start3A_201 = tpu.memref_slice %arg3[%squeeze3A_194, %dma_start3A_200] : memref<1000000x64xf32, #tpu.memory_space<hbm>> -> memref<1x64xf32, #tpu.memory_space<hbm>>
    %dma_start3A_202 = arith.constant 6 : i32
    %dma_start3A_203 = arith.constant 0 : i32
    %dma_start3A_204 = tpu.memref_slice %arg8[%dma_start3A_202, %dma_start3A_203] : memref<96x64xf32, #tpu.memory_space<vmem>> -> memref<1x64xf32, #tpu.memory_space<vmem>>
    %dma_start3A_205 = arith.constant 0 : i32
    %dma_start3A_206 = tpu.memref_slice %arg3[%squeeze3A_194, %dma_start3A_205] : memref<1000000x64xf32, #tpu.memory_space<hbm>> -> memref<1x64xf32, #tpu.memory_space<hbm>>
    tpu.enqueue_dma source(%dma_start3A_206 : memref<1x64xf32, #tpu.memory_space<hbm>>) target(%dma_start3A_204 : memref<1x64xf32, #tpu.memory_space<vmem>>) target_semaphore(%arg12 : memref<!tpu.dma_semaphore, #tpu.memory_space<semaphore_mem>>)
    %dma_start3A_207 = arith.constant 22 : i32
    %dma_start3A_208 = arith.constant 0 : i32
    %dma_start3A_209 = tpu.memref_slice %arg8[%dma_start3A_207, %dma_start3A_208] : memref<96x64xf32, #tpu.memory_space<vmem>> -> memref<1x64xf32, #tpu.memory_space<vmem>>
    %dma_start3A_210 = arith.constant 0 : i32
    %dma_start3A_211 = tpu.memref_slice %arg3[%squeeze3A_196, %dma_start3A_210] : memref<1000000x64xf32, #tpu.memory_space<hbm>> -> memref<1x64xf32, #tpu.memory_space<hbm>>
    %dma_start3A_212 = arith.constant 22 : i32
    %dma_start3A_213 = arith.constant 0 : i32
    %dma_start3A_214 = tpu.memref_slice %arg8[%dma_start3A_212, %dma_start3A_213] : memref<96x64xf32, #tpu.memory_space<vmem>> -> memref<1x64xf32, #tpu.memory_space<vmem>>
    %dma_start3A_215 = arith.constant 0 : i32
    %dma_start3A_216 = tpu.memref_slice %arg3[%squeeze3A_196, %dma_start3A_215] : memref<1000000x64xf32, #tpu.memory_space<hbm>> -> memref<1x64xf32, #tpu.memory_space<hbm>>
    tpu.enqueue_dma source(%dma_start3A_216 : memref<1x64xf32, #tpu.memory_space<hbm>>) target(%dma_start3A_214 : memref<1x64xf32, #tpu.memory_space<vmem>>) target_semaphore(%arg12 : memref<!tpu.dma_semaphore, #tpu.memory_space<semaphore_mem>>)
    %slice3A_217 = vector.extract_strided_slice %get3A_47 {offsets = [7], sizes = [1], strides = [1]} : vector<16xi32> to vector<1xi32>
    %squeeze3A_218 = vector.extract %slice3A_217[0] : i32 from vector<1xi32>
    %slice3A_219 = vector.extract_strided_slice %get3A_49 {offsets = [7], sizes = [1], strides = [1]} : vector<16xi32> to vector<1xi32>
    %squeeze3A_220 = vector.extract %slice3A_219[0] : i32 from vector<1xi32>
    %dma_start3A_221 = arith.constant 7 : i32
    %dma_start3A_222 = arith.constant 0 : i32
    %dma_start3A_223 = tpu.memref_slice %arg8[%dma_start3A_221, %dma_start3A_222] : memref<96x64xf32, #tpu.memory_space<vmem>> -> memref<1x64xf32, #tpu.memory_space<vmem>>
    %dma_start3A_224 = arith.constant 0 : i32
    %dma_start3A_225 = tpu.memref_slice %arg3[%squeeze3A_218, %dma_start3A_224] : memref<1000000x64xf32, #tpu.memory_space<hbm>> -> memref<1x64xf32, #tpu.memory_space<hbm>>
    %dma_start3A_226 = arith.constant 7 : i32
    %dma_start3A_227 = arith.constant 0 : i32
    %dma_start3A_228 = tpu.memref_slice %arg8[%dma_start3A_226, %dma_start3A_227] : memref<96x64xf32, #tpu.memory_space<vmem>> -> memref<1x64xf32, #tpu.memory_space<vmem>>
    %dma_start3A_229 = arith.constant 0 : i32
    %dma_start3A_230 = tpu.memref_slice %arg3[%squeeze3A_218, %dma_start3A_229] : memref<1000000x64xf32, #tpu.memory_space<hbm>> -> memref<1x64xf32, #tpu.memory_space<hbm>>
    tpu.enqueue_dma source(%dma_start3A_230 : memref<1x64xf32, #tpu.memory_space<hbm>>) target(%dma_start3A_228 : memref<1x64xf32, #tpu.memory_space<vmem>>) target_semaphore(%arg12 : memref<!tpu.dma_semaphore, #tpu.memory_space<semaphore_mem>>)
    %dma_start3A_231 = arith.constant 23 : i32
    %dma_start3A_232 = arith.constant 0 : i32
    %dma_start3A_233 = tpu.memref_slice %arg8[%dma_start3A_231, %dma_start3A_232] : memref<96x64xf32, #tpu.memory_space<vmem>> -> memref<1x64xf32, #tpu.memory_space<vmem>>
    %dma_start3A_234 = arith.constant 0 : i32
    %dma_start3A_235 = tpu.memref_slice %arg3[%squeeze3A_220, %dma_start3A_234] : memref<1000000x64xf32, #tpu.memory_space<hbm>> -> memref<1x64xf32, #tpu.memory_space<hbm>>
    %dma_start3A_236 = arith.constant 23 : i32
    %dma_start3A_237 = arith.constant 0 : i32
    %dma_start3A_238 = tpu.memref_slice %arg8[%dma_start3A_236, %dma_start3A_237] : memref<96x64xf32, #tpu.memory_space<vmem>> -> memref<1x64xf32, #tpu.memory_space<vmem>>
    %dma_start3A_239 = arith.constant 0 : i32
    %dma_start3A_240 = tpu.memref_slice %arg3[%squeeze3A_220, %dma_start3A_239] : memref<1000000x64xf32, #tpu.memory_space<hbm>> -> memref<1x64xf32, #tpu.memory_space<hbm>>
    tpu.enqueue_dma source(%dma_start3A_240 : memref<1x64xf32, #tpu.memory_space<hbm>>) target(%dma_start3A_238 : memref<1x64xf32, #tpu.memory_space<vmem>>) target_semaphore(%arg12 : memref<!tpu.dma_semaphore, #tpu.memory_space<semaphore_mem>>)
    %slice3A_241 = vector.extract_strided_slice %get3A_47 {offsets = [8], sizes = [1], strides = [1]} : vector<16xi32> to vector<1xi32>
    %squeeze3A_242 = vector.extract %slice3A_241[0] : i32 from vector<1xi32>
    %slice3A_243 = vector.extract_strided_slice %get3A_49 {offsets = [8], sizes = [1], strides = [1]} : vector<16xi32> to vector<1xi32>
    %squeeze3A_244 = vector.extract %slice3A_243[0] : i32 from vector<1xi32>
    %dma_start3A_245 = arith.constant 8 : i32
    %dma_start3A_246 = arith.constant 0 : i32
    %dma_start3A_247 = tpu.memref_slice %arg8[%dma_start3A_245, %dma_start3A_246] : memref<96x64xf32, #tpu.memory_space<vmem>> -> memref<1x64xf32, #tpu.memory_space<vmem>>
    %dma_start3A_248 = arith.constant 0 : i32
    %dma_start3A_249 = tpu.memref_slice %arg3[%squeeze3A_242, %dma_start3A_248] : memref<1000000x64xf32, #tpu.memory_space<hbm>> -> memref<1x64xf32, #tpu.memory_space<hbm>>
    %dma_start3A_250 = arith.constant 8 : i32
    %dma_start3A_251 = arith.constant 0 : i32
    %dma_start3A_252 = tpu.memref_slice %arg8[%dma_start3A_250, %dma_start3A_251] : memref<96x64xf32, #tpu.memory_space<vmem>> -> memref<1x64xf32, #tpu.memory_space<vmem>>
    %dma_start3A_253 = arith.constant 0 : i32
    %dma_start3A_254 = tpu.memref_slice %arg3[%squeeze3A_242, %dma_start3A_253] : memref<1000000x64xf32, #tpu.memory_space<hbm>> -> memref<1x64xf32, #tpu.memory_space<hbm>>
    tpu.enqueue_dma source(%dma_start3A_254 : memref<1x64xf32, #tpu.memory_space<hbm>>) target(%dma_start3A_252 : memref<1x64xf32, #tpu.memory_space<vmem>>) target_semaphore(%arg12 : memref<!tpu.dma_semaphore, #tpu.memory_space<semaphore_mem>>)
    %dma_start3A_255 = arith.constant 24 : i32
    %dma_start3A_256 = arith.constant 0 : i32
    %dma_start3A_257 = tpu.memref_slice %arg8[%dma_start3A_255, %dma_start3A_256] : memref<96x64xf32, #tpu.memory_space<vmem>> -> memref<1x64xf32, #tpu.memory_space<vmem>>
    %dma_start3A_258 = arith.constant 0 : i32
    %dma_start3A_259 = tpu.memref_slice %arg3[%squeeze3A_244, %dma_start3A_258] : memref<1000000x64xf32, #tpu.memory_space<hbm>> -> memref<1x64xf32, #tpu.memory_space<hbm>>
    %dma_start3A_260 = arith.constant 24 : i32
    %dma_start3A_261 = arith.constant 0 : i32
    %dma_start3A_262 = tpu.memref_slice %arg8[%dma_start3A_260, %dma_start3A_261] : memref<96x64xf32, #tpu.memory_space<vmem>> -> memref<1x64xf32, #tpu.memory_space<vmem>>
    %dma_start3A_263 = arith.constant 0 : i32
    %dma_start3A_264 = tpu.memref_slice %arg3[%squeeze3A_244, %dma_start3A_263] : memref<1000000x64xf32, #tpu.memory_space<hbm>> -> memref<1x64xf32, #tpu.memory_space<hbm>>
    tpu.enqueue_dma source(%dma_start3A_264 : memref<1x64xf32, #tpu.memory_space<hbm>>) target(%dma_start3A_262 : memref<1x64xf32, #tpu.memory_space<vmem>>) target_semaphore(%arg12 : memref<!tpu.dma_semaphore, #tpu.memory_space<semaphore_mem>>)
    %slice3A_265 = vector.extract_strided_slice %get3A_47 {offsets = [9], sizes = [1], strides = [1]} : vector<16xi32> to vector<1xi32>
    %squeeze3A_266 = vector.extract %slice3A_265[0] : i32 from vector<1xi32>
    %slice3A_267 = vector.extract_strided_slice %get3A_49 {offsets = [9], sizes = [1], strides = [1]} : vector<16xi32> to vector<1xi32>
    %squeeze3A_268 = vector.extract %slice3A_267[0] : i32 from vector<1xi32>
    %dma_start3A_269 = arith.constant 9 : i32
    %dma_start3A_270 = arith.constant 0 : i32
    %dma_start3A_271 = tpu.memref_slice %arg8[%dma_start3A_269, %dma_start3A_270] : memref<96x64xf32, #tpu.memory_space<vmem>> -> memref<1x64xf32, #tpu.memory_space<vmem>>
    %dma_start3A_272 = arith.constant 0 : i32
    %dma_start3A_273 = tpu.memref_slice %arg3[%squeeze3A_266, %dma_start3A_272] : memref<1000000x64xf32, #tpu.memory_space<hbm>> -> memref<1x64xf32, #tpu.memory_space<hbm>>
    %dma_start3A_274 = arith.constant 9 : i32
    %dma_start3A_275 = arith.constant 0 : i32
    %dma_start3A_276 = tpu.memref_slice %arg8[%dma_start3A_274, %dma_start3A_275] : memref<96x64xf32, #tpu.memory_space<vmem>> -> memref<1x64xf32, #tpu.memory_space<vmem>>
    %dma_start3A_277 = arith.constant 0 : i32
    %dma_start3A_278 = tpu.memref_slice %arg3[%squeeze3A_266, %dma_start3A_277] : memref<1000000x64xf32, #tpu.memory_space<hbm>> -> memref<1x64xf32, #tpu.memory_space<hbm>>
    tpu.enqueue_dma source(%dma_start3A_278 : memref<1x64xf32, #tpu.memory_space<hbm>>) target(%dma_start3A_276 : memref<1x64xf32, #tpu.memory_space<vmem>>) target_semaphore(%arg12 : memref<!tpu.dma_semaphore, #tpu.memory_space<semaphore_mem>>)
    %dma_start3A_279 = arith.constant 25 : i32
    %dma_start3A_280 = arith.constant 0 : i32
    %dma_start3A_281 = tpu.memref_slice %arg8[%dma_start3A_279, %dma_start3A_280] : memref<96x64xf32, #tpu.memory_space<vmem>> -> memref<1x64xf32, #tpu.memory_space<vmem>>
    %dma_start3A_282 = arith.constant 0 : i32
    %dma_start3A_283 = tpu.memref_slice %arg3[%squeeze3A_268, %dma_start3A_282] : memref<1000000x64xf32, #tpu.memory_space<hbm>> -> memref<1x64xf32, #tpu.memory_space<hbm>>
    %dma_start3A_284 = arith.constant 25 : i32
    %dma_start3A_285 = arith.constant 0 : i32
    %dma_start3A_286 = tpu.memref_slice %arg8[%dma_start3A_284, %dma_start3A_285] : memref<96x64xf32, #tpu.memory_space<vmem>> -> memref<1x64xf32, #tpu.memory_space<vmem>>
    %dma_start3A_287 = arith.constant 0 : i32
    %dma_start3A_288 = tpu.memref_slice %arg3[%squeeze3A_268, %dma_start3A_287] : memref<1000000x64xf32, #tpu.memory_space<hbm>> -> memref<1x64xf32, #tpu.memory_space<hbm>>
    tpu.enqueue_dma source(%dma_start3A_288 : memref<1x64xf32, #tpu.memory_space<hbm>>) target(%dma_start3A_286 : memref<1x64xf32, #tpu.memory_space<vmem>>) target_semaphore(%arg12 : memref<!tpu.dma_semaphore, #tpu.memory_space<semaphore_mem>>)
    %slice3A_289 = vector.extract_strided_slice %get3A_47 {offsets = [10], sizes = [1], strides = [1]} : vector<16xi32> to vector<1xi32>
    %squeeze3A_290 = vector.extract %slice3A_289[0] : i32 from vector<1xi32>
    %slice3A_291 = vector.extract_strided_slice %get3A_49 {offsets = [10], sizes = [1], strides = [1]} : vector<16xi32> to vector<1xi32>
    %squeeze3A_292 = vector.extract %slice3A_291[0] : i32 from vector<1xi32>
    %dma_start3A_293 = arith.constant 10 : i32
    %dma_start3A_294 = arith.constant 0 : i32
    %dma_start3A_295 = tpu.memref_slice %arg8[%dma_start3A_293, %dma_start3A_294] : memref<96x64xf32, #tpu.memory_space<vmem>> -> memref<1x64xf32, #tpu.memory_space<vmem>>
    %dma_start3A_296 = arith.constant 0 : i32
    %dma_start3A_297 = tpu.memref_slice %arg3[%squeeze3A_290, %dma_start3A_296] : memref<1000000x64xf32, #tpu.memory_space<hbm>> -> memref<1x64xf32, #tpu.memory_space<hbm>>
    %dma_start3A_298 = arith.constant 10 : i32
    %dma_start3A_299 = arith.constant 0 : i32
    %dma_start3A_300 = tpu.memref_slice %arg8[%dma_start3A_298, %dma_start3A_299] : memref<96x64xf32, #tpu.memory_space<vmem>> -> memref<1x64xf32, #tpu.memory_space<vmem>>
    %dma_start3A_301 = arith.constant 0 : i32
    %dma_start3A_302 = tpu.memref_slice %arg3[%squeeze3A_290, %dma_start3A_301] : memref<1000000x64xf32, #tpu.memory_space<hbm>> -> memref<1x64xf32, #tpu.memory_space<hbm>>
    tpu.enqueue_dma source(%dma_start3A_302 : memref<1x64xf32, #tpu.memory_space<hbm>>) target(%dma_start3A_300 : memref<1x64xf32, #tpu.memory_space<vmem>>) target_semaphore(%arg12 : memref<!tpu.dma_semaphore, #tpu.memory_space<semaphore_mem>>)
    %dma_start3A_303 = arith.constant 26 : i32
    %dma_start3A_304 = arith.constant 0 : i32
    %dma_start3A_305 = tpu.memref_slice %arg8[%dma_start3A_303, %dma_start3A_304] : memref<96x64xf32, #tpu.memory_space<vmem>> -> memref<1x64xf32, #tpu.memory_space<vmem>>
    %dma_start3A_306 = arith.constant 0 : i32
    %dma_start3A_307 = tpu.memref_slice %arg3[%squeeze3A_292, %dma_start3A_306] : memref<1000000x64xf32, #tpu.memory_space<hbm>> -> memref<1x64xf32, #tpu.memory_space<hbm>>
    %dma_start3A_308 = arith.constant 26 : i32
    %dma_start3A_309 = arith.constant 0 : i32
    %dma_start3A_310 = tpu.memref_slice %arg8[%dma_start3A_308, %dma_start3A_309] : memref<96x64xf32, #tpu.memory_space<vmem>> -> memref<1x64xf32, #tpu.memory_space<vmem>>
    %dma_start3A_311 = arith.constant 0 : i32
    %dma_start3A_312 = tpu.memref_slice %arg3[%squeeze3A_292, %dma_start3A_311] : memref<1000000x64xf32, #tpu.memory_space<hbm>> -> memref<1x64xf32, #tpu.memory_space<hbm>>
    tpu.enqueue_dma source(%dma_start3A_312 : memref<1x64xf32, #tpu.memory_space<hbm>>) target(%dma_start3A_310 : memref<1x64xf32, #tpu.memory_space<vmem>>) target_semaphore(%arg12 : memref<!tpu.dma_semaphore, #tpu.memory_space<semaphore_mem>>)
    %slice3A_313 = vector.extract_strided_slice %get3A_47 {offsets = [11], sizes = [1], strides = [1]} : vector<16xi32> to vector<1xi32>
    %squeeze3A_314 = vector.extract %slice3A_313[0] : i32 from vector<1xi32>
    %slice3A_315 = vector.extract_strided_slice %get3A_49 {offsets = [11], sizes = [1], strides = [1]} : vector<16xi32> to vector<1xi32>
    %squeeze3A_316 = vector.extract %slice3A_315[0] : i32 from vector<1xi32>
    %dma_start3A_317 = arith.constant 11 : i32
    %dma_start3A_318 = arith.constant 0 : i32
    %dma_start3A_319 = tpu.memref_slice %arg8[%dma_start3A_317, %dma_start3A_318] : memref<96x64xf32, #tpu.memory_space<vmem>> -> memref<1x64xf32, #tpu.memory_space<vmem>>
    %dma_start3A_320 = arith.constant 0 : i32
    %dma_start3A_321 = tpu.memref_slice %arg3[%squeeze3A_314, %dma_start3A_320] : memref<1000000x64xf32, #tpu.memory_space<hbm>> -> memref<1x64xf32, #tpu.memory_space<hbm>>
    %dma_start3A_322 = arith.constant 11 : i32
    %dma_start3A_323 = arith.constant 0 : i32
    %dma_start3A_324 = tpu.memref_slice %arg8[%dma_start3A_322, %dma_start3A_323] : memref<96x64xf32, #tpu.memory_space<vmem>> -> memref<1x64xf32, #tpu.memory_space<vmem>>
    %dma_start3A_325 = arith.constant 0 : i32
    %dma_start3A_326 = tpu.memref_slice %arg3[%squeeze3A_314, %dma_start3A_325] : memref<1000000x64xf32, #tpu.memory_space<hbm>> -> memref<1x64xf32, #tpu.memory_space<hbm>>
    tpu.enqueue_dma source(%dma_start3A_326 : memref<1x64xf32, #tpu.memory_space<hbm>>) target(%dma_start3A_324 : memref<1x64xf32, #tpu.memory_space<vmem>>) target_semaphore(%arg12 : memref<!tpu.dma_semaphore, #tpu.memory_space<semaphore_mem>>)
    %dma_start3A_327 = arith.constant 27 : i32
    %dma_start3A_328 = arith.constant 0 : i32
    %dma_start3A_329 = tpu.memref_slice %arg8[%dma_start3A_327, %dma_start3A_328] : memref<96x64xf32, #tpu.memory_space<vmem>> -> memref<1x64xf32, #tpu.memory_space<vmem>>
    %dma_start3A_330 = arith.constant 0 : i32
    %dma_start3A_331 = tpu.memref_slice %arg3[%squeeze3A_316, %dma_start3A_330] : memref<1000000x64xf32, #tpu.memory_space<hbm>> -> memref<1x64xf32, #tpu.memory_space<hbm>>
    %dma_start3A_332 = arith.constant 27 : i32
    %dma_start3A_333 = arith.constant 0 : i32
    %dma_start3A_334 = tpu.memref_slice %arg8[%dma_start3A_332, %dma_start3A_333] : memref<96x64xf32, #tpu.memory_space<vmem>> -> memref<1x64xf32, #tpu.memory_space<vmem>>
    %dma_start3A_335 = arith.constant 0 : i32
    %dma_start3A_336 = tpu.memref_slice %arg3[%squeeze3A_316, %dma_start3A_335] : memref<1000000x64xf32, #tpu.memory_space<hbm>> -> memref<1x64xf32, #tpu.memory_space<hbm>>
    tpu.enqueue_dma source(%dma_start3A_336 : memref<1x64xf32, #tpu.memory_space<hbm>>) target(%dma_start3A_334 : memref<1x64xf32, #tpu.memory_space<vmem>>) target_semaphore(%arg12 : memref<!tpu.dma_semaphore, #tpu.memory_space<semaphore_mem>>)
    %slice3A_337 = vector.extract_strided_slice %get3A_47 {offsets = [12], sizes = [1], strides = [1]} : vector<16xi32> to vector<1xi32>
    %squeeze3A_338 = vector.extract %slice3A_337[0] : i32 from vector<1xi32>
    %slice3A_339 = vector.extract_strided_slice %get3A_49 {offsets = [12], sizes = [1], strides = [1]} : vector<16xi32> to vector<1xi32>
    %squeeze3A_340 = vector.extract %slice3A_339[0] : i32 from vector<1xi32>
    %dma_start3A_341 = arith.constant 12 : i32
    %dma_start3A_342 = arith.constant 0 : i32
    %dma_start3A_343 = tpu.memref_slice %arg8[%dma_start3A_341, %dma_start3A_342] : memref<96x64xf32, #tpu.memory_space<vmem>> -> memref<1x64xf32, #tpu.memory_space<vmem>>
    %dma_start3A_344 = arith.constant 0 : i32
    %dma_start3A_345 = tpu.memref_slice %arg3[%squeeze3A_338, %dma_start3A_344] : memref<1000000x64xf32, #tpu.memory_space<hbm>> -> memref<1x64xf32, #tpu.memory_space<hbm>>
    %dma_start3A_346 = arith.constant 12 : i32
    %dma_start3A_347 = arith.constant 0 : i32
    %dma_start3A_348 = tpu.memref_slice %arg8[%dma_start3A_346, %dma_start3A_347] : memref<96x64xf32, #tpu.memory_space<vmem>> -> memref<1x64xf32, #tpu.memory_space<vmem>>
    %dma_start3A_349 = arith.constant 0 : i32
    %dma_start3A_350 = tpu.memref_slice %arg3[%squeeze3A_338, %dma_start3A_349] : memref<1000000x64xf32, #tpu.memory_space<hbm>> -> memref<1x64xf32, #tpu.memory_space<hbm>>
    tpu.enqueue_dma source(%dma_start3A_350 : memref<1x64xf32, #tpu.memory_space<hbm>>) target(%dma_start3A_348 : memref<1x64xf32, #tpu.memory_space<vmem>>) target_semaphore(%arg12 : memref<!tpu.dma_semaphore, #tpu.memory_space<semaphore_mem>>)
    %dma_start3A_351 = arith.constant 28 : i32
    %dma_start3A_352 = arith.constant 0 : i32
    %dma_start3A_353 = tpu.memref_slice %arg8[%dma_start3A_351, %dma_start3A_352] : memref<96x64xf32, #tpu.memory_space<vmem>> -> memref<1x64xf32, #tpu.memory_space<vmem>>
    %dma_start3A_354 = arith.constant 0 : i32
    %dma_start3A_355 = tpu.memref_slice %arg3[%squeeze3A_340, %dma_start3A_354] : memref<1000000x64xf32, #tpu.memory_space<hbm>> -> memref<1x64xf32, #tpu.memory_space<hbm>>
    %dma_start3A_356 = arith.constant 28 : i32
    %dma_start3A_357 = arith.constant 0 : i32
    %dma_start3A_358 = tpu.memref_slice %arg8[%dma_start3A_356, %dma_start3A_357] : memref<96x64xf32, #tpu.memory_space<vmem>> -> memref<1x64xf32, #tpu.memory_space<vmem>>
    %dma_start3A_359 = arith.constant 0 : i32
    %dma_start3A_360 = tpu.memref_slice %arg3[%squeeze3A_340, %dma_start3A_359] : memref<1000000x64xf32, #tpu.memory_space<hbm>> -> memref<1x64xf32, #tpu.memory_space<hbm>>
    tpu.enqueue_dma source(%dma_start3A_360 : memref<1x64xf32, #tpu.memory_space<hbm>>) target(%dma_start3A_358 : memref<1x64xf32, #tpu.memory_space<vmem>>) target_semaphore(%arg12 : memref<!tpu.dma_semaphore, #tpu.memory_space<semaphore_mem>>)
    %slice3A_361 = vector.extract_strided_slice %get3A_47 {offsets = [13], sizes = [1], strides = [1]} : vector<16xi32> to vector<1xi32>
    %squeeze3A_362 = vector.extract %slice3A_361[0] : i32 from vector<1xi32>
    %slice3A_363 = vector.extract_strided_slice %get3A_49 {offsets = [13], sizes = [1], strides = [1]} : vector<16xi32> to vector<1xi32>
    %squeeze3A_364 = vector.extract %slice3A_363[0] : i32 from vector<1xi32>
    %dma_start3A_365 = arith.constant 13 : i32
    %dma_start3A_366 = arith.constant 0 : i32
    %dma_start3A_367 = tpu.memref_slice %arg8[%dma_start3A_365, %dma_start3A_366] : memref<96x64xf32, #tpu.memory_space<vmem>> -> memref<1x64xf32, #tpu.memory_space<vmem>>
    %dma_start3A_368 = arith.constant 0 : i32
    %dma_start3A_369 = tpu.memref_slice %arg3[%squeeze3A_362, %dma_start3A_368] : memref<1000000x64xf32, #tpu.memory_space<hbm>> -> memref<1x64xf32, #tpu.memory_space<hbm>>
    %dma_start3A_370 = arith.constant 13 : i32
    %dma_start3A_371 = arith.constant 0 : i32
    %dma_start3A_372 = tpu.memref_slice %arg8[%dma_start3A_370, %dma_start3A_371] : memref<96x64xf32, #tpu.memory_space<vmem>> -> memref<1x64xf32, #tpu.memory_space<vmem>>
    %dma_start3A_373 = arith.constant 0 : i32
    %dma_start3A_374 = tpu.memref_slice %arg3[%squeeze3A_362, %dma_start3A_373] : memref<1000000x64xf32, #tpu.memory_space<hbm>> -> memref<1x64xf32, #tpu.memory_space<hbm>>
    tpu.enqueue_dma source(%dma_start3A_374 : memref<1x64xf32, #tpu.memory_space<hbm>>) target(%dma_start3A_372 : memref<1x64xf32, #tpu.memory_space<vmem>>) target_semaphore(%arg12 : memref<!tpu.dma_semaphore, #tpu.memory_space<semaphore_mem>>)
    %dma_start3A_375 = arith.constant 29 : i32
    %dma_start3A_376 = arith.constant 0 : i32
    %dma_start3A_377 = tpu.memref_slice %arg8[%dma_start3A_375, %dma_start3A_376] : memref<96x64xf32, #tpu.memory_space<vmem>> -> memref<1x64xf32, #tpu.memory_space<vmem>>
    %dma_start3A_378 = arith.constant 0 : i32
    %dma_start3A_379 = tpu.memref_slice %arg3[%squeeze3A_364, %dma_start3A_378] : memref<1000000x64xf32, #tpu.memory_space<hbm>> -> memref<1x64xf32, #tpu.memory_space<hbm>>
    %dma_start3A_380 = arith.constant 29 : i32
    %dma_start3A_381 = arith.constant 0 : i32
    %dma_start3A_382 = tpu.memref_slice %arg8[%dma_start3A_380, %dma_start3A_381] : memref<96x64xf32, #tpu.memory_space<vmem>> -> memref<1x64xf32, #tpu.memory_space<vmem>>
    %dma_start3A_383 = arith.constant 0 : i32
    %dma_start3A_384 = tpu.memref_slice %arg3[%squeeze3A_364, %dma_start3A_383] : memref<1000000x64xf32, #tpu.memory_space<hbm>> -> memref<1x64xf32, #tpu.memory_space<hbm>>
    tpu.enqueue_dma source(%dma_start3A_384 : memref<1x64xf32, #tpu.memory_space<hbm>>) target(%dma_start3A_382 : memref<1x64xf32, #tpu.memory_space<vmem>>) target_semaphore(%arg12 : memref<!tpu.dma_semaphore, #tpu.memory_space<semaphore_mem>>)
    %slice3A_385 = vector.extract_strided_slice %get3A_47 {offsets = [14], sizes = [1], strides = [1]} : vector<16xi32> to vector<1xi32>
    %squeeze3A_386 = vector.extract %slice3A_385[0] : i32 from vector<1xi32>
    %slice3A_387 = vector.extract_strided_slice %get3A_49 {offsets = [14], sizes = [1], strides = [1]} : vector<16xi32> to vector<1xi32>
    %squeeze3A_388 = vector.extract %slice3A_387[0] : i32 from vector<1xi32>
    %dma_start3A_389 = arith.constant 14 : i32
    %dma_start3A_390 = arith.constant 0 : i32
    %dma_start3A_391 = tpu.memref_slice %arg8[%dma_start3A_389, %dma_start3A_390] : memref<96x64xf32, #tpu.memory_space<vmem>> -> memref<1x64xf32, #tpu.memory_space<vmem>>
    %dma_start3A_392 = arith.constant 0 : i32
    %dma_start3A_393 = tpu.memref_slice %arg3[%squeeze3A_386, %dma_start3A_392] : memref<1000000x64xf32, #tpu.memory_space<hbm>> -> memref<1x64xf32, #tpu.memory_space<hbm>>
    %dma_start3A_394 = arith.constant 14 : i32
    %dma_start3A_395 = arith.constant 0 : i32
    %dma_start3A_396 = tpu.memref_slice %arg8[%dma_start3A_394, %dma_start3A_395] : memref<96x64xf32, #tpu.memory_space<vmem>> -> memref<1x64xf32, #tpu.memory_space<vmem>>
    %dma_start3A_397 = arith.constant 0 : i32
    %dma_start3A_398 = tpu.memref_slice %arg3[%squeeze3A_386, %dma_start3A_397] : memref<1000000x64xf32, #tpu.memory_space<hbm>> -> memref<1x64xf32, #tpu.memory_space<hbm>>
    tpu.enqueue_dma source(%dma_start3A_398 : memref<1x64xf32, #tpu.memory_space<hbm>>) target(%dma_start3A_396 : memref<1x64xf32, #tpu.memory_space<vmem>>) target_semaphore(%arg12 : memref<!tpu.dma_semaphore, #tpu.memory_space<semaphore_mem>>)
    %dma_start3A_399 = arith.constant 30 : i32
    %dma_start3A_400 = arith.constant 0 : i32
    %dma_start3A_401 = tpu.memref_slice %arg8[%dma_start3A_399, %dma_start3A_400] : memref<96x64xf32, #tpu.memory_space<vmem>> -> memref<1x64xf32, #tpu.memory_space<vmem>>
    %dma_start3A_402 = arith.constant 0 : i32
    %dma_start3A_403 = tpu.memref_slice %arg3[%squeeze3A_388, %dma_start3A_402] : memref<1000000x64xf32, #tpu.memory_space<hbm>> -> memref<1x64xf32, #tpu.memory_space<hbm>>
    %dma_start3A_404 = arith.constant 30 : i32
    %dma_start3A_405 = arith.constant 0 : i32
    %dma_start3A_406 = tpu.memref_slice %arg8[%dma_start3A_404, %dma_start3A_405] : memref<96x64xf32, #tpu.memory_space<vmem>> -> memref<1x64xf32, #tpu.memory_space<vmem>>
    %dma_start3A_407 = arith.constant 0 : i32
    %dma_start3A_408 = tpu.memref_slice %arg3[%squeeze3A_388, %dma_start3A_407] : memref<1000000x64xf32, #tpu.memory_space<hbm>> -> memref<1x64xf32, #tpu.memory_space<hbm>>
    tpu.enqueue_dma source(%dma_start3A_408 : memref<1x64xf32, #tpu.memory_space<hbm>>) target(%dma_start3A_406 : memref<1x64xf32, #tpu.memory_space<vmem>>) target_semaphore(%arg12 : memref<!tpu.dma_semaphore, #tpu.memory_space<semaphore_mem>>)
    %slice3A_409 = vector.extract_strided_slice %get3A_47 {offsets = [15], sizes = [1], strides = [1]} : vector<16xi32> to vector<1xi32>
    %squeeze3A_410 = vector.extract %slice3A_409[0] : i32 from vector<1xi32>
    %slice3A_411 = vector.extract_strided_slice %get3A_49 {offsets = [15], sizes = [1], strides = [1]} : vector<16xi32> to vector<1xi32>
    %squeeze3A_412 = vector.extract %slice3A_411[0] : i32 from vector<1xi32>
    %dma_start3A_413 = arith.constant 15 : i32
    %dma_start3A_414 = arith.constant 0 : i32
    %dma_start3A_415 = tpu.memref_slice %arg8[%dma_start3A_413, %dma_start3A_414] : memref<96x64xf32, #tpu.memory_space<vmem>> -> memref<1x64xf32, #tpu.memory_space<vmem>>
    %dma_start3A_416 = arith.constant 0 : i32
    %dma_start3A_417 = tpu.memref_slice %arg3[%squeeze3A_410, %dma_start3A_416] : memref<1000000x64xf32, #tpu.memory_space<hbm>> -> memref<1x64xf32, #tpu.memory_space<hbm>>
    %dma_start3A_418 = arith.constant 15 : i32
    %dma_start3A_419 = arith.constant 0 : i32
    %dma_start3A_420 = tpu.memref_slice %arg8[%dma_start3A_418, %dma_start3A_419] : memref<96x64xf32, #tpu.memory_space<vmem>> -> memref<1x64xf32, #tpu.memory_space<vmem>>
    %dma_start3A_421 = arith.constant 0 : i32
    %dma_start3A_422 = tpu.memref_slice %arg3[%squeeze3A_410, %dma_start3A_421] : memref<1000000x64xf32, #tpu.memory_space<hbm>> -> memref<1x64xf32, #tpu.memory_space<hbm>>
    tpu.enqueue_dma source(%dma_start3A_422 : memref<1x64xf32, #tpu.memory_space<hbm>>) target(%dma_start3A_420 : memref<1x64xf32, #tpu.memory_space<vmem>>) target_semaphore(%arg12 : memref<!tpu.dma_semaphore, #tpu.memory_space<semaphore_mem>>)
    %dma_start3A_423 = arith.constant 31 : i32
    %dma_start3A_424 = arith.constant 0 : i32
    %dma_start3A_425 = tpu.memref_slice %arg8[%dma_start3A_423, %dma_start3A_424] : memref<96x64xf32, #tpu.memory_space<vmem>> -> memref<1x64xf32, #tpu.memory_space<vmem>>
    %dma_start3A_426 = arith.constant 0 : i32
    %dma_start3A_427 = tpu.memref_slice %arg3[%squeeze3A_412, %dma_start3A_426] : memref<1000000x64xf32, #tpu.memory_space<hbm>> -> memref<1x64xf32, #tpu.memory_space<hbm>>
    %dma_start3A_428 = arith.constant 31 : i32
    %dma_start3A_429 = arith.constant 0 : i32
    %dma_start3A_430 = tpu.memref_slice %arg8[%dma_start3A_428, %dma_start3A_429] : memref<96x64xf32, #tpu.memory_space<vmem>> -> memref<1x64xf32, #tpu.memory_space<vmem>>
    %dma_start3A_431 = arith.constant 0 : i32
    %dma_start3A_432 = tpu.memref_slice %arg3[%squeeze3A_412, %dma_start3A_431] : memref<1000000x64xf32, #tpu.memory_space<hbm>> -> memref<1x64xf32, #tpu.memory_space<hbm>>
    tpu.enqueue_dma source(%dma_start3A_432 : memref<1x64xf32, #tpu.memory_space<hbm>>) target(%dma_start3A_430 : memref<1x64xf32, #tpu.memory_space<vmem>>) target_semaphore(%arg12 : memref<!tpu.dma_semaphore, #tpu.memory_space<semaphore_mem>>)
    %get3A_433 = arith.constant 16 : index
    %get3A_434 = tpu.vector_load %arg7[%get3A_433] {strides = array<i32>} : memref<1024xi32, #tpu.memory_space<vmem>>, vector<16xi32>,
    %get3A_435 = arith.constant 528 : index
    %get3A_436 = tpu.vector_load %arg7[%get3A_435] {strides = array<i32>} : memref<1024xi32, #tpu.memory_space<vmem>>, vector<16xi32>,
    %slice3A_437 = vector.extract_strided_slice %get3A_434 {offsets = [0], sizes = [1], strides = [1]} : vector<16xi32> to vector<1xi32>
    %squeeze3A_438 = vector.extract %slice3A_437[0] : i32 from vector<1xi32>
    %slice3A_439 = vector.extract_strided_slice %get3A_436 {offsets = [0], sizes = [1], strides = [1]} : vector<16xi32> to vector<1xi32>
    %squeeze3A_440 = vector.extract %slice3A_439[0] : i32 from vector<1xi32>
    %dma_start3A_441 = arith.constant 32 : i32
    %dma_start3A_442 = arith.constant 0 : i32
    %dma_start3A_443 = tpu.memref_slice %arg8[%dma_start3A_441, %dma_start3A_442] : memref<96x64xf32, #tpu.memory_space<vmem>> -> memref<1x64xf32, #tpu.memory_space<vmem>>
    %dma_start3A_444 = arith.constant 0 : i32
    %dma_start3A_445 = tpu.memref_slice %arg3[%squeeze3A_438, %dma_start3A_444] : memref<1000000x64xf32, #tpu.memory_space<hbm>> -> memref<1x64xf32, #tpu.memory_space<hbm>>
    %dma_start3A_446 = arith.constant 32 : i32
    %dma_start3A_447 = arith.constant 0 : i32
    %dma_start3A_448 = tpu.memref_slice %arg8[%dma_start3A_446, %dma_start3A_447] : memref<96x64xf32, #tpu.memory_space<vmem>> -> memref<1x64xf32, #tpu.memory_space<vmem>>
    %dma_start3A_449 = arith.constant 0 : i32
    %dma_start3A_450 = tpu.memref_slice %arg3[%squeeze3A_438, %dma_start3A_449] : memref<1000000x64xf32, #tpu.memory_space<hbm>> -> memref<1x64xf32, #tpu.memory_space<hbm>>
    tpu.enqueue_dma source(%dma_start3A_450 : memref<1x64xf32, #tpu.memory_space<hbm>>) target(%dma_start3A_448 : memref<1x64xf32, #tpu.memory_space<vmem>>) target_semaphore(%arg12 : memref<!tpu.dma_semaphore, #tpu.memory_space<semaphore_mem>>)
    %dma_start3A_451 = arith.constant 48 : i32
    %dma_start3A_452 = arith.constant 0 : i32
    %dma_start3A_453 = tpu.memref_slice %arg8[%dma_start3A_451, %dma_start3A_452] : memref<96x64xf32, #tpu.memory_space<vmem>> -> memref<1x64xf32, #tpu.memory_space<vmem>>
    %dma_start3A_454 = arith.constant 0 : i32
    %dma_start3A_455 = tpu.memref_slice %arg3[%squeeze3A_440, %dma_start3A_454] : memref<1000000x64xf32, #tpu.memory_space<hbm>> -> memref<1x64xf32, #tpu.memory_space<hbm>>
    %dma_start3A_456 = arith.constant 48 : i32
    %dma_start3A_457 = arith.constant 0 : i32
    %dma_start3A_458 = tpu.memref_slice %arg8[%dma_start3A_456, %dma_start3A_457] : memref<96x64xf32, #tpu.memory_space<vmem>> -> memref<1x64xf32, #tpu.memory_space<vmem>>
    %dma_start3A_459 = arith.constant 0 : i32
    %dma_start3A_460 = tpu.memref_slice %arg3[%squeeze3A_440, %dma_start3A_459] : memref<1000000x64xf32, #tpu.memory_space<hbm>> -> memref<1x64xf32, #tpu.memory_space<hbm>>
    tpu.enqueue_dma source(%dma_start3A_460 : memref<1x64xf32, #tpu.memory_space<hbm>>) target(%dma_start3A_458 : memref<1x64xf32, #tpu.memory_space<vmem>>) target_semaphore(%arg12 : memref<!tpu.dma_semaphore, #tpu.memory_space<semaphore_mem>>)
    %slice3A_461 = vector.extract_strided_slice %get3A_434 {offsets = [1], sizes = [1], strides = [1]} : vector<16xi32> to vector<1xi32>
    %squeeze3A_462 = vector.extract %slice3A_461[0] : i32 from vector<1xi32>
    %slice3A_463 = vector.extract_strided_slice %get3A_436 {offsets = [1], sizes = [1], strides = [1]} : vector<16xi32> to vector<1xi32>
    %squeeze3A_464 = vector.extract %slice3A_463[0] : i32 from vector<1xi32>
    %dma_start3A_465 = arith.constant 33 : i32
    %dma_start3A_466 = arith.constant 0 : i32
    %dma_start3A_467 = tpu.memref_slice %arg8[%dma_start3A_465, %dma_start3A_466] : memref<96x64xf32, #tpu.memory_space<vmem>> -> memref<1x64xf32, #tpu.memory_space<vmem>>
    %dma_start3A_468 = arith.constant 0 : i32
    %dma_start3A_469 = tpu.memref_slice %arg3[%squeeze3A_462, %dma_start3A_468] : memref<1000000x64xf32, #tpu.memory_space<hbm>> -> memref<1x64xf32, #tpu.memory_space<hbm>>
    %dma_start3A_470 = arith.constant 33 : i32
    %dma_start3A_471 = arith.constant 0 : i32
    %dma_start3A_472 = tpu.memref_slice %arg8[%dma_start3A_470, %dma_start3A_471] : memref<96x64xf32, #tpu.memory_space<vmem>> -> memref<1x64xf32, #tpu.memory_space<vmem>>
    %dma_start3A_473 = arith.constant 0 : i32
    %dma_start3A_474 = tpu.memref_slice %arg3[%squeeze3A_462, %dma_start3A_473] : memref<1000000x64xf32, #tpu.memory_space<hbm>> -> memref<1x64xf32, #tpu.memory_space<hbm>>
    tpu.enqueue_dma source(%dma_start3A_474 : memref<1x64xf32, #tpu.memory_space<hbm>>) target(%dma_start3A_472 : memref<1x64xf32, #tpu.memory_space<vmem>>) target_semaphore(%arg12 : memref<!tpu.dma_semaphore, #tpu.memory_space<semaphore_mem>>)
    %dma_start3A_475 = arith.constant 49 : i32
    %dma_start3A_476 = arith.constant 0 : i32
    %dma_start3A_477 = tpu.memref_slice %arg8[%dma_start3A_475, %dma_start3A_476] : memref<96x64xf32, #tpu.memory_space<vmem>> -> memref<1x64xf32, #tpu.memory_space<vmem>>
    %dma_start3A_478 = arith.constant 0 : i32
    %dma_start3A_479 = tpu.memref_slice %arg3[%squeeze3A_464, %dma_start3A_478] : memref<1000000x64xf32, #tpu.memory_space<hbm>> -> memref<1x64xf32, #tpu.memory_space<hbm>>
    %dma_start3A_480 = arith.constant 49 : i32
    %dma_start3A_481 = arith.constant 0 : i32
    %dma_start3A_482 = tpu.memref_slice %arg8[%dma_start3A_480, %dma_start3A_481] : memref<96x64xf32, #tpu.memory_space<vmem>> -> memref<1x64xf32, #tpu.memory_space<vmem>>
    %dma_start3A_483 = arith.constant 0 : i32
    %dma_start3A_484 = tpu.memref_slice %arg3[%squeeze3A_464, %dma_start3A_483] : memref<1000000x64xf32, #tpu.memory_space<hbm>> -> memref<1x64xf32, #tpu.memory_space<hbm>>
    tpu.enqueue_dma source(%dma_start3A_484 : memref<1x64xf32, #tpu.memory_space<hbm>>) target(%dma_start3A_482 : memref<1x64xf32, #tpu.memory_space<vmem>>) target_semaphore(%arg12 : memref<!tpu.dma_semaphore, #tpu.memory_space<semaphore_mem>>)
    %slice3A_485 = vector.extract_strided_slice %get3A_434 {offsets = [2], sizes = [1], strides = [1]} : vector<16xi32> to vector<1xi32>
    %squeeze3A_486 = vector.extract %slice3A_485[0] : i32 from vector<1xi32>
    %slice3A_487 = vector.extract_strided_slice %get3A_436 {offsets = [2], sizes = [1], strides = [1]} : vector<16xi32> to vector<1xi32>
    %squeeze3A_488 = vector.extract %slice3A_487[0] : i32 from vector<1xi32>
    %dma_start3A_489 = arith.constant 34 : i32
    %dma_start3A_490 = arith.constant 0 : i32
    %dma_start3A_491 = tpu.memref_slice %arg8[%dma_start3A_489, %dma_start3A_490] : memref<96x64xf32, #tpu.memory_space<vmem>> -> memref<1x64xf32, #tpu.memory_space<vmem>>
    %dma_start3A_492 = arith.constant 0 : i32
    %dma_start3A_493 = tpu.memref_slice %arg3[%squeeze3A_486, %dma_start3A_492] : memref<1000000x64xf32, #tpu.memory_space<hbm>> -> memref<1x64xf32, #tpu.memory_space<hbm>>
    %dma_start3A_494 = arith.constant 34 : i32
    %dma_start3A_495 = arith.constant 0 : i32
    %dma_start3A_496 = tpu.memref_slice %arg8[%dma_start3A_494, %dma_start3A_495] : memref<96x64xf32, #tpu.memory_space<vmem>> -> memref<1x64xf32, #tpu.memory_space<vmem>>
    %dma_start3A_497 = arith.constant 0 : i32
    %dma_start3A_498 = tpu.memref_slice %arg3[%squeeze3A_486, %dma_start3A_497] : memref<1000000x64xf32, #tpu.memory_space<hbm>> -> memref<1x64xf32, #tpu.memory_space<hbm>>
    tpu.enqueue_dma source(%dma_start3A_498 : memref<1x64xf32, #tpu.memory_space<hbm>>) target(%dma_start3A_496 : memref<1x64xf32, #tpu.memory_space<vmem>>) target_semaphore(%arg12 : memref<!tpu.dma_semaphore, #tpu.memory_space<semaphore_mem>>)
    %dma_start3A_499 = arith.constant 50 : i32
    %dma_start3A_500 = arith.constant 0 : i32
    %dma_start3A_501 = tpu.memref_slice %arg8[%dma_start3A_499, %dma_start3A_500] : memref<96x64xf32, #tpu.memory_space<vmem>> -> memref<1x64xf32, #tpu.memory_space<vmem>>
    %dma_start3A_502 = arith.constant 0 : i32
    %dma_start3A_503 = tpu.memref_slice %arg3[%squeeze3A_488, %dma_start3A_502] : memref<1000000x64xf32, #tpu.memory_space<hbm>> -> memref<1x64xf32, #tpu.memory_space<hbm>>
    %dma_start3A_504 = arith.constant 50 : i32
    %dma_start3A_505 = arith.constant 0 : i32
    %dma_start3A_506 = tpu.memref_slice %arg8[%dma_start3A_504, %dma_start3A_505] : memref<96x64xf32, #tpu.memory_space<vmem>> -> memref<1x64xf32, #tpu.memory_space<vmem>>
    %dma_start3A_507 = arith.constant 0 : i32
    %dma_start3A_508 = tpu.memref_slice %arg3[%squeeze3A_488, %dma_start3A_507] : memref<1000000x64xf32, #tpu.memory_space<hbm>> -> memref<1x64xf32, #tpu.memory_space<hbm>>
    tpu.enqueue_dma source(%dma_start3A_508 : memref<1x64xf32, #tpu.memory_space<hbm>>) target(%dma_start3A_506 : memref<1x64xf32, #tpu.memory_space<vmem>>) target_semaphore(%arg12 : memref<!tpu.dma_semaphore, #tpu.memory_space<semaphore_mem>>)
    %slice3A_509 = vector.extract_strided_slice %get3A_434 {offsets = [3], sizes = [1], strides = [1]} : vector<16xi32> to vector<1xi32>
    %squeeze3A_510 = vector.extract %slice3A_509[0] : i32 from vector<1xi32>
    %slice3A_511 = vector.extract_strided_slice %get3A_436 {offsets = [3], sizes = [1], strides = [1]} : vector<16xi32> to vector<1xi32>
    %squeeze3A_512 = vector.extract %slice3A_511[0] : i32 from vector<1xi32>
    %dma_start3A_513 = arith.constant 35 : i32
    %dma_start3A_514 = arith.constant 0 : i32
    %dma_start3A_515 = tpu.memref_slice %arg8[%dma_start3A_513, %dma_start3A_514] : memref<96x64xf32, #tpu.memory_space<vmem>> -> memref<1x64xf32, #tpu.memory_space<vmem>>
    %dma_start3A_516 = arith.constant 0 : i32
    %dma_start3A_517 = tpu.memref_slice %arg3[%squeeze3A_510, %dma_start3A_516] : memref<1000000x64xf32, #tpu.memory_space<hbm>> -> memref<1x64xf32, #tpu.memory_space<hbm>>
    %dma_start3A_518 = arith.constant 35 : i32
    %dma_start3A_519 = arith.constant 0 : i32
    %dma_start3A_520 = tpu.memref_slice %arg8[%dma_start3A_518, %dma_start3A_519] : memref<96x64xf32, #tpu.memory_space<vmem>> -> memref<1x64xf32, #tpu.memory_space<vmem>>
    %dma_start3A_521 = arith.constant 0 : i32
    %dma_start3A_522 = tpu.memref_slice %arg3[%squeeze3A_510, %dma_start3A_521] : memref<1000000x64xf32, #tpu.memory_space<hbm>> -> memref<1x64xf32, #tpu.memory_space<hbm>>
    tpu.enqueue_dma source(%dma_start3A_522 : memref<1x64xf32, #tpu.memory_space<hbm>>) target(%dma_start3A_520 : memref<1x64xf32, #tpu.memory_space<vmem>>) target_semaphore(%arg12 : memref<!tpu.dma_semaphore, #tpu.memory_space<semaphore_mem>>)
    %dma_start3A_523 = arith.constant 51 : i32
    %dma_start3A_524 = arith.constant 0 : i32
    %dma_start3A_525 = tpu.memref_slice %arg8[%dma_start3A_523, %dma_start3A_524] : memref<96x64xf32, #tpu.memory_space<vmem>> -> memref<1x64xf32, #tpu.memory_space<vmem>>
    %dma_start3A_526 = arith.constant 0 : i32
    %dma_start3A_527 = tpu.memref_slice %arg3[%squeeze3A_512, %dma_start3A_526] : memref<1000000x64xf32, #tpu.memory_space<hbm>> -> memref<1x64xf32, #tpu.memory_space<hbm>>
    %dma_start3A_528 = arith.constant 51 : i32
    %dma_start3A_529 = arith.constant 0 : i32
    %dma_start3A_530 = tpu.memref_slice %arg8[%dma_start3A_528, %dma_start3A_529] : memref<96x64xf32, #tpu.memory_space<vmem>> -> memref<1x64xf32, #tpu.memory_space<vmem>>
    %dma_start3A_531 = arith.constant 0 : i32
    %dma_start3A_532 = tpu.memref_slice %arg3[%squeeze3A_512, %dma_start3A_531] : memref<1000000x64xf32, #tpu.memory_space<hbm>> -> memref<1x64xf32, #tpu.memory_space<hbm>>
    tpu.enqueue_dma source(%dma_start3A_532 : memref<1x64xf32, #tpu.memory_space<hbm>>) target(%dma_start3A_530 : memref<1x64xf32, #tpu.memory_space<vmem>>) target_semaphore(%arg12 : memref<!tpu.dma_semaphore, #tpu.memory_space<semaphore_mem>>)
    %slice3A_533 = vector.extract_strided_slice %get3A_434 {offsets = [4], sizes = [1], strides = [1]} : vector<16xi32> to vector<1xi32>
    %squeeze3A_534 = vector.extract %slice3A_533[0] : i32 from vector<1xi32>
    %slice3A_535 = vector.extract_strided_slice %get3A_436 {offsets = [4], sizes = [1], strides = [1]} : vector<16xi32> to vector<1xi32>
    %squeeze3A_536 = vector.extract %slice3A_535[0] : i32 from vector<1xi32>
    %dma_start3A_537 = arith.constant 36 : i32
    %dma_start3A_538 = arith.constant 0 : i32
    %dma_start3A_539 = tpu.memref_slice %arg8[%dma_start3A_537, %dma_start3A_538] : memref<96x64xf32, #tpu.memory_space<vmem>> -> memref<1x64xf32, #tpu.memory_space<vmem>>
    %dma_start3A_540 = arith.constant 0 : i32
    %dma_start3A_541 = tpu.memref_slice %arg3[%squeeze3A_534, %dma_start3A_540] : memref<1000000x64xf32, #tpu.memory_space<hbm>> -> memref<1x64xf32, #tpu.memory_space<hbm>>
    %dma_start3A_542 = arith.constant 36 : i32
    %dma_start3A_543 = arith.constant 0 : i32
    %dma_start3A_544 = tpu.memref_slice %arg8[%dma_start3A_542, %dma_start3A_543] : memref<96x64xf32, #tpu.memory_space<vmem>> -> memref<1x64xf32, #tpu.memory_space<vmem>>
    %dma_start3A_545 = arith.constant 0 : i32
    %dma_start3A_546 = tpu.memref_slice %arg3[%squeeze3A_534, %dma_start3A_545] : memref<1000000x64xf32, #tpu.memory_space<hbm>> -> memref<1x64xf32, #tpu.memory_space<hbm>>
    tpu.enqueue_dma source(%dma_start3A_546 : memref<1x64xf32, #tpu.memory_space<hbm>>) target(%dma_start3A_544 : memref<1x64xf32, #tpu.memory_space<vmem>>) target_semaphore(%arg12 : memref<!tpu.dma_semaphore, #tpu.memory_space<semaphore_mem>>)
    %dma_start3A_547 = arith.constant 52 : i32
    %dma_start3A_548 = arith.constant 0 : i32
    %dma_start3A_549 = tpu.memref_slice %arg8[%dma_start3A_547, %dma_start3A_548] : memref<96x64xf32, #tpu.memory_space<vmem>> -> memref<1x64xf32, #tpu.memory_space<vmem>>
    %dma_start3A_550 = arith.constant 0 : i32
    %dma_start3A_551 = tpu.memref_slice %arg3[%squeeze3A_536, %dma_start3A_550] : memref<1000000x64xf32, #tpu.memory_space<hbm>> -> memref<1x64xf32, #tpu.memory_space<hbm>>
    %dma_start3A_552 = arith.constant 52 : i32
    %dma_start3A_553 = arith.constant 0 : i32
    %dma_start3A_554 = tpu.memref_slice %arg8[%dma_start3A_552, %dma_start3A_553] : memref<96x64xf32, #tpu.memory_space<vmem>> -> memref<1x64xf32, #tpu.memory_space<vmem>>
    %dma_start3A_555 = arith.constant 0 : i32
    %dma_start3A_556 = tpu.memref_slice %arg3[%squeeze3A_536, %dma_start3A_555] : memref<1000000x64xf32, #tpu.memory_space<hbm>> -> memref<1x64xf32, #tpu.memory_space<hbm>>
    tpu.enqueue_dma source(%dma_start3A_556 : memref<1x64xf32, #tpu.memory_space<hbm>>) target(%dma_start3A_554 : memref<1x64xf32, #tpu.memory_space<vmem>>) target_semaphore(%arg12 : memref<!tpu.dma_semaphore, #tpu.memory_space<semaphore_mem>>)
    %slice3A_557 = vector.extract_strided_slice %get3A_434 {offsets = [5], sizes = [1], strides = [1]} : vector<16xi32> to vector<1xi32>
    %squeeze3A_558 = vector.extract %slice3A_557[0] : i32 from vector<1xi32>
    %slice3A_559 = vector.extract_strided_slice %get3A_436 {offsets = [5], sizes = [1], strides = [1]} : vector<16xi32> to vector<1xi32>
    %squeeze3A_560 = vector.extract %slice3A_559[0] : i32 from vector<1xi32>
    %dma_start3A_561 = arith.constant 37 : i32
    %dma_start3A_562 = arith.constant 0 : i32
    %dma_start3A_563 = tpu.memref_slice %arg8[%dma_start3A_561, %dma_start3A_562] : memref<96x64xf32, #tpu.memory_space<vmem>> -> memref<1x64xf32, #tpu.memory_space<vmem>>
    %dma_start3A_564 = arith.constant 0 : i32
    %dma_start3A_565 = tpu.memref_slice %arg3[%squeeze3A_558, %dma_start3A_564] : memref<1000000x64xf32, #tpu.memory_space<hbm>> -> memref<1x64xf32, #tpu.memory_space<hbm>>
    %dma_start3A_566 = arith.constant 37 : i32
    %dma_start3A_567 = arith.constant 0 : i32
    %dma_start3A_568 = tpu.memref_slice %arg8[%dma_start3A_566, %dma_start3A_567] : memref<96x64xf32, #tpu.memory_space<vmem>> -> memref<1x64xf32, #tpu.memory_space<vmem>>
    %dma_start3A_569 = arith.constant 0 : i32
    %dma_start3A_570 = tpu.memref_slice %arg3[%squeeze3A_558, %dma_start3A_569] : memref<1000000x64xf32, #tpu.memory_space<hbm>> -> memref<1x64xf32, #tpu.memory_space<hbm>>
    tpu.enqueue_dma source(%dma_start3A_570 : memref<1x64xf32, #tpu.memory_space<hbm>>) target(%dma_start3A_568 : memref<1x64xf32, #tpu.memory_space<vmem>>) target_semaphore(%arg12 : memref<!tpu.dma_semaphore, #tpu.memory_space<semaphore_mem>>)
    %dma_start3A_571 = arith.constant 53 : i32
    %dma_start3A_572 = arith.constant 0 : i32
    %dma_start3A_573 = tpu.memref_slice %arg8[%dma_start3A_571, %dma_start3A_572] : memref<96x64xf32, #tpu.memory_space<vmem>> -> memref<1x64xf32, #tpu.memory_space<vmem>>
    %dma_start3A_574 = arith.constant 0 : i32
    %dma_start3A_575 = tpu.memref_slice %arg3[%squeeze3A_560, %dma_start3A_574] : memref<1000000x64xf32, #tpu.memory_space<hbm>> -> memref<1x64xf32, #tpu.memory_space<hbm>>
    %dma_start3A_576 = arith.constant 53 : i32
    %dma_start3A_577 = arith.constant 0 : i32
    %dma_start3A_578 = tpu.memref_slice %arg8[%dma_start3A_576, %dma_start3A_577] : memref<96x64xf32, #tpu.memory_space<vmem>> -> memref<1x64xf32, #tpu.memory_space<vmem>>
    %dma_start3A_579 = arith.constant 0 : i32
    %dma_start3A_580 = tpu.memref_slice %arg3[%squeeze3A_560, %dma_start3A_579] : memref<1000000x64xf32, #tpu.memory_space<hbm>> -> memref<1x64xf32, #tpu.memory_space<hbm>>
    tpu.enqueue_dma source(%dma_start3A_580 : memref<1x64xf32, #tpu.memory_space<hbm>>) target(%dma_start3A_578 : memref<1x64xf32, #tpu.memory_space<vmem>>) target_semaphore(%arg12 : memref<!tpu.dma_semaphore, #tpu.memory_space<semaphore_mem>>)
    %slice3A_581 = vector.extract_strided_slice %get3A_434 {offsets = [6], sizes = [1], strides = [1]} : vector<16xi32> to vector<1xi32>
    %squeeze3A_582 = vector.extract %slice3A_581[0] : i32 from vector<1xi32>
    %slice3A_583 = vector.extract_strided_slice %get3A_436 {offsets = [6], sizes = [1], strides = [1]} : vector<16xi32> to vector<1xi32>
    %squeeze3A_584 = vector.extract %slice3A_583[0] : i32 from vector<1xi32>
    %dma_start3A_585 = arith.constant 38 : i32
    %dma_start3A_586 = arith.constant 0 : i32
    %dma_start3A_587 = tpu.memref_slice %arg8[%dma_start3A_585, %dma_start3A_586] : memref<96x64xf32, #tpu.memory_space<vmem>> -> memref<1x64xf32, #tpu.memory_space<vmem>>
    %dma_start3A_588 = arith.constant 0 : i32
    %dma_start3A_589 = tpu.memref_slice %arg3[%squeeze3A_582, %dma_start3A_588] : memref<1000000x64xf32, #tpu.memory_space<hbm>> -> memref<1x64xf32, #tpu.memory_space<hbm>>
    %dma_start3A_590 = arith.constant 38 : i32
    %dma_start3A_591 = arith.constant 0 : i32
    %dma_start3A_592 = tpu.memref_slice %arg8[%dma_start3A_590, %dma_start3A_591] : memref<96x64xf32, #tpu.memory_space<vmem>> -> memref<1x64xf32, #tpu.memory_space<vmem>>
    %dma_start3A_593 = arith.constant 0 : i32
    %dma_start3A_594 = tpu.memref_slice %arg3[%squeeze3A_582, %dma_start3A_593] : memref<1000000x64xf32, #tpu.memory_space<hbm>> -> memref<1x64xf32, #tpu.memory_space<hbm>>
    tpu.enqueue_dma source(%dma_start3A_594 : memref<1x64xf32, #tpu.memory_space<hbm>>) target(%dma_start3A_592 : memref<1x64xf32, #tpu.memory_space<vmem>>) target_semaphore(%arg12 : memref<!tpu.dma_semaphore, #tpu.memory_space<semaphore_mem>>)
    %dma_start3A_595 = arith.constant 54 : i32
    %dma_start3A_596 = arith.constant 0 : i32
    %dma_start3A_597 = tpu.memref_slice %arg8[%dma_start3A_595, %dma_start3A_596] : memref<96x64xf32, #tpu.memory_space<vmem>> -> memref<1x64xf32, #tpu.memory_space<vmem>>
    %dma_start3A_598 = arith.constant 0 : i32
    %dma_start3A_599 = tpu.memref_slice %arg3[%squeeze3A_584, %dma_start3A_598] : memref<1000000x64xf32, #tpu.memory_space<hbm>> -> memref<1x64xf32, #tpu.memory_space<hbm>>
    %dma_start3A_600 = arith.constant 54 : i32
    %dma_start3A_601 = arith.constant 0 : i32
    %dma_start3A_602 = tpu.memref_slice %arg8[%dma_start3A_600, %dma_start3A_601] : memref<96x64xf32, #tpu.memory_space<vmem>> -> memref<1x64xf32, #tpu.memory_space<vmem>>
    %dma_start3A_603 = arith.constant 0 : i32
    %dma_start3A_604 = tpu.memref_slice %arg3[%squeeze3A_584, %dma_start3A_603] : memref<1000000x64xf32, #tpu.memory_space<hbm>> -> memref<1x64xf32, #tpu.memory_space<hbm>>
    tpu.enqueue_dma source(%dma_start3A_604 : memref<1x64xf32, #tpu.memory_space<hbm>>) target(%dma_start3A_602 : memref<1x64xf32, #tpu.memory_space<vmem>>) target_semaphore(%arg12 : memref<!tpu.dma_semaphore, #tpu.memory_space<semaphore_mem>>)
    %slice3A_605 = vector.extract_strided_slice %get3A_434 {offsets = [7], sizes = [1], strides = [1]} : vector<16xi32> to vector<1xi32>
    %squeeze3A_606 = vector.extract %slice3A_605[0] : i32 from vector<1xi32>
    %slice3A_607 = vector.extract_strided_slice %get3A_436 {offsets = [7], sizes = [1], strides = [1]} : vector<16xi32> to vector<1xi32>
    %squeeze3A_608 = vector.extract %slice3A_607[0] : i32 from vector<1xi32>
    %dma_start3A_609 = arith.constant 39 : i32
    %dma_start3A_610 = arith.constant 0 : i32
    %dma_start3A_611 = tpu.memref_slice %arg8[%dma_start3A_609, %dma_start3A_610] : memref<96x64xf32, #tpu.memory_space<vmem>> -> memref<1x64xf32, #tpu.memory_space<vmem>>
    %dma_start3A_612 = arith.constant 0 : i32
    %dma_start3A_613 = tpu.memref_slice %arg3[%squeeze3A_606, %dma_start3A_612] : memref<1000000x64xf32, #tpu.memory_space<hbm>> -> memref<1x64xf32, #tpu.memory_space<hbm>>
    %dma_start3A_614 = arith.constant 39 : i32
    %dma_start3A_615 = arith.constant 0 : i32
    %dma_start3A_616 = tpu.memref_slice %arg8[%dma_start3A_614, %dma_start3A_615] : memref<96x64xf32, #tpu.memory_space<vmem>> -> memref<1x64xf32, #tpu.memory_space<vmem>>
    %dma_start3A_617 = arith.constant 0 : i32
    %dma_start3A_618 = tpu.memref_slice %arg3[%squeeze3A_606, %dma_start3A_617] : memref<1000000x64xf32, #tpu.memory_space<hbm>> -> memref<1x64xf32, #tpu.memory_space<hbm>>
    tpu.enqueue_dma source(%dma_start3A_618 : memref<1x64xf32, #tpu.memory_space<hbm>>) target(%dma_start3A_616 : memref<1x64xf32, #tpu.memory_space<vmem>>) target_semaphore(%arg12 : memref<!tpu.dma_semaphore, #tpu.memory_space<semaphore_mem>>)
    %dma_start3A_619 = arith.constant 55 : i32
    %dma_start3A_620 = arith.constant 0 : i32
    %dma_start3A_621 = tpu.memref_slice %arg8[%dma_start3A_619, %dma_start3A_620] : memref<96x64xf32, #tpu.memory_space<vmem>> -> memref<1x64xf32, #tpu.memory_space<vmem>>
    %dma_start3A_622 = arith.constant 0 : i32
    %dma_start3A_623 = tpu.memref_slice %arg3[%squeeze3A_608, %dma_start3A_622] : memref<1000000x64xf32, #tpu.memory_space<hbm>> -> memref<1x64xf32, #tpu.memory_space<hbm>>
    %dma_start3A_624 = arith.constant 55 : i32
    %dma_start3A_625 = arith.constant 0 : i32
    %dma_start3A_626 = tpu.memref_slice %arg8[%dma_start3A_624, %dma_start3A_625] : memref<96x64xf32, #tpu.memory_space<vmem>> -> memref<1x64xf32, #tpu.memory_space<vmem>>
    %dma_start3A_627 = arith.constant 0 : i32
    %dma_start3A_628 = tpu.memref_slice %arg3[%squeeze3A_608, %dma_start3A_627] : memref<1000000x64xf32, #tpu.memory_space<hbm>> -> memref<1x64xf32, #tpu.memory_space<hbm>>
    tpu.enqueue_dma source(%dma_start3A_628 : memref<1x64xf32, #tpu.memory_space<hbm>>) target(%dma_start3A_626 : memref<1x64xf32, #tpu.memory_space<vmem>>) target_semaphore(%arg12 : memref<!tpu.dma_semaphore, #tpu.memory_space<semaphore_mem>>)
    %slice3A_629 = vector.extract_strided_slice %get3A_434 {offsets = [8], sizes = [1], strides = [1]} : vector<16xi32> to vector<1xi32>
    %squeeze3A_630 = vector.extract %slice3A_629[0] : i32 from vector<1xi32>
    %slice3A_631 = vector.extract_strided_slice %get3A_436 {offsets = [8], sizes = [1], strides = [1]} : vector<16xi32> to vector<1xi32>
    %squeeze3A_632 = vector.extract %slice3A_631[0] : i32 from vector<1xi32>
    %dma_start3A_633 = arith.constant 40 : i32
    %dma_start3A_634 = arith.constant 0 : i32
    %dma_start3A_635 = tpu.memref_slice %arg8[%dma_start3A_633, %dma_start3A_634] : memref<96x64xf32, #tpu.memory_space<vmem>> -> memref<1x64xf32, #tpu.memory_space<vmem>>
    %dma_start3A_636 = arith.constant 0 : i32
    %dma_start3A_637 = tpu.memref_slice %arg3[%squeeze3A_630, %dma_start3A_636] : memref<1000000x64xf32, #tpu.memory_space<hbm>> -> memref<1x64xf32, #tpu.memory_space<hbm>>
    %dma_start3A_638 = arith.constant 40 : i32
    %dma_start3A_639 = arith.constant 0 : i32
    %dma_start3A_640 = tpu.memref_slice %arg8[%dma_start3A_638, %dma_start3A_639] : memref<96x64xf32, #tpu.memory_space<vmem>> -> memref<1x64xf32, #tpu.memory_space<vmem>>
    %dma_start3A_641 = arith.constant 0 : i32
    %dma_start3A_642 = tpu.memref_slice %arg3[%squeeze3A_630, %dma_start3A_641] : memref<1000000x64xf32, #tpu.memory_space<hbm>> -> memref<1x64xf32, #tpu.memory_space<hbm>>
    tpu.enqueue_dma source(%dma_start3A_642 : memref<1x64xf32, #tpu.memory_space<hbm>>) target(%dma_start3A_640 : memref<1x64xf32, #tpu.memory_space<vmem>>) target_semaphore(%arg12 : memref<!tpu.dma_semaphore, #tpu.memory_space<semaphore_mem>>)
    %dma_start3A_643 = arith.constant 56 : i32
    %dma_start3A_644 = arith.constant 0 : i32
    %dma_start3A_645 = tpu.memref_slice %arg8[%dma_start3A_643, %dma_start3A_644] : memref<96x64xf32, #tpu.memory_space<vmem>> -> memref<1x64xf32, #tpu.memory_space<vmem>>
    %dma_start3A_646 = arith.constant 0 : i32
    %dma_start3A_647 = tpu.memref_slice %arg3[%squeeze3A_632, %dma_start3A_646] : memref<1000000x64xf32, #tpu.memory_space<hbm>> -> memref<1x64xf32, #tpu.memory_space<hbm>>
    %dma_start3A_648 = arith.constant 56 : i32
    %dma_start3A_649 = arith.constant 0 : i32
    %dma_start3A_650 = tpu.memref_slice %arg8[%dma_start3A_648, %dma_start3A_649] : memref<96x64xf32, #tpu.memory_space<vmem>> -> memref<1x64xf32, #tpu.memory_space<vmem>>
    %dma_start3A_651 = arith.constant 0 : i32
    %dma_start3A_652 = tpu.memref_slice %arg3[%squeeze3A_632, %dma_start3A_651] : memref<1000000x64xf32, #tpu.memory_space<hbm>> -> memref<1x64xf32, #tpu.memory_space<hbm>>
    tpu.enqueue_dma source(%dma_start3A_652 : memref<1x64xf32, #tpu.memory_space<hbm>>) target(%dma_start3A_650 : memref<1x64xf32, #tpu.memory_space<vmem>>) target_semaphore(%arg12 : memref<!tpu.dma_semaphore, #tpu.memory_space<semaphore_mem>>)
    %slice3A_653 = vector.extract_strided_slice %get3A_434 {offsets = [9], sizes = [1], strides = [1]} : vector<16xi32> to vector<1xi32>
    %squeeze3A_654 = vector.extract %slice3A_653[0] : i32 from vector<1xi32>
    %slice3A_655 = vector.extract_strided_slice %get3A_436 {offsets = [9], sizes = [1], strides = [1]} : vector<16xi32> to vector<1xi32>
    %squeeze3A_656 = vector.extract %slice3A_655[0] : i32 from vector<1xi32>
    %dma_start3A_657 = arith.constant 41 : i32
    %dma_start3A_658 = arith.constant 0 : i32
    %dma_start3A_659 = tpu.memref_slice %arg8[%dma_start3A_657, %dma_start3A_658] : memref<96x64xf32, #tpu.memory_space<vmem>> -> memref<1x64xf32, #tpu.memory_space<vmem>>
    %dma_start3A_660 = arith.constant 0 : i32
    %dma_start3A_661 = tpu.memref_slice %arg3[%squeeze3A_654, %dma_start3A_660] : memref<1000000x64xf32, #tpu.memory_space<hbm>> -> memref<1x64xf32, #tpu.memory_space<hbm>>
    %dma_start3A_662 = arith.constant 41 : i32
    %dma_start3A_663 = arith.constant 0 : i32
    %dma_start3A_664 = tpu.memref_slice %arg8[%dma_start3A_662, %dma_start3A_663] : memref<96x64xf32, #tpu.memory_space<vmem>> -> memref<1x64xf32, #tpu.memory_space<vmem>>
    %dma_start3A_665 = arith.constant 0 : i32
    %dma_start3A_666 = tpu.memref_slice %arg3[%squeeze3A_654, %dma_start3A_665] : memref<1000000x64xf32, #tpu.memory_space<hbm>> -> memref<1x64xf32, #tpu.memory_space<hbm>>
    tpu.enqueue_dma source(%dma_start3A_666 : memref<1x64xf32, #tpu.memory_space<hbm>>) target(%dma_start3A_664 : memref<1x64xf32, #tpu.memory_space<vmem>>) target_semaphore(%arg12 : memref<!tpu.dma_semaphore, #tpu.memory_space<semaphore_mem>>)
    %dma_start3A_667 = arith.constant 57 : i32
    %dma_start3A_668 = arith.constant 0 : i32
    %dma_start3A_669 = tpu.memref_slice %arg8[%dma_start3A_667, %dma_start3A_668] : memref<96x64xf32, #tpu.memory_space<vmem>> -> memref<1x64xf32, #tpu.memory_space<vmem>>
    %dma_start3A_670 = arith.constant 0 : i32
    %dma_start3A_671 = tpu.memref_slice %arg3[%squeeze3A_656, %dma_start3A_670] : memref<1000000x64xf32, #tpu.memory_space<hbm>> -> memref<1x64xf32, #tpu.memory_space<hbm>>
    %dma_start3A_672 = arith.constant 57 : i32
    %dma_start3A_673 = arith.constant 0 : i32
    %dma_start3A_674 = tpu.memref_slice %arg8[%dma_start3A_672, %dma_start3A_673] : memref<96x64xf32, #tpu.memory_space<vmem>> -> memref<1x64xf32, #tpu.memory_space<vmem>>
    %dma_start3A_675 = arith.constant 0 : i32
    %dma_start3A_676 = tpu.memref_slice %arg3[%squeeze3A_656, %dma_start3A_675] : memref<1000000x64xf32, #tpu.memory_space<hbm>> -> memref<1x64xf32, #tpu.memory_space<hbm>>
    tpu.enqueue_dma source(%dma_start3A_676 : memref<1x64xf32, #tpu.memory_space<hbm>>) target(%dma_start3A_674 : memref<1x64xf32, #tpu.memory_space<vmem>>) target_semaphore(%arg12 : memref<!tpu.dma_semaphore, #tpu.memory_space<semaphore_mem>>)
    %slice3A_677 = vector.extract_strided_slice %get3A_434 {offsets = [10], sizes = [1], strides = [1]} : vector<16xi32> to vector<1xi32>
    %squeeze3A_678 = vector.extract %slice3A_677[0] : i32 from vector<1xi32>
    %slice3A_679 = vector.extract_strided_slice %get3A_436 {offsets = [10], sizes = [1], strides = [1]} : vector<16xi32> to vector<1xi32>
    %squeeze3A_680 = vector.extract %slice3A_679[0] : i32 from vector<1xi32>
    %dma_start3A_681 = arith.constant 42 : i32
    %dma_start3A_682 = arith.constant 0 : i32
    %dma_start3A_683 = tpu.memref_slice %arg8[%dma_start3A_681, %dma_start3A_682] : memref<96x64xf32, #tpu.memory_space<vmem>> -> memref<1x64xf32, #tpu.memory_space<vmem>>
    %dma_start3A_684 = arith.constant 0 : i32
    %dma_start3A_685 = tpu.memref_slice %arg3[%squeeze3A_678, %dma_start3A_684] : memref<1000000x64xf32, #tpu.memory_space<hbm>> -> memref<1x64xf32, #tpu.memory_space<hbm>>
    %dma_start3A_686 = arith.constant 42 : i32
    %dma_start3A_687 = arith.constant 0 : i32
    %dma_start3A_688 = tpu.memref_slice %arg8[%dma_start3A_686, %dma_start3A_687] : memref<96x64xf32, #tpu.memory_space<vmem>> -> memref<1x64xf32, #tpu.memory_space<vmem>>
    %dma_start3A_689 = arith.constant 0 : i32
    %dma_start3A_690 = tpu.memref_slice %arg3[%squeeze3A_678, %dma_start3A_689] : memref<1000000x64xf32, #tpu.memory_space<hbm>> -> memref<1x64xf32, #tpu.memory_space<hbm>>
    tpu.enqueue_dma source(%dma_start3A_690 : memref<1x64xf32, #tpu.memory_space<hbm>>) target(%dma_start3A_688 : memref<1x64xf32, #tpu.memory_space<vmem>>) target_semaphore(%arg12 : memref<!tpu.dma_semaphore, #tpu.memory_space<semaphore_mem>>)
    %dma_start3A_691 = arith.constant 58 : i32
    %dma_start3A_692 = arith.constant 0 : i32
    %dma_start3A_693 = tpu.memref_slice %arg8[%dma_start3A_691, %dma_start3A_692] : memref<96x64xf32, #tpu.memory_space<vmem>> -> memref<1x64xf32, #tpu.memory_space<vmem>>
    %dma_start3A_694 = arith.constant 0 : i32
    %dma_start3A_695 = tpu.memref_slice %arg3[%squeeze3A_680, %dma_start3A_694] : memref<1000000x64xf32, #tpu.memory_space<hbm>> -> memref<1x64xf32, #tpu.memory_space<hbm>>
    %dma_start3A_696 = arith.constant 58 : i32
    %dma_start3A_697 = arith.constant 0 : i32
    %dma_start3A_698 = tpu.memref_slice %arg8[%dma_start3A_696, %dma_start3A_697] : memref<96x64xf32, #tpu.memory_space<vmem>> -> memref<1x64xf32, #tpu.memory_space<vmem>>
    %dma_start3A_699 = arith.constant 0 : i32
    %dma_start3A_700 = tpu.memref_slice %arg3[%squeeze3A_680, %dma_start3A_699] : memref<1000000x64xf32, #tpu.memory_space<hbm>> -> memref<1x64xf32, #tpu.memory_space<hbm>>
    tpu.enqueue_dma source(%dma_start3A_700 : memref<1x64xf32, #tpu.memory_space<hbm>>) target(%dma_start3A_698 : memref<1x64xf32, #tpu.memory_space<vmem>>) target_semaphore(%arg12 : memref<!tpu.dma_semaphore, #tpu.memory_space<semaphore_mem>>)
    %slice3A_701 = vector.extract_strided_slice %get3A_434 {offsets = [11], sizes = [1], strides = [1]} : vector<16xi32> to vector<1xi32>
    %squeeze3A_702 = vector.extract %slice3A_701[0] : i32 from vector<1xi32>
    %slice3A_703 = vector.extract_strided_slice %get3A_436 {offsets = [11], sizes = [1], strides = [1]} : vector<16xi32> to vector<1xi32>
    %squeeze3A_704 = vector.extract %slice3A_703[0] : i32 from vector<1xi32>
    %dma_start3A_705 = arith.constant 43 : i32
    %dma_start3A_706 = arith.constant 0 : i32
    %dma_start3A_707 = tpu.memref_slice %arg8[%dma_start3A_705, %dma_start3A_706] : memref<96x64xf32, #tpu.memory_space<vmem>> -> memref<1x64xf32, #tpu.memory_space<vmem>>
    %dma_start3A_708 = arith.constant 0 : i32
    %dma_start3A_709 = tpu.memref_slice %arg3[%squeeze3A_702, %dma_start3A_708] : memref<1000000x64xf32, #tpu.memory_space<hbm>> -> memref<1x64xf32, #tpu.memory_space<hbm>>
    %dma_start3A_710 = arith.constant 43 : i32
    %dma_start3A_711 = arith.constant 0 : i32
    %dma_start3A_712 = tpu.memref_slice %arg8[%dma_start3A_710, %dma_start3A_711] : memref<96x64xf32, #tpu.memory_space<vmem>> -> memref<1x64xf32, #tpu.memory_space<vmem>>
    %dma_start3A_713 = arith.constant 0 : i32
    %dma_start3A_714 = tpu.memref_slice %arg3[%squeeze3A_702, %dma_start3A_713] : memref<1000000x64xf32, #tpu.memory_space<hbm>> -> memref<1x64xf32, #tpu.memory_space<hbm>>
    tpu.enqueue_dma source(%dma_start3A_714 : memref<1x64xf32, #tpu.memory_space<hbm>>) target(%dma_start3A_712 : memref<1x64xf32, #tpu.memory_space<vmem>>) target_semaphore(%arg12 : memref<!tpu.dma_semaphore, #tpu.memory_space<semaphore_mem>>)
    %dma_start3A_715 = arith.constant 59 : i32
    %dma_start3A_716 = arith.constant 0 : i32
    %dma_start3A_717 = tpu.memref_slice %arg8[%dma_start3A_715, %dma_start3A_716] : memref<96x64xf32, #tpu.memory_space<vmem>> -> memref<1x64xf32, #tpu.memory_space<vmem>>
    %dma_start3A_718 = arith.constant 0 : i32
    %dma_start3A_719 = tpu.memref_slice %arg3[%squeeze3A_704, %dma_start3A_718] : memref<1000000x64xf32, #tpu.memory_space<hbm>> -> memref<1x64xf32, #tpu.memory_space<hbm>>
    %dma_start3A_720 = arith.constant 59 : i32
    %dma_start3A_721 = arith.constant 0 : i32
    %dma_start3A_722 = tpu.memref_slice %arg8[%dma_start3A_720, %dma_start3A_721] : memref<96x64xf32, #tpu.memory_space<vmem>> -> memref<1x64xf32, #tpu.memory_space<vmem>>
    %dma_start3A_723 = arith.constant 0 : i32
    %dma_start3A_724 = tpu.memref_slice %arg3[%squeeze3A_704, %dma_start3A_723] : memref<1000000x64xf32, #tpu.memory_space<hbm>> -> memref<1x64xf32, #tpu.memory_space<hbm>>
    tpu.enqueue_dma source(%dma_start3A_724 : memref<1x64xf32, #tpu.memory_space<hbm>>) target(%dma_start3A_722 : memref<1x64xf32, #tpu.memory_space<vmem>>) target_semaphore(%arg12 : memref<!tpu.dma_semaphore, #tpu.memory_space<semaphore_mem>>)
    %slice3A_725 = vector.extract_strided_slice %get3A_434 {offsets = [12], sizes = [1], strides = [1]} : vector<16xi32> to vector<1xi32>
    %squeeze3A_726 = vector.extract %slice3A_725[0] : i32 from vector<1xi32>
    %slice3A_727 = vector.extract_strided_slice %get3A_436 {offsets = [12], sizes = [1], strides = [1]} : vector<16xi32> to vector<1xi32>
    %squeeze3A_728 = vector.extract %slice3A_727[0] : i32 from vector<1xi32>
    %dma_start3A_729 = arith.constant 44 : i32
    %dma_start3A_730 = arith.constant 0 : i32
    %dma_start3A_731 = tpu.memref_slice %arg8[%dma_start3A_729, %dma_start3A_730] : memref<96x64xf32, #tpu.memory_space<vmem>> -> memref<1x64xf32, #tpu.memory_space<vmem>>
    %dma_start3A_732 = arith.constant 0 : i32
    %dma_start3A_733 = tpu.memref_slice %arg3[%squeeze3A_726, %dma_start3A_732] : memref<1000000x64xf32, #tpu.memory_space<hbm>> -> memref<1x64xf32, #tpu.memory_space<hbm>>
    %dma_start3A_734 = arith.constant 44 : i32
    %dma_start3A_735 = arith.constant 0 : i32
    %dma_start3A_736 = tpu.memref_slice %arg8[%dma_start3A_734, %dma_start3A_735] : memref<96x64xf32, #tpu.memory_space<vmem>> -> memref<1x64xf32, #tpu.memory_space<vmem>>
    %dma_start3A_737 = arith.constant 0 : i32
    %dma_start3A_738 = tpu.memref_slice %arg3[%squeeze3A_726, %dma_start3A_737] : memref<1000000x64xf32, #tpu.memory_space<hbm>> -> memref<1x64xf32, #tpu.memory_space<hbm>>
    tpu.enqueue_dma source(%dma_start3A_738 : memref<1x64xf32, #tpu.memory_space<hbm>>) target(%dma_start3A_736 : memref<1x64xf32, #tpu.memory_space<vmem>>) target_semaphore(%arg12 : memref<!tpu.dma_semaphore, #tpu.memory_space<semaphore_mem>>)
    %dma_start3A_739 = arith.constant 60 : i32
    %dma_start3A_740 = arith.constant 0 : i32
    %dma_start3A_741 = tpu.memref_slice %arg8[%dma_start3A_739, %dma_start3A_740] : memref<96x64xf32, #tpu.memory_space<vmem>> -> memref<1x64xf32, #tpu.memory_space<vmem>>
    %dma_start3A_742 = arith.constant 0 : i32
    %dma_start3A_743 = tpu.memref_slice %arg3[%squeeze3A_728, %dma_start3A_742] : memref<1000000x64xf32, #tpu.memory_space<hbm>> -> memref<1x64xf32, #tpu.memory_space<hbm>>
    %dma_start3A_744 = arith.constant 60 : i32
    %dma_start3A_745 = arith.constant 0 : i32
    %dma_start3A_746 = tpu.memref_slice %arg8[%dma_start3A_744, %dma_start3A_745] : memref<96x64xf32, #tpu.memory_space<vmem>> -> memref<1x64xf32, #tpu.memory_space<vmem>>
    %dma_start3A_747 = arith.constant 0 : i32
    %dma_start3A_748 = tpu.memref_slice %arg3[%squeeze3A_728, %dma_start3A_747] : memref<1000000x64xf32, #tpu.memory_space<hbm>> -> memref<1x64xf32, #tpu.memory_space<hbm>>
    tpu.enqueue_dma source(%dma_start3A_748 : memref<1x64xf32, #tpu.memory_space<hbm>>) target(%dma_start3A_746 : memref<1x64xf32, #tpu.memory_space<vmem>>) target_semaphore(%arg12 : memref<!tpu.dma_semaphore, #tpu.memory_space<semaphore_mem>>)
    %slice3A_749 = vector.extract_strided_slice %get3A_434 {offsets = [13], sizes = [1], strides = [1]} : vector<16xi32> to vector<1xi32>
    %squeeze3A_750 = vector.extract %slice3A_749[0] : i32 from vector<1xi32>
    %slice3A_751 = vector.extract_strided_slice %get3A_436 {offsets = [13], sizes = [1], strides = [1]} : vector<16xi32> to vector<1xi32>
    %squeeze3A_752 = vector.extract %slice3A_751[0] : i32 from vector<1xi32>
    %dma_start3A_753 = arith.constant 45 : i32
    %dma_start3A_754 = arith.constant 0 : i32
    %dma_start3A_755 = tpu.memref_slice %arg8[%dma_start3A_753, %dma_start3A_754] : memref<96x64xf32, #tpu.memory_space<vmem>> -> memref<1x64xf32, #tpu.memory_space<vmem>>
    %dma_start3A_756 = arith.constant 0 : i32
    %dma_start3A_757 = tpu.memref_slice %arg3[%squeeze3A_750, %dma_start3A_756] : memref<1000000x64xf32, #tpu.memory_space<hbm>> -> memref<1x64xf32, #tpu.memory_space<hbm>>
    %dma_start3A_758 = arith.constant 45 : i32
    %dma_start3A_759 = arith.constant 0 : i32
    %dma_start3A_760 = tpu.memref_slice %arg8[%dma_start3A_758, %dma_start3A_759] : memref<96x64xf32, #tpu.memory_space<vmem>> -> memref<1x64xf32, #tpu.memory_space<vmem>>
    %dma_start3A_761 = arith.constant 0 : i32
    %dma_start3A_762 = tpu.memref_slice %arg3[%squeeze3A_750, %dma_start3A_761] : memref<1000000x64xf32, #tpu.memory_space<hbm>> -> memref<1x64xf32, #tpu.memory_space<hbm>>
    tpu.enqueue_dma source(%dma_start3A_762 : memref<1x64xf32, #tpu.memory_space<hbm>>) target(%dma_start3A_760 : memref<1x64xf32, #tpu.memory_space<vmem>>) target_semaphore(%arg12 : memref<!tpu.dma_semaphore, #tpu.memory_space<semaphore_mem>>)
    %dma_start3A_763 = arith.constant 61 : i32
    %dma_start3A_764 = arith.constant 0 : i32
    %dma_start3A_765 = tpu.memref_slice %arg8[%dma_start3A_763, %dma_start3A_764] : memref<96x64xf32, #tpu.memory_space<vmem>> -> memref<1x64xf32, #tpu.memory_space<vmem>>
    %dma_start3A_766 = arith.constant 0 : i32
    %dma_start3A_767 = tpu.memref_slice %arg3[%squeeze3A_752, %dma_start3A_766] : memref<1000000x64xf32, #tpu.memory_space<hbm>> -> memref<1x64xf32, #tpu.memory_space<hbm>>
    %dma_start3A_768 = arith.constant 61 : i32
    %dma_start3A_769 = arith.constant 0 : i32
    %dma_start3A_770 = tpu.memref_slice %arg8[%dma_start3A_768, %dma_start3A_769] : memref<96x64xf32, #tpu.memory_space<vmem>> -> memref<1x64xf32, #tpu.memory_space<vmem>>
    %dma_start3A_771 = arith.constant 0 : i32
    %dma_start3A_772 = tpu.memref_slice %arg3[%squeeze3A_752, %dma_start3A_771] : memref<1000000x64xf32, #tpu.memory_space<hbm>> -> memref<1x64xf32, #tpu.memory_space<hbm>>
    tpu.enqueue_dma source(%dma_start3A_772 : memref<1x64xf32, #tpu.memory_space<hbm>>) target(%dma_start3A_770 : memref<1x64xf32, #tpu.memory_space<vmem>>) target_semaphore(%arg12 : memref<!tpu.dma_semaphore, #tpu.memory_space<semaphore_mem>>)
    %slice3A_773 = vector.extract_strided_slice %get3A_434 {offsets = [14], sizes = [1], strides = [1]} : vector<16xi32> to vector<1xi32>
    %squeeze3A_774 = vector.extract %slice3A_773[0] : i32 from vector<1xi32>
    %slice3A_775 = vector.extract_strided_slice %get3A_436 {offsets = [14], sizes = [1], strides = [1]} : vector<16xi32> to vector<1xi32>
    %squeeze3A_776 = vector.extract %slice3A_775[0] : i32 from vector<1xi32>
    %dma_start3A_777 = arith.constant 46 : i32
    %dma_start3A_778 = arith.constant 0 : i32
    %dma_start3A_779 = tpu.memref_slice %arg8[%dma_start3A_777, %dma_start3A_778] : memref<96x64xf32, #tpu.memory_space<vmem>> -> memref<1x64xf32, #tpu.memory_space<vmem>>
    %dma_start3A_780 = arith.constant 0 : i32
    %dma_start3A_781 = tpu.memref_slice %arg3[%squeeze3A_774, %dma_start3A_780] : memref<1000000x64xf32, #tpu.memory_space<hbm>> -> memref<1x64xf32, #tpu.memory_space<hbm>>
    %dma_start3A_782 = arith.constant 46 : i32
    %dma_start3A_783 = arith.constant 0 : i32
    %dma_start3A_784 = tpu.memref_slice %arg8[%dma_start3A_782, %dma_start3A_783] : memref<96x64xf32, #tpu.memory_space<vmem>> -> memref<1x64xf32, #tpu.memory_space<vmem>>
    %dma_start3A_785 = arith.constant 0 : i32
    %dma_start3A_786 = tpu.memref_slice %arg3[%squeeze3A_774, %dma_start3A_785] : memref<1000000x64xf32, #tpu.memory_space<hbm>> -> memref<1x64xf32, #tpu.memory_space<hbm>>
    tpu.enqueue_dma source(%dma_start3A_786 : memref<1x64xf32, #tpu.memory_space<hbm>>) target(%dma_start3A_784 : memref<1x64xf32, #tpu.memory_space<vmem>>) target_semaphore(%arg12 : memref<!tpu.dma_semaphore, #tpu.memory_space<semaphore_mem>>)
    %dma_start3A_787 = arith.constant 62 : i32
    %dma_start3A_788 = arith.constant 0 : i32
    %dma_start3A_789 = tpu.memref_slice %arg8[%dma_start3A_787, %dma_start3A_788] : memref<96x64xf32, #tpu.memory_space<vmem>> -> memref<1x64xf32, #tpu.memory_space<vmem>>
    %dma_start3A_790 = arith.constant 0 : i32
    %dma_start3A_791 = tpu.memref_slice %arg3[%squeeze3A_776, %dma_start3A_790] : memref<1000000x64xf32, #tpu.memory_space<hbm>> -> memref<1x64xf32, #tpu.memory_space<hbm>>
    %dma_start3A_792 = arith.constant 62 : i32
    %dma_start3A_793 = arith.constant 0 : i32
    %dma_start3A_794 = tpu.memref_slice %arg8[%dma_start3A_792, %dma_start3A_793] : memref<96x64xf32, #tpu.memory_space<vmem>> -> memref<1x64xf32, #tpu.memory_space<vmem>>
    %dma_start3A_795 = arith.constant 0 : i32
    %dma_start3A_796 = tpu.memref_slice %arg3[%squeeze3A_776, %dma_start3A_795] : memref<1000000x64xf32, #tpu.memory_space<hbm>> -> memref<1x64xf32, #tpu.memory_space<hbm>>
    tpu.enqueue_dma source(%dma_start3A_796 : memref<1x64xf32, #tpu.memory_space<hbm>>) target(%dma_start3A_794 : memref<1x64xf32, #tpu.memory_space<vmem>>) target_semaphore(%arg12 : memref<!tpu.dma_semaphore, #tpu.memory_space<semaphore_mem>>)
    %slice3A_797 = vector.extract_strided_slice %get3A_434 {offsets = [15], sizes = [1], strides = [1]} : vector<16xi32> to vector<1xi32>
    %squeeze3A_798 = vector.extract %slice3A_797[0] : i32 from vector<1xi32>
    %slice3A_799 = vector.extract_strided_slice %get3A_436 {offsets = [15], sizes = [1], strides = [1]} : vector<16xi32> to vector<1xi32>
    %squeeze3A_800 = vector.extract %slice3A_799[0] : i32 from vector<1xi32>
    %dma_start3A_801 = arith.constant 47 : i32
    %dma_start3A_802 = arith.constant 0 : i32
    %dma_start3A_803 = tpu.memref_slice %arg8[%dma_start3A_801, %dma_start3A_802] : memref<96x64xf32, #tpu.memory_space<vmem>> -> memref<1x64xf32, #tpu.memory_space<vmem>>
    %dma_start3A_804 = arith.constant 0 : i32
    %dma_start3A_805 = tpu.memref_slice %arg3[%squeeze3A_798, %dma_start3A_804] : memref<1000000x64xf32, #tpu.memory_space<hbm>> -> memref<1x64xf32, #tpu.memory_space<hbm>>
    %dma_start3A_806 = arith.constant 47 : i32
    %dma_start3A_807 = arith.constant 0 : i32
    %dma_start3A_808 = tpu.memref_slice %arg8[%dma_start3A_806, %dma_start3A_807] : memref<96x64xf32, #tpu.memory_space<vmem>> -> memref<1x64xf32, #tpu.memory_space<vmem>>
    %dma_start3A_809 = arith.constant 0 : i32
    %dma_start3A_810 = tpu.memref_slice %arg3[%squeeze3A_798, %dma_start3A_809] : memref<1000000x64xf32, #tpu.memory_space<hbm>> -> memref<1x64xf32, #tpu.memory_space<hbm>>
    tpu.enqueue_dma source(%dma_start3A_810 : memref<1x64xf32, #tpu.memory_space<hbm>>) target(%dma_start3A_808 : memref<1x64xf32, #tpu.memory_space<vmem>>) target_semaphore(%arg12 : memref<!tpu.dma_semaphore, #tpu.memory_space<semaphore_mem>>)
    %dma_start3A_811 = arith.constant 63 : i32
    %dma_start3A_812 = arith.constant 0 : i32
    %dma_start3A_813 = tpu.memref_slice %arg8[%dma_start3A_811, %dma_start3A_812] : memref<96x64xf32, #tpu.memory_space<vmem>> -> memref<1x64xf32, #tpu.memory_space<vmem>>
    %dma_start3A_814 = arith.constant 0 : i32
    %dma_start3A_815 = tpu.memref_slice %arg3[%squeeze3A_800, %dma_start3A_814] : memref<1000000x64xf32, #tpu.memory_space<hbm>> -> memref<1x64xf32, #tpu.memory_space<hbm>>
    %dma_start3A_816 = arith.constant 63 : i32
    %dma_start3A_817 = arith.constant 0 : i32
    %dma_start3A_818 = tpu.memref_slice %arg8[%dma_start3A_816, %dma_start3A_817] : memref<96x64xf32, #tpu.memory_space<vmem>> -> memref<1x64xf32, #tpu.memory_space<vmem>>
    %dma_start3A_819 = arith.constant 0 : i32
    %dma_start3A_820 = tpu.memref_slice %arg3[%squeeze3A_800, %dma_start3A_819] : memref<1000000x64xf32, #tpu.memory_space<hbm>> -> memref<1x64xf32, #tpu.memory_space<hbm>>
    tpu.enqueue_dma source(%dma_start3A_820 : memref<1x64xf32, #tpu.memory_space<hbm>>) target(%dma_start3A_818 : memref<1x64xf32, #tpu.memory_space<vmem>>) target_semaphore(%arg12 : memref<!tpu.dma_semaphore, #tpu.memory_space<semaphore_mem>>)
    %scan3A = arith.constant 0 : i32
    %scan3A_821 = arith.constant 0 : i32
    %scan3A_822 = arith.constant 32 : i32
    %scan3A_823 = arith.addi %scan3A_821, %scan3A_822 : i32
    %scan3A_824 = arith.constant 1 : i32
    scf.for %scan3A_828 = %scan3A_821 to %scan3A_823 step %scan3A_824  : i32 {
      %add3A_829 = arith.constant 2 : i32
      %add3A_830 = arith.addi %scan3A_828, %add3A_829 : i32
      %rem3A = arith.constant 3 : i32
      %rem3A_831 = arith.remsi %add3A_830, %rem3A : i32
      %mul3A_832 = arith.constant 32 : i32
      %mul3A_833 = arith.muli %rem3A_831, %mul3A_832 : i32
      %rem3A_834 = arith.constant 3 : i32
      %rem3A_835 = arith.remsi %scan3A_828, %rem3A_834 : i32
      %mul3A_836 = arith.constant 32 : i32
      %mul3A_837 = arith.muli %rem3A_835, %mul3A_836 : i32
      %lt3A = arith.constant 30 : i32
      %lt3A_838 = arith.cmpi slt, %scan3A_828, %lt3A : i32
      %convert_element_type3A = arith.extui %lt3A_838 : i1 to i32
      %cond3A = arith.constant 0 : i32
      %cond3A_839 = arith.cmpi ne, %convert_element_type3A, %cond3A : i32
      scf.if %cond3A_839 {
        %add3A_1845 = arith.constant 2 : i32
        %add3A_1846 = arith.addi %scan3A_828, %add3A_1845 : i32
        %mul3A_1847 = arith.constant 16 : i32
        %mul3A_1848 = arith.muli %add3A_1846, %mul3A_1847 : i32
        %get3A_1849 = arith.index_cast %mul3A_1848 : i32 to index
        %get3A_1850 = tpu.vector_load %arg7[%get3A_1849] {strides = array<i32>} : memref<1024xi32, #tpu.memory_space<vmem>>, vector<16xi32>,
        %mul3A_1851 = arith.constant 16 : i32
        %mul3A_1852 = arith.muli %add3A_1846, %mul3A_1851 : i32
        %add3A_1853 = arith.constant 512 : i32
        %add3A_1854 = arith.addi %add3A_1853, %mul3A_1852 : i32
        %get3A_1855 = arith.index_cast %add3A_1854 : i32 to index
        %get3A_1856 = tpu.vector_load %arg7[%get3A_1855] {strides = array<i32>} : memref<1024xi32, #tpu.memory_space<vmem>>, vector<16xi32>,
        %slice3A_1857 = vector.extract_strided_slice %get3A_1850 {offsets = [0], sizes = [1], strides = [1]} : vector<16xi32> to vector<1xi32>
        %squeeze3A_1858 = vector.extract %slice3A_1857[0] : i32 from vector<1xi32>
        %slice3A_1859 = vector.extract_strided_slice %get3A_1856 {offsets = [0], sizes = [1], strides = [1]} : vector<16xi32> to vector<1xi32>
        %squeeze3A_1860 = vector.extract %slice3A_1859[0] : i32 from vector<1xi32>
        %add3A_1861 = arith.constant 0 : i32
        %add3A_1862 = arith.addi %mul3A_833, %add3A_1861 : i32
        %dma_start3A_1863 = arith.constant 0 : i32
        %dma_start3A_1864 = tpu.memref_slice %arg8[%add3A_1862, %dma_start3A_1863] : memref<96x64xf32, #tpu.memory_space<vmem>> -> memref<1x64xf32, #tpu.memory_space<vmem>>
        %dma_start3A_1865 = arith.constant 0 : i32
        %dma_start3A_1866 = tpu.memref_slice %arg3[%squeeze3A_1858, %dma_start3A_1865] : memref<1000000x64xf32, #tpu.memory_space<hbm>> -> memref<1x64xf32, #tpu.memory_space<hbm>>
        %dma_start3A_1867 = arith.constant 0 : i32
        %dma_start3A_1868 = tpu.memref_slice %arg8[%add3A_1862, %dma_start3A_1867] : memref<96x64xf32, #tpu.memory_space<vmem>> -> memref<1x64xf32, #tpu.memory_space<vmem>>
        %dma_start3A_1869 = arith.constant 0 : i32
        %dma_start3A_1870 = tpu.memref_slice %arg3[%squeeze3A_1858, %dma_start3A_1869] : memref<1000000x64xf32, #tpu.memory_space<hbm>> -> memref<1x64xf32, #tpu.memory_space<hbm>>
        tpu.enqueue_dma source(%dma_start3A_1870 : memref<1x64xf32, #tpu.memory_space<hbm>>) target(%dma_start3A_1868 : memref<1x64xf32, #tpu.memory_space<vmem>>) target_semaphore(%arg12 : memref<!tpu.dma_semaphore, #tpu.memory_space<semaphore_mem>>)
        %add3A_1871 = arith.constant 16 : i32
        %add3A_1872 = arith.addi %mul3A_833, %add3A_1871 : i32
        %add3A_1873 = arith.constant 0 : i32
        %add3A_1874 = arith.addi %add3A_1872, %add3A_1873 : i32
        %dma_start3A_1875 = arith.constant 0 : i32
        %dma_start3A_1876 = tpu.memref_slice %arg8[%add3A_1874, %dma_start3A_1875] : memref<96x64xf32, #tpu.memory_space<vmem>> -> memref<1x64xf32, #tpu.memory_space<vmem>>
        %dma_start3A_1877 = arith.constant 0 : i32
        %dma_start3A_1878 = tpu.memref_slice %arg3[%squeeze3A_1860, %dma_start3A_1877] : memref<1000000x64xf32, #tpu.memory_space<hbm>> -> memref<1x64xf32, #tpu.memory_space<hbm>>
        %dma_start3A_1879 = arith.constant 0 : i32
        %dma_start3A_1880 = tpu.memref_slice %arg8[%add3A_1874, %dma_start3A_1879] : memref<96x64xf32, #tpu.memory_space<vmem>> -> memref<1x64xf32, #tpu.memory_space<vmem>>
        %dma_start3A_1881 = arith.constant 0 : i32
        %dma_start3A_1882 = tpu.memref_slice %arg3[%squeeze3A_1860, %dma_start3A_1881] : memref<1000000x64xf32, #tpu.memory_space<hbm>> -> memref<1x64xf32, #tpu.memory_space<hbm>>
        tpu.enqueue_dma source(%dma_start3A_1882 : memref<1x64xf32, #tpu.memory_space<hbm>>) target(%dma_start3A_1880 : memref<1x64xf32, #tpu.memory_space<vmem>>) target_semaphore(%arg12 : memref<!tpu.dma_semaphore, #tpu.memory_space<semaphore_mem>>)
        %slice3A_1883 = vector.extract_strided_slice %get3A_1850 {offsets = [1], sizes = [1], strides = [1]} : vector<16xi32> to vector<1xi32>
        %squeeze3A_1884 = vector.extract %slice3A_1883[0] : i32 from vector<1xi32>
        %slice3A_1885 = vector.extract_strided_slice %get3A_1856 {offsets = [1], sizes = [1], strides = [1]} : vector<16xi32> to vector<1xi32>
        %squeeze3A_1886 = vector.extract %slice3A_1885[0] : i32 from vector<1xi32>
        %add3A_1887 = arith.constant 1 : i32
        %add3A_1888 = arith.addi %mul3A_833, %add3A_1887 : i32
        %dma_start3A_1889 = arith.constant 0 : i32
        %dma_start3A_1890 = tpu.memref_slice %arg8[%add3A_1888, %dma_start3A_1889] : memref<96x64xf32, #tpu.memory_space<vmem>> -> memref<1x64xf32, #tpu.memory_space<vmem>>
        %dma_start3A_1891 = arith.constant 0 : i32
        %dma_start3A_1892 = tpu.memref_slice %arg3[%squeeze3A_1884, %dma_start3A_1891] : memref<1000000x64xf32, #tpu.memory_space<hbm>> -> memref<1x64xf32, #tpu.memory_space<hbm>>
        %dma_start3A_1893 = arith.constant 0 : i32
        %dma_start3A_1894 = tpu.memref_slice %arg8[%add3A_1888, %dma_start3A_1893] : memref<96x64xf32, #tpu.memory_space<vmem>> -> memref<1x64xf32, #tpu.memory_space<vmem>>
        %dma_start3A_1895 = arith.constant 0 : i32
        %dma_start3A_1896 = tpu.memref_slice %arg3[%squeeze3A_1884, %dma_start3A_1895] : memref<1000000x64xf32, #tpu.memory_space<hbm>> -> memref<1x64xf32, #tpu.memory_space<hbm>>
        tpu.enqueue_dma source(%dma_start3A_1896 : memref<1x64xf32, #tpu.memory_space<hbm>>) target(%dma_start3A_1894 : memref<1x64xf32, #tpu.memory_space<vmem>>) target_semaphore(%arg12 : memref<!tpu.dma_semaphore, #tpu.memory_space<semaphore_mem>>)
        %add3A_1897 = arith.constant 16 : i32
        %add3A_1898 = arith.addi %mul3A_833, %add3A_1897 : i32
        %add3A_1899 = arith.constant 1 : i32
        %add3A_1900 = arith.addi %add3A_1898, %add3A_1899 : i32
        %dma_start3A_1901 = arith.constant 0 : i32
        %dma_start3A_1902 = tpu.memref_slice %arg8[%add3A_1900, %dma_start3A_1901] : memref<96x64xf32, #tpu.memory_space<vmem>> -> memref<1x64xf32, #tpu.memory_space<vmem>>
        %dma_start3A_1903 = arith.constant 0 : i32
        %dma_start3A_1904 = tpu.memref_slice %arg3[%squeeze3A_1886, %dma_start3A_1903] : memref<1000000x64xf32, #tpu.memory_space<hbm>> -> memref<1x64xf32, #tpu.memory_space<hbm>>
        %dma_start3A_1905 = arith.constant 0 : i32
        %dma_start3A_1906 = tpu.memref_slice %arg8[%add3A_1900, %dma_start3A_1905] : memref<96x64xf32, #tpu.memory_space<vmem>> -> memref<1x64xf32, #tpu.memory_space<vmem>>
        %dma_start3A_1907 = arith.constant 0 : i32
        %dma_start3A_1908 = tpu.memref_slice %arg3[%squeeze3A_1886, %dma_start3A_1907] : memref<1000000x64xf32, #tpu.memory_space<hbm>> -> memref<1x64xf32, #tpu.memory_space<hbm>>
        tpu.enqueue_dma source(%dma_start3A_1908 : memref<1x64xf32, #tpu.memory_space<hbm>>) target(%dma_start3A_1906 : memref<1x64xf32, #tpu.memory_space<vmem>>) target_semaphore(%arg12 : memref<!tpu.dma_semaphore, #tpu.memory_space<semaphore_mem>>)
        %slice3A_1909 = vector.extract_strided_slice %get3A_1850 {offsets = [2], sizes = [1], strides = [1]} : vector<16xi32> to vector<1xi32>
        %squeeze3A_1910 = vector.extract %slice3A_1909[0] : i32 from vector<1xi32>
        %slice3A_1911 = vector.extract_strided_slice %get3A_1856 {offsets = [2], sizes = [1], strides = [1]} : vector<16xi32> to vector<1xi32>
        %squeeze3A_1912 = vector.extract %slice3A_1911[0] : i32 from vector<1xi32>
        %add3A_1913 = arith.constant 2 : i32
        %add3A_1914 = arith.addi %mul3A_833, %add3A_1913 : i32
        %dma_start3A_1915 = arith.constant 0 : i32
        %dma_start3A_1916 = tpu.memref_slice %arg8[%add3A_1914, %dma_start3A_1915] : memref<96x64xf32, #tpu.memory_space<vmem>> -> memref<1x64xf32, #tpu.memory_space<vmem>>
        %dma_start3A_1917 = arith.constant 0 : i32
        %dma_start3A_1918 = tpu.memref_slice %arg3[%squeeze3A_1910, %dma_start3A_1917] : memref<1000000x64xf32, #tpu.memory_space<hbm>> -> memref<1x64xf32, #tpu.memory_space<hbm>>
        %dma_start3A_1919 = arith.constant 0 : i32
        %dma_start3A_1920 = tpu.memref_slice %arg8[%add3A_1914, %dma_start3A_1919] : memref<96x64xf32, #tpu.memory_space<vmem>> -> memref<1x64xf32, #tpu.memory_space<vmem>>
        %dma_start3A_1921 = arith.constant 0 : i32
        %dma_start3A_1922 = tpu.memref_slice %arg3[%squeeze3A_1910, %dma_start3A_1921] : memref<1000000x64xf32, #tpu.memory_space<hbm>> -> memref<1x64xf32, #tpu.memory_space<hbm>>
        tpu.enqueue_dma source(%dma_start3A_1922 : memref<1x64xf32, #tpu.memory_space<hbm>>) target(%dma_start3A_1920 : memref<1x64xf32, #tpu.memory_space<vmem>>) target_semaphore(%arg12 : memref<!tpu.dma_semaphore, #tpu.memory_space<semaphore_mem>>)
        %add3A_1923 = arith.constant 16 : i32
        %add3A_1924 = arith.addi %mul3A_833, %add3A_1923 : i32
        %add3A_1925 = arith.constant 2 : i32
        %add3A_1926 = arith.addi %add3A_1924, %add3A_1925 : i32
        %dma_start3A_1927 = arith.constant 0 : i32
        %dma_start3A_1928 = tpu.memref_slice %arg8[%add3A_1926, %dma_start3A_1927] : memref<96x64xf32, #tpu.memory_space<vmem>> -> memref<1x64xf32, #tpu.memory_space<vmem>>
        %dma_start3A_1929 = arith.constant 0 : i32
        %dma_start3A_1930 = tpu.memref_slice %arg3[%squeeze3A_1912, %dma_start3A_1929] : memref<1000000x64xf32, #tpu.memory_space<hbm>> -> memref<1x64xf32, #tpu.memory_space<hbm>>
        %dma_start3A_1931 = arith.constant 0 : i32
        %dma_start3A_1932 = tpu.memref_slice %arg8[%add3A_1926, %dma_start3A_1931] : memref<96x64xf32, #tpu.memory_space<vmem>> -> memref<1x64xf32, #tpu.memory_space<vmem>>
        %dma_start3A_1933 = arith.constant 0 : i32
        %dma_start3A_1934 = tpu.memref_slice %arg3[%squeeze3A_1912, %dma_start3A_1933] : memref<1000000x64xf32, #tpu.memory_space<hbm>> -> memref<1x64xf32, #tpu.memory_space<hbm>>
        tpu.enqueue_dma source(%dma_start3A_1934 : memref<1x64xf32, #tpu.memory_space<hbm>>) target(%dma_start3A_1932 : memref<1x64xf32, #tpu.memory_space<vmem>>) target_semaphore(%arg12 : memref<!tpu.dma_semaphore, #tpu.memory_space<semaphore_mem>>)
        %slice3A_1935 = vector.extract_strided_slice %get3A_1850 {offsets = [3], sizes = [1], strides = [1]} : vector<16xi32> to vector<1xi32>
        %squeeze3A_1936 = vector.extract %slice3A_1935[0] : i32 from vector<1xi32>
        %slice3A_1937 = vector.extract_strided_slice %get3A_1856 {offsets = [3], sizes = [1], strides = [1]} : vector<16xi32> to vector<1xi32>
        %squeeze3A_1938 = vector.extract %slice3A_1937[0] : i32 from vector<1xi32>
        %add3A_1939 = arith.constant 3 : i32
        %add3A_1940 = arith.addi %mul3A_833, %add3A_1939 : i32
        %dma_start3A_1941 = arith.constant 0 : i32
        %dma_start3A_1942 = tpu.memref_slice %arg8[%add3A_1940, %dma_start3A_1941] : memref<96x64xf32, #tpu.memory_space<vmem>> -> memref<1x64xf32, #tpu.memory_space<vmem>>
        %dma_start3A_1943 = arith.constant 0 : i32
        %dma_start3A_1944 = tpu.memref_slice %arg3[%squeeze3A_1936, %dma_start3A_1943] : memref<1000000x64xf32, #tpu.memory_space<hbm>> -> memref<1x64xf32, #tpu.memory_space<hbm>>
        %dma_start3A_1945 = arith.constant 0 : i32
        %dma_start3A_1946 = tpu.memref_slice %arg8[%add3A_1940, %dma_start3A_1945] : memref<96x64xf32, #tpu.memory_space<vmem>> -> memref<1x64xf32, #tpu.memory_space<vmem>>
        %dma_start3A_1947 = arith.constant 0 : i32
        %dma_start3A_1948 = tpu.memref_slice %arg3[%squeeze3A_1936, %dma_start3A_1947] : memref<1000000x64xf32, #tpu.memory_space<hbm>> -> memref<1x64xf32, #tpu.memory_space<hbm>>
        tpu.enqueue_dma source(%dma_start3A_1948 : memref<1x64xf32, #tpu.memory_space<hbm>>) target(%dma_start3A_1946 : memref<1x64xf32, #tpu.memory_space<vmem>>) target_semaphore(%arg12 : memref<!tpu.dma_semaphore, #tpu.memory_space<semaphore_mem>>)
        %add3A_1949 = arith.constant 16 : i32
        %add3A_1950 = arith.addi %mul3A_833, %add3A_1949 : i32
        %add3A_1951 = arith.constant 3 : i32
        %add3A_1952 = arith.addi %add3A_1950, %add3A_1951 : i32
        %dma_start3A_1953 = arith.constant 0 : i32
        %dma_start3A_1954 = tpu.memref_slice %arg8[%add3A_1952, %dma_start3A_1953] : memref<96x64xf32, #tpu.memory_space<vmem>> -> memref<1x64xf32, #tpu.memory_space<vmem>>
        %dma_start3A_1955 = arith.constant 0 : i32
        %dma_start3A_1956 = tpu.memref_slice %arg3[%squeeze3A_1938, %dma_start3A_1955] : memref<1000000x64xf32, #tpu.memory_space<hbm>> -> memref<1x64xf32, #tpu.memory_space<hbm>>
        %dma_start3A_1957 = arith.constant 0 : i32
        %dma_start3A_1958 = tpu.memref_slice %arg8[%add3A_1952, %dma_start3A_1957] : memref<96x64xf32, #tpu.memory_space<vmem>> -> memref<1x64xf32, #tpu.memory_space<vmem>>
        %dma_start3A_1959 = arith.constant 0 : i32
        %dma_start3A_1960 = tpu.memref_slice %arg3[%squeeze3A_1938, %dma_start3A_1959] : memref<1000000x64xf32, #tpu.memory_space<hbm>> -> memref<1x64xf32, #tpu.memory_space<hbm>>
        tpu.enqueue_dma source(%dma_start3A_1960 : memref<1x64xf32, #tpu.memory_space<hbm>>) target(%dma_start3A_1958 : memref<1x64xf32, #tpu.memory_space<vmem>>) target_semaphore(%arg12 : memref<!tpu.dma_semaphore, #tpu.memory_space<semaphore_mem>>)
        %slice3A_1961 = vector.extract_strided_slice %get3A_1850 {offsets = [4], sizes = [1], strides = [1]} : vector<16xi32> to vector<1xi32>
        %squeeze3A_1962 = vector.extract %slice3A_1961[0] : i32 from vector<1xi32>
        %slice3A_1963 = vector.extract_strided_slice %get3A_1856 {offsets = [4], sizes = [1], strides = [1]} : vector<16xi32> to vector<1xi32>
        %squeeze3A_1964 = vector.extract %slice3A_1963[0] : i32 from vector<1xi32>
        %add3A_1965 = arith.constant 4 : i32
        %add3A_1966 = arith.addi %mul3A_833, %add3A_1965 : i32
        %dma_start3A_1967 = arith.constant 0 : i32
        %dma_start3A_1968 = tpu.memref_slice %arg8[%add3A_1966, %dma_start3A_1967] : memref<96x64xf32, #tpu.memory_space<vmem>> -> memref<1x64xf32, #tpu.memory_space<vmem>>
        %dma_start3A_1969 = arith.constant 0 : i32
        %dma_start3A_1970 = tpu.memref_slice %arg3[%squeeze3A_1962, %dma_start3A_1969] : memref<1000000x64xf32, #tpu.memory_space<hbm>> -> memref<1x64xf32, #tpu.memory_space<hbm>>
        %dma_start3A_1971 = arith.constant 0 : i32
        %dma_start3A_1972 = tpu.memref_slice %arg8[%add3A_1966, %dma_start3A_1971] : memref<96x64xf32, #tpu.memory_space<vmem>> -> memref<1x64xf32, #tpu.memory_space<vmem>>
        %dma_start3A_1973 = arith.constant 0 : i32
        %dma_start3A_1974 = tpu.memref_slice %arg3[%squeeze3A_1962, %dma_start3A_1973] : memref<1000000x64xf32, #tpu.memory_space<hbm>> -> memref<1x64xf32, #tpu.memory_space<hbm>>
        tpu.enqueue_dma source(%dma_start3A_1974 : memref<1x64xf32, #tpu.memory_space<hbm>>) target(%dma_start3A_1972 : memref<1x64xf32, #tpu.memory_space<vmem>>) target_semaphore(%arg12 : memref<!tpu.dma_semaphore, #tpu.memory_space<semaphore_mem>>)
        %add3A_1975 = arith.constant 16 : i32
        %add3A_1976 = arith.addi %mul3A_833, %add3A_1975 : i32
        %add3A_1977 = arith.constant 4 : i32
        %add3A_1978 = arith.addi %add3A_1976, %add3A_1977 : i32
        %dma_start3A_1979 = arith.constant 0 : i32
        %dma_start3A_1980 = tpu.memref_slice %arg8[%add3A_1978, %dma_start3A_1979] : memref<96x64xf32, #tpu.memory_space<vmem>> -> memref<1x64xf32, #tpu.memory_space<vmem>>
        %dma_start3A_1981 = arith.constant 0 : i32
        %dma_start3A_1982 = tpu.memref_slice %arg3[%squeeze3A_1964, %dma_start3A_1981] : memref<1000000x64xf32, #tpu.memory_space<hbm>> -> memref<1x64xf32, #tpu.memory_space<hbm>>
        %dma_start3A_1983 = arith.constant 0 : i32
        %dma_start3A_1984 = tpu.memref_slice %arg8[%add3A_1978, %dma_start3A_1983] : memref<96x64xf32, #tpu.memory_space<vmem>> -> memref<1x64xf32, #tpu.memory_space<vmem>>
        %dma_start3A_1985 = arith.constant 0 : i32
        %dma_start3A_1986 = tpu.memref_slice %arg3[%squeeze3A_1964, %dma_start3A_1985] : memref<1000000x64xf32, #tpu.memory_space<hbm>> -> memref<1x64xf32, #tpu.memory_space<hbm>>
        tpu.enqueue_dma source(%dma_start3A_1986 : memref<1x64xf32, #tpu.memory_space<hbm>>) target(%dma_start3A_1984 : memref<1x64xf32, #tpu.memory_space<vmem>>) target_semaphore(%arg12 : memref<!tpu.dma_semaphore, #tpu.memory_space<semaphore_mem>>)
        %slice3A_1987 = vector.extract_strided_slice %get3A_1850 {offsets = [5], sizes = [1], strides = [1]} : vector<16xi32> to vector<1xi32>
        %squeeze3A_1988 = vector.extract %slice3A_1987[0] : i32 from vector<1xi32>
        %slice3A_1989 = vector.extract_strided_slice %get3A_1856 {offsets = [5], sizes = [1], strides = [1]} : vector<16xi32> to vector<1xi32>
        %squeeze3A_1990 = vector.extract %slice3A_1989[0] : i32 from vector<1xi32>
        %add3A_1991 = arith.constant 5 : i32
        %add3A_1992 = arith.addi %mul3A_833, %add3A_1991 : i32
        %dma_start3A_1993 = arith.constant 0 : i32
        %dma_start3A_1994 = tpu.memref_slice %arg8[%add3A_1992, %dma_start3A_1993] : memref<96x64xf32, #tpu.memory_space<vmem>> -> memref<1x64xf32, #tpu.memory_space<vmem>>
        %dma_start3A_1995 = arith.constant 0 : i32
        %dma_start3A_1996 = tpu.memref_slice %arg3[%squeeze3A_1988, %dma_start3A_1995] : memref<1000000x64xf32, #tpu.memory_space<hbm>> -> memref<1x64xf32, #tpu.memory_space<hbm>>
        %dma_start3A_1997 = arith.constant 0 : i32
        %dma_start3A_1998 = tpu.memref_slice %arg8[%add3A_1992, %dma_start3A_1997] : memref<96x64xf32, #tpu.memory_space<vmem>> -> memref<1x64xf32, #tpu.memory_space<vmem>>
        %dma_start3A_1999 = arith.constant 0 : i32
        %dma_start3A_2000 = tpu.memref_slice %arg3[%squeeze3A_1988, %dma_start3A_1999] : memref<1000000x64xf32, #tpu.memory_space<hbm>> -> memref<1x64xf32, #tpu.memory_space<hbm>>
        tpu.enqueue_dma source(%dma_start3A_2000 : memref<1x64xf32, #tpu.memory_space<hbm>>) target(%dma_start3A_1998 : memref<1x64xf32, #tpu.memory_space<vmem>>) target_semaphore(%arg12 : memref<!tpu.dma_semaphore, #tpu.memory_space<semaphore_mem>>)
        %add3A_2001 = arith.constant 16 : i32
        %add3A_2002 = arith.addi %mul3A_833, %add3A_2001 : i32
        %add3A_2003 = arith.constant 5 : i32
        %add3A_2004 = arith.addi %add3A_2002, %add3A_2003 : i32
        %dma_start3A_2005 = arith.constant 0 : i32
        %dma_start3A_2006 = tpu.memref_slice %arg8[%add3A_2004, %dma_start3A_2005] : memref<96x64xf32, #tpu.memory_space<vmem>> -> memref<1x64xf32, #tpu.memory_space<vmem>>
        %dma_start3A_2007 = arith.constant 0 : i32
        %dma_start3A_2008 = tpu.memref_slice %arg3[%squeeze3A_1990, %dma_start3A_2007] : memref<1000000x64xf32, #tpu.memory_space<hbm>> -> memref<1x64xf32, #tpu.memory_space<hbm>>
        %dma_start3A_2009 = arith.constant 0 : i32
        %dma_start3A_2010 = tpu.memref_slice %arg8[%add3A_2004, %dma_start3A_2009] : memref<96x64xf32, #tpu.memory_space<vmem>> -> memref<1x64xf32, #tpu.memory_space<vmem>>
        %dma_start3A_2011 = arith.constant 0 : i32
        %dma_start3A_2012 = tpu.memref_slice %arg3[%squeeze3A_1990, %dma_start3A_2011] : memref<1000000x64xf32, #tpu.memory_space<hbm>> -> memref<1x64xf32, #tpu.memory_space<hbm>>
        tpu.enqueue_dma source(%dma_start3A_2012 : memref<1x64xf32, #tpu.memory_space<hbm>>) target(%dma_start3A_2010 : memref<1x64xf32, #tpu.memory_space<vmem>>) target_semaphore(%arg12 : memref<!tpu.dma_semaphore, #tpu.memory_space<semaphore_mem>>)
        %slice3A_2013 = vector.extract_strided_slice %get3A_1850 {offsets = [6], sizes = [1], strides = [1]} : vector<16xi32> to vector<1xi32>
        %squeeze3A_2014 = vector.extract %slice3A_2013[0] : i32 from vector<1xi32>
        %slice3A_2015 = vector.extract_strided_slice %get3A_1856 {offsets = [6], sizes = [1], strides = [1]} : vector<16xi32> to vector<1xi32>
        %squeeze3A_2016 = vector.extract %slice3A_2015[0] : i32 from vector<1xi32>
        %add3A_2017 = arith.constant 6 : i32
        %add3A_2018 = arith.addi %mul3A_833, %add3A_2017 : i32
        %dma_start3A_2019 = arith.constant 0 : i32
        %dma_start3A_2020 = tpu.memref_slice %arg8[%add3A_2018, %dma_start3A_2019] : memref<96x64xf32, #tpu.memory_space<vmem>> -> memref<1x64xf32, #tpu.memory_space<vmem>>
        %dma_start3A_2021 = arith.constant 0 : i32
        %dma_start3A_2022 = tpu.memref_slice %arg3[%squeeze3A_2014, %dma_start3A_2021] : memref<1000000x64xf32, #tpu.memory_space<hbm>> -> memref<1x64xf32, #tpu.memory_space<hbm>>
        %dma_start3A_2023 = arith.constant 0 : i32
        %dma_start3A_2024 = tpu.memref_slice %arg8[%add3A_2018, %dma_start3A_2023] : memref<96x64xf32, #tpu.memory_space<vmem>> -> memref<1x64xf32, #tpu.memory_space<vmem>>
        %dma_start3A_2025 = arith.constant 0 : i32
        %dma_start3A_2026 = tpu.memref_slice %arg3[%squeeze3A_2014, %dma_start3A_2025] : memref<1000000x64xf32, #tpu.memory_space<hbm>> -> memref<1x64xf32, #tpu.memory_space<hbm>>
        tpu.enqueue_dma source(%dma_start3A_2026 : memref<1x64xf32, #tpu.memory_space<hbm>>) target(%dma_start3A_2024 : memref<1x64xf32, #tpu.memory_space<vmem>>) target_semaphore(%arg12 : memref<!tpu.dma_semaphore, #tpu.memory_space<semaphore_mem>>)
        %add3A_2027 = arith.constant 16 : i32
        %add3A_2028 = arith.addi %mul3A_833, %add3A_2027 : i32
        %add3A_2029 = arith.constant 6 : i32
        %add3A_2030 = arith.addi %add3A_2028, %add3A_2029 : i32
        %dma_start3A_2031 = arith.constant 0 : i32
        %dma_start3A_2032 = tpu.memref_slice %arg8[%add3A_2030, %dma_start3A_2031] : memref<96x64xf32, #tpu.memory_space<vmem>> -> memref<1x64xf32, #tpu.memory_space<vmem>>
        %dma_start3A_2033 = arith.constant 0 : i32
        %dma_start3A_2034 = tpu.memref_slice %arg3[%squeeze3A_2016, %dma_start3A_2033] : memref<1000000x64xf32, #tpu.memory_space<hbm>> -> memref<1x64xf32, #tpu.memory_space<hbm>>
        %dma_start3A_2035 = arith.constant 0 : i32
        %dma_start3A_2036 = tpu.memref_slice %arg8[%add3A_2030, %dma_start3A_2035] : memref<96x64xf32, #tpu.memory_space<vmem>> -> memref<1x64xf32, #tpu.memory_space<vmem>>
        %dma_start3A_2037 = arith.constant 0 : i32
        %dma_start3A_2038 = tpu.memref_slice %arg3[%squeeze3A_2016, %dma_start3A_2037] : memref<1000000x64xf32, #tpu.memory_space<hbm>> -> memref<1x64xf32, #tpu.memory_space<hbm>>
        tpu.enqueue_dma source(%dma_start3A_2038 : memref<1x64xf32, #tpu.memory_space<hbm>>) target(%dma_start3A_2036 : memref<1x64xf32, #tpu.memory_space<vmem>>) target_semaphore(%arg12 : memref<!tpu.dma_semaphore, #tpu.memory_space<semaphore_mem>>)
        %slice3A_2039 = vector.extract_strided_slice %get3A_1850 {offsets = [7], sizes = [1], strides = [1]} : vector<16xi32> to vector<1xi32>
        %squeeze3A_2040 = vector.extract %slice3A_2039[0] : i32 from vector<1xi32>
        %slice3A_2041 = vector.extract_strided_slice %get3A_1856 {offsets = [7], sizes = [1], strides = [1]} : vector<16xi32> to vector<1xi32>
        %squeeze3A_2042 = vector.extract %slice3A_2041[0] : i32 from vector<1xi32>
        %add3A_2043 = arith.constant 7 : i32
        %add3A_2044 = arith.addi %mul3A_833, %add3A_2043 : i32
        %dma_start3A_2045 = arith.constant 0 : i32
        %dma_start3A_2046 = tpu.memref_slice %arg8[%add3A_2044, %dma_start3A_2045] : memref<96x64xf32, #tpu.memory_space<vmem>> -> memref<1x64xf32, #tpu.memory_space<vmem>>
        %dma_start3A_2047 = arith.constant 0 : i32
        %dma_start3A_2048 = tpu.memref_slice %arg3[%squeeze3A_2040, %dma_start3A_2047] : memref<1000000x64xf32, #tpu.memory_space<hbm>> -> memref<1x64xf32, #tpu.memory_space<hbm>>
        %dma_start3A_2049 = arith.constant 0 : i32
        %dma_start3A_2050 = tpu.memref_slice %arg8[%add3A_2044, %dma_start3A_2049] : memref<96x64xf32, #tpu.memory_space<vmem>> -> memref<1x64xf32, #tpu.memory_space<vmem>>
        %dma_start3A_2051 = arith.constant 0 : i32
        %dma_start3A_2052 = tpu.memref_slice %arg3[%squeeze3A_2040, %dma_start3A_2051] : memref<1000000x64xf32, #tpu.memory_space<hbm>> -> memref<1x64xf32, #tpu.memory_space<hbm>>
        tpu.enqueue_dma source(%dma_start3A_2052 : memref<1x64xf32, #tpu.memory_space<hbm>>) target(%dma_start3A_2050 : memref<1x64xf32, #tpu.memory_space<vmem>>) target_semaphore(%arg12 : memref<!tpu.dma_semaphore, #tpu.memory_space<semaphore_mem>>)
        %add3A_2053 = arith.constant 16 : i32
        %add3A_2054 = arith.addi %mul3A_833, %add3A_2053 : i32
        %add3A_2055 = arith.constant 7 : i32
        %add3A_2056 = arith.addi %add3A_2054, %add3A_2055 : i32
        %dma_start3A_2057 = arith.constant 0 : i32
        %dma_start3A_2058 = tpu.memref_slice %arg8[%add3A_2056, %dma_start3A_2057] : memref<96x64xf32, #tpu.memory_space<vmem>> -> memref<1x64xf32, #tpu.memory_space<vmem>>
        %dma_start3A_2059 = arith.constant 0 : i32
        %dma_start3A_2060 = tpu.memref_slice %arg3[%squeeze3A_2042, %dma_start3A_2059] : memref<1000000x64xf32, #tpu.memory_space<hbm>> -> memref<1x64xf32, #tpu.memory_space<hbm>>
        %dma_start3A_2061 = arith.constant 0 : i32
        %dma_start3A_2062 = tpu.memref_slice %arg8[%add3A_2056, %dma_start3A_2061] : memref<96x64xf32, #tpu.memory_space<vmem>> -> memref<1x64xf32, #tpu.memory_space<vmem>>
        %dma_start3A_2063 = arith.constant 0 : i32
        %dma_start3A_2064 = tpu.memref_slice %arg3[%squeeze3A_2042, %dma_start3A_2063] : memref<1000000x64xf32, #tpu.memory_space<hbm>> -> memref<1x64xf32, #tpu.memory_space<hbm>>
        tpu.enqueue_dma source(%dma_start3A_2064 : memref<1x64xf32, #tpu.memory_space<hbm>>) target(%dma_start3A_2062 : memref<1x64xf32, #tpu.memory_space<vmem>>) target_semaphore(%arg12 : memref<!tpu.dma_semaphore, #tpu.memory_space<semaphore_mem>>)
        %slice3A_2065 = vector.extract_strided_slice %get3A_1850 {offsets = [8], sizes = [1], strides = [1]} : vector<16xi32> to vector<1xi32>
        %squeeze3A_2066 = vector.extract %slice3A_2065[0] : i32 from vector<1xi32>
        %slice3A_2067 = vector.extract_strided_slice %get3A_1856 {offsets = [8], sizes = [1], strides = [1]} : vector<16xi32> to vector<1xi32>
        %squeeze3A_2068 = vector.extract %slice3A_2067[0] : i32 from vector<1xi32>
        %add3A_2069 = arith.constant 8 : i32
        %add3A_2070 = arith.addi %mul3A_833, %add3A_2069 : i32
        %dma_start3A_2071 = arith.constant 0 : i32
        %dma_start3A_2072 = tpu.memref_slice %arg8[%add3A_2070, %dma_start3A_2071] : memref<96x64xf32, #tpu.memory_space<vmem>> -> memref<1x64xf32, #tpu.memory_space<vmem>>
        %dma_start3A_2073 = arith.constant 0 : i32
        %dma_start3A_2074 = tpu.memref_slice %arg3[%squeeze3A_2066, %dma_start3A_2073] : memref<1000000x64xf32, #tpu.memory_space<hbm>> -> memref<1x64xf32, #tpu.memory_space<hbm>>
        %dma_start3A_2075 = arith.constant 0 : i32
        %dma_start3A_2076 = tpu.memref_slice %arg8[%add3A_2070, %dma_start3A_2075] : memref<96x64xf32, #tpu.memory_space<vmem>> -> memref<1x64xf32, #tpu.memory_space<vmem>>
        %dma_start3A_2077 = arith.constant 0 : i32
        %dma_start3A_2078 = tpu.memref_slice %arg3[%squeeze3A_2066, %dma_start3A_2077] : memref<1000000x64xf32, #tpu.memory_space<hbm>> -> memref<1x64xf32, #tpu.memory_space<hbm>>
        tpu.enqueue_dma source(%dma_start3A_2078 : memref<1x64xf32, #tpu.memory_space<hbm>>) target(%dma_start3A_2076 : memref<1x64xf32, #tpu.memory_space<vmem>>) target_semaphore(%arg12 : memref<!tpu.dma_semaphore, #tpu.memory_space<semaphore_mem>>)
        %add3A_2079 = arith.constant 16 : i32
        %add3A_2080 = arith.addi %mul3A_833, %add3A_2079 : i32
        %add3A_2081 = arith.constant 8 : i32
        %add3A_2082 = arith.addi %add3A_2080, %add3A_2081 : i32
        %dma_start3A_2083 = arith.constant 0 : i32
        %dma_start3A_2084 = tpu.memref_slice %arg8[%add3A_2082, %dma_start3A_2083] : memref<96x64xf32, #tpu.memory_space<vmem>> -> memref<1x64xf32, #tpu.memory_space<vmem>>
        %dma_start3A_2085 = arith.constant 0 : i32
        %dma_start3A_2086 = tpu.memref_slice %arg3[%squeeze3A_2068, %dma_start3A_2085] : memref<1000000x64xf32, #tpu.memory_space<hbm>> -> memref<1x64xf32, #tpu.memory_space<hbm>>
        %dma_start3A_2087 = arith.constant 0 : i32
        %dma_start3A_2088 = tpu.memref_slice %arg8[%add3A_2082, %dma_start3A_2087] : memref<96x64xf32, #tpu.memory_space<vmem>> -> memref<1x64xf32, #tpu.memory_space<vmem>>
        %dma_start3A_2089 = arith.constant 0 : i32
        %dma_start3A_2090 = tpu.memref_slice %arg3[%squeeze3A_2068, %dma_start3A_2089] : memref<1000000x64xf32, #tpu.memory_space<hbm>> -> memref<1x64xf32, #tpu.memory_space<hbm>>
        tpu.enqueue_dma source(%dma_start3A_2090 : memref<1x64xf32, #tpu.memory_space<hbm>>) target(%dma_start3A_2088 : memref<1x64xf32, #tpu.memory_space<vmem>>) target_semaphore(%arg12 : memref<!tpu.dma_semaphore, #tpu.memory_space<semaphore_mem>>)
        %slice3A_2091 = vector.extract_strided_slice %get3A_1850 {offsets = [9], sizes = [1], strides = [1]} : vector<16xi32> to vector<1xi32>
        %squeeze3A_2092 = vector.extract %slice3A_2091[0] : i32 from vector<1xi32>
        %slice3A_2093 = vector.extract_strided_slice %get3A_1856 {offsets = [9], sizes = [1], strides = [1]} : vector<16xi32> to vector<1xi32>
        %squeeze3A_2094 = vector.extract %slice3A_2093[0] : i32 from vector<1xi32>
        %add3A_2095 = arith.constant 9 : i32
        %add3A_2096 = arith.addi %mul3A_833, %add3A_2095 : i32
        %dma_start3A_2097 = arith.constant 0 : i32
        %dma_start3A_2098 = tpu.memref_slice %arg8[%add3A_2096, %dma_start3A_2097] : memref<96x64xf32, #tpu.memory_space<vmem>> -> memref<1x64xf32, #tpu.memory_space<vmem>>
        %dma_start3A_2099 = arith.constant 0 : i32
        %dma_start3A_2100 = tpu.memref_slice %arg3[%squeeze3A_2092, %dma_start3A_2099] : memref<1000000x64xf32, #tpu.memory_space<hbm>> -> memref<1x64xf32, #tpu.memory_space<hbm>>
        %dma_start3A_2101 = arith.constant 0 : i32
        %dma_start3A_2102 = tpu.memref_slice %arg8[%add3A_2096, %dma_start3A_2101] : memref<96x64xf32, #tpu.memory_space<vmem>> -> memref<1x64xf32, #tpu.memory_space<vmem>>
        %dma_start3A_2103 = arith.constant 0 : i32
        %dma_start3A_2104 = tpu.memref_slice %arg3[%squeeze3A_2092, %dma_start3A_2103] : memref<1000000x64xf32, #tpu.memory_space<hbm>> -> memref<1x64xf32, #tpu.memory_space<hbm>>
        tpu.enqueue_dma source(%dma_start3A_2104 : memref<1x64xf32, #tpu.memory_space<hbm>>) target(%dma_start3A_2102 : memref<1x64xf32, #tpu.memory_space<vmem>>) target_semaphore(%arg12 : memref<!tpu.dma_semaphore, #tpu.memory_space<semaphore_mem>>)
        %add3A_2105 = arith.constant 16 : i32
        %add3A_2106 = arith.addi %mul3A_833, %add3A_2105 : i32
        %add3A_2107 = arith.constant 9 : i32
        %add3A_2108 = arith.addi %add3A_2106, %add3A_2107 : i32
        %dma_start3A_2109 = arith.constant 0 : i32
        %dma_start3A_2110 = tpu.memref_slice %arg8[%add3A_2108, %dma_start3A_2109] : memref<96x64xf32, #tpu.memory_space<vmem>> -> memref<1x64xf32, #tpu.memory_space<vmem>>
        %dma_start3A_2111 = arith.constant 0 : i32
        %dma_start3A_2112 = tpu.memref_slice %arg3[%squeeze3A_2094, %dma_start3A_2111] : memref<1000000x64xf32, #tpu.memory_space<hbm>> -> memref<1x64xf32, #tpu.memory_space<hbm>>
        %dma_start3A_2113 = arith.constant 0 : i32
        %dma_start3A_2114 = tpu.memref_slice %arg8[%add3A_2108, %dma_start3A_2113] : memref<96x64xf32, #tpu.memory_space<vmem>> -> memref<1x64xf32, #tpu.memory_space<vmem>>
        %dma_start3A_2115 = arith.constant 0 : i32
        %dma_start3A_2116 = tpu.memref_slice %arg3[%squeeze3A_2094, %dma_start3A_2115] : memref<1000000x64xf32, #tpu.memory_space<hbm>> -> memref<1x64xf32, #tpu.memory_space<hbm>>
        tpu.enqueue_dma source(%dma_start3A_2116 : memref<1x64xf32, #tpu.memory_space<hbm>>) target(%dma_start3A_2114 : memref<1x64xf32, #tpu.memory_space<vmem>>) target_semaphore(%arg12 : memref<!tpu.dma_semaphore, #tpu.memory_space<semaphore_mem>>)
        %slice3A_2117 = vector.extract_strided_slice %get3A_1850 {offsets = [10], sizes = [1], strides = [1]} : vector<16xi32> to vector<1xi32>
        %squeeze3A_2118 = vector.extract %slice3A_2117[0] : i32 from vector<1xi32>
        %slice3A_2119 = vector.extract_strided_slice %get3A_1856 {offsets = [10], sizes = [1], strides = [1]} : vector<16xi32> to vector<1xi32>
        %squeeze3A_2120 = vector.extract %slice3A_2119[0] : i32 from vector<1xi32>
        %add3A_2121 = arith.constant 10 : i32
        %add3A_2122 = arith.addi %mul3A_833, %add3A_2121 : i32
        %dma_start3A_2123 = arith.constant 0 : i32
        %dma_start3A_2124 = tpu.memref_slice %arg8[%add3A_2122, %dma_start3A_2123] : memref<96x64xf32, #tpu.memory_space<vmem>> -> memref<1x64xf32, #tpu.memory_space<vmem>>
        %dma_start3A_2125 = arith.constant 0 : i32
        %dma_start3A_2126 = tpu.memref_slice %arg3[%squeeze3A_2118, %dma_start3A_2125] : memref<1000000x64xf32, #tpu.memory_space<hbm>> -> memref<1x64xf32, #tpu.memory_space<hbm>>
        %dma_start3A_2127 = arith.constant 0 : i32
        %dma_start3A_2128 = tpu.memref_slice %arg8[%add3A_2122, %dma_start3A_2127] : memref<96x64xf32, #tpu.memory_space<vmem>> -> memref<1x64xf32, #tpu.memory_space<vmem>>
        %dma_start3A_2129 = arith.constant 0 : i32
        %dma_start3A_2130 = tpu.memref_slice %arg3[%squeeze3A_2118, %dma_start3A_2129] : memref<1000000x64xf32, #tpu.memory_space<hbm>> -> memref<1x64xf32, #tpu.memory_space<hbm>>
        tpu.enqueue_dma source(%dma_start3A_2130 : memref<1x64xf32, #tpu.memory_space<hbm>>) target(%dma_start3A_2128 : memref<1x64xf32, #tpu.memory_space<vmem>>) target_semaphore(%arg12 : memref<!tpu.dma_semaphore, #tpu.memory_space<semaphore_mem>>)
        %add3A_2131 = arith.constant 16 : i32
        %add3A_2132 = arith.addi %mul3A_833, %add3A_2131 : i32
        %add3A_2133 = arith.constant 10 : i32
        %add3A_2134 = arith.addi %add3A_2132, %add3A_2133 : i32
        %dma_start3A_2135 = arith.constant 0 : i32
        %dma_start3A_2136 = tpu.memref_slice %arg8[%add3A_2134, %dma_start3A_2135] : memref<96x64xf32, #tpu.memory_space<vmem>> -> memref<1x64xf32, #tpu.memory_space<vmem>>
        %dma_start3A_2137 = arith.constant 0 : i32
        %dma_start3A_2138 = tpu.memref_slice %arg3[%squeeze3A_2120, %dma_start3A_2137] : memref<1000000x64xf32, #tpu.memory_space<hbm>> -> memref<1x64xf32, #tpu.memory_space<hbm>>
        %dma_start3A_2139 = arith.constant 0 : i32
        %dma_start3A_2140 = tpu.memref_slice %arg8[%add3A_2134, %dma_start3A_2139] : memref<96x64xf32, #tpu.memory_space<vmem>> -> memref<1x64xf32, #tpu.memory_space<vmem>>
        %dma_start3A_2141 = arith.constant 0 : i32
        %dma_start3A_2142 = tpu.memref_slice %arg3[%squeeze3A_2120, %dma_start3A_2141] : memref<1000000x64xf32, #tpu.memory_space<hbm>> -> memref<1x64xf32, #tpu.memory_space<hbm>>
        tpu.enqueue_dma source(%dma_start3A_2142 : memref<1x64xf32, #tpu.memory_space<hbm>>) target(%dma_start3A_2140 : memref<1x64xf32, #tpu.memory_space<vmem>>) target_semaphore(%arg12 : memref<!tpu.dma_semaphore, #tpu.memory_space<semaphore_mem>>)
        %slice3A_2143 = vector.extract_strided_slice %get3A_1850 {offsets = [11], sizes = [1], strides = [1]} : vector<16xi32> to vector<1xi32>
        %squeeze3A_2144 = vector.extract %slice3A_2143[0] : i32 from vector<1xi32>
        %slice3A_2145 = vector.extract_strided_slice %get3A_1856 {offsets = [11], sizes = [1], strides = [1]} : vector<16xi32> to vector<1xi32>
        %squeeze3A_2146 = vector.extract %slice3A_2145[0] : i32 from vector<1xi32>
        %add3A_2147 = arith.constant 11 : i32
        %add3A_2148 = arith.addi %mul3A_833, %add3A_2147 : i32
        %dma_start3A_2149 = arith.constant 0 : i32
        %dma_start3A_2150 = tpu.memref_slice %arg8[%add3A_2148, %dma_start3A_2149] : memref<96x64xf32, #tpu.memory_space<vmem>> -> memref<1x64xf32, #tpu.memory_space<vmem>>
        %dma_start3A_2151 = arith.constant 0 : i32
        %dma_start3A_2152 = tpu.memref_slice %arg3[%squeeze3A_2144, %dma_start3A_2151] : memref<1000000x64xf32, #tpu.memory_space<hbm>> -> memref<1x64xf32, #tpu.memory_space<hbm>>
        %dma_start3A_2153 = arith.constant 0 : i32
        %dma_start3A_2154 = tpu.memref_slice %arg8[%add3A_2148, %dma_start3A_2153] : memref<96x64xf32, #tpu.memory_space<vmem>> -> memref<1x64xf32, #tpu.memory_space<vmem>>
        %dma_start3A_2155 = arith.constant 0 : i32
        %dma_start3A_2156 = tpu.memref_slice %arg3[%squeeze3A_2144, %dma_start3A_2155] : memref<1000000x64xf32, #tpu.memory_space<hbm>> -> memref<1x64xf32, #tpu.memory_space<hbm>>
        tpu.enqueue_dma source(%dma_start3A_2156 : memref<1x64xf32, #tpu.memory_space<hbm>>) target(%dma_start3A_2154 : memref<1x64xf32, #tpu.memory_space<vmem>>) target_semaphore(%arg12 : memref<!tpu.dma_semaphore, #tpu.memory_space<semaphore_mem>>)
        %add3A_2157 = arith.constant 16 : i32
        %add3A_2158 = arith.addi %mul3A_833, %add3A_2157 : i32
        %add3A_2159 = arith.constant 11 : i32
        %add3A_2160 = arith.addi %add3A_2158, %add3A_2159 : i32
        %dma_start3A_2161 = arith.constant 0 : i32
        %dma_start3A_2162 = tpu.memref_slice %arg8[%add3A_2160, %dma_start3A_2161] : memref<96x64xf32, #tpu.memory_space<vmem>> -> memref<1x64xf32, #tpu.memory_space<vmem>>
        %dma_start3A_2163 = arith.constant 0 : i32
        %dma_start3A_2164 = tpu.memref_slice %arg3[%squeeze3A_2146, %dma_start3A_2163] : memref<1000000x64xf32, #tpu.memory_space<hbm>> -> memref<1x64xf32, #tpu.memory_space<hbm>>
        %dma_start3A_2165 = arith.constant 0 : i32
        %dma_start3A_2166 = tpu.memref_slice %arg8[%add3A_2160, %dma_start3A_2165] : memref<96x64xf32, #tpu.memory_space<vmem>> -> memref<1x64xf32, #tpu.memory_space<vmem>>
        %dma_start3A_2167 = arith.constant 0 : i32
        %dma_start3A_2168 = tpu.memref_slice %arg3[%squeeze3A_2146, %dma_start3A_2167] : memref<1000000x64xf32, #tpu.memory_space<hbm>> -> memref<1x64xf32, #tpu.memory_space<hbm>>
        tpu.enqueue_dma source(%dma_start3A_2168 : memref<1x64xf32, #tpu.memory_space<hbm>>) target(%dma_start3A_2166 : memref<1x64xf32, #tpu.memory_space<vmem>>) target_semaphore(%arg12 : memref<!tpu.dma_semaphore, #tpu.memory_space<semaphore_mem>>)
        %slice3A_2169 = vector.extract_strided_slice %get3A_1850 {offsets = [12], sizes = [1], strides = [1]} : vector<16xi32> to vector<1xi32>
        %squeeze3A_2170 = vector.extract %slice3A_2169[0] : i32 from vector<1xi32>
        %slice3A_2171 = vector.extract_strided_slice %get3A_1856 {offsets = [12], sizes = [1], strides = [1]} : vector<16xi32> to vector<1xi32>
        %squeeze3A_2172 = vector.extract %slice3A_2171[0] : i32 from vector<1xi32>
        %add3A_2173 = arith.constant 12 : i32
        %add3A_2174 = arith.addi %mul3A_833, %add3A_2173 : i32
        %dma_start3A_2175 = arith.constant 0 : i32
        %dma_start3A_2176 = tpu.memref_slice %arg8[%add3A_2174, %dma_start3A_2175] : memref<96x64xf32, #tpu.memory_space<vmem>> -> memref<1x64xf32, #tpu.memory_space<vmem>>
        %dma_start3A_2177 = arith.constant 0 : i32
        %dma_start3A_2178 = tpu.memref_slice %arg3[%squeeze3A_2170, %dma_start3A_2177] : memref<1000000x64xf32, #tpu.memory_space<hbm>> -> memref<1x64xf32, #tpu.memory_space<hbm>>
        %dma_start3A_2179 = arith.constant 0 : i32
        %dma_start3A_2180 = tpu.memref_slice %arg8[%add3A_2174, %dma_start3A_2179] : memref<96x64xf32, #tpu.memory_space<vmem>> -> memref<1x64xf32, #tpu.memory_space<vmem>>
        %dma_start3A_2181 = arith.constant 0 : i32
        %dma_start3A_2182 = tpu.memref_slice %arg3[%squeeze3A_2170, %dma_start3A_2181] : memref<1000000x64xf32, #tpu.memory_space<hbm>> -> memref<1x64xf32, #tpu.memory_space<hbm>>
        tpu.enqueue_dma source(%dma_start3A_2182 : memref<1x64xf32, #tpu.memory_space<hbm>>) target(%dma_start3A_2180 : memref<1x64xf32, #tpu.memory_space<vmem>>) target_semaphore(%arg12 : memref<!tpu.dma_semaphore, #tpu.memory_space<semaphore_mem>>)
        %add3A_2183 = arith.constant 16 : i32
        %add3A_2184 = arith.addi %mul3A_833, %add3A_2183 : i32
        %add3A_2185 = arith.constant 12 : i32
        %add3A_2186 = arith.addi %add3A_2184, %add3A_2185 : i32
        %dma_start3A_2187 = arith.constant 0 : i32
        %dma_start3A_2188 = tpu.memref_slice %arg8[%add3A_2186, %dma_start3A_2187] : memref<96x64xf32, #tpu.memory_space<vmem>> -> memref<1x64xf32, #tpu.memory_space<vmem>>
        %dma_start3A_2189 = arith.constant 0 : i32
        %dma_start3A_2190 = tpu.memref_slice %arg3[%squeeze3A_2172, %dma_start3A_2189] : memref<1000000x64xf32, #tpu.memory_space<hbm>> -> memref<1x64xf32, #tpu.memory_space<hbm>>
        %dma_start3A_2191 = arith.constant 0 : i32
        %dma_start3A_2192 = tpu.memref_slice %arg8[%add3A_2186, %dma_start3A_2191] : memref<96x64xf32, #tpu.memory_space<vmem>> -> memref<1x64xf32, #tpu.memory_space<vmem>>
        %dma_start3A_2193 = arith.constant 0 : i32
        %dma_start3A_2194 = tpu.memref_slice %arg3[%squeeze3A_2172, %dma_start3A_2193] : memref<1000000x64xf32, #tpu.memory_space<hbm>> -> memref<1x64xf32, #tpu.memory_space<hbm>>
        tpu.enqueue_dma source(%dma_start3A_2194 : memref<1x64xf32, #tpu.memory_space<hbm>>) target(%dma_start3A_2192 : memref<1x64xf32, #tpu.memory_space<vmem>>) target_semaphore(%arg12 : memref<!tpu.dma_semaphore, #tpu.memory_space<semaphore_mem>>)
        %slice3A_2195 = vector.extract_strided_slice %get3A_1850 {offsets = [13], sizes = [1], strides = [1]} : vector<16xi32> to vector<1xi32>
        %squeeze3A_2196 = vector.extract %slice3A_2195[0] : i32 from vector<1xi32>
        %slice3A_2197 = vector.extract_strided_slice %get3A_1856 {offsets = [13], sizes = [1], strides = [1]} : vector<16xi32> to vector<1xi32>
        %squeeze3A_2198 = vector.extract %slice3A_2197[0] : i32 from vector<1xi32>
        %add3A_2199 = arith.constant 13 : i32
        %add3A_2200 = arith.addi %mul3A_833, %add3A_2199 : i32
        %dma_start3A_2201 = arith.constant 0 : i32
        %dma_start3A_2202 = tpu.memref_slice %arg8[%add3A_2200, %dma_start3A_2201] : memref<96x64xf32, #tpu.memory_space<vmem>> -> memref<1x64xf32, #tpu.memory_space<vmem>>
        %dma_start3A_2203 = arith.constant 0 : i32
        %dma_start3A_2204 = tpu.memref_slice %arg3[%squeeze3A_2196, %dma_start3A_2203] : memref<1000000x64xf32, #tpu.memory_space<hbm>> -> memref<1x64xf32, #tpu.memory_space<hbm>>
        %dma_start3A_2205 = arith.constant 0 : i32
        %dma_start3A_2206 = tpu.memref_slice %arg8[%add3A_2200, %dma_start3A_2205] : memref<96x64xf32, #tpu.memory_space<vmem>> -> memref<1x64xf32, #tpu.memory_space<vmem>>
        %dma_start3A_2207 = arith.constant 0 : i32
        %dma_start3A_2208 = tpu.memref_slice %arg3[%squeeze3A_2196, %dma_start3A_2207] : memref<1000000x64xf32, #tpu.memory_space<hbm>> -> memref<1x64xf32, #tpu.memory_space<hbm>>
        tpu.enqueue_dma source(%dma_start3A_2208 : memref<1x64xf32, #tpu.memory_space<hbm>>) target(%dma_start3A_2206 : memref<1x64xf32, #tpu.memory_space<vmem>>) target_semaphore(%arg12 : memref<!tpu.dma_semaphore, #tpu.memory_space<semaphore_mem>>)
        %add3A_2209 = arith.constant 16 : i32
        %add3A_2210 = arith.addi %mul3A_833, %add3A_2209 : i32
        %add3A_2211 = arith.constant 13 : i32
        %add3A_2212 = arith.addi %add3A_2210, %add3A_2211 : i32
        %dma_start3A_2213 = arith.constant 0 : i32
        %dma_start3A_2214 = tpu.memref_slice %arg8[%add3A_2212, %dma_start3A_2213] : memref<96x64xf32, #tpu.memory_space<vmem>> -> memref<1x64xf32, #tpu.memory_space<vmem>>
        %dma_start3A_2215 = arith.constant 0 : i32
        %dma_start3A_2216 = tpu.memref_slice %arg3[%squeeze3A_2198, %dma_start3A_2215] : memref<1000000x64xf32, #tpu.memory_space<hbm>> -> memref<1x64xf32, #tpu.memory_space<hbm>>
        %dma_start3A_2217 = arith.constant 0 : i32
        %dma_start3A_2218 = tpu.memref_slice %arg8[%add3A_2212, %dma_start3A_2217] : memref<96x64xf32, #tpu.memory_space<vmem>> -> memref<1x64xf32, #tpu.memory_space<vmem>>
        %dma_start3A_2219 = arith.constant 0 : i32
        %dma_start3A_2220 = tpu.memref_slice %arg3[%squeeze3A_2198, %dma_start3A_2219] : memref<1000000x64xf32, #tpu.memory_space<hbm>> -> memref<1x64xf32, #tpu.memory_space<hbm>>
        tpu.enqueue_dma source(%dma_start3A_2220 : memref<1x64xf32, #tpu.memory_space<hbm>>) target(%dma_start3A_2218 : memref<1x64xf32, #tpu.memory_space<vmem>>) target_semaphore(%arg12 : memref<!tpu.dma_semaphore, #tpu.memory_space<semaphore_mem>>)
        %slice3A_2221 = vector.extract_strided_slice %get3A_1850 {offsets = [14], sizes = [1], strides = [1]} : vector<16xi32> to vector<1xi32>
        %squeeze3A_2222 = vector.extract %slice3A_2221[0] : i32 from vector<1xi32>
        %slice3A_2223 = vector.extract_strided_slice %get3A_1856 {offsets = [14], sizes = [1], strides = [1]} : vector<16xi32> to vector<1xi32>
        %squeeze3A_2224 = vector.extract %slice3A_2223[0] : i32 from vector<1xi32>
        %add3A_2225 = arith.constant 14 : i32
        %add3A_2226 = arith.addi %mul3A_833, %add3A_2225 : i32
        %dma_start3A_2227 = arith.constant 0 : i32
        %dma_start3A_2228 = tpu.memref_slice %arg8[%add3A_2226, %dma_start3A_2227] : memref<96x64xf32, #tpu.memory_space<vmem>> -> memref<1x64xf32, #tpu.memory_space<vmem>>
        %dma_start3A_2229 = arith.constant 0 : i32
        %dma_start3A_2230 = tpu.memref_slice %arg3[%squeeze3A_2222, %dma_start3A_2229] : memref<1000000x64xf32, #tpu.memory_space<hbm>> -> memref<1x64xf32, #tpu.memory_space<hbm>>
        %dma_start3A_2231 = arith.constant 0 : i32
        %dma_start3A_2232 = tpu.memref_slice %arg8[%add3A_2226, %dma_start3A_2231] : memref<96x64xf32, #tpu.memory_space<vmem>> -> memref<1x64xf32, #tpu.memory_space<vmem>>
        %dma_start3A_2233 = arith.constant 0 : i32
        %dma_start3A_2234 = tpu.memref_slice %arg3[%squeeze3A_2222, %dma_start3A_2233] : memref<1000000x64xf32, #tpu.memory_space<hbm>> -> memref<1x64xf32, #tpu.memory_space<hbm>>
        tpu.enqueue_dma source(%dma_start3A_2234 : memref<1x64xf32, #tpu.memory_space<hbm>>) target(%dma_start3A_2232 : memref<1x64xf32, #tpu.memory_space<vmem>>) target_semaphore(%arg12 : memref<!tpu.dma_semaphore, #tpu.memory_space<semaphore_mem>>)
        %add3A_2235 = arith.constant 16 : i32
        %add3A_2236 = arith.addi %mul3A_833, %add3A_2235 : i32
        %add3A_2237 = arith.constant 14 : i32
        %add3A_2238 = arith.addi %add3A_2236, %add3A_2237 : i32
        %dma_start3A_2239 = arith.constant 0 : i32
        %dma_start3A_2240 = tpu.memref_slice %arg8[%add3A_2238, %dma_start3A_2239] : memref<96x64xf32, #tpu.memory_space<vmem>> -> memref<1x64xf32, #tpu.memory_space<vmem>>
        %dma_start3A_2241 = arith.constant 0 : i32
        %dma_start3A_2242 = tpu.memref_slice %arg3[%squeeze3A_2224, %dma_start3A_2241] : memref<1000000x64xf32, #tpu.memory_space<hbm>> -> memref<1x64xf32, #tpu.memory_space<hbm>>
        %dma_start3A_2243 = arith.constant 0 : i32
        %dma_start3A_2244 = tpu.memref_slice %arg8[%add3A_2238, %dma_start3A_2243] : memref<96x64xf32, #tpu.memory_space<vmem>> -> memref<1x64xf32, #tpu.memory_space<vmem>>
        %dma_start3A_2245 = arith.constant 0 : i32
        %dma_start3A_2246 = tpu.memref_slice %arg3[%squeeze3A_2224, %dma_start3A_2245] : memref<1000000x64xf32, #tpu.memory_space<hbm>> -> memref<1x64xf32, #tpu.memory_space<hbm>>
        tpu.enqueue_dma source(%dma_start3A_2246 : memref<1x64xf32, #tpu.memory_space<hbm>>) target(%dma_start3A_2244 : memref<1x64xf32, #tpu.memory_space<vmem>>) target_semaphore(%arg12 : memref<!tpu.dma_semaphore, #tpu.memory_space<semaphore_mem>>)
        %slice3A_2247 = vector.extract_strided_slice %get3A_1850 {offsets = [15], sizes = [1], strides = [1]} : vector<16xi32> to vector<1xi32>
        %squeeze3A_2248 = vector.extract %slice3A_2247[0] : i32 from vector<1xi32>
        %slice3A_2249 = vector.extract_strided_slice %get3A_1856 {offsets = [15], sizes = [1], strides = [1]} : vector<16xi32> to vector<1xi32>
        %squeeze3A_2250 = vector.extract %slice3A_2249[0] : i32 from vector<1xi32>
        %add3A_2251 = arith.constant 15 : i32
        %add3A_2252 = arith.addi %mul3A_833, %add3A_2251 : i32
        %dma_start3A_2253 = arith.constant 0 : i32
        %dma_start3A_2254 = tpu.memref_slice %arg8[%add3A_2252, %dma_start3A_2253] : memref<96x64xf32, #tpu.memory_space<vmem>> -> memref<1x64xf32, #tpu.memory_space<vmem>>
        %dma_start3A_2255 = arith.constant 0 : i32
        %dma_start3A_2256 = tpu.memref_slice %arg3[%squeeze3A_2248, %dma_start3A_2255] : memref<1000000x64xf32, #tpu.memory_space<hbm>> -> memref<1x64xf32, #tpu.memory_space<hbm>>
        %dma_start3A_2257 = arith.constant 0 : i32
        %dma_start3A_2258 = tpu.memref_slice %arg8[%add3A_2252, %dma_start3A_2257] : memref<96x64xf32, #tpu.memory_space<vmem>> -> memref<1x64xf32, #tpu.memory_space<vmem>>
        %dma_start3A_2259 = arith.constant 0 : i32
        %dma_start3A_2260 = tpu.memref_slice %arg3[%squeeze3A_2248, %dma_start3A_2259] : memref<1000000x64xf32, #tpu.memory_space<hbm>> -> memref<1x64xf32, #tpu.memory_space<hbm>>
        tpu.enqueue_dma source(%dma_start3A_2260 : memref<1x64xf32, #tpu.memory_space<hbm>>) target(%dma_start3A_2258 : memref<1x64xf32, #tpu.memory_space<vmem>>) target_semaphore(%arg12 : memref<!tpu.dma_semaphore, #tpu.memory_space<semaphore_mem>>)
        %add3A_2261 = arith.constant 16 : i32
        %add3A_2262 = arith.addi %mul3A_833, %add3A_2261 : i32
        %add3A_2263 = arith.constant 15 : i32
        %add3A_2264 = arith.addi %add3A_2262, %add3A_2263 : i32
        %dma_start3A_2265 = arith.constant 0 : i32
        %dma_start3A_2266 = tpu.memref_slice %arg8[%add3A_2264, %dma_start3A_2265] : memref<96x64xf32, #tpu.memory_space<vmem>> -> memref<1x64xf32, #tpu.memory_space<vmem>>
        %dma_start3A_2267 = arith.constant 0 : i32
        %dma_start3A_2268 = tpu.memref_slice %arg3[%squeeze3A_2250, %dma_start3A_2267] : memref<1000000x64xf32, #tpu.memory_space<hbm>> -> memref<1x64xf32, #tpu.memory_space<hbm>>
        %dma_start3A_2269 = arith.constant 0 : i32
        %dma_start3A_2270 = tpu.memref_slice %arg8[%add3A_2264, %dma_start3A_2269] : memref<96x64xf32, #tpu.memory_space<vmem>> -> memref<1x64xf32, #tpu.memory_space<vmem>>
        %dma_start3A_2271 = arith.constant 0 : i32
        %dma_start3A_2272 = tpu.memref_slice %arg3[%squeeze3A_2250, %dma_start3A_2271] : memref<1000000x64xf32, #tpu.memory_space<hbm>> -> memref<1x64xf32, #tpu.memory_space<hbm>>
        tpu.enqueue_dma source(%dma_start3A_2272 : memref<1x64xf32, #tpu.memory_space<hbm>>) target(%dma_start3A_2270 : memref<1x64xf32, #tpu.memory_space<vmem>>) target_semaphore(%arg12 : memref<!tpu.dma_semaphore, #tpu.memory_space<semaphore_mem>>)
      } else {
      }
      %dma_wait3A = arith.constant 0 : i32
      %dma_wait3A_840 = arith.constant 0 : i32
      %dma_wait3A_841 = tpu.memref_slice %arg8[%dma_wait3A, %dma_wait3A_840] : memref<96x64xf32, #tpu.memory_space<vmem>> -> memref<32x64xf32, #tpu.memory_space<vmem>>
      %dma_wait3A_842 = arith.constant 0 : i32
      %dma_wait3A_843 = arith.constant 0 : i32
      %dma_wait3A_844 = tpu.memref_slice %arg3[%dma_wait3A_842, %dma_wait3A_843] : memref<1000000x64xf32, #tpu.memory_space<hbm>> -> memref<32x64xf32, #tpu.memory_space<hbm>>
      %dma_wait3A_845 = arith.constant 0 : i32
      %dma_wait3A_846 = arith.constant 0 : i32
      %dma_wait3A_847 = tpu.memref_slice %arg8[%dma_wait3A_845, %dma_wait3A_846] : memref<96x64xf32, #tpu.memory_space<vmem>> -> memref<32x64xf32, #tpu.memory_space<vmem>>
      %dma_wait3A_848 = arith.constant 0 : i32
      %dma_wait3A_849 = arith.constant 0 : i32
      %dma_wait3A_850 = tpu.memref_slice %arg3[%dma_wait3A_848, %dma_wait3A_849] : memref<1000000x64xf32, #tpu.memory_space<hbm>> -> memref<32x64xf32, #tpu.memory_space<hbm>>
      tpu.wait_dma2 semaphore(%arg12 : memref<!tpu.dma_semaphore, #tpu.memory_space<semaphore_mem>>) src(%dma_wait3A_850 : memref<32x64xf32, #tpu.memory_space<hbm>>) dst(%dma_wait3A_847 : memref<32x64xf32, #tpu.memory_space<vmem>>)
      %add3A_851 = vector.broadcast %mul3A_837 : i32 to vector<16xi32>
      %add3A_852 = arith.addi %add3A_851, %iota3A : vector<16xi32>
      %add3A_853 = arith.constant 16 : i32
      %add3A_854 = arith.addi %mul3A_837, %add3A_853 : i32
      %add3A_855 = vector.broadcast %add3A_854 : i32 to vector<16xi32>
      %add3A_856 = arith.addi %add3A_855, %iota3A : vector<16xi32>
      %broadcast_in_dim3A_857 = arith.constant 0.000000e+00 : f32
      %broadcast_in_dim3A_858 = vector.broadcast %broadcast_in_dim3A_857 : f32 to vector<16xf32>
      %broadcast_in_dim3A_859 = arith.constant 0.000000e+00 : f32
      %broadcast_in_dim3A_860 = vector.broadcast %broadcast_in_dim3A_859 : f32 to vector<16xf32>
      %broadcast_in_dim3A_861 = arith.constant 0 : i32
      %broadcast_in_dim3A_862 = vector.broadcast %broadcast_in_dim3A_861 : i32 to vector<16xi32>
      %gather3A = tpu.vector_load_idx %arg8[%add3A_852, %broadcast_in_dim3A_862] : memref<96x64xf32, #tpu.memory_space<vmem>>[vector<16xi32>, vector<16xi32>], vector<16xf32>,
      %gather3A_863 = tpu.vector_load_idx %arg8[%add3A_856, %broadcast_in_dim3A_862] : memref<96x64xf32, #tpu.memory_space<vmem>>[vector<16xi32>, vector<16xi32>], vector<16xf32>,
      %mul3A_864 = arith.mulf %gather3A, %gather3A_863 : vector<16xf32>
      %slice3A_865 = vector.extract_strided_slice %get3A_9 {offsets = [0], sizes = [1], strides = [1]} : vector<16xf32> to vector<1xf32>
      %squeeze3A_866 = vector.extract %slice3A_865[0] : f32 from vector<1xf32>
      %mul3A_867 = vector.broadcast %squeeze3A_866 : f32 to vector<16xf32>
      %mul3A_868 = arith.mulf %mul3A_864, %mul3A_867 : vector<16xf32>
      %add3A_869 = arith.addf %broadcast_in_dim3A_858, %mul3A_868 : vector<16xf32>
      %slice3A_870 = vector.extract_strided_slice %get3A_25 {offsets = [0], sizes = [1], strides = [1]} : vector<16xf32> to vector<1xf32>
      %squeeze3A_871 = vector.extract %slice3A_870[0] : f32 from vector<1xf32>
      %mul3A_872 = vector.broadcast %squeeze3A_871 : f32 to vector<16xf32>
      %mul3A_873 = arith.mulf %mul3A_864, %mul3A_872 : vector<16xf32>
      %add3A_874 = arith.addf %broadcast_in_dim3A_860, %mul3A_873 : vector<16xf32>
      %broadcast_in_dim3A_875 = arith.constant 1 : i32
      %broadcast_in_dim3A_876 = vector.broadcast %broadcast_in_dim3A_875 : i32 to vector<16xi32>
      %gather3A_877 = tpu.vector_load_idx %arg8[%add3A_852, %broadcast_in_dim3A_876] : memref<96x64xf32, #tpu.memory_space<vmem>>[vector<16xi32>, vector<16xi32>], vector<16xf32>,
      %gather3A_878 = tpu.vector_load_idx %arg8[%add3A_856, %broadcast_in_dim3A_876] : memref<96x64xf32, #tpu.memory_space<vmem>>[vector<16xi32>, vector<16xi32>], vector<16xf32>,
      %mul3A_879 = arith.mulf %gather3A_877, %gather3A_878 : vector<16xf32>
      %slice3A_880 = vector.extract_strided_slice %get3A_9 {offsets = [1], sizes = [1], strides = [1]} : vector<16xf32> to vector<1xf32>
      %squeeze3A_881 = vector.extract %slice3A_880[0] : f32 from vector<1xf32>
      %mul3A_882 = vector.broadcast %squeeze3A_881 : f32 to vector<16xf32>
      %mul3A_883 = arith.mulf %mul3A_879, %mul3A_882 : vector<16xf32>
      %add3A_884 = arith.addf %add3A_869, %mul3A_883 : vector<16xf32>
      %slice3A_885 = vector.extract_strided_slice %get3A_25 {offsets = [1], sizes = [1], strides = [1]} : vector<16xf32> to vector<1xf32>
      %squeeze3A_886 = vector.extract %slice3A_885[0] : f32 from vector<1xf32>
      %mul3A_887 = vector.broadcast %squeeze3A_886 : f32 to vector<16xf32>
      %mul3A_888 = arith.mulf %mul3A_879, %mul3A_887 : vector<16xf32>
      %add3A_889 = arith.addf %add3A_874, %mul3A_888 : vector<16xf32>
      %broadcast_in_dim3A_890 = arith.constant 2 : i32
      %broadcast_in_dim3A_891 = vector.broadcast %broadcast_in_dim3A_890 : i32 to vector<16xi32>
      %gather3A_892 = tpu.vector_load_idx %arg8[%add3A_852, %broadcast_in_dim3A_891] : memref<96x64xf32, #tpu.memory_space<vmem>>[vector<16xi32>, vector<16xi32>], vector<16xf32>,
      %gather3A_893 = tpu.vector_load_idx %arg8[%add3A_856, %broadcast_in_dim3A_891] : memref<96x64xf32, #tpu.memory_space<vmem>>[vector<16xi32>, vector<16xi32>], vector<16xf32>,
      %mul3A_894 = arith.mulf %gather3A_892, %gather3A_893 : vector<16xf32>
      %slice3A_895 = vector.extract_strided_slice %get3A_9 {offsets = [2], sizes = [1], strides = [1]} : vector<16xf32> to vector<1xf32>
      %squeeze3A_896 = vector.extract %slice3A_895[0] : f32 from vector<1xf32>
      %mul3A_897 = vector.broadcast %squeeze3A_896 : f32 to vector<16xf32>
      %mul3A_898 = arith.mulf %mul3A_894, %mul3A_897 : vector<16xf32>
      %add3A_899 = arith.addf %add3A_884, %mul3A_898 : vector<16xf32>
      %slice3A_900 = vector.extract_strided_slice %get3A_25 {offsets = [2], sizes = [1], strides = [1]} : vector<16xf32> to vector<1xf32>
      %squeeze3A_901 = vector.extract %slice3A_900[0] : f32 from vector<1xf32>
      %mul3A_902 = vector.broadcast %squeeze3A_901 : f32 to vector<16xf32>
      %mul3A_903 = arith.mulf %mul3A_894, %mul3A_902 : vector<16xf32>
      %add3A_904 = arith.addf %add3A_889, %mul3A_903 : vector<16xf32>
      %broadcast_in_dim3A_905 = arith.constant 3 : i32
      %broadcast_in_dim3A_906 = vector.broadcast %broadcast_in_dim3A_905 : i32 to vector<16xi32>
      %gather3A_907 = tpu.vector_load_idx %arg8[%add3A_852, %broadcast_in_dim3A_906] : memref<96x64xf32, #tpu.memory_space<vmem>>[vector<16xi32>, vector<16xi32>], vector<16xf32>,
      %gather3A_908 = tpu.vector_load_idx %arg8[%add3A_856, %broadcast_in_dim3A_906] : memref<96x64xf32, #tpu.memory_space<vmem>>[vector<16xi32>, vector<16xi32>], vector<16xf32>,
      %mul3A_909 = arith.mulf %gather3A_907, %gather3A_908 : vector<16xf32>
      %slice3A_910 = vector.extract_strided_slice %get3A_9 {offsets = [3], sizes = [1], strides = [1]} : vector<16xf32> to vector<1xf32>
      %squeeze3A_911 = vector.extract %slice3A_910[0] : f32 from vector<1xf32>
      %mul3A_912 = vector.broadcast %squeeze3A_911 : f32 to vector<16xf32>
      %mul3A_913 = arith.mulf %mul3A_909, %mul3A_912 : vector<16xf32>
      %add3A_914 = arith.addf %add3A_899, %mul3A_913 : vector<16xf32>
      %slice3A_915 = vector.extract_strided_slice %get3A_25 {offsets = [3], sizes = [1], strides = [1]} : vector<16xf32> to vector<1xf32>
      %squeeze3A_916 = vector.extract %slice3A_915[0] : f32 from vector<1xf32>
      %mul3A_917 = vector.broadcast %squeeze3A_916 : f32 to vector<16xf32>
      %mul3A_918 = arith.mulf %mul3A_909, %mul3A_917 : vector<16xf32>
      %add3A_919 = arith.addf %add3A_904, %mul3A_918 : vector<16xf32>
      %broadcast_in_dim3A_920 = arith.constant 4 : i32
      %broadcast_in_dim3A_921 = vector.broadcast %broadcast_in_dim3A_920 : i32 to vector<16xi32>
      %gather3A_922 = tpu.vector_load_idx %arg8[%add3A_852, %broadcast_in_dim3A_921] : memref<96x64xf32, #tpu.memory_space<vmem>>[vector<16xi32>, vector<16xi32>], vector<16xf32>,
      %gather3A_923 = tpu.vector_load_idx %arg8[%add3A_856, %broadcast_in_dim3A_921] : memref<96x64xf32, #tpu.memory_space<vmem>>[vector<16xi32>, vector<16xi32>], vector<16xf32>,
      %mul3A_924 = arith.mulf %gather3A_922, %gather3A_923 : vector<16xf32>
      %slice3A_925 = vector.extract_strided_slice %get3A_9 {offsets = [4], sizes = [1], strides = [1]} : vector<16xf32> to vector<1xf32>
      %squeeze3A_926 = vector.extract %slice3A_925[0] : f32 from vector<1xf32>
      %mul3A_927 = vector.broadcast %squeeze3A_926 : f32 to vector<16xf32>
      %mul3A_928 = arith.mulf %mul3A_924, %mul3A_927 : vector<16xf32>
      %add3A_929 = arith.addf %add3A_914, %mul3A_928 : vector<16xf32>
      %slice3A_930 = vector.extract_strided_slice %get3A_25 {offsets = [4], sizes = [1], strides = [1]} : vector<16xf32> to vector<1xf32>
      %squeeze3A_931 = vector.extract %slice3A_930[0] : f32 from vector<1xf32>
      %mul3A_932 = vector.broadcast %squeeze3A_931 : f32 to vector<16xf32>
      %mul3A_933 = arith.mulf %mul3A_924, %mul3A_932 : vector<16xf32>
      %add3A_934 = arith.addf %add3A_919, %mul3A_933 : vector<16xf32>
      %broadcast_in_dim3A_935 = arith.constant 5 : i32
      %broadcast_in_dim3A_936 = vector.broadcast %broadcast_in_dim3A_935 : i32 to vector<16xi32>
      %gather3A_937 = tpu.vector_load_idx %arg8[%add3A_852, %broadcast_in_dim3A_936] : memref<96x64xf32, #tpu.memory_space<vmem>>[vector<16xi32>, vector<16xi32>], vector<16xf32>,
      %gather3A_938 = tpu.vector_load_idx %arg8[%add3A_856, %broadcast_in_dim3A_936] : memref<96x64xf32, #tpu.memory_space<vmem>>[vector<16xi32>, vector<16xi32>], vector<16xf32>,
      %mul3A_939 = arith.mulf %gather3A_937, %gather3A_938 : vector<16xf32>
      %slice3A_940 = vector.extract_strided_slice %get3A_9 {offsets = [5], sizes = [1], strides = [1]} : vector<16xf32> to vector<1xf32>
      %squeeze3A_941 = vector.extract %slice3A_940[0] : f32 from vector<1xf32>
      %mul3A_942 = vector.broadcast %squeeze3A_941 : f32 to vector<16xf32>
      %mul3A_943 = arith.mulf %mul3A_939, %mul3A_942 : vector<16xf32>
      %add3A_944 = arith.addf %add3A_929, %mul3A_943 : vector<16xf32>
      %slice3A_945 = vector.extract_strided_slice %get3A_25 {offsets = [5], sizes = [1], strides = [1]} : vector<16xf32> to vector<1xf32>
      %squeeze3A_946 = vector.extract %slice3A_945[0] : f32 from vector<1xf32>
      %mul3A_947 = vector.broadcast %squeeze3A_946 : f32 to vector<16xf32>
      %mul3A_948 = arith.mulf %mul3A_939, %mul3A_947 : vector<16xf32>
      %add3A_949 = arith.addf %add3A_934, %mul3A_948 : vector<16xf32>
      %broadcast_in_dim3A_950 = arith.constant 6 : i32
      %broadcast_in_dim3A_951 = vector.broadcast %broadcast_in_dim3A_950 : i32 to vector<16xi32>
      %gather3A_952 = tpu.vector_load_idx %arg8[%add3A_852, %broadcast_in_dim3A_951] : memref<96x64xf32, #tpu.memory_space<vmem>>[vector<16xi32>, vector<16xi32>], vector<16xf32>,
      %gather3A_953 = tpu.vector_load_idx %arg8[%add3A_856, %broadcast_in_dim3A_951] : memref<96x64xf32, #tpu.memory_space<vmem>>[vector<16xi32>, vector<16xi32>], vector<16xf32>,
      %mul3A_954 = arith.mulf %gather3A_952, %gather3A_953 : vector<16xf32>
      %slice3A_955 = vector.extract_strided_slice %get3A_9 {offsets = [6], sizes = [1], strides = [1]} : vector<16xf32> to vector<1xf32>
      %squeeze3A_956 = vector.extract %slice3A_955[0] : f32 from vector<1xf32>
      %mul3A_957 = vector.broadcast %squeeze3A_956 : f32 to vector<16xf32>
      %mul3A_958 = arith.mulf %mul3A_954, %mul3A_957 : vector<16xf32>
      %add3A_959 = arith.addf %add3A_944, %mul3A_958 : vector<16xf32>
      %slice3A_960 = vector.extract_strided_slice %get3A_25 {offsets = [6], sizes = [1], strides = [1]} : vector<16xf32> to vector<1xf32>
      %squeeze3A_961 = vector.extract %slice3A_960[0] : f32 from vector<1xf32>
      %mul3A_962 = vector.broadcast %squeeze3A_961 : f32 to vector<16xf32>
      %mul3A_963 = arith.mulf %mul3A_954, %mul3A_962 : vector<16xf32>
      %add3A_964 = arith.addf %add3A_949, %mul3A_963 : vector<16xf32>
      %broadcast_in_dim3A_965 = arith.constant 7 : i32
      %broadcast_in_dim3A_966 = vector.broadcast %broadcast_in_dim3A_965 : i32 to vector<16xi32>
      %gather3A_967 = tpu.vector_load_idx %arg8[%add3A_852, %broadcast_in_dim3A_966] : memref<96x64xf32, #tpu.memory_space<vmem>>[vector<16xi32>, vector<16xi32>], vector<16xf32>,
      %gather3A_968 = tpu.vector_load_idx %arg8[%add3A_856, %broadcast_in_dim3A_966] : memref<96x64xf32, #tpu.memory_space<vmem>>[vector<16xi32>, vector<16xi32>], vector<16xf32>,
      %mul3A_969 = arith.mulf %gather3A_967, %gather3A_968 : vector<16xf32>
      %slice3A_970 = vector.extract_strided_slice %get3A_9 {offsets = [7], sizes = [1], strides = [1]} : vector<16xf32> to vector<1xf32>
      %squeeze3A_971 = vector.extract %slice3A_970[0] : f32 from vector<1xf32>
      %mul3A_972 = vector.broadcast %squeeze3A_971 : f32 to vector<16xf32>
      %mul3A_973 = arith.mulf %mul3A_969, %mul3A_972 : vector<16xf32>
      %add3A_974 = arith.addf %add3A_959, %mul3A_973 : vector<16xf32>
      %slice3A_975 = vector.extract_strided_slice %get3A_25 {offsets = [7], sizes = [1], strides = [1]} : vector<16xf32> to vector<1xf32>
      %squeeze3A_976 = vector.extract %slice3A_975[0] : f32 from vector<1xf32>
      %mul3A_977 = vector.broadcast %squeeze3A_976 : f32 to vector<16xf32>
      %mul3A_978 = arith.mulf %mul3A_969, %mul3A_977 : vector<16xf32>
      %add3A_979 = arith.addf %add3A_964, %mul3A_978 : vector<16xf32>
      %broadcast_in_dim3A_980 = arith.constant 8 : i32
      %broadcast_in_dim3A_981 = vector.broadcast %broadcast_in_dim3A_980 : i32 to vector<16xi32>
      %gather3A_982 = tpu.vector_load_idx %arg8[%add3A_852, %broadcast_in_dim3A_981] : memref<96x64xf32, #tpu.memory_space<vmem>>[vector<16xi32>, vector<16xi32>], vector<16xf32>,
      %gather3A_983 = tpu.vector_load_idx %arg8[%add3A_856, %broadcast_in_dim3A_981] : memref<96x64xf32, #tpu.memory_space<vmem>>[vector<16xi32>, vector<16xi32>], vector<16xf32>,
      %mul3A_984 = arith.mulf %gather3A_982, %gather3A_983 : vector<16xf32>
      %slice3A_985 = vector.extract_strided_slice %get3A_9 {offsets = [8], sizes = [1], strides = [1]} : vector<16xf32> to vector<1xf32>
      %squeeze3A_986 = vector.extract %slice3A_985[0] : f32 from vector<1xf32>
      %mul3A_987 = vector.broadcast %squeeze3A_986 : f32 to vector<16xf32>
      %mul3A_988 = arith.mulf %mul3A_984, %mul3A_987 : vector<16xf32>
      %add3A_989 = arith.addf %add3A_974, %mul3A_988 : vector<16xf32>
      %slice3A_990 = vector.extract_strided_slice %get3A_25 {offsets = [8], sizes = [1], strides = [1]} : vector<16xf32> to vector<1xf32>
      %squeeze3A_991 = vector.extract %slice3A_990[0] : f32 from vector<1xf32>
      %mul3A_992 = vector.broadcast %squeeze3A_991 : f32 to vector<16xf32>
      %mul3A_993 = arith.mulf %mul3A_984, %mul3A_992 : vector<16xf32>
      %add3A_994 = arith.addf %add3A_979, %mul3A_993 : vector<16xf32>
      %broadcast_in_dim3A_995 = arith.constant 9 : i32
      %broadcast_in_dim3A_996 = vector.broadcast %broadcast_in_dim3A_995 : i32 to vector<16xi32>
      %gather3A_997 = tpu.vector_load_idx %arg8[%add3A_852, %broadcast_in_dim3A_996] : memref<96x64xf32, #tpu.memory_space<vmem>>[vector<16xi32>, vector<16xi32>], vector<16xf32>,
      %gather3A_998 = tpu.vector_load_idx %arg8[%add3A_856, %broadcast_in_dim3A_996] : memref<96x64xf32, #tpu.memory_space<vmem>>[vector<16xi32>, vector<16xi32>], vector<16xf32>,
      %mul3A_999 = arith.mulf %gather3A_997, %gather3A_998 : vector<16xf32>
      %slice3A_1000 = vector.extract_strided_slice %get3A_9 {offsets = [9], sizes = [1], strides = [1]} : vector<16xf32> to vector<1xf32>
      %squeeze3A_1001 = vector.extract %slice3A_1000[0] : f32 from vector<1xf32>
      %mul3A_1002 = vector.broadcast %squeeze3A_1001 : f32 to vector<16xf32>
      %mul3A_1003 = arith.mulf %mul3A_999, %mul3A_1002 : vector<16xf32>
      %add3A_1004 = arith.addf %add3A_989, %mul3A_1003 : vector<16xf32>
      %slice3A_1005 = vector.extract_strided_slice %get3A_25 {offsets = [9], sizes = [1], strides = [1]} : vector<16xf32> to vector<1xf32>
      %squeeze3A_1006 = vector.extract %slice3A_1005[0] : f32 from vector<1xf32>
      %mul3A_1007 = vector.broadcast %squeeze3A_1006 : f32 to vector<16xf32>
      %mul3A_1008 = arith.mulf %mul3A_999, %mul3A_1007 : vector<16xf32>
      %add3A_1009 = arith.addf %add3A_994, %mul3A_1008 : vector<16xf32>
      %broadcast_in_dim3A_1010 = arith.constant 10 : i32
      %broadcast_in_dim3A_1011 = vector.broadcast %broadcast_in_dim3A_1010 : i32 to vector<16xi32>
      %gather3A_1012 = tpu.vector_load_idx %arg8[%add3A_852, %broadcast_in_dim3A_1011] : memref<96x64xf32, #tpu.memory_space<vmem>>[vector<16xi32>, vector<16xi32>], vector<16xf32>,
      %gather3A_1013 = tpu.vector_load_idx %arg8[%add3A_856, %broadcast_in_dim3A_1011] : memref<96x64xf32, #tpu.memory_space<vmem>>[vector<16xi32>, vector<16xi32>], vector<16xf32>,
      %mul3A_1014 = arith.mulf %gather3A_1012, %gather3A_1013 : vector<16xf32>
      %slice3A_1015 = vector.extract_strided_slice %get3A_9 {offsets = [10], sizes = [1], strides = [1]} : vector<16xf32> to vector<1xf32>
      %squeeze3A_1016 = vector.extract %slice3A_1015[0] : f32 from vector<1xf32>
      %mul3A_1017 = vector.broadcast %squeeze3A_1016 : f32 to vector<16xf32>
      %mul3A_1018 = arith.mulf %mul3A_1014, %mul3A_1017 : vector<16xf32>
      %add3A_1019 = arith.addf %add3A_1004, %mul3A_1018 : vector<16xf32>
      %slice3A_1020 = vector.extract_strided_slice %get3A_25 {offsets = [10], sizes = [1], strides = [1]} : vector<16xf32> to vector<1xf32>
      %squeeze3A_1021 = vector.extract %slice3A_1020[0] : f32 from vector<1xf32>
      %mul3A_1022 = vector.broadcast %squeeze3A_1021 : f32 to vector<16xf32>
      %mul3A_1023 = arith.mulf %mul3A_1014, %mul3A_1022 : vector<16xf32>
      %add3A_1024 = arith.addf %add3A_1009, %mul3A_1023 : vector<16xf32>
      %broadcast_in_dim3A_1025 = arith.constant 11 : i32
      %broadcast_in_dim3A_1026 = vector.broadcast %broadcast_in_dim3A_1025 : i32 to vector<16xi32>
      %gather3A_1027 = tpu.vector_load_idx %arg8[%add3A_852, %broadcast_in_dim3A_1026] : memref<96x64xf32, #tpu.memory_space<vmem>>[vector<16xi32>, vector<16xi32>], vector<16xf32>,
      %gather3A_1028 = tpu.vector_load_idx %arg8[%add3A_856, %broadcast_in_dim3A_1026] : memref<96x64xf32, #tpu.memory_space<vmem>>[vector<16xi32>, vector<16xi32>], vector<16xf32>,
      %mul3A_1029 = arith.mulf %gather3A_1027, %gather3A_1028 : vector<16xf32>
      %slice3A_1030 = vector.extract_strided_slice %get3A_9 {offsets = [11], sizes = [1], strides = [1]} : vector<16xf32> to vector<1xf32>
      %squeeze3A_1031 = vector.extract %slice3A_1030[0] : f32 from vector<1xf32>
      %mul3A_1032 = vector.broadcast %squeeze3A_1031 : f32 to vector<16xf32>
      %mul3A_1033 = arith.mulf %mul3A_1029, %mul3A_1032 : vector<16xf32>
      %add3A_1034 = arith.addf %add3A_1019, %mul3A_1033 : vector<16xf32>
      %slice3A_1035 = vector.extract_strided_slice %get3A_25 {offsets = [11], sizes = [1], strides = [1]} : vector<16xf32> to vector<1xf32>
      %squeeze3A_1036 = vector.extract %slice3A_1035[0] : f32 from vector<1xf32>
      %mul3A_1037 = vector.broadcast %squeeze3A_1036 : f32 to vector<16xf32>
      %mul3A_1038 = arith.mulf %mul3A_1029, %mul3A_1037 : vector<16xf32>
      %add3A_1039 = arith.addf %add3A_1024, %mul3A_1038 : vector<16xf32>
      %broadcast_in_dim3A_1040 = arith.constant 12 : i32
      %broadcast_in_dim3A_1041 = vector.broadcast %broadcast_in_dim3A_1040 : i32 to vector<16xi32>
      %gather3A_1042 = tpu.vector_load_idx %arg8[%add3A_852, %broadcast_in_dim3A_1041] : memref<96x64xf32, #tpu.memory_space<vmem>>[vector<16xi32>, vector<16xi32>], vector<16xf32>,
      %gather3A_1043 = tpu.vector_load_idx %arg8[%add3A_856, %broadcast_in_dim3A_1041] : memref<96x64xf32, #tpu.memory_space<vmem>>[vector<16xi32>, vector<16xi32>], vector<16xf32>,
      %mul3A_1044 = arith.mulf %gather3A_1042, %gather3A_1043 : vector<16xf32>
      %slice3A_1045 = vector.extract_strided_slice %get3A_9 {offsets = [12], sizes = [1], strides = [1]} : vector<16xf32> to vector<1xf32>
      %squeeze3A_1046 = vector.extract %slice3A_1045[0] : f32 from vector<1xf32>
      %mul3A_1047 = vector.broadcast %squeeze3A_1046 : f32 to vector<16xf32>
      %mul3A_1048 = arith.mulf %mul3A_1044, %mul3A_1047 : vector<16xf32>
      %add3A_1049 = arith.addf %add3A_1034, %mul3A_1048 : vector<16xf32>
      %slice3A_1050 = vector.extract_strided_slice %get3A_25 {offsets = [12], sizes = [1], strides = [1]} : vector<16xf32> to vector<1xf32>
      %squeeze3A_1051 = vector.extract %slice3A_1050[0] : f32 from vector<1xf32>
      %mul3A_1052 = vector.broadcast %squeeze3A_1051 : f32 to vector<16xf32>
      %mul3A_1053 = arith.mulf %mul3A_1044, %mul3A_1052 : vector<16xf32>
      %add3A_1054 = arith.addf %add3A_1039, %mul3A_1053 : vector<16xf32>
      %broadcast_in_dim3A_1055 = arith.constant 13 : i32
      %broadcast_in_dim3A_1056 = vector.broadcast %broadcast_in_dim3A_1055 : i32 to vector<16xi32>
      %gather3A_1057 = tpu.vector_load_idx %arg8[%add3A_852, %broadcast_in_dim3A_1056] : memref<96x64xf32, #tpu.memory_space<vmem>>[vector<16xi32>, vector<16xi32>], vector<16xf32>,
      %gather3A_1058 = tpu.vector_load_idx %arg8[%add3A_856, %broadcast_in_dim3A_1056] : memref<96x64xf32, #tpu.memory_space<vmem>>[vector<16xi32>, vector<16xi32>], vector<16xf32>,
      %mul3A_1059 = arith.mulf %gather3A_1057, %gather3A_1058 : vector<16xf32>
      %slice3A_1060 = vector.extract_strided_slice %get3A_9 {offsets = [13], sizes = [1], strides = [1]} : vector<16xf32> to vector<1xf32>
      %squeeze3A_1061 = vector.extract %slice3A_1060[0] : f32 from vector<1xf32>
      %mul3A_1062 = vector.broadcast %squeeze3A_1061 : f32 to vector<16xf32>
      %mul3A_1063 = arith.mulf %mul3A_1059, %mul3A_1062 : vector<16xf32>
      %add3A_1064 = arith.addf %add3A_1049, %mul3A_1063 : vector<16xf32>
      %slice3A_1065 = vector.extract_strided_slice %get3A_25 {offsets = [13], sizes = [1], strides = [1]} : vector<16xf32> to vector<1xf32>
      %squeeze3A_1066 = vector.extract %slice3A_1065[0] : f32 from vector<1xf32>
      %mul3A_1067 = vector.broadcast %squeeze3A_1066 : f32 to vector<16xf32>
      %mul3A_1068 = arith.mulf %mul3A_1059, %mul3A_1067 : vector<16xf32>
      %add3A_1069 = arith.addf %add3A_1054, %mul3A_1068 : vector<16xf32>
      %broadcast_in_dim3A_1070 = arith.constant 14 : i32
      %broadcast_in_dim3A_1071 = vector.broadcast %broadcast_in_dim3A_1070 : i32 to vector<16xi32>
      %gather3A_1072 = tpu.vector_load_idx %arg8[%add3A_852, %broadcast_in_dim3A_1071] : memref<96x64xf32, #tpu.memory_space<vmem>>[vector<16xi32>, vector<16xi32>], vector<16xf32>,
      %gather3A_1073 = tpu.vector_load_idx %arg8[%add3A_856, %broadcast_in_dim3A_1071] : memref<96x64xf32, #tpu.memory_space<vmem>>[vector<16xi32>, vector<16xi32>], vector<16xf32>,
      %mul3A_1074 = arith.mulf %gather3A_1072, %gather3A_1073 : vector<16xf32>
      %slice3A_1075 = vector.extract_strided_slice %get3A_9 {offsets = [14], sizes = [1], strides = [1]} : vector<16xf32> to vector<1xf32>
      %squeeze3A_1076 = vector.extract %slice3A_1075[0] : f32 from vector<1xf32>
      %mul3A_1077 = vector.broadcast %squeeze3A_1076 : f32 to vector<16xf32>
      %mul3A_1078 = arith.mulf %mul3A_1074, %mul3A_1077 : vector<16xf32>
      %add3A_1079 = arith.addf %add3A_1064, %mul3A_1078 : vector<16xf32>
      %slice3A_1080 = vector.extract_strided_slice %get3A_25 {offsets = [14], sizes = [1], strides = [1]} : vector<16xf32> to vector<1xf32>
      %squeeze3A_1081 = vector.extract %slice3A_1080[0] : f32 from vector<1xf32>
      %mul3A_1082 = vector.broadcast %squeeze3A_1081 : f32 to vector<16xf32>
      %mul3A_1083 = arith.mulf %mul3A_1074, %mul3A_1082 : vector<16xf32>
      %add3A_1084 = arith.addf %add3A_1069, %mul3A_1083 : vector<16xf32>
      %broadcast_in_dim3A_1085 = arith.constant 15 : i32
      %broadcast_in_dim3A_1086 = vector.broadcast %broadcast_in_dim3A_1085 : i32 to vector<16xi32>
      %gather3A_1087 = tpu.vector_load_idx %arg8[%add3A_852, %broadcast_in_dim3A_1086] : memref<96x64xf32, #tpu.memory_space<vmem>>[vector<16xi32>, vector<16xi32>], vector<16xf32>,
      %gather3A_1088 = tpu.vector_load_idx %arg8[%add3A_856, %broadcast_in_dim3A_1086] : memref<96x64xf32, #tpu.memory_space<vmem>>[vector<16xi32>, vector<16xi32>], vector<16xf32>,
      %mul3A_1089 = arith.mulf %gather3A_1087, %gather3A_1088 : vector<16xf32>
      %slice3A_1090 = vector.extract_strided_slice %get3A_9 {offsets = [15], sizes = [1], strides = [1]} : vector<16xf32> to vector<1xf32>
      %squeeze3A_1091 = vector.extract %slice3A_1090[0] : f32 from vector<1xf32>
      %mul3A_1092 = vector.broadcast %squeeze3A_1091 : f32 to vector<16xf32>
      %mul3A_1093 = arith.mulf %mul3A_1089, %mul3A_1092 : vector<16xf32>
      %add3A_1094 = arith.addf %add3A_1079, %mul3A_1093 : vector<16xf32>
      %slice3A_1095 = vector.extract_strided_slice %get3A_25 {offsets = [15], sizes = [1], strides = [1]} : vector<16xf32> to vector<1xf32>
      %squeeze3A_1096 = vector.extract %slice3A_1095[0] : f32 from vector<1xf32>
      %mul3A_1097 = vector.broadcast %squeeze3A_1096 : f32 to vector<16xf32>
      %mul3A_1098 = arith.mulf %mul3A_1089, %mul3A_1097 : vector<16xf32>
      %add3A_1099 = arith.addf %add3A_1084, %mul3A_1098 : vector<16xf32>
      %broadcast_in_dim3A_1100 = arith.constant 16 : i32
      %broadcast_in_dim3A_1101 = vector.broadcast %broadcast_in_dim3A_1100 : i32 to vector<16xi32>
      %gather3A_1102 = tpu.vector_load_idx %arg8[%add3A_852, %broadcast_in_dim3A_1101] : memref<96x64xf32, #tpu.memory_space<vmem>>[vector<16xi32>, vector<16xi32>], vector<16xf32>,
      %gather3A_1103 = tpu.vector_load_idx %arg8[%add3A_856, %broadcast_in_dim3A_1101] : memref<96x64xf32, #tpu.memory_space<vmem>>[vector<16xi32>, vector<16xi32>], vector<16xf32>,
      %mul3A_1104 = arith.mulf %gather3A_1102, %gather3A_1103 : vector<16xf32>
      %slice3A_1105 = vector.extract_strided_slice %get3A_13 {offsets = [0], sizes = [1], strides = [1]} : vector<16xf32> to vector<1xf32>
      %squeeze3A_1106 = vector.extract %slice3A_1105[0] : f32 from vector<1xf32>
      %mul3A_1107 = vector.broadcast %squeeze3A_1106 : f32 to vector<16xf32>
      %mul3A_1108 = arith.mulf %mul3A_1104, %mul3A_1107 : vector<16xf32>
      %add3A_1109 = arith.addf %add3A_1094, %mul3A_1108 : vector<16xf32>
      %slice3A_1110 = vector.extract_strided_slice %get3A_29 {offsets = [0], sizes = [1], strides = [1]} : vector<16xf32> to vector<1xf32>
      %squeeze3A_1111 = vector.extract %slice3A_1110[0] : f32 from vector<1xf32>
      %mul3A_1112 = vector.broadcast %squeeze3A_1111 : f32 to vector<16xf32>
      %mul3A_1113 = arith.mulf %mul3A_1104, %mul3A_1112 : vector<16xf32>
      %add3A_1114 = arith.addf %add3A_1099, %mul3A_1113 : vector<16xf32>
      %broadcast_in_dim3A_1115 = arith.constant 17 : i32
      %broadcast_in_dim3A_1116 = vector.broadcast %broadcast_in_dim3A_1115 : i32 to vector<16xi32>
      %gather3A_1117 = tpu.vector_load_idx %arg8[%add3A_852, %broadcast_in_dim3A_1116] : memref<96x64xf32, #tpu.memory_space<vmem>>[vector<16xi32>, vector<16xi32>], vector<16xf32>,
      %gather3A_1118 = tpu.vector_load_idx %arg8[%add3A_856, %broadcast_in_dim3A_1116] : memref<96x64xf32, #tpu.memory_space<vmem>>[vector<16xi32>, vector<16xi32>], vector<16xf32>,
      %mul3A_1119 = arith.mulf %gather3A_1117, %gather3A_1118 : vector<16xf32>
      %slice3A_1120 = vector.extract_strided_slice %get3A_13 {offsets = [1], sizes = [1], strides = [1]} : vector<16xf32> to vector<1xf32>
      %squeeze3A_1121 = vector.extract %slice3A_1120[0] : f32 from vector<1xf32>
      %mul3A_1122 = vector.broadcast %squeeze3A_1121 : f32 to vector<16xf32>
      %mul3A_1123 = arith.mulf %mul3A_1119, %mul3A_1122 : vector<16xf32>
      %add3A_1124 = arith.addf %add3A_1109, %mul3A_1123 : vector<16xf32>
      %slice3A_1125 = vector.extract_strided_slice %get3A_29 {offsets = [1], sizes = [1], strides = [1]} : vector<16xf32> to vector<1xf32>
      %squeeze3A_1126 = vector.extract %slice3A_1125[0] : f32 from vector<1xf32>
      %mul3A_1127 = vector.broadcast %squeeze3A_1126 : f32 to vector<16xf32>
      %mul3A_1128 = arith.mulf %mul3A_1119, %mul3A_1127 : vector<16xf32>
      %add3A_1129 = arith.addf %add3A_1114, %mul3A_1128 : vector<16xf32>
      %broadcast_in_dim3A_1130 = arith.constant 18 : i32
      %broadcast_in_dim3A_1131 = vector.broadcast %broadcast_in_dim3A_1130 : i32 to vector<16xi32>
      %gather3A_1132 = tpu.vector_load_idx %arg8[%add3A_852, %broadcast_in_dim3A_1131] : memref<96x64xf32, #tpu.memory_space<vmem>>[vector<16xi32>, vector<16xi32>], vector<16xf32>,
      %gather3A_1133 = tpu.vector_load_idx %arg8[%add3A_856, %broadcast_in_dim3A_1131] : memref<96x64xf32, #tpu.memory_space<vmem>>[vector<16xi32>, vector<16xi32>], vector<16xf32>,
      %mul3A_1134 = arith.mulf %gather3A_1132, %gather3A_1133 : vector<16xf32>
      %slice3A_1135 = vector.extract_strided_slice %get3A_13 {offsets = [2], sizes = [1], strides = [1]} : vector<16xf32> to vector<1xf32>
      %squeeze3A_1136 = vector.extract %slice3A_1135[0] : f32 from vector<1xf32>
      %mul3A_1137 = vector.broadcast %squeeze3A_1136 : f32 to vector<16xf32>
      %mul3A_1138 = arith.mulf %mul3A_1134, %mul3A_1137 : vector<16xf32>
      %add3A_1139 = arith.addf %add3A_1124, %mul3A_1138 : vector<16xf32>
      %slice3A_1140 = vector.extract_strided_slice %get3A_29 {offsets = [2], sizes = [1], strides = [1]} : vector<16xf32> to vector<1xf32>
      %squeeze3A_1141 = vector.extract %slice3A_1140[0] : f32 from vector<1xf32>
      %mul3A_1142 = vector.broadcast %squeeze3A_1141 : f32 to vector<16xf32>
      %mul3A_1143 = arith.mulf %mul3A_1134, %mul3A_1142 : vector<16xf32>
      %add3A_1144 = arith.addf %add3A_1129, %mul3A_1143 : vector<16xf32>
      %broadcast_in_dim3A_1145 = arith.constant 19 : i32
      %broadcast_in_dim3A_1146 = vector.broadcast %broadcast_in_dim3A_1145 : i32 to vector<16xi32>
      %gather3A_1147 = tpu.vector_load_idx %arg8[%add3A_852, %broadcast_in_dim3A_1146] : memref<96x64xf32, #tpu.memory_space<vmem>>[vector<16xi32>, vector<16xi32>], vector<16xf32>,
      %gather3A_1148 = tpu.vector_load_idx %arg8[%add3A_856, %broadcast_in_dim3A_1146] : memref<96x64xf32, #tpu.memory_space<vmem>>[vector<16xi32>, vector<16xi32>], vector<16xf32>,
      %mul3A_1149 = arith.mulf %gather3A_1147, %gather3A_1148 : vector<16xf32>
      %slice3A_1150 = vector.extract_strided_slice %get3A_13 {offsets = [3], sizes = [1], strides = [1]} : vector<16xf32> to vector<1xf32>
      %squeeze3A_1151 = vector.extract %slice3A_1150[0] : f32 from vector<1xf32>
      %mul3A_1152 = vector.broadcast %squeeze3A_1151 : f32 to vector<16xf32>
      %mul3A_1153 = arith.mulf %mul3A_1149, %mul3A_1152 : vector<16xf32>
      %add3A_1154 = arith.addf %add3A_1139, %mul3A_1153 : vector<16xf32>
      %slice3A_1155 = vector.extract_strided_slice %get3A_29 {offsets = [3], sizes = [1], strides = [1]} : vector<16xf32> to vector<1xf32>
      %squeeze3A_1156 = vector.extract %slice3A_1155[0] : f32 from vector<1xf32>
      %mul3A_1157 = vector.broadcast %squeeze3A_1156 : f32 to vector<16xf32>
      %mul3A_1158 = arith.mulf %mul3A_1149, %mul3A_1157 : vector<16xf32>
      %add3A_1159 = arith.addf %add3A_1144, %mul3A_1158 : vector<16xf32>
      %broadcast_in_dim3A_1160 = arith.constant 20 : i32
      %broadcast_in_dim3A_1161 = vector.broadcast %broadcast_in_dim3A_1160 : i32 to vector<16xi32>
      %gather3A_1162 = tpu.vector_load_idx %arg8[%add3A_852, %broadcast_in_dim3A_1161] : memref<96x64xf32, #tpu.memory_space<vmem>>[vector<16xi32>, vector<16xi32>], vector<16xf32>,
      %gather3A_1163 = tpu.vector_load_idx %arg8[%add3A_856, %broadcast_in_dim3A_1161] : memref<96x64xf32, #tpu.memory_space<vmem>>[vector<16xi32>, vector<16xi32>], vector<16xf32>,
      %mul3A_1164 = arith.mulf %gather3A_1162, %gather3A_1163 : vector<16xf32>
      %slice3A_1165 = vector.extract_strided_slice %get3A_13 {offsets = [4], sizes = [1], strides = [1]} : vector<16xf32> to vector<1xf32>
      %squeeze3A_1166 = vector.extract %slice3A_1165[0] : f32 from vector<1xf32>
      %mul3A_1167 = vector.broadcast %squeeze3A_1166 : f32 to vector<16xf32>
      %mul3A_1168 = arith.mulf %mul3A_1164, %mul3A_1167 : vector<16xf32>
      %add3A_1169 = arith.addf %add3A_1154, %mul3A_1168 : vector<16xf32>
      %slice3A_1170 = vector.extract_strided_slice %get3A_29 {offsets = [4], sizes = [1], strides = [1]} : vector<16xf32> to vector<1xf32>
      %squeeze3A_1171 = vector.extract %slice3A_1170[0] : f32 from vector<1xf32>
      %mul3A_1172 = vector.broadcast %squeeze3A_1171 : f32 to vector<16xf32>
      %mul3A_1173 = arith.mulf %mul3A_1164, %mul3A_1172 : vector<16xf32>
      %add3A_1174 = arith.addf %add3A_1159, %mul3A_1173 : vector<16xf32>
      %broadcast_in_dim3A_1175 = arith.constant 21 : i32
      %broadcast_in_dim3A_1176 = vector.broadcast %broadcast_in_dim3A_1175 : i32 to vector<16xi32>
      %gather3A_1177 = tpu.vector_load_idx %arg8[%add3A_852, %broadcast_in_dim3A_1176] : memref<96x64xf32, #tpu.memory_space<vmem>>[vector<16xi32>, vector<16xi32>], vector<16xf32>,
      %gather3A_1178 = tpu.vector_load_idx %arg8[%add3A_856, %broadcast_in_dim3A_1176] : memref<96x64xf32, #tpu.memory_space<vmem>>[vector<16xi32>, vector<16xi32>], vector<16xf32>,
      %mul3A_1179 = arith.mulf %gather3A_1177, %gather3A_1178 : vector<16xf32>
      %slice3A_1180 = vector.extract_strided_slice %get3A_13 {offsets = [5], sizes = [1], strides = [1]} : vector<16xf32> to vector<1xf32>
      %squeeze3A_1181 = vector.extract %slice3A_1180[0] : f32 from vector<1xf32>
      %mul3A_1182 = vector.broadcast %squeeze3A_1181 : f32 to vector<16xf32>
      %mul3A_1183 = arith.mulf %mul3A_1179, %mul3A_1182 : vector<16xf32>
      %add3A_1184 = arith.addf %add3A_1169, %mul3A_1183 : vector<16xf32>
      %slice3A_1185 = vector.extract_strided_slice %get3A_29 {offsets = [5], sizes = [1], strides = [1]} : vector<16xf32> to vector<1xf32>
      %squeeze3A_1186 = vector.extract %slice3A_1185[0] : f32 from vector<1xf32>
      %mul3A_1187 = vector.broadcast %squeeze3A_1186 : f32 to vector<16xf32>
      %mul3A_1188 = arith.mulf %mul3A_1179, %mul3A_1187 : vector<16xf32>
      %add3A_1189 = arith.addf %add3A_1174, %mul3A_1188 : vector<16xf32>
      %broadcast_in_dim3A_1190 = arith.constant 22 : i32
      %broadcast_in_dim3A_1191 = vector.broadcast %broadcast_in_dim3A_1190 : i32 to vector<16xi32>
      %gather3A_1192 = tpu.vector_load_idx %arg8[%add3A_852, %broadcast_in_dim3A_1191] : memref<96x64xf32, #tpu.memory_space<vmem>>[vector<16xi32>, vector<16xi32>], vector<16xf32>,
      %gather3A_1193 = tpu.vector_load_idx %arg8[%add3A_856, %broadcast_in_dim3A_1191] : memref<96x64xf32, #tpu.memory_space<vmem>>[vector<16xi32>, vector<16xi32>], vector<16xf32>,
      %mul3A_1194 = arith.mulf %gather3A_1192, %gather3A_1193 : vector<16xf32>
      %slice3A_1195 = vector.extract_strided_slice %get3A_13 {offsets = [6], sizes = [1], strides = [1]} : vector<16xf32> to vector<1xf32>
      %squeeze3A_1196 = vector.extract %slice3A_1195[0] : f32 from vector<1xf32>
      %mul3A_1197 = vector.broadcast %squeeze3A_1196 : f32 to vector<16xf32>
      %mul3A_1198 = arith.mulf %mul3A_1194, %mul3A_1197 : vector<16xf32>
      %add3A_1199 = arith.addf %add3A_1184, %mul3A_1198 : vector<16xf32>
      %slice3A_1200 = vector.extract_strided_slice %get3A_29 {offsets = [6], sizes = [1], strides = [1]} : vector<16xf32> to vector<1xf32>
      %squeeze3A_1201 = vector.extract %slice3A_1200[0] : f32 from vector<1xf32>
      %mul3A_1202 = vector.broadcast %squeeze3A_1201 : f32 to vector<16xf32>
      %mul3A_1203 = arith.mulf %mul3A_1194, %mul3A_1202 : vector<16xf32>
      %add3A_1204 = arith.addf %add3A_1189, %mul3A_1203 : vector<16xf32>
      %broadcast_in_dim3A_1205 = arith.constant 23 : i32
      %broadcast_in_dim3A_1206 = vector.broadcast %broadcast_in_dim3A_1205 : i32 to vector<16xi32>
      %gather3A_1207 = tpu.vector_load_idx %arg8[%add3A_852, %broadcast_in_dim3A_1206] : memref<96x64xf32, #tpu.memory_space<vmem>>[vector<16xi32>, vector<16xi32>], vector<16xf32>,
      %gather3A_1208 = tpu.vector_load_idx %arg8[%add3A_856, %broadcast_in_dim3A_1206] : memref<96x64xf32, #tpu.memory_space<vmem>>[vector<16xi32>, vector<16xi32>], vector<16xf32>,
      %mul3A_1209 = arith.mulf %gather3A_1207, %gather3A_1208 : vector<16xf32>
      %slice3A_1210 = vector.extract_strided_slice %get3A_13 {offsets = [7], sizes = [1], strides = [1]} : vector<16xf32> to vector<1xf32>
      %squeeze3A_1211 = vector.extract %slice3A_1210[0] : f32 from vector<1xf32>
      %mul3A_1212 = vector.broadcast %squeeze3A_1211 : f32 to vector<16xf32>
      %mul3A_1213 = arith.mulf %mul3A_1209, %mul3A_1212 : vector<16xf32>
      %add3A_1214 = arith.addf %add3A_1199, %mul3A_1213 : vector<16xf32>
      %slice3A_1215 = vector.extract_strided_slice %get3A_29 {offsets = [7], sizes = [1], strides = [1]} : vector<16xf32> to vector<1xf32>
      %squeeze3A_1216 = vector.extract %slice3A_1215[0] : f32 from vector<1xf32>
      %mul3A_1217 = vector.broadcast %squeeze3A_1216 : f32 to vector<16xf32>
      %mul3A_1218 = arith.mulf %mul3A_1209, %mul3A_1217 : vector<16xf32>
      %add3A_1219 = arith.addf %add3A_1204, %mul3A_1218 : vector<16xf32>
      %broadcast_in_dim3A_1220 = arith.constant 24 : i32
      %broadcast_in_dim3A_1221 = vector.broadcast %broadcast_in_dim3A_1220 : i32 to vector<16xi32>
      %gather3A_1222 = tpu.vector_load_idx %arg8[%add3A_852, %broadcast_in_dim3A_1221] : memref<96x64xf32, #tpu.memory_space<vmem>>[vector<16xi32>, vector<16xi32>], vector<16xf32>,
      %gather3A_1223 = tpu.vector_load_idx %arg8[%add3A_856, %broadcast_in_dim3A_1221] : memref<96x64xf32, #tpu.memory_space<vmem>>[vector<16xi32>, vector<16xi32>], vector<16xf32>,
      %mul3A_1224 = arith.mulf %gather3A_1222, %gather3A_1223 : vector<16xf32>
      %slice3A_1225 = vector.extract_strided_slice %get3A_13 {offsets = [8], sizes = [1], strides = [1]} : vector<16xf32> to vector<1xf32>
      %squeeze3A_1226 = vector.extract %slice3A_1225[0] : f32 from vector<1xf32>
      %mul3A_1227 = vector.broadcast %squeeze3A_1226 : f32 to vector<16xf32>
      %mul3A_1228 = arith.mulf %mul3A_1224, %mul3A_1227 : vector<16xf32>
      %add3A_1229 = arith.addf %add3A_1214, %mul3A_1228 : vector<16xf32>
      %slice3A_1230 = vector.extract_strided_slice %get3A_29 {offsets = [8], sizes = [1], strides = [1]} : vector<16xf32> to vector<1xf32>
      %squeeze3A_1231 = vector.extract %slice3A_1230[0] : f32 from vector<1xf32>
      %mul3A_1232 = vector.broadcast %squeeze3A_1231 : f32 to vector<16xf32>
      %mul3A_1233 = arith.mulf %mul3A_1224, %mul3A_1232 : vector<16xf32>
      %add3A_1234 = arith.addf %add3A_1219, %mul3A_1233 : vector<16xf32>
      %broadcast_in_dim3A_1235 = arith.constant 25 : i32
      %broadcast_in_dim3A_1236 = vector.broadcast %broadcast_in_dim3A_1235 : i32 to vector<16xi32>
      %gather3A_1237 = tpu.vector_load_idx %arg8[%add3A_852, %broadcast_in_dim3A_1236] : memref<96x64xf32, #tpu.memory_space<vmem>>[vector<16xi32>, vector<16xi32>], vector<16xf32>,
      %gather3A_1238 = tpu.vector_load_idx %arg8[%add3A_856, %broadcast_in_dim3A_1236] : memref<96x64xf32, #tpu.memory_space<vmem>>[vector<16xi32>, vector<16xi32>], vector<16xf32>,
      %mul3A_1239 = arith.mulf %gather3A_1237, %gather3A_1238 : vector<16xf32>
      %slice3A_1240 = vector.extract_strided_slice %get3A_13 {offsets = [9], sizes = [1], strides = [1]} : vector<16xf32> to vector<1xf32>
      %squeeze3A_1241 = vector.extract %slice3A_1240[0] : f32 from vector<1xf32>
      %mul3A_1242 = vector.broadcast %squeeze3A_1241 : f32 to vector<16xf32>
      %mul3A_1243 = arith.mulf %mul3A_1239, %mul3A_1242 : vector<16xf32>
      %add3A_1244 = arith.addf %add3A_1229, %mul3A_1243 : vector<16xf32>
      %slice3A_1245 = vector.extract_strided_slice %get3A_29 {offsets = [9], sizes = [1], strides = [1]} : vector<16xf32> to vector<1xf32>
      %squeeze3A_1246 = vector.extract %slice3A_1245[0] : f32 from vector<1xf32>
      %mul3A_1247 = vector.broadcast %squeeze3A_1246 : f32 to vector<16xf32>
      %mul3A_1248 = arith.mulf %mul3A_1239, %mul3A_1247 : vector<16xf32>
      %add3A_1249 = arith.addf %add3A_1234, %mul3A_1248 : vector<16xf32>
      %broadcast_in_dim3A_1250 = arith.constant 26 : i32
      %broadcast_in_dim3A_1251 = vector.broadcast %broadcast_in_dim3A_1250 : i32 to vector<16xi32>
      %gather3A_1252 = tpu.vector_load_idx %arg8[%add3A_852, %broadcast_in_dim3A_1251] : memref<96x64xf32, #tpu.memory_space<vmem>>[vector<16xi32>, vector<16xi32>], vector<16xf32>,
      %gather3A_1253 = tpu.vector_load_idx %arg8[%add3A_856, %broadcast_in_dim3A_1251] : memref<96x64xf32, #tpu.memory_space<vmem>>[vector<16xi32>, vector<16xi32>], vector<16xf32>,
      %mul3A_1254 = arith.mulf %gather3A_1252, %gather3A_1253 : vector<16xf32>
      %slice3A_1255 = vector.extract_strided_slice %get3A_13 {offsets = [10], sizes = [1], strides = [1]} : vector<16xf32> to vector<1xf32>
      %squeeze3A_1256 = vector.extract %slice3A_1255[0] : f32 from vector<1xf32>
      %mul3A_1257 = vector.broadcast %squeeze3A_1256 : f32 to vector<16xf32>
      %mul3A_1258 = arith.mulf %mul3A_1254, %mul3A_1257 : vector<16xf32>
      %add3A_1259 = arith.addf %add3A_1244, %mul3A_1258 : vector<16xf32>
      %slice3A_1260 = vector.extract_strided_slice %get3A_29 {offsets = [10], sizes = [1], strides = [1]} : vector<16xf32> to vector<1xf32>
      %squeeze3A_1261 = vector.extract %slice3A_1260[0] : f32 from vector<1xf32>
      %mul3A_1262 = vector.broadcast %squeeze3A_1261 : f32 to vector<16xf32>
      %mul3A_1263 = arith.mulf %mul3A_1254, %mul3A_1262 : vector<16xf32>
      %add3A_1264 = arith.addf %add3A_1249, %mul3A_1263 : vector<16xf32>
      %broadcast_in_dim3A_1265 = arith.constant 27 : i32
      %broadcast_in_dim3A_1266 = vector.broadcast %broadcast_in_dim3A_1265 : i32 to vector<16xi32>
      %gather3A_1267 = tpu.vector_load_idx %arg8[%add3A_852, %broadcast_in_dim3A_1266] : memref<96x64xf32, #tpu.memory_space<vmem>>[vector<16xi32>, vector<16xi32>], vector<16xf32>,
      %gather3A_1268 = tpu.vector_load_idx %arg8[%add3A_856, %broadcast_in_dim3A_1266] : memref<96x64xf32, #tpu.memory_space<vmem>>[vector<16xi32>, vector<16xi32>], vector<16xf32>,
      %mul3A_1269 = arith.mulf %gather3A_1267, %gather3A_1268 : vector<16xf32>
      %slice3A_1270 = vector.extract_strided_slice %get3A_13 {offsets = [11], sizes = [1], strides = [1]} : vector<16xf32> to vector<1xf32>
      %squeeze3A_1271 = vector.extract %slice3A_1270[0] : f32 from vector<1xf32>
      %mul3A_1272 = vector.broadcast %squeeze3A_1271 : f32 to vector<16xf32>
      %mul3A_1273 = arith.mulf %mul3A_1269, %mul3A_1272 : vector<16xf32>
      %add3A_1274 = arith.addf %add3A_1259, %mul3A_1273 : vector<16xf32>
      %slice3A_1275 = vector.extract_strided_slice %get3A_29 {offsets = [11], sizes = [1], strides = [1]} : vector<16xf32> to vector<1xf32>
      %squeeze3A_1276 = vector.extract %slice3A_1275[0] : f32 from vector<1xf32>
      %mul3A_1277 = vector.broadcast %squeeze3A_1276 : f32 to vector<16xf32>
      %mul3A_1278 = arith.mulf %mul3A_1269, %mul3A_1277 : vector<16xf32>
      %add3A_1279 = arith.addf %add3A_1264, %mul3A_1278 : vector<16xf32>
      %broadcast_in_dim3A_1280 = arith.constant 28 : i32
      %broadcast_in_dim3A_1281 = vector.broadcast %broadcast_in_dim3A_1280 : i32 to vector<16xi32>
      %gather3A_1282 = tpu.vector_load_idx %arg8[%add3A_852, %broadcast_in_dim3A_1281] : memref<96x64xf32, #tpu.memory_space<vmem>>[vector<16xi32>, vector<16xi32>], vector<16xf32>,
      %gather3A_1283 = tpu.vector_load_idx %arg8[%add3A_856, %broadcast_in_dim3A_1281] : memref<96x64xf32, #tpu.memory_space<vmem>>[vector<16xi32>, vector<16xi32>], vector<16xf32>,
      %mul3A_1284 = arith.mulf %gather3A_1282, %gather3A_1283 : vector<16xf32>
      %slice3A_1285 = vector.extract_strided_slice %get3A_13 {offsets = [12], sizes = [1], strides = [1]} : vector<16xf32> to vector<1xf32>
      %squeeze3A_1286 = vector.extract %slice3A_1285[0] : f32 from vector<1xf32>
      %mul3A_1287 = vector.broadcast %squeeze3A_1286 : f32 to vector<16xf32>
      %mul3A_1288 = arith.mulf %mul3A_1284, %mul3A_1287 : vector<16xf32>
      %add3A_1289 = arith.addf %add3A_1274, %mul3A_1288 : vector<16xf32>
      %slice3A_1290 = vector.extract_strided_slice %get3A_29 {offsets = [12], sizes = [1], strides = [1]} : vector<16xf32> to vector<1xf32>
      %squeeze3A_1291 = vector.extract %slice3A_1290[0] : f32 from vector<1xf32>
      %mul3A_1292 = vector.broadcast %squeeze3A_1291 : f32 to vector<16xf32>
      %mul3A_1293 = arith.mulf %mul3A_1284, %mul3A_1292 : vector<16xf32>
      %add3A_1294 = arith.addf %add3A_1279, %mul3A_1293 : vector<16xf32>
      %broadcast_in_dim3A_1295 = arith.constant 29 : i32
      %broadcast_in_dim3A_1296 = vector.broadcast %broadcast_in_dim3A_1295 : i32 to vector<16xi32>
      %gather3A_1297 = tpu.vector_load_idx %arg8[%add3A_852, %broadcast_in_dim3A_1296] : memref<96x64xf32, #tpu.memory_space<vmem>>[vector<16xi32>, vector<16xi32>], vector<16xf32>,
      %gather3A_1298 = tpu.vector_load_idx %arg8[%add3A_856, %broadcast_in_dim3A_1296] : memref<96x64xf32, #tpu.memory_space<vmem>>[vector<16xi32>, vector<16xi32>], vector<16xf32>,
      %mul3A_1299 = arith.mulf %gather3A_1297, %gather3A_1298 : vector<16xf32>
      %slice3A_1300 = vector.extract_strided_slice %get3A_13 {offsets = [13], sizes = [1], strides = [1]} : vector<16xf32> to vector<1xf32>
      %squeeze3A_1301 = vector.extract %slice3A_1300[0] : f32 from vector<1xf32>
      %mul3A_1302 = vector.broadcast %squeeze3A_1301 : f32 to vector<16xf32>
      %mul3A_1303 = arith.mulf %mul3A_1299, %mul3A_1302 : vector<16xf32>
      %add3A_1304 = arith.addf %add3A_1289, %mul3A_1303 : vector<16xf32>
      %slice3A_1305 = vector.extract_strided_slice %get3A_29 {offsets = [13], sizes = [1], strides = [1]} : vector<16xf32> to vector<1xf32>
      %squeeze3A_1306 = vector.extract %slice3A_1305[0] : f32 from vector<1xf32>
      %mul3A_1307 = vector.broadcast %squeeze3A_1306 : f32 to vector<16xf32>
      %mul3A_1308 = arith.mulf %mul3A_1299, %mul3A_1307 : vector<16xf32>
      %add3A_1309 = arith.addf %add3A_1294, %mul3A_1308 : vector<16xf32>
      %broadcast_in_dim3A_1310 = arith.constant 30 : i32
      %broadcast_in_dim3A_1311 = vector.broadcast %broadcast_in_dim3A_1310 : i32 to vector<16xi32>
      %gather3A_1312 = tpu.vector_load_idx %arg8[%add3A_852, %broadcast_in_dim3A_1311] : memref<96x64xf32, #tpu.memory_space<vmem>>[vector<16xi32>, vector<16xi32>], vector<16xf32>,
      %gather3A_1313 = tpu.vector_load_idx %arg8[%add3A_856, %broadcast_in_dim3A_1311] : memref<96x64xf32, #tpu.memory_space<vmem>>[vector<16xi32>, vector<16xi32>], vector<16xf32>,
      %mul3A_1314 = arith.mulf %gather3A_1312, %gather3A_1313 : vector<16xf32>
      %slice3A_1315 = vector.extract_strided_slice %get3A_13 {offsets = [14], sizes = [1], strides = [1]} : vector<16xf32> to vector<1xf32>
      %squeeze3A_1316 = vector.extract %slice3A_1315[0] : f32 from vector<1xf32>
      %mul3A_1317 = vector.broadcast %squeeze3A_1316 : f32 to vector<16xf32>
      %mul3A_1318 = arith.mulf %mul3A_1314, %mul3A_1317 : vector<16xf32>
      %add3A_1319 = arith.addf %add3A_1304, %mul3A_1318 : vector<16xf32>
      %slice3A_1320 = vector.extract_strided_slice %get3A_29 {offsets = [14], sizes = [1], strides = [1]} : vector<16xf32> to vector<1xf32>
      %squeeze3A_1321 = vector.extract %slice3A_1320[0] : f32 from vector<1xf32>
      %mul3A_1322 = vector.broadcast %squeeze3A_1321 : f32 to vector<16xf32>
      %mul3A_1323 = arith.mulf %mul3A_1314, %mul3A_1322 : vector<16xf32>
      %add3A_1324 = arith.addf %add3A_1309, %mul3A_1323 : vector<16xf32>
      %broadcast_in_dim3A_1325 = arith.constant 31 : i32
      %broadcast_in_dim3A_1326 = vector.broadcast %broadcast_in_dim3A_1325 : i32 to vector<16xi32>
      %gather3A_1327 = tpu.vector_load_idx %arg8[%add3A_852, %broadcast_in_dim3A_1326] : memref<96x64xf32, #tpu.memory_space<vmem>>[vector<16xi32>, vector<16xi32>], vector<16xf32>,
      %gather3A_1328 = tpu.vector_load_idx %arg8[%add3A_856, %broadcast_in_dim3A_1326] : memref<96x64xf32, #tpu.memory_space<vmem>>[vector<16xi32>, vector<16xi32>], vector<16xf32>,
      %mul3A_1329 = arith.mulf %gather3A_1327, %gather3A_1328 : vector<16xf32>
      %slice3A_1330 = vector.extract_strided_slice %get3A_13 {offsets = [15], sizes = [1], strides = [1]} : vector<16xf32> to vector<1xf32>
      %squeeze3A_1331 = vector.extract %slice3A_1330[0] : f32 from vector<1xf32>
      %mul3A_1332 = vector.broadcast %squeeze3A_1331 : f32 to vector<16xf32>
      %mul3A_1333 = arith.mulf %mul3A_1329, %mul3A_1332 : vector<16xf32>
      %add3A_1334 = arith.addf %add3A_1319, %mul3A_1333 : vector<16xf32>
      %slice3A_1335 = vector.extract_strided_slice %get3A_29 {offsets = [15], sizes = [1], strides = [1]} : vector<16xf32> to vector<1xf32>
      %squeeze3A_1336 = vector.extract %slice3A_1335[0] : f32 from vector<1xf32>
      %mul3A_1337 = vector.broadcast %squeeze3A_1336 : f32 to vector<16xf32>
      %mul3A_1338 = arith.mulf %mul3A_1329, %mul3A_1337 : vector<16xf32>
      %add3A_1339 = arith.addf %add3A_1324, %mul3A_1338 : vector<16xf32>
      %broadcast_in_dim3A_1340 = arith.constant 32 : i32
      %broadcast_in_dim3A_1341 = vector.broadcast %broadcast_in_dim3A_1340 : i32 to vector<16xi32>
      %gather3A_1342 = tpu.vector_load_idx %arg8[%add3A_852, %broadcast_in_dim3A_1341] : memref<96x64xf32, #tpu.memory_space<vmem>>[vector<16xi32>, vector<16xi32>], vector<16xf32>,
      %gather3A_1343 = tpu.vector_load_idx %arg8[%add3A_856, %broadcast_in_dim3A_1341] : memref<96x64xf32, #tpu.memory_space<vmem>>[vector<16xi32>, vector<16xi32>], vector<16xf32>,
      %mul3A_1344 = arith.mulf %gather3A_1342, %gather3A_1343 : vector<16xf32>
      %slice3A_1345 = vector.extract_strided_slice %get3A_17 {offsets = [0], sizes = [1], strides = [1]} : vector<16xf32> to vector<1xf32>
      %squeeze3A_1346 = vector.extract %slice3A_1345[0] : f32 from vector<1xf32>
      %mul3A_1347 = vector.broadcast %squeeze3A_1346 : f32 to vector<16xf32>
      %mul3A_1348 = arith.mulf %mul3A_1344, %mul3A_1347 : vector<16xf32>
      %add3A_1349 = arith.addf %add3A_1334, %mul3A_1348 : vector<16xf32>
      %slice3A_1350 = vector.extract_strided_slice %get3A_33 {offsets = [0], sizes = [1], strides = [1]} : vector<16xf32> to vector<1xf32>
      %squeeze3A_1351 = vector.extract %slice3A_1350[0] : f32 from vector<1xf32>
      %mul3A_1352 = vector.broadcast %squeeze3A_1351 : f32 to vector<16xf32>
      %mul3A_1353 = arith.mulf %mul3A_1344, %mul3A_1352 : vector<16xf32>
      %add3A_1354 = arith.addf %add3A_1339, %mul3A_1353 : vector<16xf32>
      %broadcast_in_dim3A_1355 = arith.constant 33 : i32
      %broadcast_in_dim3A_1356 = vector.broadcast %broadcast_in_dim3A_1355 : i32 to vector<16xi32>
      %gather3A_1357 = tpu.vector_load_idx %arg8[%add3A_852, %broadcast_in_dim3A_1356] : memref<96x64xf32, #tpu.memory_space<vmem>>[vector<16xi32>, vector<16xi32>], vector<16xf32>,
      %gather3A_1358 = tpu.vector_load_idx %arg8[%add3A_856, %broadcast_in_dim3A_1356] : memref<96x64xf32, #tpu.memory_space<vmem>>[vector<16xi32>, vector<16xi32>], vector<16xf32>,
      %mul3A_1359 = arith.mulf %gather3A_1357, %gather3A_1358 : vector<16xf32>
      %slice3A_1360 = vector.extract_strided_slice %get3A_17 {offsets = [1], sizes = [1], strides = [1]} : vector<16xf32> to vector<1xf32>
      %squeeze3A_1361 = vector.extract %slice3A_1360[0] : f32 from vector<1xf32>
      %mul3A_1362 = vector.broadcast %squeeze3A_1361 : f32 to vector<16xf32>
      %mul3A_1363 = arith.mulf %mul3A_1359, %mul3A_1362 : vector<16xf32>
      %add3A_1364 = arith.addf %add3A_1349, %mul3A_1363 : vector<16xf32>
      %slice3A_1365 = vector.extract_strided_slice %get3A_33 {offsets = [1], sizes = [1], strides = [1]} : vector<16xf32> to vector<1xf32>
      %squeeze3A_1366 = vector.extract %slice3A_1365[0] : f32 from vector<1xf32>
      %mul3A_1367 = vector.broadcast %squeeze3A_1366 : f32 to vector<16xf32>
      %mul3A_1368 = arith.mulf %mul3A_1359, %mul3A_1367 : vector<16xf32>
      %add3A_1369 = arith.addf %add3A_1354, %mul3A_1368 : vector<16xf32>
      %broadcast_in_dim3A_1370 = arith.constant 34 : i32
      %broadcast_in_dim3A_1371 = vector.broadcast %broadcast_in_dim3A_1370 : i32 to vector<16xi32>
      %gather3A_1372 = tpu.vector_load_idx %arg8[%add3A_852, %broadcast_in_dim3A_1371] : memref<96x64xf32, #tpu.memory_space<vmem>>[vector<16xi32>, vector<16xi32>], vector<16xf32>,
      %gather3A_1373 = tpu.vector_load_idx %arg8[%add3A_856, %broadcast_in_dim3A_1371] : memref<96x64xf32, #tpu.memory_space<vmem>>[vector<16xi32>, vector<16xi32>], vector<16xf32>,
      %mul3A_1374 = arith.mulf %gather3A_1372, %gather3A_1373 : vector<16xf32>
      %slice3A_1375 = vector.extract_strided_slice %get3A_17 {offsets = [2], sizes = [1], strides = [1]} : vector<16xf32> to vector<1xf32>
      %squeeze3A_1376 = vector.extract %slice3A_1375[0] : f32 from vector<1xf32>
      %mul3A_1377 = vector.broadcast %squeeze3A_1376 : f32 to vector<16xf32>
      %mul3A_1378 = arith.mulf %mul3A_1374, %mul3A_1377 : vector<16xf32>
      %add3A_1379 = arith.addf %add3A_1364, %mul3A_1378 : vector<16xf32>
      %slice3A_1380 = vector.extract_strided_slice %get3A_33 {offsets = [2], sizes = [1], strides = [1]} : vector<16xf32> to vector<1xf32>
      %squeeze3A_1381 = vector.extract %slice3A_1380[0] : f32 from vector<1xf32>
      %mul3A_1382 = vector.broadcast %squeeze3A_1381 : f32 to vector<16xf32>
      %mul3A_1383 = arith.mulf %mul3A_1374, %mul3A_1382 : vector<16xf32>
      %add3A_1384 = arith.addf %add3A_1369, %mul3A_1383 : vector<16xf32>
      %broadcast_in_dim3A_1385 = arith.constant 35 : i32
      %broadcast_in_dim3A_1386 = vector.broadcast %broadcast_in_dim3A_1385 : i32 to vector<16xi32>
      %gather3A_1387 = tpu.vector_load_idx %arg8[%add3A_852, %broadcast_in_dim3A_1386] : memref<96x64xf32, #tpu.memory_space<vmem>>[vector<16xi32>, vector<16xi32>], vector<16xf32>,
      %gather3A_1388 = tpu.vector_load_idx %arg8[%add3A_856, %broadcast_in_dim3A_1386] : memref<96x64xf32, #tpu.memory_space<vmem>>[vector<16xi32>, vector<16xi32>], vector<16xf32>,
      %mul3A_1389 = arith.mulf %gather3A_1387, %gather3A_1388 : vector<16xf32>
      %slice3A_1390 = vector.extract_strided_slice %get3A_17 {offsets = [3], sizes = [1], strides = [1]} : vector<16xf32> to vector<1xf32>
      %squeeze3A_1391 = vector.extract %slice3A_1390[0] : f32 from vector<1xf32>
      %mul3A_1392 = vector.broadcast %squeeze3A_1391 : f32 to vector<16xf32>
      %mul3A_1393 = arith.mulf %mul3A_1389, %mul3A_1392 : vector<16xf32>
      %add3A_1394 = arith.addf %add3A_1379, %mul3A_1393 : vector<16xf32>
      %slice3A_1395 = vector.extract_strided_slice %get3A_33 {offsets = [3], sizes = [1], strides = [1]} : vector<16xf32> to vector<1xf32>
      %squeeze3A_1396 = vector.extract %slice3A_1395[0] : f32 from vector<1xf32>
      %mul3A_1397 = vector.broadcast %squeeze3A_1396 : f32 to vector<16xf32>
      %mul3A_1398 = arith.mulf %mul3A_1389, %mul3A_1397 : vector<16xf32>
      %add3A_1399 = arith.addf %add3A_1384, %mul3A_1398 : vector<16xf32>
      %broadcast_in_dim3A_1400 = arith.constant 36 : i32
      %broadcast_in_dim3A_1401 = vector.broadcast %broadcast_in_dim3A_1400 : i32 to vector<16xi32>
      %gather3A_1402 = tpu.vector_load_idx %arg8[%add3A_852, %broadcast_in_dim3A_1401] : memref<96x64xf32, #tpu.memory_space<vmem>>[vector<16xi32>, vector<16xi32>], vector<16xf32>,
      %gather3A_1403 = tpu.vector_load_idx %arg8[%add3A_856, %broadcast_in_dim3A_1401] : memref<96x64xf32, #tpu.memory_space<vmem>>[vector<16xi32>, vector<16xi32>], vector<16xf32>,
      %mul3A_1404 = arith.mulf %gather3A_1402, %gather3A_1403 : vector<16xf32>
      %slice3A_1405 = vector.extract_strided_slice %get3A_17 {offsets = [4], sizes = [1], strides = [1]} : vector<16xf32> to vector<1xf32>
      %squeeze3A_1406 = vector.extract %slice3A_1405[0] : f32 from vector<1xf32>
      %mul3A_1407 = vector.broadcast %squeeze3A_1406 : f32 to vector<16xf32>
      %mul3A_1408 = arith.mulf %mul3A_1404, %mul3A_1407 : vector<16xf32>
      %add3A_1409 = arith.addf %add3A_1394, %mul3A_1408 : vector<16xf32>
      %slice3A_1410 = vector.extract_strided_slice %get3A_33 {offsets = [4], sizes = [1], strides = [1]} : vector<16xf32> to vector<1xf32>
      %squeeze3A_1411 = vector.extract %slice3A_1410[0] : f32 from vector<1xf32>
      %mul3A_1412 = vector.broadcast %squeeze3A_1411 : f32 to vector<16xf32>
      %mul3A_1413 = arith.mulf %mul3A_1404, %mul3A_1412 : vector<16xf32>
      %add3A_1414 = arith.addf %add3A_1399, %mul3A_1413 : vector<16xf32>
      %broadcast_in_dim3A_1415 = arith.constant 37 : i32
      %broadcast_in_dim3A_1416 = vector.broadcast %broadcast_in_dim3A_1415 : i32 to vector<16xi32>
      %gather3A_1417 = tpu.vector_load_idx %arg8[%add3A_852, %broadcast_in_dim3A_1416] : memref<96x64xf32, #tpu.memory_space<vmem>>[vector<16xi32>, vector<16xi32>], vector<16xf32>,
      %gather3A_1418 = tpu.vector_load_idx %arg8[%add3A_856, %broadcast_in_dim3A_1416] : memref<96x64xf32, #tpu.memory_space<vmem>>[vector<16xi32>, vector<16xi32>], vector<16xf32>,
      %mul3A_1419 = arith.mulf %gather3A_1417, %gather3A_1418 : vector<16xf32>
      %slice3A_1420 = vector.extract_strided_slice %get3A_17 {offsets = [5], sizes = [1], strides = [1]} : vector<16xf32> to vector<1xf32>
      %squeeze3A_1421 = vector.extract %slice3A_1420[0] : f32 from vector<1xf32>
      %mul3A_1422 = vector.broadcast %squeeze3A_1421 : f32 to vector<16xf32>
      %mul3A_1423 = arith.mulf %mul3A_1419, %mul3A_1422 : vector<16xf32>
      %add3A_1424 = arith.addf %add3A_1409, %mul3A_1423 : vector<16xf32>
      %slice3A_1425 = vector.extract_strided_slice %get3A_33 {offsets = [5], sizes = [1], strides = [1]} : vector<16xf32> to vector<1xf32>
      %squeeze3A_1426 = vector.extract %slice3A_1425[0] : f32 from vector<1xf32>
      %mul3A_1427 = vector.broadcast %squeeze3A_1426 : f32 to vector<16xf32>
      %mul3A_1428 = arith.mulf %mul3A_1419, %mul3A_1427 : vector<16xf32>
      %add3A_1429 = arith.addf %add3A_1414, %mul3A_1428 : vector<16xf32>
      %broadcast_in_dim3A_1430 = arith.constant 38 : i32
      %broadcast_in_dim3A_1431 = vector.broadcast %broadcast_in_dim3A_1430 : i32 to vector<16xi32>
      %gather3A_1432 = tpu.vector_load_idx %arg8[%add3A_852, %broadcast_in_dim3A_1431] : memref<96x64xf32, #tpu.memory_space<vmem>>[vector<16xi32>, vector<16xi32>], vector<16xf32>,
      %gather3A_1433 = tpu.vector_load_idx %arg8[%add3A_856, %broadcast_in_dim3A_1431] : memref<96x64xf32, #tpu.memory_space<vmem>>[vector<16xi32>, vector<16xi32>], vector<16xf32>,
      %mul3A_1434 = arith.mulf %gather3A_1432, %gather3A_1433 : vector<16xf32>
      %slice3A_1435 = vector.extract_strided_slice %get3A_17 {offsets = [6], sizes = [1], strides = [1]} : vector<16xf32> to vector<1xf32>
      %squeeze3A_1436 = vector.extract %slice3A_1435[0] : f32 from vector<1xf32>
      %mul3A_1437 = vector.broadcast %squeeze3A_1436 : f32 to vector<16xf32>
      %mul3A_1438 = arith.mulf %mul3A_1434, %mul3A_1437 : vector<16xf32>
      %add3A_1439 = arith.addf %add3A_1424, %mul3A_1438 : vector<16xf32>
      %slice3A_1440 = vector.extract_strided_slice %get3A_33 {offsets = [6], sizes = [1], strides = [1]} : vector<16xf32> to vector<1xf32>
      %squeeze3A_1441 = vector.extract %slice3A_1440[0] : f32 from vector<1xf32>
      %mul3A_1442 = vector.broadcast %squeeze3A_1441 : f32 to vector<16xf32>
      %mul3A_1443 = arith.mulf %mul3A_1434, %mul3A_1442 : vector<16xf32>
      %add3A_1444 = arith.addf %add3A_1429, %mul3A_1443 : vector<16xf32>
      %broadcast_in_dim3A_1445 = arith.constant 39 : i32
      %broadcast_in_dim3A_1446 = vector.broadcast %broadcast_in_dim3A_1445 : i32 to vector<16xi32>
      %gather3A_1447 = tpu.vector_load_idx %arg8[%add3A_852, %broadcast_in_dim3A_1446] : memref<96x64xf32, #tpu.memory_space<vmem>>[vector<16xi32>, vector<16xi32>], vector<16xf32>,
      %gather3A_1448 = tpu.vector_load_idx %arg8[%add3A_856, %broadcast_in_dim3A_1446] : memref<96x64xf32, #tpu.memory_space<vmem>>[vector<16xi32>, vector<16xi32>], vector<16xf32>,
      %mul3A_1449 = arith.mulf %gather3A_1447, %gather3A_1448 : vector<16xf32>
      %slice3A_1450 = vector.extract_strided_slice %get3A_17 {offsets = [7], sizes = [1], strides = [1]} : vector<16xf32> to vector<1xf32>
      %squeeze3A_1451 = vector.extract %slice3A_1450[0] : f32 from vector<1xf32>
      %mul3A_1452 = vector.broadcast %squeeze3A_1451 : f32 to vector<16xf32>
      %mul3A_1453 = arith.mulf %mul3A_1449, %mul3A_1452 : vector<16xf32>
      %add3A_1454 = arith.addf %add3A_1439, %mul3A_1453 : vector<16xf32>
      %slice3A_1455 = vector.extract_strided_slice %get3A_33 {offsets = [7], sizes = [1], strides = [1]} : vector<16xf32> to vector<1xf32>
      %squeeze3A_1456 = vector.extract %slice3A_1455[0] : f32 from vector<1xf32>
      %mul3A_1457 = vector.broadcast %squeeze3A_1456 : f32 to vector<16xf32>
      %mul3A_1458 = arith.mulf %mul3A_1449, %mul3A_1457 : vector<16xf32>
      %add3A_1459 = arith.addf %add3A_1444, %mul3A_1458 : vector<16xf32>
      %broadcast_in_dim3A_1460 = arith.constant 40 : i32
      %broadcast_in_dim3A_1461 = vector.broadcast %broadcast_in_dim3A_1460 : i32 to vector<16xi32>
      %gather3A_1462 = tpu.vector_load_idx %arg8[%add3A_852, %broadcast_in_dim3A_1461] : memref<96x64xf32, #tpu.memory_space<vmem>>[vector<16xi32>, vector<16xi32>], vector<16xf32>,
      %gather3A_1463 = tpu.vector_load_idx %arg8[%add3A_856, %broadcast_in_dim3A_1461] : memref<96x64xf32, #tpu.memory_space<vmem>>[vector<16xi32>, vector<16xi32>], vector<16xf32>,
      %mul3A_1464 = arith.mulf %gather3A_1462, %gather3A_1463 : vector<16xf32>
      %slice3A_1465 = vector.extract_strided_slice %get3A_17 {offsets = [8], sizes = [1], strides = [1]} : vector<16xf32> to vector<1xf32>
      %squeeze3A_1466 = vector.extract %slice3A_1465[0] : f32 from vector<1xf32>
      %mul3A_1467 = vector.broadcast %squeeze3A_1466 : f32 to vector<16xf32>
      %mul3A_1468 = arith.mulf %mul3A_1464, %mul3A_1467 : vector<16xf32>
      %add3A_1469 = arith.addf %add3A_1454, %mul3A_1468 : vector<16xf32>
      %slice3A_1470 = vector.extract_strided_slice %get3A_33 {offsets = [8], sizes = [1], strides = [1]} : vector<16xf32> to vector<1xf32>
      %squeeze3A_1471 = vector.extract %slice3A_1470[0] : f32 from vector<1xf32>
      %mul3A_1472 = vector.broadcast %squeeze3A_1471 : f32 to vector<16xf32>
      %mul3A_1473 = arith.mulf %mul3A_1464, %mul3A_1472 : vector<16xf32>
      %add3A_1474 = arith.addf %add3A_1459, %mul3A_1473 : vector<16xf32>
      %broadcast_in_dim3A_1475 = arith.constant 41 : i32
      %broadcast_in_dim3A_1476 = vector.broadcast %broadcast_in_dim3A_1475 : i32 to vector<16xi32>
      %gather3A_1477 = tpu.vector_load_idx %arg8[%add3A_852, %broadcast_in_dim3A_1476] : memref<96x64xf32, #tpu.memory_space<vmem>>[vector<16xi32>, vector<16xi32>], vector<16xf32>,
      %gather3A_1478 = tpu.vector_load_idx %arg8[%add3A_856, %broadcast_in_dim3A_1476] : memref<96x64xf32, #tpu.memory_space<vmem>>[vector<16xi32>, vector<16xi32>], vector<16xf32>,
      %mul3A_1479 = arith.mulf %gather3A_1477, %gather3A_1478 : vector<16xf32>
      %slice3A_1480 = vector.extract_strided_slice %get3A_17 {offsets = [9], sizes = [1], strides = [1]} : vector<16xf32> to vector<1xf32>
      %squeeze3A_1481 = vector.extract %slice3A_1480[0] : f32 from vector<1xf32>
      %mul3A_1482 = vector.broadcast %squeeze3A_1481 : f32 to vector<16xf32>
      %mul3A_1483 = arith.mulf %mul3A_1479, %mul3A_1482 : vector<16xf32>
      %add3A_1484 = arith.addf %add3A_1469, %mul3A_1483 : vector<16xf32>
      %slice3A_1485 = vector.extract_strided_slice %get3A_33 {offsets = [9], sizes = [1], strides = [1]} : vector<16xf32> to vector<1xf32>
      %squeeze3A_1486 = vector.extract %slice3A_1485[0] : f32 from vector<1xf32>
      %mul3A_1487 = vector.broadcast %squeeze3A_1486 : f32 to vector<16xf32>
      %mul3A_1488 = arith.mulf %mul3A_1479, %mul3A_1487 : vector<16xf32>
      %add3A_1489 = arith.addf %add3A_1474, %mul3A_1488 : vector<16xf32>
      %broadcast_in_dim3A_1490 = arith.constant 42 : i32
      %broadcast_in_dim3A_1491 = vector.broadcast %broadcast_in_dim3A_1490 : i32 to vector<16xi32>
      %gather3A_1492 = tpu.vector_load_idx %arg8[%add3A_852, %broadcast_in_dim3A_1491] : memref<96x64xf32, #tpu.memory_space<vmem>>[vector<16xi32>, vector<16xi32>], vector<16xf32>,
      %gather3A_1493 = tpu.vector_load_idx %arg8[%add3A_856, %broadcast_in_dim3A_1491] : memref<96x64xf32, #tpu.memory_space<vmem>>[vector<16xi32>, vector<16xi32>], vector<16xf32>,
      %mul3A_1494 = arith.mulf %gather3A_1492, %gather3A_1493 : vector<16xf32>
      %slice3A_1495 = vector.extract_strided_slice %get3A_17 {offsets = [10], sizes = [1], strides = [1]} : vector<16xf32> to vector<1xf32>
      %squeeze3A_1496 = vector.extract %slice3A_1495[0] : f32 from vector<1xf32>
      %mul3A_1497 = vector.broadcast %squeeze3A_1496 : f32 to vector<16xf32>
      %mul3A_1498 = arith.mulf %mul3A_1494, %mul3A_1497 : vector<16xf32>
      %add3A_1499 = arith.addf %add3A_1484, %mul3A_1498 : vector<16xf32>
      %slice3A_1500 = vector.extract_strided_slice %get3A_33 {offsets = [10], sizes = [1], strides = [1]} : vector<16xf32> to vector<1xf32>
      %squeeze3A_1501 = vector.extract %slice3A_1500[0] : f32 from vector<1xf32>
      %mul3A_1502 = vector.broadcast %squeeze3A_1501 : f32 to vector<16xf32>
      %mul3A_1503 = arith.mulf %mul3A_1494, %mul3A_1502 : vector<16xf32>
      %add3A_1504 = arith.addf %add3A_1489, %mul3A_1503 : vector<16xf32>
      %broadcast_in_dim3A_1505 = arith.constant 43 : i32
      %broadcast_in_dim3A_1506 = vector.broadcast %broadcast_in_dim3A_1505 : i32 to vector<16xi32>
      %gather3A_1507 = tpu.vector_load_idx %arg8[%add3A_852, %broadcast_in_dim3A_1506] : memref<96x64xf32, #tpu.memory_space<vmem>>[vector<16xi32>, vector<16xi32>], vector<16xf32>,
      %gather3A_1508 = tpu.vector_load_idx %arg8[%add3A_856, %broadcast_in_dim3A_1506] : memref<96x64xf32, #tpu.memory_space<vmem>>[vector<16xi32>, vector<16xi32>], vector<16xf32>,
      %mul3A_1509 = arith.mulf %gather3A_1507, %gather3A_1508 : vector<16xf32>
      %slice3A_1510 = vector.extract_strided_slice %get3A_17 {offsets = [11], sizes = [1], strides = [1]} : vector<16xf32> to vector<1xf32>
      %squeeze3A_1511 = vector.extract %slice3A_1510[0] : f32 from vector<1xf32>
      %mul3A_1512 = vector.broadcast %squeeze3A_1511 : f32 to vector<16xf32>
      %mul3A_1513 = arith.mulf %mul3A_1509, %mul3A_1512 : vector<16xf32>
      %add3A_1514 = arith.addf %add3A_1499, %mul3A_1513 : vector<16xf32>
      %slice3A_1515 = vector.extract_strided_slice %get3A_33 {offsets = [11], sizes = [1], strides = [1]} : vector<16xf32> to vector<1xf32>
      %squeeze3A_1516 = vector.extract %slice3A_1515[0] : f32 from vector<1xf32>
      %mul3A_1517 = vector.broadcast %squeeze3A_1516 : f32 to vector<16xf32>
      %mul3A_1518 = arith.mulf %mul3A_1509, %mul3A_1517 : vector<16xf32>
      %add3A_1519 = arith.addf %add3A_1504, %mul3A_1518 : vector<16xf32>
      %broadcast_in_dim3A_1520 = arith.constant 44 : i32
      %broadcast_in_dim3A_1521 = vector.broadcast %broadcast_in_dim3A_1520 : i32 to vector<16xi32>
      %gather3A_1522 = tpu.vector_load_idx %arg8[%add3A_852, %broadcast_in_dim3A_1521] : memref<96x64xf32, #tpu.memory_space<vmem>>[vector<16xi32>, vector<16xi32>], vector<16xf32>,
      %gather3A_1523 = tpu.vector_load_idx %arg8[%add3A_856, %broadcast_in_dim3A_1521] : memref<96x64xf32, #tpu.memory_space<vmem>>[vector<16xi32>, vector<16xi32>], vector<16xf32>,
      %mul3A_1524 = arith.mulf %gather3A_1522, %gather3A_1523 : vector<16xf32>
      %slice3A_1525 = vector.extract_strided_slice %get3A_17 {offsets = [12], sizes = [1], strides = [1]} : vector<16xf32> to vector<1xf32>
      %squeeze3A_1526 = vector.extract %slice3A_1525[0] : f32 from vector<1xf32>
      %mul3A_1527 = vector.broadcast %squeeze3A_1526 : f32 to vector<16xf32>
      %mul3A_1528 = arith.mulf %mul3A_1524, %mul3A_1527 : vector<16xf32>
      %add3A_1529 = arith.addf %add3A_1514, %mul3A_1528 : vector<16xf32>
      %slice3A_1530 = vector.extract_strided_slice %get3A_33 {offsets = [12], sizes = [1], strides = [1]} : vector<16xf32> to vector<1xf32>
      %squeeze3A_1531 = vector.extract %slice3A_1530[0] : f32 from vector<1xf32>
      %mul3A_1532 = vector.broadcast %squeeze3A_1531 : f32 to vector<16xf32>
      %mul3A_1533 = arith.mulf %mul3A_1524, %mul3A_1532 : vector<16xf32>
      %add3A_1534 = arith.addf %add3A_1519, %mul3A_1533 : vector<16xf32>
      %broadcast_in_dim3A_1535 = arith.constant 45 : i32
      %broadcast_in_dim3A_1536 = vector.broadcast %broadcast_in_dim3A_1535 : i32 to vector<16xi32>
      %gather3A_1537 = tpu.vector_load_idx %arg8[%add3A_852, %broadcast_in_dim3A_1536] : memref<96x64xf32, #tpu.memory_space<vmem>>[vector<16xi32>, vector<16xi32>], vector<16xf32>,
      %gather3A_1538 = tpu.vector_load_idx %arg8[%add3A_856, %broadcast_in_dim3A_1536] : memref<96x64xf32, #tpu.memory_space<vmem>>[vector<16xi32>, vector<16xi32>], vector<16xf32>,
      %mul3A_1539 = arith.mulf %gather3A_1537, %gather3A_1538 : vector<16xf32>
      %slice3A_1540 = vector.extract_strided_slice %get3A_17 {offsets = [13], sizes = [1], strides = [1]} : vector<16xf32> to vector<1xf32>
      %squeeze3A_1541 = vector.extract %slice3A_1540[0] : f32 from vector<1xf32>
      %mul3A_1542 = vector.broadcast %squeeze3A_1541 : f32 to vector<16xf32>
      %mul3A_1543 = arith.mulf %mul3A_1539, %mul3A_1542 : vector<16xf32>
      %add3A_1544 = arith.addf %add3A_1529, %mul3A_1543 : vector<16xf32>
      %slice3A_1545 = vector.extract_strided_slice %get3A_33 {offsets = [13], sizes = [1], strides = [1]} : vector<16xf32> to vector<1xf32>
      %squeeze3A_1546 = vector.extract %slice3A_1545[0] : f32 from vector<1xf32>
      %mul3A_1547 = vector.broadcast %squeeze3A_1546 : f32 to vector<16xf32>
      %mul3A_1548 = arith.mulf %mul3A_1539, %mul3A_1547 : vector<16xf32>
      %add3A_1549 = arith.addf %add3A_1534, %mul3A_1548 : vector<16xf32>
      %broadcast_in_dim3A_1550 = arith.constant 46 : i32
      %broadcast_in_dim3A_1551 = vector.broadcast %broadcast_in_dim3A_1550 : i32 to vector<16xi32>
      %gather3A_1552 = tpu.vector_load_idx %arg8[%add3A_852, %broadcast_in_dim3A_1551] : memref<96x64xf32, #tpu.memory_space<vmem>>[vector<16xi32>, vector<16xi32>], vector<16xf32>,
      %gather3A_1553 = tpu.vector_load_idx %arg8[%add3A_856, %broadcast_in_dim3A_1551] : memref<96x64xf32, #tpu.memory_space<vmem>>[vector<16xi32>, vector<16xi32>], vector<16xf32>,
      %mul3A_1554 = arith.mulf %gather3A_1552, %gather3A_1553 : vector<16xf32>
      %slice3A_1555 = vector.extract_strided_slice %get3A_17 {offsets = [14], sizes = [1], strides = [1]} : vector<16xf32> to vector<1xf32>
      %squeeze3A_1556 = vector.extract %slice3A_1555[0] : f32 from vector<1xf32>
      %mul3A_1557 = vector.broadcast %squeeze3A_1556 : f32 to vector<16xf32>
      %mul3A_1558 = arith.mulf %mul3A_1554, %mul3A_1557 : vector<16xf32>
      %add3A_1559 = arith.addf %add3A_1544, %mul3A_1558 : vector<16xf32>
      %slice3A_1560 = vector.extract_strided_slice %get3A_33 {offsets = [14], sizes = [1], strides = [1]} : vector<16xf32> to vector<1xf32>
      %squeeze3A_1561 = vector.extract %slice3A_1560[0] : f32 from vector<1xf32>
      %mul3A_1562 = vector.broadcast %squeeze3A_1561 : f32 to vector<16xf32>
      %mul3A_1563 = arith.mulf %mul3A_1554, %mul3A_1562 : vector<16xf32>
      %add3A_1564 = arith.addf %add3A_1549, %mul3A_1563 : vector<16xf32>
      %broadcast_in_dim3A_1565 = arith.constant 47 : i32
      %broadcast_in_dim3A_1566 = vector.broadcast %broadcast_in_dim3A_1565 : i32 to vector<16xi32>
      %gather3A_1567 = tpu.vector_load_idx %arg8[%add3A_852, %broadcast_in_dim3A_1566] : memref<96x64xf32, #tpu.memory_space<vmem>>[vector<16xi32>, vector<16xi32>], vector<16xf32>,
      %gather3A_1568 = tpu.vector_load_idx %arg8[%add3A_856, %broadcast_in_dim3A_1566] : memref<96x64xf32, #tpu.memory_space<vmem>>[vector<16xi32>, vector<16xi32>], vector<16xf32>,
      %mul3A_1569 = arith.mulf %gather3A_1567, %gather3A_1568 : vector<16xf32>
      %slice3A_1570 = vector.extract_strided_slice %get3A_17 {offsets = [15], sizes = [1], strides = [1]} : vector<16xf32> to vector<1xf32>
      %squeeze3A_1571 = vector.extract %slice3A_1570[0] : f32 from vector<1xf32>
      %mul3A_1572 = vector.broadcast %squeeze3A_1571 : f32 to vector<16xf32>
      %mul3A_1573 = arith.mulf %mul3A_1569, %mul3A_1572 : vector<16xf32>
      %add3A_1574 = arith.addf %add3A_1559, %mul3A_1573 : vector<16xf32>
      %slice3A_1575 = vector.extract_strided_slice %get3A_33 {offsets = [15], sizes = [1], strides = [1]} : vector<16xf32> to vector<1xf32>
      %squeeze3A_1576 = vector.extract %slice3A_1575[0] : f32 from vector<1xf32>
      %mul3A_1577 = vector.broadcast %squeeze3A_1576 : f32 to vector<16xf32>
      %mul3A_1578 = arith.mulf %mul3A_1569, %mul3A_1577 : vector<16xf32>
      %add3A_1579 = arith.addf %add3A_1564, %mul3A_1578 : vector<16xf32>
      %broadcast_in_dim3A_1580 = arith.constant 48 : i32
      %broadcast_in_dim3A_1581 = vector.broadcast %broadcast_in_dim3A_1580 : i32 to vector<16xi32>
      %gather3A_1582 = tpu.vector_load_idx %arg8[%add3A_852, %broadcast_in_dim3A_1581] : memref<96x64xf32, #tpu.memory_space<vmem>>[vector<16xi32>, vector<16xi32>], vector<16xf32>,
      %gather3A_1583 = tpu.vector_load_idx %arg8[%add3A_856, %broadcast_in_dim3A_1581] : memref<96x64xf32, #tpu.memory_space<vmem>>[vector<16xi32>, vector<16xi32>], vector<16xf32>,
      %mul3A_1584 = arith.mulf %gather3A_1582, %gather3A_1583 : vector<16xf32>
      %slice3A_1585 = vector.extract_strided_slice %get3A_21 {offsets = [0], sizes = [1], strides = [1]} : vector<16xf32> to vector<1xf32>
      %squeeze3A_1586 = vector.extract %slice3A_1585[0] : f32 from vector<1xf32>
      %mul3A_1587 = vector.broadcast %squeeze3A_1586 : f32 to vector<16xf32>
      %mul3A_1588 = arith.mulf %mul3A_1584, %mul3A_1587 : vector<16xf32>
      %add3A_1589 = arith.addf %add3A_1574, %mul3A_1588 : vector<16xf32>
      %slice3A_1590 = vector.extract_strided_slice %get3A_37 {offsets = [0], sizes = [1], strides = [1]} : vector<16xf32> to vector<1xf32>
      %squeeze3A_1591 = vector.extract %slice3A_1590[0] : f32 from vector<1xf32>
      %mul3A_1592 = vector.broadcast %squeeze3A_1591 : f32 to vector<16xf32>
      %mul3A_1593 = arith.mulf %mul3A_1584, %mul3A_1592 : vector<16xf32>
      %add3A_1594 = arith.addf %add3A_1579, %mul3A_1593 : vector<16xf32>
      %broadcast_in_dim3A_1595 = arith.constant 49 : i32
      %broadcast_in_dim3A_1596 = vector.broadcast %broadcast_in_dim3A_1595 : i32 to vector<16xi32>
      %gather3A_1597 = tpu.vector_load_idx %arg8[%add3A_852, %broadcast_in_dim3A_1596] : memref<96x64xf32, #tpu.memory_space<vmem>>[vector<16xi32>, vector<16xi32>], vector<16xf32>,
      %gather3A_1598 = tpu.vector_load_idx %arg8[%add3A_856, %broadcast_in_dim3A_1596] : memref<96x64xf32, #tpu.memory_space<vmem>>[vector<16xi32>, vector<16xi32>], vector<16xf32>,
      %mul3A_1599 = arith.mulf %gather3A_1597, %gather3A_1598 : vector<16xf32>
      %slice3A_1600 = vector.extract_strided_slice %get3A_21 {offsets = [1], sizes = [1], strides = [1]} : vector<16xf32> to vector<1xf32>
      %squeeze3A_1601 = vector.extract %slice3A_1600[0] : f32 from vector<1xf32>
      %mul3A_1602 = vector.broadcast %squeeze3A_1601 : f32 to vector<16xf32>
      %mul3A_1603 = arith.mulf %mul3A_1599, %mul3A_1602 : vector<16xf32>
      %add3A_1604 = arith.addf %add3A_1589, %mul3A_1603 : vector<16xf32>
      %slice3A_1605 = vector.extract_strided_slice %get3A_37 {offsets = [1], sizes = [1], strides = [1]} : vector<16xf32> to vector<1xf32>
      %squeeze3A_1606 = vector.extract %slice3A_1605[0] : f32 from vector<1xf32>
      %mul3A_1607 = vector.broadcast %squeeze3A_1606 : f32 to vector<16xf32>
      %mul3A_1608 = arith.mulf %mul3A_1599, %mul3A_1607 : vector<16xf32>
      %add3A_1609 = arith.addf %add3A_1594, %mul3A_1608 : vector<16xf32>
      %broadcast_in_dim3A_1610 = arith.constant 50 : i32
      %broadcast_in_dim3A_1611 = vector.broadcast %broadcast_in_dim3A_1610 : i32 to vector<16xi32>
      %gather3A_1612 = tpu.vector_load_idx %arg8[%add3A_852, %broadcast_in_dim3A_1611] : memref<96x64xf32, #tpu.memory_space<vmem>>[vector<16xi32>, vector<16xi32>], vector<16xf32>,
      %gather3A_1613 = tpu.vector_load_idx %arg8[%add3A_856, %broadcast_in_dim3A_1611] : memref<96x64xf32, #tpu.memory_space<vmem>>[vector<16xi32>, vector<16xi32>], vector<16xf32>,
      %mul3A_1614 = arith.mulf %gather3A_1612, %gather3A_1613 : vector<16xf32>
      %slice3A_1615 = vector.extract_strided_slice %get3A_21 {offsets = [2], sizes = [1], strides = [1]} : vector<16xf32> to vector<1xf32>
      %squeeze3A_1616 = vector.extract %slice3A_1615[0] : f32 from vector<1xf32>
      %mul3A_1617 = vector.broadcast %squeeze3A_1616 : f32 to vector<16xf32>
      %mul3A_1618 = arith.mulf %mul3A_1614, %mul3A_1617 : vector<16xf32>
      %add3A_1619 = arith.addf %add3A_1604, %mul3A_1618 : vector<16xf32>
      %slice3A_1620 = vector.extract_strided_slice %get3A_37 {offsets = [2], sizes = [1], strides = [1]} : vector<16xf32> to vector<1xf32>
      %squeeze3A_1621 = vector.extract %slice3A_1620[0] : f32 from vector<1xf32>
      %mul3A_1622 = vector.broadcast %squeeze3A_1621 : f32 to vector<16xf32>
      %mul3A_1623 = arith.mulf %mul3A_1614, %mul3A_1622 : vector<16xf32>
      %add3A_1624 = arith.addf %add3A_1609, %mul3A_1623 : vector<16xf32>
      %broadcast_in_dim3A_1625 = arith.constant 51 : i32
      %broadcast_in_dim3A_1626 = vector.broadcast %broadcast_in_dim3A_1625 : i32 to vector<16xi32>
      %gather3A_1627 = tpu.vector_load_idx %arg8[%add3A_852, %broadcast_in_dim3A_1626] : memref<96x64xf32, #tpu.memory_space<vmem>>[vector<16xi32>, vector<16xi32>], vector<16xf32>,
      %gather3A_1628 = tpu.vector_load_idx %arg8[%add3A_856, %broadcast_in_dim3A_1626] : memref<96x64xf32, #tpu.memory_space<vmem>>[vector<16xi32>, vector<16xi32>], vector<16xf32>,
      %mul3A_1629 = arith.mulf %gather3A_1627, %gather3A_1628 : vector<16xf32>
      %slice3A_1630 = vector.extract_strided_slice %get3A_21 {offsets = [3], sizes = [1], strides = [1]} : vector<16xf32> to vector<1xf32>
      %squeeze3A_1631 = vector.extract %slice3A_1630[0] : f32 from vector<1xf32>
      %mul3A_1632 = vector.broadcast %squeeze3A_1631 : f32 to vector<16xf32>
      %mul3A_1633 = arith.mulf %mul3A_1629, %mul3A_1632 : vector<16xf32>
      %add3A_1634 = arith.addf %add3A_1619, %mul3A_1633 : vector<16xf32>
      %slice3A_1635 = vector.extract_strided_slice %get3A_37 {offsets = [3], sizes = [1], strides = [1]} : vector<16xf32> to vector<1xf32>
      %squeeze3A_1636 = vector.extract %slice3A_1635[0] : f32 from vector<1xf32>
      %mul3A_1637 = vector.broadcast %squeeze3A_1636 : f32 to vector<16xf32>
      %mul3A_1638 = arith.mulf %mul3A_1629, %mul3A_1637 : vector<16xf32>
      %add3A_1639 = arith.addf %add3A_1624, %mul3A_1638 : vector<16xf32>
      %broadcast_in_dim3A_1640 = arith.constant 52 : i32
      %broadcast_in_dim3A_1641 = vector.broadcast %broadcast_in_dim3A_1640 : i32 to vector<16xi32>
      %gather3A_1642 = tpu.vector_load_idx %arg8[%add3A_852, %broadcast_in_dim3A_1641] : memref<96x64xf32, #tpu.memory_space<vmem>>[vector<16xi32>, vector<16xi32>], vector<16xf32>,
      %gather3A_1643 = tpu.vector_load_idx %arg8[%add3A_856, %broadcast_in_dim3A_1641] : memref<96x64xf32, #tpu.memory_space<vmem>>[vector<16xi32>, vector<16xi32>], vector<16xf32>,
      %mul3A_1644 = arith.mulf %gather3A_1642, %gather3A_1643 : vector<16xf32>
      %slice3A_1645 = vector.extract_strided_slice %get3A_21 {offsets = [4], sizes = [1], strides = [1]} : vector<16xf32> to vector<1xf32>
      %squeeze3A_1646 = vector.extract %slice3A_1645[0] : f32 from vector<1xf32>
      %mul3A_1647 = vector.broadcast %squeeze3A_1646 : f32 to vector<16xf32>
      %mul3A_1648 = arith.mulf %mul3A_1644, %mul3A_1647 : vector<16xf32>
      %add3A_1649 = arith.addf %add3A_1634, %mul3A_1648 : vector<16xf32>
      %slice3A_1650 = vector.extract_strided_slice %get3A_37 {offsets = [4], sizes = [1], strides = [1]} : vector<16xf32> to vector<1xf32>
      %squeeze3A_1651 = vector.extract %slice3A_1650[0] : f32 from vector<1xf32>
      %mul3A_1652 = vector.broadcast %squeeze3A_1651 : f32 to vector<16xf32>
      %mul3A_1653 = arith.mulf %mul3A_1644, %mul3A_1652 : vector<16xf32>
      %add3A_1654 = arith.addf %add3A_1639, %mul3A_1653 : vector<16xf32>
      %broadcast_in_dim3A_1655 = arith.constant 53 : i32
      %broadcast_in_dim3A_1656 = vector.broadcast %broadcast_in_dim3A_1655 : i32 to vector<16xi32>
      %gather3A_1657 = tpu.vector_load_idx %arg8[%add3A_852, %broadcast_in_dim3A_1656] : memref<96x64xf32, #tpu.memory_space<vmem>>[vector<16xi32>, vector<16xi32>], vector<16xf32>,
      %gather3A_1658 = tpu.vector_load_idx %arg8[%add3A_856, %broadcast_in_dim3A_1656] : memref<96x64xf32, #tpu.memory_space<vmem>>[vector<16xi32>, vector<16xi32>], vector<16xf32>,
      %mul3A_1659 = arith.mulf %gather3A_1657, %gather3A_1658 : vector<16xf32>
      %slice3A_1660 = vector.extract_strided_slice %get3A_21 {offsets = [5], sizes = [1], strides = [1]} : vector<16xf32> to vector<1xf32>
      %squeeze3A_1661 = vector.extract %slice3A_1660[0] : f32 from vector<1xf32>
      %mul3A_1662 = vector.broadcast %squeeze3A_1661 : f32 to vector<16xf32>
      %mul3A_1663 = arith.mulf %mul3A_1659, %mul3A_1662 : vector<16xf32>
      %add3A_1664 = arith.addf %add3A_1649, %mul3A_1663 : vector<16xf32>
      %slice3A_1665 = vector.extract_strided_slice %get3A_37 {offsets = [5], sizes = [1], strides = [1]} : vector<16xf32> to vector<1xf32>
      %squeeze3A_1666 = vector.extract %slice3A_1665[0] : f32 from vector<1xf32>
      %mul3A_1667 = vector.broadcast %squeeze3A_1666 : f32 to vector<16xf32>
      %mul3A_1668 = arith.mulf %mul3A_1659, %mul3A_1667 : vector<16xf32>
      %add3A_1669 = arith.addf %add3A_1654, %mul3A_1668 : vector<16xf32>
      %broadcast_in_dim3A_1670 = arith.constant 54 : i32
      %broadcast_in_dim3A_1671 = vector.broadcast %broadcast_in_dim3A_1670 : i32 to vector<16xi32>
      %gather3A_1672 = tpu.vector_load_idx %arg8[%add3A_852, %broadcast_in_dim3A_1671] : memref<96x64xf32, #tpu.memory_space<vmem>>[vector<16xi32>, vector<16xi32>], vector<16xf32>,
      %gather3A_1673 = tpu.vector_load_idx %arg8[%add3A_856, %broadcast_in_dim3A_1671] : memref<96x64xf32, #tpu.memory_space<vmem>>[vector<16xi32>, vector<16xi32>], vector<16xf32>,
      %mul3A_1674 = arith.mulf %gather3A_1672, %gather3A_1673 : vector<16xf32>
      %slice3A_1675 = vector.extract_strided_slice %get3A_21 {offsets = [6], sizes = [1], strides = [1]} : vector<16xf32> to vector<1xf32>
      %squeeze3A_1676 = vector.extract %slice3A_1675[0] : f32 from vector<1xf32>
      %mul3A_1677 = vector.broadcast %squeeze3A_1676 : f32 to vector<16xf32>
      %mul3A_1678 = arith.mulf %mul3A_1674, %mul3A_1677 : vector<16xf32>
      %add3A_1679 = arith.addf %add3A_1664, %mul3A_1678 : vector<16xf32>
      %slice3A_1680 = vector.extract_strided_slice %get3A_37 {offsets = [6], sizes = [1], strides = [1]} : vector<16xf32> to vector<1xf32>
      %squeeze3A_1681 = vector.extract %slice3A_1680[0] : f32 from vector<1xf32>
      %mul3A_1682 = vector.broadcast %squeeze3A_1681 : f32 to vector<16xf32>
      %mul3A_1683 = arith.mulf %mul3A_1674, %mul3A_1682 : vector<16xf32>
      %add3A_1684 = arith.addf %add3A_1669, %mul3A_1683 : vector<16xf32>
      %broadcast_in_dim3A_1685 = arith.constant 55 : i32
      %broadcast_in_dim3A_1686 = vector.broadcast %broadcast_in_dim3A_1685 : i32 to vector<16xi32>
      %gather3A_1687 = tpu.vector_load_idx %arg8[%add3A_852, %broadcast_in_dim3A_1686] : memref<96x64xf32, #tpu.memory_space<vmem>>[vector<16xi32>, vector<16xi32>], vector<16xf32>,
      %gather3A_1688 = tpu.vector_load_idx %arg8[%add3A_856, %broadcast_in_dim3A_1686] : memref<96x64xf32, #tpu.memory_space<vmem>>[vector<16xi32>, vector<16xi32>], vector<16xf32>,
      %mul3A_1689 = arith.mulf %gather3A_1687, %gather3A_1688 : vector<16xf32>
      %slice3A_1690 = vector.extract_strided_slice %get3A_21 {offsets = [7], sizes = [1], strides = [1]} : vector<16xf32> to vector<1xf32>
      %squeeze3A_1691 = vector.extract %slice3A_1690[0] : f32 from vector<1xf32>
      %mul3A_1692 = vector.broadcast %squeeze3A_1691 : f32 to vector<16xf32>
      %mul3A_1693 = arith.mulf %mul3A_1689, %mul3A_1692 : vector<16xf32>
      %add3A_1694 = arith.addf %add3A_1679, %mul3A_1693 : vector<16xf32>
      %slice3A_1695 = vector.extract_strided_slice %get3A_37 {offsets = [7], sizes = [1], strides = [1]} : vector<16xf32> to vector<1xf32>
      %squeeze3A_1696 = vector.extract %slice3A_1695[0] : f32 from vector<1xf32>
      %mul3A_1697 = vector.broadcast %squeeze3A_1696 : f32 to vector<16xf32>
      %mul3A_1698 = arith.mulf %mul3A_1689, %mul3A_1697 : vector<16xf32>
      %add3A_1699 = arith.addf %add3A_1684, %mul3A_1698 : vector<16xf32>
      %broadcast_in_dim3A_1700 = arith.constant 56 : i32
      %broadcast_in_dim3A_1701 = vector.broadcast %broadcast_in_dim3A_1700 : i32 to vector<16xi32>
      %gather3A_1702 = tpu.vector_load_idx %arg8[%add3A_852, %broadcast_in_dim3A_1701] : memref<96x64xf32, #tpu.memory_space<vmem>>[vector<16xi32>, vector<16xi32>], vector<16xf32>,
      %gather3A_1703 = tpu.vector_load_idx %arg8[%add3A_856, %broadcast_in_dim3A_1701] : memref<96x64xf32, #tpu.memory_space<vmem>>[vector<16xi32>, vector<16xi32>], vector<16xf32>,
      %mul3A_1704 = arith.mulf %gather3A_1702, %gather3A_1703 : vector<16xf32>
      %slice3A_1705 = vector.extract_strided_slice %get3A_21 {offsets = [8], sizes = [1], strides = [1]} : vector<16xf32> to vector<1xf32>
      %squeeze3A_1706 = vector.extract %slice3A_1705[0] : f32 from vector<1xf32>
      %mul3A_1707 = vector.broadcast %squeeze3A_1706 : f32 to vector<16xf32>
      %mul3A_1708 = arith.mulf %mul3A_1704, %mul3A_1707 : vector<16xf32>
      %add3A_1709 = arith.addf %add3A_1694, %mul3A_1708 : vector<16xf32>
      %slice3A_1710 = vector.extract_strided_slice %get3A_37 {offsets = [8], sizes = [1], strides = [1]} : vector<16xf32> to vector<1xf32>
      %squeeze3A_1711 = vector.extract %slice3A_1710[0] : f32 from vector<1xf32>
      %mul3A_1712 = vector.broadcast %squeeze3A_1711 : f32 to vector<16xf32>
      %mul3A_1713 = arith.mulf %mul3A_1704, %mul3A_1712 : vector<16xf32>
      %add3A_1714 = arith.addf %add3A_1699, %mul3A_1713 : vector<16xf32>
      %broadcast_in_dim3A_1715 = arith.constant 57 : i32
      %broadcast_in_dim3A_1716 = vector.broadcast %broadcast_in_dim3A_1715 : i32 to vector<16xi32>
      %gather3A_1717 = tpu.vector_load_idx %arg8[%add3A_852, %broadcast_in_dim3A_1716] : memref<96x64xf32, #tpu.memory_space<vmem>>[vector<16xi32>, vector<16xi32>], vector<16xf32>,
      %gather3A_1718 = tpu.vector_load_idx %arg8[%add3A_856, %broadcast_in_dim3A_1716] : memref<96x64xf32, #tpu.memory_space<vmem>>[vector<16xi32>, vector<16xi32>], vector<16xf32>,
      %mul3A_1719 = arith.mulf %gather3A_1717, %gather3A_1718 : vector<16xf32>
      %slice3A_1720 = vector.extract_strided_slice %get3A_21 {offsets = [9], sizes = [1], strides = [1]} : vector<16xf32> to vector<1xf32>
      %squeeze3A_1721 = vector.extract %slice3A_1720[0] : f32 from vector<1xf32>
      %mul3A_1722 = vector.broadcast %squeeze3A_1721 : f32 to vector<16xf32>
      %mul3A_1723 = arith.mulf %mul3A_1719, %mul3A_1722 : vector<16xf32>
      %add3A_1724 = arith.addf %add3A_1709, %mul3A_1723 : vector<16xf32>
      %slice3A_1725 = vector.extract_strided_slice %get3A_37 {offsets = [9], sizes = [1], strides = [1]} : vector<16xf32> to vector<1xf32>
      %squeeze3A_1726 = vector.extract %slice3A_1725[0] : f32 from vector<1xf32>
      %mul3A_1727 = vector.broadcast %squeeze3A_1726 : f32 to vector<16xf32>
      %mul3A_1728 = arith.mulf %mul3A_1719, %mul3A_1727 : vector<16xf32>
      %add3A_1729 = arith.addf %add3A_1714, %mul3A_1728 : vector<16xf32>
      %broadcast_in_dim3A_1730 = arith.constant 58 : i32
      %broadcast_in_dim3A_1731 = vector.broadcast %broadcast_in_dim3A_1730 : i32 to vector<16xi32>
      %gather3A_1732 = tpu.vector_load_idx %arg8[%add3A_852, %broadcast_in_dim3A_1731] : memref<96x64xf32, #tpu.memory_space<vmem>>[vector<16xi32>, vector<16xi32>], vector<16xf32>,
      %gather3A_1733 = tpu.vector_load_idx %arg8[%add3A_856, %broadcast_in_dim3A_1731] : memref<96x64xf32, #tpu.memory_space<vmem>>[vector<16xi32>, vector<16xi32>], vector<16xf32>,
      %mul3A_1734 = arith.mulf %gather3A_1732, %gather3A_1733 : vector<16xf32>
      %slice3A_1735 = vector.extract_strided_slice %get3A_21 {offsets = [10], sizes = [1], strides = [1]} : vector<16xf32> to vector<1xf32>
      %squeeze3A_1736 = vector.extract %slice3A_1735[0] : f32 from vector<1xf32>
      %mul3A_1737 = vector.broadcast %squeeze3A_1736 : f32 to vector<16xf32>
      %mul3A_1738 = arith.mulf %mul3A_1734, %mul3A_1737 : vector<16xf32>
      %add3A_1739 = arith.addf %add3A_1724, %mul3A_1738 : vector<16xf32>
      %slice3A_1740 = vector.extract_strided_slice %get3A_37 {offsets = [10], sizes = [1], strides = [1]} : vector<16xf32> to vector<1xf32>
      %squeeze3A_1741 = vector.extract %slice3A_1740[0] : f32 from vector<1xf32>
      %mul3A_1742 = vector.broadcast %squeeze3A_1741 : f32 to vector<16xf32>
      %mul3A_1743 = arith.mulf %mul3A_1734, %mul3A_1742 : vector<16xf32>
      %add3A_1744 = arith.addf %add3A_1729, %mul3A_1743 : vector<16xf32>
      %broadcast_in_dim3A_1745 = arith.constant 59 : i32
      %broadcast_in_dim3A_1746 = vector.broadcast %broadcast_in_dim3A_1745 : i32 to vector<16xi32>
      %gather3A_1747 = tpu.vector_load_idx %arg8[%add3A_852, %broadcast_in_dim3A_1746] : memref<96x64xf32, #tpu.memory_space<vmem>>[vector<16xi32>, vector<16xi32>], vector<16xf32>,
      %gather3A_1748 = tpu.vector_load_idx %arg8[%add3A_856, %broadcast_in_dim3A_1746] : memref<96x64xf32, #tpu.memory_space<vmem>>[vector<16xi32>, vector<16xi32>], vector<16xf32>,
      %mul3A_1749 = arith.mulf %gather3A_1747, %gather3A_1748 : vector<16xf32>
      %slice3A_1750 = vector.extract_strided_slice %get3A_21 {offsets = [11], sizes = [1], strides = [1]} : vector<16xf32> to vector<1xf32>
      %squeeze3A_1751 = vector.extract %slice3A_1750[0] : f32 from vector<1xf32>
      %mul3A_1752 = vector.broadcast %squeeze3A_1751 : f32 to vector<16xf32>
      %mul3A_1753 = arith.mulf %mul3A_1749, %mul3A_1752 : vector<16xf32>
      %add3A_1754 = arith.addf %add3A_1739, %mul3A_1753 : vector<16xf32>
      %slice3A_1755 = vector.extract_strided_slice %get3A_37 {offsets = [11], sizes = [1], strides = [1]} : vector<16xf32> to vector<1xf32>
      %squeeze3A_1756 = vector.extract %slice3A_1755[0] : f32 from vector<1xf32>
      %mul3A_1757 = vector.broadcast %squeeze3A_1756 : f32 to vector<16xf32>
      %mul3A_1758 = arith.mulf %mul3A_1749, %mul3A_1757 : vector<16xf32>
      %add3A_1759 = arith.addf %add3A_1744, %mul3A_1758 : vector<16xf32>
      %broadcast_in_dim3A_1760 = arith.constant 60 : i32
      %broadcast_in_dim3A_1761 = vector.broadcast %broadcast_in_dim3A_1760 : i32 to vector<16xi32>
      %gather3A_1762 = tpu.vector_load_idx %arg8[%add3A_852, %broadcast_in_dim3A_1761] : memref<96x64xf32, #tpu.memory_space<vmem>>[vector<16xi32>, vector<16xi32>], vector<16xf32>,
      %gather3A_1763 = tpu.vector_load_idx %arg8[%add3A_856, %broadcast_in_dim3A_1761] : memref<96x64xf32, #tpu.memory_space<vmem>>[vector<16xi32>, vector<16xi32>], vector<16xf32>,
      %mul3A_1764 = arith.mulf %gather3A_1762, %gather3A_1763 : vector<16xf32>
      %slice3A_1765 = vector.extract_strided_slice %get3A_21 {offsets = [12], sizes = [1], strides = [1]} : vector<16xf32> to vector<1xf32>
      %squeeze3A_1766 = vector.extract %slice3A_1765[0] : f32 from vector<1xf32>
      %mul3A_1767 = vector.broadcast %squeeze3A_1766 : f32 to vector<16xf32>
      %mul3A_1768 = arith.mulf %mul3A_1764, %mul3A_1767 : vector<16xf32>
      %add3A_1769 = arith.addf %add3A_1754, %mul3A_1768 : vector<16xf32>
      %slice3A_1770 = vector.extract_strided_slice %get3A_37 {offsets = [12], sizes = [1], strides = [1]} : vector<16xf32> to vector<1xf32>
      %squeeze3A_1771 = vector.extract %slice3A_1770[0] : f32 from vector<1xf32>
      %mul3A_1772 = vector.broadcast %squeeze3A_1771 : f32 to vector<16xf32>
      %mul3A_1773 = arith.mulf %mul3A_1764, %mul3A_1772 : vector<16xf32>
      %add3A_1774 = arith.addf %add3A_1759, %mul3A_1773 : vector<16xf32>
      %broadcast_in_dim3A_1775 = arith.constant 61 : i32
      %broadcast_in_dim3A_1776 = vector.broadcast %broadcast_in_dim3A_1775 : i32 to vector<16xi32>
      %gather3A_1777 = tpu.vector_load_idx %arg8[%add3A_852, %broadcast_in_dim3A_1776] : memref<96x64xf32, #tpu.memory_space<vmem>>[vector<16xi32>, vector<16xi32>], vector<16xf32>,
      %gather3A_1778 = tpu.vector_load_idx %arg8[%add3A_856, %broadcast_in_dim3A_1776] : memref<96x64xf32, #tpu.memory_space<vmem>>[vector<16xi32>, vector<16xi32>], vector<16xf32>,
      %mul3A_1779 = arith.mulf %gather3A_1777, %gather3A_1778 : vector<16xf32>
      %slice3A_1780 = vector.extract_strided_slice %get3A_21 {offsets = [13], sizes = [1], strides = [1]} : vector<16xf32> to vector<1xf32>
      %squeeze3A_1781 = vector.extract %slice3A_1780[0] : f32 from vector<1xf32>
      %mul3A_1782 = vector.broadcast %squeeze3A_1781 : f32 to vector<16xf32>
      %mul3A_1783 = arith.mulf %mul3A_1779, %mul3A_1782 : vector<16xf32>
      %add3A_1784 = arith.addf %add3A_1769, %mul3A_1783 : vector<16xf32>
      %slice3A_1785 = vector.extract_strided_slice %get3A_37 {offsets = [13], sizes = [1], strides = [1]} : vector<16xf32> to vector<1xf32>
      %squeeze3A_1786 = vector.extract %slice3A_1785[0] : f32 from vector<1xf32>
      %mul3A_1787 = vector.broadcast %squeeze3A_1786 : f32 to vector<16xf32>
      %mul3A_1788 = arith.mulf %mul3A_1779, %mul3A_1787 : vector<16xf32>
      %add3A_1789 = arith.addf %add3A_1774, %mul3A_1788 : vector<16xf32>
      %broadcast_in_dim3A_1790 = arith.constant 62 : i32
      %broadcast_in_dim3A_1791 = vector.broadcast %broadcast_in_dim3A_1790 : i32 to vector<16xi32>
      %gather3A_1792 = tpu.vector_load_idx %arg8[%add3A_852, %broadcast_in_dim3A_1791] : memref<96x64xf32, #tpu.memory_space<vmem>>[vector<16xi32>, vector<16xi32>], vector<16xf32>,
      %gather3A_1793 = tpu.vector_load_idx %arg8[%add3A_856, %broadcast_in_dim3A_1791] : memref<96x64xf32, #tpu.memory_space<vmem>>[vector<16xi32>, vector<16xi32>], vector<16xf32>,
      %mul3A_1794 = arith.mulf %gather3A_1792, %gather3A_1793 : vector<16xf32>
      %slice3A_1795 = vector.extract_strided_slice %get3A_21 {offsets = [14], sizes = [1], strides = [1]} : vector<16xf32> to vector<1xf32>
      %squeeze3A_1796 = vector.extract %slice3A_1795[0] : f32 from vector<1xf32>
      %mul3A_1797 = vector.broadcast %squeeze3A_1796 : f32 to vector<16xf32>
      %mul3A_1798 = arith.mulf %mul3A_1794, %mul3A_1797 : vector<16xf32>
      %add3A_1799 = arith.addf %add3A_1784, %mul3A_1798 : vector<16xf32>
      %slice3A_1800 = vector.extract_strided_slice %get3A_37 {offsets = [14], sizes = [1], strides = [1]} : vector<16xf32> to vector<1xf32>
      %squeeze3A_1801 = vector.extract %slice3A_1800[0] : f32 from vector<1xf32>
      %mul3A_1802 = vector.broadcast %squeeze3A_1801 : f32 to vector<16xf32>
      %mul3A_1803 = arith.mulf %mul3A_1794, %mul3A_1802 : vector<16xf32>
      %add3A_1804 = arith.addf %add3A_1789, %mul3A_1803 : vector<16xf32>
      %broadcast_in_dim3A_1805 = arith.constant 63 : i32
      %broadcast_in_dim3A_1806 = vector.broadcast %broadcast_in_dim3A_1805 : i32 to vector<16xi32>
      %gather3A_1807 = tpu.vector_load_idx %arg8[%add3A_852, %broadcast_in_dim3A_1806] : memref<96x64xf32, #tpu.memory_space<vmem>>[vector<16xi32>, vector<16xi32>], vector<16xf32>,
      %gather3A_1808 = tpu.vector_load_idx %arg8[%add3A_856, %broadcast_in_dim3A_1806] : memref<96x64xf32, #tpu.memory_space<vmem>>[vector<16xi32>, vector<16xi32>], vector<16xf32>,
      %mul3A_1809 = arith.mulf %gather3A_1807, %gather3A_1808 : vector<16xf32>
      %slice3A_1810 = vector.extract_strided_slice %get3A_21 {offsets = [15], sizes = [1], strides = [1]} : vector<16xf32> to vector<1xf32>
      %squeeze3A_1811 = vector.extract %slice3A_1810[0] : f32 from vector<1xf32>
      %mul3A_1812 = vector.broadcast %squeeze3A_1811 : f32 to vector<16xf32>
      %mul3A_1813 = arith.mulf %mul3A_1809, %mul3A_1812 : vector<16xf32>
      %add3A_1814 = arith.addf %add3A_1799, %mul3A_1813 : vector<16xf32>
      %slice3A_1815 = vector.extract_strided_slice %get3A_37 {offsets = [15], sizes = [1], strides = [1]} : vector<16xf32> to vector<1xf32>
      %squeeze3A_1816 = vector.extract %slice3A_1815[0] : f32 from vector<1xf32>
      %mul3A_1817 = vector.broadcast %squeeze3A_1816 : f32 to vector<16xf32>
      %mul3A_1818 = arith.mulf %mul3A_1809, %mul3A_1817 : vector<16xf32>
      %add3A_1819 = arith.addf %add3A_1804, %mul3A_1818 : vector<16xf32>
      %add3A_1820 = vector.broadcast %squeeze3A : f32 to vector<16xf32>
      %add3A_1821 = arith.addf %add3A_1814, %add3A_1820 : vector<16xf32>
      %neg3A = arith.constant 0.000000e+00 : f32
      %neg3A_1822 = vector.broadcast %neg3A : f32 to vector<16xf32>
      %neg3A_1823 = arith.subf %neg3A_1822, %add3A_1821 : vector<16xf32>
      %exp3A = math.exp %neg3A_1823 : vector<16xf32>
      %add3A_1824 = arith.constant 1.000000e+00 : f32
      %add3A_1825 = vector.broadcast %add3A_1824 : f32 to vector<16xf32>
      %add3A_1826 = arith.addf %add3A_1825, %exp3A : vector<16xf32>
      %div3A = arith.constant 1.000000e+00 : f32
      %div3A_1827 = vector.broadcast %div3A : f32 to vector<16xf32>
      %div3A_1828 = arith.divf %div3A_1827, %add3A_1826 : vector<16xf32>
      %add3A_1829 = vector.broadcast %squeeze3A_41 : f32 to vector<16xf32>
      %add3A_1830 = arith.addf %add3A_1819, %add3A_1829 : vector<16xf32>
      %neg3A_1831 = arith.constant 0.000000e+00 : f32
      %neg3A_1832 = vector.broadcast %neg3A_1831 : f32 to vector<16xf32>
      %neg3A_1833 = arith.subf %neg3A_1832, %add3A_1830 : vector<16xf32>
      %exp3A_1834 = math.exp %neg3A_1833 : vector<16xf32>
      %add3A_1835 = arith.constant 1.000000e+00 : f32
      %add3A_1836 = vector.broadcast %add3A_1835 : f32 to vector<16xf32>
      %add3A_1837 = arith.addf %add3A_1836, %exp3A_1834 : vector<16xf32>
      %div3A_1838 = arith.constant 1.000000e+00 : f32
      %div3A_1839 = vector.broadcast %div3A_1838 : f32 to vector<16xf32>
      %div3A_1840 = arith.divf %div3A_1839, %add3A_1837 : vector<16xf32>
      %mul3A_1841 = arith.constant 16 : i32
      %mul3A_1842 = arith.muli %scan3A_828, %mul3A_1841 : i32
      %add3A_1843 = vector.broadcast %mul3A_1842 : i32 to vector<16xi32>
      %add3A_1844 = arith.addi %add3A_1843, %iota3A : vector<16xi32>
      tpu.vector_store_idx %arg11[%add3A_1844, %broadcast_in_dim3A_42], %div3A_1828 : memref<512x2xf32, #tpu.memory_space<vmem>>[vector<16xi32>, vector<16xi32>], vector<16xf32>,
      tpu.vector_store_idx %arg11[%add3A_1844, %add3A_45], %div3A_1840 : memref<512x2xf32, #tpu.memory_space<vmem>>[vector<16xi32>, vector<16xi32>], vector<16xf32>,
    }
    %scan3A_825 = arith.constant 32 : i32
    %mul3A_826 = arith.constant 512 : i32
    %mul3A_827 = arith.muli %add3A, %mul3A_826 : i32
    "tpu.region"() ({
      %run_scoped3A = tpu.sem_alloc : memref<!tpu.dma_semaphore, #tpu.memory_space<semaphore_mem>>
      %dma_start3A_828 = arith.constant 0 : i32
      %dma_start3A_829 = tpu.memref_slice %arg6[%mul3A_827, %dma_start3A_828] : memref<16384x2xf32, #tpu.memory_space<hbm>> -> memref<512x2xf32, #tpu.memory_space<hbm>>
      %dma_start3A_830 = arith.constant 0 : i32
      %dma_start3A_831 = tpu.memref_slice %arg6[%mul3A_827, %dma_start3A_830] : memref<16384x2xf32, #tpu.memory_space<hbm>> -> memref<512x2xf32, #tpu.memory_space<hbm>>
      tpu.enqueue_dma source(%arg11 : memref<512x2xf32, #tpu.memory_space<vmem>>) target(%dma_start3A_831 : memref<512x2xf32, #tpu.memory_space<hbm>>) target_semaphore(%run_scoped3A : memref<!tpu.dma_semaphore, #tpu.memory_space<semaphore_mem>>)
      %dma_wait3A = arith.constant 0 : i32
      %dma_wait3A_832 = tpu.memref_slice %arg6[%mul3A_827, %dma_wait3A] : memref<16384x2xf32, #tpu.memory_space<hbm>> -> memref<512x2xf32, #tpu.memory_space<hbm>>
      %dma_wait3A_833 = arith.constant 0 : i32
      %dma_wait3A_834 = tpu.memref_slice %arg6[%mul3A_827, %dma_wait3A_833] : memref<16384x2xf32, #tpu.memory_space<hbm>> -> memref<512x2xf32, #tpu.memory_space<hbm>>
      tpu.wait_dma2 semaphore(%run_scoped3A : memref<!tpu.dma_semaphore, #tpu.memory_space<semaphore_mem>>) src(%arg11 : memref<512x2xf32, #tpu.memory_space<vmem>>) dst(%dma_wait3A_834 : memref<512x2xf32, #tpu.memory_space<hbm>>)
      tpu.yield
    }) : () -> ()
    return
  }
}

</mosaic_0001>

<sc_bundles>
// kernel: kernel.3.cloned.1.call-start
scs
__scs_entry_jumppad:
0x0: {  	(pc) =	sbr.rel $0x88, $3  }
0x1: {  	(tag) =	ssettag $0x0;
	lr =	simm.s32 $0x1  }
0x2: {  	[smem:$0x3F9D] =	sst lr;
	_ =	strace $0xD0000000  }
0x3: {  	_ = 	snop  }
0x4: {  	_ = 	snop  }
0x5: {  	_ = 	snop  }
0x6: {  	_ = 	snop  }
0x7: {  	_ = 	snop  }
__scs_overlays_trampoline_lowered:
0x8: {  	[smem:$0x3FAC] =	sst s0  }
0x9: {  	[smem:$0x3FAD] =	sst s1  }
0xa: {  	[smem:$0x3FAE] =	sst s2  }
0xb: {  	[smem:$0x3FAF] =	sst s3  }
0xc: {  	[smem:$0x3FB0] =	sst s4  }
0xd: {  	[smem:$0x3FB1] =	sst s5  }
0xe: {  	[smem:$0x3FB2] =	sst s6  }
0xf: {  	[smem:$0x3FB3] =	sst s7  }
0x10: {  	[smem:$0x3FB4] =	sst s8  }
0x11: {  	[smem:$0x3FB5] =	sst s9;
	s0 =	simm.s32 @!p0 $0x0  }
0x12: {  	s1 =	sld [smem:$0x3F9B];
	s0 =	simm.s32 @p0 $0x1  }
0x13: {  	[smem:$0x3FB6] =	sst s0;
	s0 =	simm.s32 @!p1 $0x0  }
0x14: {  	s2 =	sld [smem:$0x3F9A];
	s0 =	simm.s32 @p1 $0x1  }
0x15: {  	[smem:$0x3FB7] =	sst s0;
	s0 =	simm.s32 @!p2 $0x0  }
0x16: {  	s3 =	sld [smem:$0x3FDB];
	s0 =	simm.s32 @p2 $0x1  }
0x17: {  	s4 =	simm.s32 $0x1BF5;
	[smem:$0x3FB9] =	sst s0  }
0x18: {  	s0 =	sld [smem:$0x3F9C];
	_ =	swait.ge [sflag:s4], $0x0  }
0x19: {  	s7 =	sld [smem:$0x3F9D]  }
0x1a: {  	s8 =	sadd.s32 $0xFFFFE003, lr  }
0x1b: {  	s9 =	sadd.s32 $0xFFFFFEF7, lr;
	s5 =	simm.s32 $0xFFFFFFFF;
	p2 =	slt.u32 s8, $0xFFFFF086  }
0x1c: {  	p1 =	slt.u32 s9, $0xF7A;
	s5 =	simm.s32 @!p2 $0x0  }
0x1d: {  	s5 =	simm.s32 @p1 $0x1;
	p0 =	seq.s32 s7, s2  }
0x1e: {  	s7 =	smul.u32 @!p0 $0xF7A, s2;
	p2 =	seq.s32 @!p0 s5, $0x0  }
0x1f: {  	s9 =	smul.u32 $0xF7A, s1;
	s8 =	simm.s32 @!p0 $0x1BF5;
	p2 =	por !p2, p0  }
0x20: {  	[sflag:s8] =	ssyncset.s32 @!p0 $0xFFFFF086;
	s6 =	sadd.s32 @!p0 s3, s7;
	s7 =	simm.s32 @!p0 $0x108  }
0x21: {  	s3 =	sadd.s32 s3, s9;
	s6 =	sadd.s32 @!p0 $0x88, s6;
	s7 =	simm.s32 @p2 $0x1082  }
0x22: {  	[simem:s7], [sflag:s8] =	dma.local @!p0 [hbm:s6], $0xF7A  }
0x23: {  	s9 =	sor.u32 $0xD0000000, s2;
	s6 =	simm.s32 $0x108;
	_ =	swait.ge @!p0 [sflag:s8], $0x0  }
0x24: {  	s3 =	sadd.s32 $0x88, s3;
	s6 =	simm.s32 @!p1 $0x1082;
	[sflag:s4] =	ssyncset.s32 $0xFFFFF086  }
0x25: {  	[simem:s6], [sflag:s4] =	dma.local [hbm:s3], $0xF7A  }
0x26: {  	[smem:$0x3F9D] =	sst s1;
	(tag) =	ssettag s2;
	_ =	strace s9  }
0x27: {  	s1 =	sld [smem:$0x3FAD]  }
0x28: {  	s2 =	sld [smem:$0x3FAE]  }
0x29: {  	s4 =	sld [smem:$0x3FB0]  }
0x2a: {  	p0 =	seq.s32 s5, $0x0;
	s5 =	sld [smem:$0x3FB1]  }
0x2b: {  	s6 =	sld [smem:$0x3FB2]  }
0x2c: {  	s7 =	sld [smem:$0x3FB3]  }
0x2d: {  	s3 =	simm.s32 $0x108;
	s8 =	sld [smem:$0x3FB4]  }
0x2e: {  	s3 =	simm.s32 @!p0 $0x1082;
	s9 =	sld [smem:$0x3FB5]  }
0x2f: {  	lr =	sadd.s32 s0, s3;
	s0 =	sld [smem:$0x3FAC]  }
0x30: {  	s3 =	sld [smem:$0x3FAF]  }
0x31: {  	[smem:$0x3FB8] =	sst s10  }
0x32: {  	s10 =	sld [smem:$0x3FB6];
	_ =	sdelay $0x3  }
0x33: {  	p0 =	seq.s32 s10, $0x1;
	s10 =	sld [smem:$0x3FB8];
	_ =	sdelay $0x3  }
0x34: {  	[smem:$0x3FB8] =	sst s10  }
0x35: {  	s10 =	sld [smem:$0x3FB7];
	_ =	sdelay $0x3  }
0x36: {  	p1 =	seq.s32 s10, $0x1;
	s10 =	sld [smem:$0x3FB8];
	_ =	sdelay $0x3  }
0x37: {  	[smem:$0x3FB8] =	sst s10  }
0x38: {  	s10 =	sld [smem:$0x3FB9]  }
0x39: {  	_ = 	snop;
	(pc) =	sbr.ind lr, $3  }
0x3a: {  	_ = 	snop  }
0x3b: {  	_ = 	snop  }
0x3c: {  	p2 =	seq.s32 s10, $0x1;
	s10 =	sld [smem:$0x3FB8]  }
0x3d: {  	_ =	shalt  }
0x3e: {  	_ =	shalt  }
0x3f: {  	_ =	shalt  }
0x40: {  	_ =	shalt  }
0x41: {  	_ =	shalt  }
0x42: {  	_ =	shalt  }
0x43: {  	_ =	shalt  }
0x44: {  	_ =	shalt  }
0x45: {  	_ =	shalt  }
0x46: {  	_ =	shalt  }
0x47: {  	_ =	shalt  }
0x48: {  	_ =	shalt  }
0x49: {  	_ =	shalt  }
0x4a: {  	_ =	shalt  }
0x4b: {  	_ =	shalt  }
0x4c: {  	_ =	shalt  }
0x4d: {  	_ =	shalt  }
0x4e: {  	_ =	shalt  }
0x4f: {  	_ =	shalt  }
0x50: {  	_ =	shalt  }
0x51: {  	_ =	shalt  }
0x52: {  	_ =	shalt  }
0x53: {  	_ =	shalt  }
0x54: {  	_ =	shalt  }
0x55: {  	_ =	shalt  }
0x56: {  	_ =	shalt  }
0x57: {  	_ =	shalt  }
0x58: {  	_ =	shalt  }
0x59: {  	_ =	shalt  }
0x5a: {  	_ =	shalt  }
0x5b: {  	_ =	shalt  }
0x5c: {  	_ =	shalt  }
0x5d: {  	_ =	shalt  }
0x5e: {  	_ =	shalt  }
0x5f: {  	_ =	shalt  }
0x60: {  	_ =	shalt  }
0x61: {  	_ =	shalt  }
0x62: {  	_ =	shalt  }
0x63: {  	_ =	shalt  }
0x64: {  	_ =	shalt  }
0x65: {  	_ =	shalt  }
0x66: {  	_ =	shalt  }
0x67: {  	_ =	shalt  }
0x68: {  	_ =	shalt  }
0x69: {  	_ =	shalt  }
0x6a: {  	_ =	shalt  }
0x6b: {  	_ =	shalt  }
0x6c: {  	_ =	shalt  }
0x6d: {  	_ =	shalt  }
0x6e: {  	_ =	shalt  }
0x6f: {  	_ =	shalt  }
0x70: {  	_ =	shalt  }
0x71: {  	_ =	shalt  }
0x72: {  	_ =	shalt  }
0x73: {  	_ =	shalt  }
0x74: {  	_ =	shalt  }
0x75: {  	_ =	shalt  }
0x76: {  	_ =	shalt  }
0x77: {  	_ =	shalt  }
0x78: {  	_ =	shalt  }
0x79: {  	_ =	shalt  }
0x7a: {  	_ =	shalt  }
0x7b: {  	_ =	shalt  }
0x7c: {  	_ =	shalt  }
0x7d: {  	_ =	shalt  }
0x7e: {  	_ =	shalt  }
0x7f: {  	_ =	shalt  }
0x80: {  	_ =	shalt  }
0x81: {  	_ =	shalt  }
0x82: {  	_ =	shalt  }
0x83: {  	_ =	shalt  }
0x84: {  	_ =	shalt  }
0x85: {  	_ =	shalt  }
0x86: {  	_ =	shalt  }
0x87: {  	_ =	shalt  }
.Lfunc_end0:
.L_simem_size_0:
called_computation_lowered:
.L_overlay_start_0:
0x88: {  	s2 =	sld [smem:$0x3FD9]  }
0x89: {  	s3 =	sld [smem:$0x3FFE];
	_ =	sdelay $0x1  }
0x8a: {  	s1 =	srdreg.scid  }
0x8b: {  	s0 =	sand.u32 $0x1, s1  }
0x8c: {  	s17 =	sshll.u32 s0, $0xA;
	s2 =	sadd.s32 s3, s2  }
0x8d: {  	s2 =	sadd.s32 s2, s17  }
0x8e: {  	[smem:$0x3FC4] =	sst s2  }
0x8f: {  	_ = 	snop  }
0x90: {  	s2 =	sld [smem:$0x3FC7]  }
0x91: {  	s18 =	sld [smem:$0x3FD0];
	(tm) =	ssettm $0x1  }
0x92: {  	s4 =	sld [smem:$0x3FFB];
	_ =	sdelay $0x3  }
0x93: {  	_ =	strace s4  }
0x94: {  	s4 =	sld [smem:$0x3FFC];
	_ =	sdelay $0x3  }
0x95: {  	_ =	strace s4  }
0x96: {  	s4 =	sld [smem:$0x3FFD];
	_ =	sdelay $0x3  }
0x97: {  	_ =	strace s4  }
0x98: {  	_ =	strace $0x8FFFFFFF  }
0x99: {  	s19 =	sld [smem:$0x3FDB];
	_ =	sdelay $0x1  }
0x9a: {  	s5 =	simm.s32 $_scs_section_size  }
0x9b: {  	s6 =	simm.s32 $_size__tile_overlayer_lowered;
	s7 =	simm.s32 $_tile_overlayer_lowered  }
0x9c: {  	s22 =	simm.s32 $0x1BFF;
	s21 =	sshll.u32 s7, $0x1;
	s4 =	sadd.s32 s5, s19  }
0x9d: {  	s8 =	simm.s32 $0x0;
	s20 =	sshll.u32 s6, $0x1;
	s6 =	sadd.s32 s21, s4  }
0x9e: {  	[timem:s8], [sflag:s22] =	dma.local [hbm:s6], s20  }
0x9f: {  	_ =	swait.ge [sflag:s22], s20  }
0xa0: {  	s5 =	ssub.s32 $0x0, s20;
	[sflag:s22] =	ssyncset.done $0x0  }
0xa1: {  	[sflag:s22] =	ssyncadd.s32 s5;
	_ =	sdelay $0x1  }
0xa2: {  	s23 =	simm.s32 $0x1B8B  }
0xa3: {  	_ =	swait.ge [sflag:s23], $0x1  }
0xa4: {  	[sflag:s23] =	ssyncset.done $0x0  }
0xa5: {  	s25 =	simm.s32 $0x1B8E;
	s24 =	sld [smem:$0x3FFE];
	[sflag:s23] =	ssyncadd.s32 $0xFFFFFFFF  }
0xa6: {  	s26 =	simm.s32 $execute0_lowered;
	[smem:$0x3FD2] =	sst s25  }
0xa7: {  	s6 =	sshll.u32 s26, $0x1;
	_ =	strace $0x80000046;
	[dreg:$0x1] =	wrdreg $0xFFFFFFFF  }
0xa8: {  	s28 =	simm.s32 $_size_execute0_lowered;
	s4 =	sadd.s32 s4, s6;
	[dreg:$0x0] =	wrdreg $0x0  }
0xa9: {  	s6 =	sshll.u32 s28, $0x1;
	[dreg:$0x2] =	wrdreg s4  }
0xaa: {  	[dreg:$0x3] =	wrdreg s6  }
0xab: {  	[dreg:$0x4] =	wrdreg $0xC0  }
0xac: {  	_ =	task [dreg:s8], $0x5FFFF  }
0xad: {  	[dreg:$0x1] =	wrdreg $0xFFFFFFFF  }
0xae: {  	[dreg:$0x0] =	wrdreg $0x60  }
0xaf: {  	[dreg:$0x2] =	wrdreg s18  }
0xb0: {  	[dreg:$0x3] =	wrdreg s24  }
0xb1: {  	[dreg:$0x4] =	wrdreg s2  }
0xb2: {  	[dreg:$0x5] =	wrdreg $0x9  }
0xb3: {  	_ =	task.clear_ibuf [dreg:s8], $0x6FFFF;
	_ =	strace $0x90000046  }
0xb4: {  	s29 =	simm.s32 $0x9;
	_ =	strace $0x80000048  }
0xb5: {  	_ =	swait.ge [sflag:s29], $0x1  }
0xb6: {  	[sflag:s29] =	ssyncadd.s32 $0xFFFFFFFF  }
0xb7: {  	_ =	strace $0x90000048  }
0xb8: {  	_ =	sfence  }
0xb9: {  	s30 =	sld [smem:$0x0];
	_ =	sdelay $0x2  }
0xba: {  	s31 =	sshll.u32 s1, $0xD;
	s1 =	sshrl.u32 s1, $0x2  }
0xbb: {  	s3 =	sand.u32 $0x4000, s31;
	s1 =	sadd.s32 s1, s30  }
0xbc: {  	s0 =	sor.u32 s3, s0;
	s1 =	sshll.u32 s1, $0x11  }
0xbd: {  	s0 =	sor.u32 s1, s0  }
0xbe: {  	s0 =	sadd.s32 $0x8F2B, s0  }
0xbf: {  	[sflag:s0] =	ssyncadd.remote.s32 $0x1  }
0xc0: {  	_ =	sfence.sel $0xFFFF  }
0xc1: {  	[dreg:$0x0] =	wrdreg $0xFFFFFFFF;
	(pc) =	sbr.abs _section_cstart, $3  }
0xc2: {  	[dreg:$0x1] =	wrdreg $0xFFFFFFFF  }
0xc3: {  	_ =	task.clear_ibuf [dreg:s8], $0x2FFFF;
	_ =	strace $0x9FFFFFFF  }
0xc4: {  	(tm) =	ssettm $0x7FFFFFFF  }
0xc5: {  	_ =	shalt  }
tec
execute0_lowered:
.L_overlay_start_1:
0x0: {  	(tag) =	ssettag $0x1  }
0x1: {  	s0 =	rddreg [dreg:$0x0]  }
0x2: {  	s1 =	rddreg [dreg:$0x1];
	s3 =	simm.s32 $0x0  }
0x3: {  	s2 =	srdreg.scid;
	s4 =	stileid.u32;
	s10 =	simm.s32 $0x2  }
0x4: {  	s14 =	simm.s32 $0x400;
	s21 =	simm.s32 $0x2080;
	s22 =	simm.s32 $0x1900  }
0x5: {  	s23 =	simm.s32 $0x2100;
	s24 =	simm.s32 $0x1980;
	s28 =	simm.s32 $0x2200  }
0x6: {  	s29 =	simm.s32 $0x1A80;
	s30 =	simm.s32 $0x2280;
	s31 =	simm.s32 $0x1B00  }
0x7: {  	s11 =	simm.s32 $0x1;
	s12 =	simm.s32 $0x3580;
	s13 =	simm.s32 $0x0  }
0x8: {  	[smem:$0x7FF] =	sst s3;
	s2 =	sand.u32 $0x1, s2;
	s6 =	sshll.u32 s4, $0xA  }
0x9: {  	s4 =	sadd.s32 $0x600, s1;
	s5 =	sadd.s32 $0xF42A00, s1;
	s7 =	sshll.u32 s2, $0x9  }
0xa: {  	_ =	strace $0x80000047;
	s2 =	ssub.s32 $0x2, s2;
	s6 =	sor.u32 s7, s6  }
.Ltmp0:
0xb: {  	s25 =	sshrl.u32 s2, $0x1;
	s7 =	sshll.u32 s6, $0x4;
	(pc) =	sbr.rel .LBB2_1-.Ltmp0, $4  }
0xc: {  	s6 =	sshrl.u32 s6, $0x3;
	s26 =	ssub.s32 s2, s25;
	s25 =	simm.s32 $0x2180  }
0xd: {  	s2 =	simm.s32 $0x1B80;
	s1 =	sadd.s32 s7, s1;
	s6 =	sadd.s32 s0, s6  }
0xe: {  	v0 =	vlaneseq.u32;
	s9 =	smax.u32 s26, $0x1;
	s26 =	simm.s32 $0x1A00;
	s0 =	simm.s32 $0x2300  }
0xf: {  	v0 =	vmul.u32 $0x80, v0;
	s7 =	sadd.s32 $0x800, s6;
	s8 =	sadd.s32 $0xF42C00, s1;
	s1 =	simm.s32 $0x2380  }
.LBB2_5:
0x10: {  	s13 =	sadd.s32 $0x1, s13  }
0x11: {  	p0 =	sne.s32 s13, s9  }
.Ltmp1:
0x12: {  	_ = 	snop;
	(pc) =	sbr.rel @!p0 .LBB2_6-.Ltmp1, $4  }
0x13: {  	[hbm4b:s8+s3] =	stream.linear.scatter [tilespmem:s12], [sflag:$0x2], $0x10000, $0x38;
	[tilespmem:$0x13580] =	vst v63  }
0x14: {  	_ =	swait.ge [sflag:s10], $0x10000  }
0x15: {  	[sflag:s10] =	ssyncset.done $0x0  }
0x16: {  	[sflag:s10] =	ssyncadd.s32 $0xFFFF0000  }
.LBB2_1:
0x17: {  	[tilespmem:s3], [sflag:$0x2] =	stream.linear.gather [hbm4b:s6+s3], $0x200, $0x38;
	[tilespmem:$0x13580] =	vst v63  }
0x18: {  	_ =	swait.ge [sflag:s10], $0x200  }
0x19: {  	[sflag:s10] =	ssyncset.done $0x0  }
0x1a: {  	s15 =	simm.s32 $0x200;
	[sflag:s10] =	ssyncadd.s32 $0xFFFFFE00  }
0x1b: {  	[tilespmem:s15], [sflag:$0x2] =	stream.linear.gather [hbm4b:s7+s3], $0x200, $0x38;
	[tilespmem:$0x13580] =	vst v63  }
0x1c: {  	_ =	swait.ge [sflag:s10], $0x200  }
0x1d: {  	[sflag:s10] =	ssyncset.done $0x0  }
0x1e: {  	[sflag:s10] =	ssyncadd.s32 $0xFFFFFE00  }
0x1f: {  	s16 =	simm.s32 $0x3400;
	s19 =	rddreg [dreg:$0x2]  }
0x20: {  	[tilespmem:s16], [sflag:$0x2] =	stream.linear.gather [hbm4b:s19+s3], $0x100, $0x38;
	[tilespmem:$0x13580] =	vst v63  }
0x21: {  	_ =	swait.ge [sflag:s10], $0x100  }
0x22: {  	[sflag:s10] =	ssyncset.done $0x0  }
0x23: {  	s20 =	simm.s32 $0x3500;
	[sflag:s10] =	ssyncadd.s32 $0xFFFFFF00  }
0x24: {  	[tilespmem:s20], [sflag:$0x2] =	stream.linear.gather [hbm4b:s5+s3], $0x80, $0x38;
	[tilespmem:$0x13580] =	vst v63  }
0x25: {  	_ =	swait.ge [sflag:s10], $0x80  }
0x26: {  	[sflag:s10] =	ssyncset.done $0x0  }
0x27: {  	[sflag:s10] =	ssyncadd.s32 $0xFFFFFF80  }
0x28: {  	v1 =	vld [tilespmem:$0x0];
	_ =	sdelay $0x1  }
0x29: {  	v2 =	vld [tilespmem:$0x200];
	_ =	sdelay $0x2  }
0x2a: {  	v11 =	vshll.u32 v1, $0x4  }
0x2b: {  	(v2sf) =	vpush v11, $0x0  }
0x2c: {  	v10 =	vshll.u32 v2, $0x4  }
0x2d: {  	(v2sf) =	vpush v10, $0x0;
	_ =	sdelay $0x1  }
0x2e: {  	(v2sf) =	vpush v11, $0x1;
	_ =	sdelay $0x8  }
0x2f: {  	(v2sf) =	vpush v10, $0x1;
	_ =	sdelay $0x1  }
0x30: {  	v8 =	vld [tilespmem:$0x3400];
	s16 =	spop (v2sf);
	(v2sf) =	vpush v11, $0x2  }
0x31: {  	v7 =	vld [tilespmem:$0x3410]  }
0x32: {  	v5 =	vld [tilespmem:$0x3420];
	s17 =	spop (v2sf);
	(v2sf) =	vpush v10, $0x2  }
0x33: {  	v9 =	vld [tilespmem:$0x3480]  }
0x34: {  	v6 =	vld [tilespmem:$0x3490];
	s19 =	spop (v2sf);
	(v2sf) =	vpush v11, $0x3  }
0x35: {  	v3 =	vld [tilespmem:$0x34A0]  }
0x36: {  	v4 =	vld [tilespmem:$0x3500];
	s15 =	sand.u32 $0x1FFFFFF0, s16  }
0x37: {  	v1 =	vld [tilespmem:$0x3430];
	s15 =	sadd.s32 s4, s15;
	(v2sf) =	vpush v10, $0x3  }
0x38: {  	v2 =	vld [tilespmem:$0x34B0];
	[tilespmem:s14], [sflag:$0x1] =	stream.linear.gather [hbm4b:s15+s3], $0x80, $0x38  }
0x39: {  	s15 =	sand.u32 $0x1FFFFFF0, s17  }
0x3a: {  	s18 =	simm.s32 $0xC00;
	s15 =	sadd.s32 s4, s15  }
0x3b: {  	[tilespmem:s18], [sflag:$0x1] =	stream.linear.gather [hbm4b:s15+s3], $0x80, $0x38;
	[tilespmem:$0x13580] =	vst v63  }
0x3c: {  	s15 =	sand.u32 $0x1FFFFFF0, s19  }
0x3d: {  	s20 =	simm.s32 $0x480;
	s17 =	spop (v2sf);
	s15 =	sadd.s32 s4, s15  }
0x3e: {  	[tilespmem:s20], [sflag:$0x1] =	stream.linear.gather [hbm4b:s15+s3], $0x80, $0x38;
	[tilespmem:$0x13580] =	vst v63  }
0x3f: {  	s19 =	spop (v2sf);
	(v2sf) =	vpush v11, $0x4  }
0x40: {  	s15 =	sand.u32 $0x1FFFFFF0, s17  }
0x41: {  	s18 =	simm.s32 $0xC80;
	s15 =	sadd.s32 s4, s15;
	s17 =	spop (v2sf);
	(v2sf) =	vpush v10, $0x4  }
0x42: {  	[tilespmem:s18], [sflag:$0x1] =	stream.linear.gather [hbm4b:s15+s3], $0x80, $0x38;
	[tilespmem:$0x13580] =	vst v63  }
0x43: {  	s15 =	sand.u32 $0x1FFFFFF0, s19;
	s19 =	spop (v2sf);
	(v2sf) =	vpush v11, $0x5  }
0x44: {  	s20 =	simm.s32 $0x500;
	s15 =	sadd.s32 s4, s15  }
0x45: {  	[tilespmem:s20], [sflag:$0x1] =	stream.linear.gather [hbm4b:s15+s3], $0x80, $0x38;
	[tilespmem:$0x13580] =	vst v63  }
0x46: {  	s15 =	sand.u32 $0x1FFFFFF0, s17;
	s17 =	spop (v2sf);
	(v2sf) =	vpush v10, $0x5;
	_ =	sdelay $0x2  }
0x47: {  	s18 =	simm.s32 $0xD00;
	s15 =	sadd.s32 s4, s15  }
0x48: {  	[tilespmem:s18], [sflag:$0x1] =	stream.linear.gather [hbm4b:s15+s3], $0x80, $0x38;
	[tilespmem:$0x13580] =	vst v63  }
0x49: {  	s15 =	sand.u32 $0x1FFFFFF0, s19  }
0x4a: {  	s20 =	simm.s32 $0x580;
	s15 =	sadd.s32 s4, s15  }
0x4b: {  	[tilespmem:s20], [sflag:$0x1] =	stream.linear.gather [hbm4b:s15+s3], $0x80, $0x38;
	[tilespmem:$0x13580] =	vst v63  }
0x4c: {  	s19 =	spop (v2sf);
	(v2sf) =	vpush v11, $0x6  }
0x4d: {  	s15 =	sand.u32 $0x1FFFFFF0, s17  }
0x4e: {  	s18 =	simm.s32 $0xD80;
	s15 =	sadd.s32 s4, s15;
	s17 =	spop (v2sf);
	(v2sf) =	vpush v10, $0x6  }
0x4f: {  	[tilespmem:s18], [sflag:$0x1] =	stream.linear.gather [hbm4b:s15+s3], $0x80, $0x38;
	[tilespmem:$0x13580] =	vst v63  }
0x50: {  	s15 =	sand.u32 $0x1FFFFFF0, s19;
	s19 =	spop (v2sf);
	(v2sf) =	vpush v11, $0x7  }
0x51: {  	s20 =	simm.s32 $0x600;
	s15 =	sadd.s32 s4, s15  }
0x52: {  	[tilespmem:s20], [sflag:$0x1] =	stream.linear.gather [hbm4b:s15+s3], $0x80, $0x38;
	[tilespmem:$0x13580] =	vst v63  }
0x53: {  	s15 =	sand.u32 $0x1FFFFFF0, s17;
	s17 =	spop (v2sf);
	(v2sf) =	vpush v10, $0x7;
	_ =	sdelay $0x2  }
0x54: {  	s18 =	simm.s32 $0xE00;
	s15 =	sadd.s32 s4, s15  }
0x55: {  	[tilespmem:s18], [sflag:$0x1] =	stream.linear.gather [hbm4b:s15+s3], $0x80, $0x38;
	[tilespmem:$0x13580] =	vst v63  }
0x56: {  	s15 =	sand.u32 $0x1FFFFFF0, s19  }
0x57: {  	s20 =	simm.s32 $0x680;
	s15 =	sadd.s32 s4, s15  }
0x58: {  	[tilespmem:s20], [sflag:$0x1] =	stream.linear.gather [hbm4b:s15+s3], $0x80, $0x38;
	[tilespmem:$0x13580] =	vst v63  }
0x59: {  	s19 =	spop (v2sf);
	(v2sf) =	vpush v11, $0x8  }
0x5a: {  	s15 =	sand.u32 $0x1FFFFFF0, s17  }
0x5b: {  	s18 =	simm.s32 $0xE80;
	s15 =	sadd.s32 s4, s15;
	s17 =	spop (v2sf);
	(v2sf) =	vpush v10, $0x8  }
0x5c: {  	[tilespmem:s18], [sflag:$0x1] =	stream.linear.gather [hbm4b:s15+s3], $0x80, $0x38;
	[tilespmem:$0x13580] =	vst v63  }
0x5d: {  	s15 =	sand.u32 $0x1FFFFFF0, s19;
	s19 =	spop (v2sf);
	(v2sf) =	vpush v11, $0x9  }
0x5e: {  	s20 =	simm.s32 $0x700;
	s15 =	sadd.s32 s4, s15  }
0x5f: {  	[tilespmem:s20], [sflag:$0x1] =	stream.linear.gather [hbm4b:s15+s3], $0x80, $0x38;
	[tilespmem:$0x13580] =	vst v63  }
0x60: {  	s15 =	sand.u32 $0x1FFFFFF0, s17;
	s17 =	spop (v2sf);
	(v2sf) =	vpush v10, $0x9;
	_ =	sdelay $0x2  }
0x61: {  	s18 =	simm.s32 $0xF00;
	s15 =	sadd.s32 s4, s15  }
0x62: {  	[tilespmem:s18], [sflag:$0x1] =	stream.linear.gather [hbm4b:s15+s3], $0x80, $0x38;
	[tilespmem:$0x13580] =	vst v63  }
0x63: {  	s15 =	sand.u32 $0x1FFFFFF0, s19  }
0x64: {  	s20 =	simm.s32 $0x780;
	s15 =	sadd.s32 s4, s15  }
0x65: {  	[tilespmem:s20], [sflag:$0x1] =	stream.linear.gather [hbm4b:s15+s3], $0x80, $0x38;
	[tilespmem:$0x13580] =	vst v63  }
0x66: {  	s19 =	spop (v2sf);
	(v2sf) =	vpush v11, $0xA  }
0x67: {  	s15 =	sand.u32 $0x1FFFFFF0, s17  }
0x68: {  	s18 =	simm.s32 $0xF80;
	s15 =	sadd.s32 s4, s15;
	s17 =	spop (v2sf);
	(v2sf) =	vpush v10, $0xA  }
0x69: {  	[tilespmem:s18], [sflag:$0x1] =	stream.linear.gather [hbm4b:s15+s3], $0x80, $0x38;
	[tilespmem:$0x13580] =	vst v63  }
0x6a: {  	s15 =	sand.u32 $0x1FFFFFF0, s19;
	s19 =	spop (v2sf);
	(v2sf) =	vpush v11, $0xB  }
0x6b: {  	s20 =	simm.s32 $0x800;
	s15 =	sadd.s32 s4, s15  }
0x6c: {  	[tilespmem:s20], [sflag:$0x1] =	stream.linear.gather [hbm4b:s15+s3], $0x80, $0x38;
	[tilespmem:$0x13580] =	vst v63  }
0x6d: {  	s15 =	sand.u32 $0x1FFFFFF0, s17;
	s17 =	spop (v2sf);
	(v2sf) =	vpush v10, $0xB;
	_ =	sdelay $0x2  }
0x6e: {  	s18 =	simm.s32 $0x1000;
	s15 =	sadd.s32 s4, s15  }
0x6f: {  	[tilespmem:s18], [sflag:$0x1] =	stream.linear.gather [hbm4b:s15+s3], $0x80, $0x38;
	[tilespmem:$0x13580] =	vst v63  }
0x70: {  	s15 =	sand.u32 $0x1FFFFFF0, s19  }
0x71: {  	s20 =	simm.s32 $0x880;
	s15 =	sadd.s32 s4, s15  }
0x72: {  	[tilespmem:s20], [sflag:$0x1] =	stream.linear.gather [hbm4b:s15+s3], $0x80, $0x38;
	[tilespmem:$0x13580] =	vst v63  }
0x73: {  	s19 =	spop (v2sf);
	(v2sf) =	vpush v11, $0xC  }
0x74: {  	s15 =	sand.u32 $0x1FFFFFF0, s17  }
0x75: {  	s18 =	simm.s32 $0x1080;
	s15 =	sadd.s32 s4, s15;
	s17 =	spop (v2sf);
	(v2sf) =	vpush v10, $0xC  }
0x76: {  	[tilespmem:s18], [sflag:$0x1] =	stream.linear.gather [hbm4b:s15+s3], $0x80, $0x38;
	[tilespmem:$0x13580] =	vst v63  }
0x77: {  	s15 =	sand.u32 $0x1FFFFFF0, s19;
	s19 =	spop (v2sf);
	(v2sf) =	vpush v11, $0xD  }
0x78: {  	s20 =	simm.s32 $0x900;
	s15 =	sadd.s32 s4, s15  }
0x79: {  	[tilespmem:s20], [sflag:$0x1] =	stream.linear.gather [hbm4b:s15+s3], $0x80, $0x38;
	[tilespmem:$0x13580] =	vst v63  }
0x7a: {  	s15 =	sand.u32 $0x1FFFFFF0, s17;
	s17 =	spop (v2sf);
	(v2sf) =	vpush v10, $0xD;
	_ =	sdelay $0x1  }
0x7b: {  	s18 =	simm.s32 $0x1100;
	s15 =	sadd.s32 s4, s15  }
0x7c: {  	[tilespmem:s18], [sflag:$0x1] =	stream.linear.gather [hbm4b:s15+s3], $0x80, $0x38;
	[tilespmem:$0x13580] =	vst v63  }
0x7d: {  	s15 =	sand.u32 $0x1FFFFFF0, s19  }
0x7e: {  	s20 =	simm.s32 $0x980;
	s15 =	sadd.s32 s4, s15  }
0x7f: {  	[tilespmem:s20], [sflag:$0x1] =	stream.linear.gather [hbm4b:s15+s3], $0x80, $0x38;
	[tilespmem:$0x13580] =	vst v63  }
0x80: {  	s15 =	sand.u32 $0x1FFFFFF0, s17  }
0x81: {  	s18 =	simm.s32 $0x1180;
	s15 =	sadd.s32 s4, s15;
	s19 =	spop (v2sf);
	(v2sf) =	vpush v11, $0xE  }
0x82: {  	[tilespmem:s18], [sflag:$0x1] =	stream.linear.gather [hbm4b:s15+s3], $0x80, $0x38;
	[tilespmem:$0x13580] =	vst v63  }
0x83: {  	s17 =	spop (v2sf);
	(v2sf) =	vpush v10, $0xE  }
0x84: {  	s15 =	sand.u32 $0x1FFFFFF0, s19  }
0x85: {  	s20 =	simm.s32 $0xA00;
	s15 =	sadd.s32 s4, s15;
	s19 =	spop (v2sf)  }
0x86: {  	(v2sf) =	vpush v11, $0xF;
	[tilespmem:s20], [sflag:$0x1] =	stream.linear.gather [hbm4b:s15+s3], $0x80, $0x38;
	[tilespmem:$0x13580] =	vst v63  }
0x87: {  	s15 =	sand.u32 $0x1FFFFFF0, s17  }
0x88: {  	s18 =	simm.s32 $0x1200;
	s17 =	spop (v2sf);
	s15 =	sadd.s32 s4, s15  }
0x89: {  	(v2sf) =	vpush v10, $0xF;
	[tilespmem:s18], [sflag:$0x1] =	stream.linear.gather [hbm4b:s15+s3], $0x80, $0x38;
	[tilespmem:$0x13580] =	vst v63  }
0x8a: {  	s15 =	sand.u32 $0x1FFFFFF0, s19  }
0x8b: {  	s20 =	simm.s32 $0xA80;
	s15 =	sadd.s32 s4, s15  }
0x8c: {  	[tilespmem:s20], [sflag:$0x1] =	stream.linear.gather [hbm4b:s15+s3], $0x80, $0x38;
	[tilespmem:$0x13580] =	vst v63  }
0x8d: {  	s15 =	sand.u32 $0x1FFFFFF0, s17  }
0x8e: {  	s18 =	simm.s32 $0x1280;
	s15 =	sadd.s32 s4, s15  }
0x8f: {  	[tilespmem:s18], [sflag:$0x1] =	stream.linear.gather [hbm4b:s15+s3], $0x80, $0x38;
	[tilespmem:$0x13580] =	vst v63  }
0x90: {  	s19 =	spop (v2sf)  }
0x91: {  	s15 =	sand.u32 $0x1FFFFFF0, s19  }
0x92: {  	s20 =	simm.s32 $0xB00;
	s17 =	spop (v2sf);
	s15 =	sadd.s32 s4, s15  }
0x93: {  	[tilespmem:s20], [sflag:$0x1] =	stream.linear.gather [hbm4b:s15+s3], $0x80, $0x38;
	[tilespmem:$0x13580] =	vst v63  }
0x94: {  	s15 =	sand.u32 $0x1FFFFFF0, s17  }
0x95: {  	s18 =	simm.s32 $0x1300;
	s19 =	spop (v2sf);
	s15 =	sadd.s32 s4, s15  }
0x96: {  	[tilespmem:s18], [sflag:$0x1] =	stream.linear.gather [hbm4b:s15+s3], $0x80, $0x38;
	[tilespmem:$0x13580] =	vst v63  }
0x97: {  	s15 =	sand.u32 $0x1FFFFFF0, s19  }
0x98: {  	s20 =	simm.s32 $0xB80;
	s17 =	spop (v2sf);
	s15 =	sadd.s32 s4, s15  }
0x99: {  	[tilespmem:s20], [sflag:$0x1] =	stream.linear.gather [hbm4b:s15+s3], $0x80, $0x38;
	[tilespmem:$0x13580] =	vst v63  }
0x9a: {  	s15 =	sand.u32 $0x1FFFFFF0, s17  }
0x9b: {  	s18 =	simm.s32 $0x1380;
	s15 =	sadd.s32 s4, s15  }
0x9c: {  	[tilespmem:s18], [sflag:$0x1] =	stream.linear.gather [hbm4b:s15+s3], $0x80, $0x38;
	[tilespmem:$0x13580] =	vst v63  }
0x9d: {  	v53 =	vld [tilespmem:$0x10];
	_ =	sdelay $0x3  }
0x9e: {  	v54 =	vld [tilespmem:$0x210]  }
0x9f: {  	v16 =	vshll.u32 v53, $0x4  }
0xa0: {  	(v2sf) =	vpush v16, $0x0;
	_ =	sdelay $0x2  }
0xa1: {  	v26 =	vshll.u32 v54, $0x4  }
0xa2: {  	v55 =	vbroadcast v8, $0x0;
	(v2sf) =	vpush v26, $0x0  }
0xa3: {  	v56 =	vbroadcast v9, $0x0;
	(v2sf) =	vpush v16, $0x1  }
0xa4: {  	v57 =	vbroadcast v8, $0x1;
	[tilespmem:$0x1FA50] =	vst v55  }
0xa5: {  	v58 =	vbroadcast v9, $0x1;
	[tilespmem:$0x1FA60] =	vst v56;
	(v2sf) =	vpush v26, $0x1  }
0xa6: {  	v59 =	vbroadcast v8, $0x2;
	[tilespmem:$0x1FA70] =	vst v57  }
0xa7: {  	v60 =	vbroadcast v9, $0x2;
	[tilespmem:$0x1FA80] =	vst v58  }
0xa8: {  	v61 =	vbroadcast v8, $0x3;
	[tilespmem:$0x1FA90] =	vst v59  }
0xa9: {  	v62 =	vbroadcast v9, $0x3;
	[tilespmem:$0x1FAA0] =	vst v60  }
0xaa: {  	v63 =	vbroadcast v8, $0x4;
	[tilespmem:$0x1FAB0] =	vst v61  }
0xab: {  	v12 =	vbroadcast v9, $0x4;
	[tilespmem:$0x1FAC0] =	vst v62  }
0xac: {  	v13 =	vbroadcast v8, $0x5;
	[tilespmem:$0x1FAD0] =	vst v63  }
0xad: {  	v14 =	vbroadcast v9, $0x5;
	[tilespmem:$0x1FAE0] =	vst v12;
	s19 =	spop (v2sf);
	(v2sf) =	vpush v16, $0x2  }
0xae: {  	v15 =	vbroadcast v8, $0x6;
	[tilespmem:$0x1FAF0] =	vst v13  }
0xaf: {  	v17 =	vbroadcast v9, $0x6;
	[tilespmem:$0x1FB00] =	vst v14  }
0xb0: {  	v18 =	vbroadcast v8, $0x7;
	[tilespmem:$0x1FB10] =	vst v15  }
0xb1: {  	[tilespmem:$0x1FB20] =	vst v17;
	s15 =	sand.u32 $0x1FFFFFF0, s19;
	s17 =	spop (v2sf);
	(v2sf) =	vpush v26, $0x2  }
0xb2: {  	v19 =	vbroadcast v9, $0x7;
	[tilespmem:$0x1FB30] =	vst v18;
	s20 =	simm.s32 $0x1400;
	s15 =	sadd.s32 s4, s15;
	s19 =	spop (v2sf);
	(v2sf) =	vpush v16, $0x3  }
0xb3: {  	v20 =	vbroadcast v8, $0x8;
	[tilespmem:s20], [sflag:$0x1] =	stream.linear.gather [hbm4b:s15+s3], $0x80, $0x38;
	[tilespmem:$0x13580] =	vst v63  }
0xb4: {  	v21 =	vbroadcast v9, $0x8;
	[tilespmem:$0x1FB40] =	vst v19;
	s15 =	sand.u32 $0x1FFFFFF0, s17;
	s17 =	spop (v2sf);
	(v2sf) =	vpush v26, $0x3  }
0xb5: {  	v22 =	vbroadcast v8, $0x9;
	[tilespmem:$0x1FB50] =	vst v20  }
0xb6: {  	[tilespmem:$0x1FB60] =	vst v21  }
0xb7: {  	v23 =	vbroadcast v9, $0x9;
	[tilespmem:$0x1FB70] =	vst v22;
	s18 =	simm.s32 $0x1C00;
	s15 =	sadd.s32 s4, s15  }
0xb8: {  	v24 =	vbroadcast v8, $0xA;
	[tilespmem:s18], [sflag:$0x1] =	stream.linear.gather [hbm4b:s15+s3], $0x80, $0x38;
	[tilespmem:$0x13580] =	vst v63  }
0xb9: {  	[tilespmem:$0x1FB80] =	vst v23;
	s15 =	sand.u32 $0x1FFFFFF0, s19  }
0xba: {  	v25 =	vbroadcast v9, $0xA;
	[tilespmem:$0x1FB90] =	vst v24;
	s20 =	simm.s32 $0x1480;
	s15 =	sadd.s32 s4, s15  }
0xbb: {  	v32 =	vbroadcast v8, $0xB;
	[tilespmem:s20], [sflag:$0x1] =	stream.linear.gather [hbm4b:s15+s3], $0x80, $0x38;
	[tilespmem:$0x13580] =	vst v63  }
0xbc: {  	v33 =	vbroadcast v9, $0xB;
	[tilespmem:$0x1FBA0] =	vst v25;
	s19 =	spop (v2sf);
	(v2sf) =	vpush v16, $0x4  }
0xbd: {  	[tilespmem:$0x1FBB0] =	vst v32;
	s15 =	sand.u32 $0x1FFFFFF0, s17  }
0xbe: {  	v34 =	vbroadcast v8, $0xC;
	v35 =	vbroadcast v9, $0xC;
	[tilespmem:$0x1FBC0] =	vst v33;
	s18 =	simm.s32 $0x1C80;
	s15 =	sadd.s32 s4, s15  }
0xbf: {  	v36 =	vbroadcast v8, $0xD;
	v37 =	vbroadcast v9, $0xD;
	[tilespmem:s18], [sflag:$0x1] =	stream.linear.gather [hbm4b:s15+s3], $0x80, $0x38;
	[tilespmem:$0x13580] =	vst v63  }
0xc0: {  	v38 =	vbroadcast v8, $0xE;
	v39 =	vbroadcast v9, $0xE;
	[tilespmem:$0x1FBD0] =	vst v34;
	s15 =	sand.u32 $0x1FFFFFF0, s19;
	s17 =	spop (v2sf);
	(v2sf) =	vpush v26, $0x4  }
0xc1: {  	v8 =	vbroadcast v8, $0xF;
	v40 =	vbroadcast v9, $0xF;
	[tilespmem:$0x1FBE0] =	vst v35;
	s20 =	simm.s32 $0x1500;
	s15 =	sadd.s32 s4, s15;
	s19 =	spop (v2sf);
	(v2sf) =	vpush v16, $0x5  }
0xc2: {  	v41 =	vbroadcast v7, $0x0;
	v43 =	vbroadcast v7, $0x1;
	[tilespmem:s20], [sflag:$0x1] =	stream.linear.gather [hbm4b:s15+s3], $0x80, $0x38;
	[tilespmem:$0x13580] =	vst v63  }
0xc3: {  	v45 =	vbroadcast v7, $0x2;
	v47 =	vbroadcast v7, $0x3;
	[tilespmem:$0x1FBF0] =	vst v36;
	s15 =	sand.u32 $0x1FFFFFF0, s17;
	s17 =	spop (v2sf);
	(v2sf) =	vpush v26, $0x5  }
0xc4: {  	v49 =	vbroadcast v7, $0x4;
	v51 =	vbroadcast v7, $0x5;
	[tilespmem:$0x1FC00] =	vst v37  }
0xc5: {  	[tilespmem:$0x1FC10] =	vst v38;
	v55 =	vbroadcast v7, $0x7;
	v57 =	vbroadcast v7, $0x8  }
0xc6: {  	[tilespmem:$0x1FC20] =	vst v39;
	v58 =	vbroadcast v7, $0x9;
	v59 =	vbroadcast v7, $0xA;
	s18 =	simm.s32 $0x1D00;
	s15 =	sadd.s32 s4, s15  }
0xc7: {  	v60 =	vbroadcast v7, $0xB;
	v61 =	vbroadcast v7, $0xC;
	[tilespmem:s18], [sflag:$0x1] =	stream.linear.gather [hbm4b:s15+s3], $0x80, $0x38;
	[tilespmem:$0x13580] =	vst v63  }
0xc8: {  	[tilespmem:$0x1FC30] =	vst v8;
	v62 =	vbroadcast v7, $0xD;
	v63 =	vbroadcast v7, $0xE;
	s15 =	sand.u32 $0x1FFFFFF0, s19  }
0xc9: {  	[tilespmem:$0x1FC40] =	vst v40;
	v53 =	vbroadcast v7, $0x6;
	v7 =	vbroadcast v7, $0xF;
	s20 =	simm.s32 $0x1580;
	s15 =	sadd.s32 s4, s15  }
0xca: {  	[tilespmem:s20], [sflag:$0x1] =	stream.linear.gather [hbm4b:s15+s3], $0x80, $0x38;
	[tilespmem:$0x13580] =	vst v63  }
0xcb: {  	[tilespmem:$0x1FDC0] =	vst v7;
	v7 =	vbroadcast v6, $0x8;
	s19 =	spop (v2sf);
	(v2sf) =	vpush v16, $0x6  }
0xcc: {  	[tilespmem:$0x1FC50] =	vst v41;
	s15 =	sand.u32 $0x1FFFFFF0, s17  }
0xcd: {  	v42 =	vbroadcast v6, $0x0;
	[tilespmem:$0x1FDD0] =	vst v7;
	s18 =	simm.s32 $0x1D80;
	s15 =	sadd.s32 s4, s15  }
0xce: {  	v7 =	vbroadcast v6, $0x9;
	[tilespmem:s18], [sflag:$0x1] =	stream.linear.gather [hbm4b:s15+s3], $0x80, $0x38;
	[tilespmem:$0x13580] =	vst v63  }
0xcf: {  	[tilespmem:$0x1FC60] =	vst v42;
	s15 =	sand.u32 $0x1FFFFFF0, s19;
	s17 =	spop (v2sf);
	(v2sf) =	vpush v26, $0x6  }
0xd0: {  	[tilespmem:$0x1FDE0] =	vst v7;
	s20 =	simm.s32 $0x1600;
	s15 =	sadd.s32 s4, s15;
	s19 =	spop (v2sf);
	(v2sf) =	vpush v16, $0x7  }
0xd1: {  	v7 =	vbroadcast v6, $0xA;
	[tilespmem:s20], [sflag:$0x1] =	stream.linear.gather [hbm4b:s15+s3], $0x80, $0x38;
	[tilespmem:$0x13580] =	vst v63  }
0xd2: {  	v44 =	vbroadcast v6, $0x1;
	[tilespmem:$0x1FC70] =	vst v43;
	s15 =	sand.u32 $0x1FFFFFF0, s17;
	s17 =	spop (v2sf);
	(v2sf) =	vpush v26, $0x7  }
0xd3: {  	[tilespmem:$0x1FDF0] =	vst v7;
	v7 =	vbroadcast v6, $0xB  }
0xd4: {  	[tilespmem:$0x1FC80] =	vst v44  }
0xd5: {  	[tilespmem:$0x1FE00] =	vst v7;
	s18 =	simm.s32 $0x1E00;
	s15 =	sadd.s32 s4, s15  }
0xd6: {  	v46 =	vbroadcast v6, $0x2;
	v7 =	vbroadcast v6, $0xC;
	[tilespmem:s18], [sflag:$0x1] =	stream.linear.gather [hbm4b:s15+s3], $0x80, $0x38;
	[tilespmem:$0x13580] =	vst v63  }
0xd7: {  	v48 =	vbroadcast v6, $0x3;
	v50 =	vbroadcast v6, $0x4;
	[tilespmem:$0x1FC90] =	vst v45;
	s15 =	sand.u32 $0x1FFFFFF0, s19  }
0xd8: {  	v52 =	vbroadcast v6, $0x5;
	[tilespmem:$0x1FE10] =	vst v7;
	v7 =	vbroadcast v6, $0xD;
	s20 =	simm.s32 $0x1680;
	s15 =	sadd.s32 s4, s15  }
0xd9: {  	v56 =	vbroadcast v6, $0x7;
	v54 =	vbroadcast v6, $0x6;
	[tilespmem:s20], [sflag:$0x1] =	stream.linear.gather [hbm4b:s15+s3], $0x80, $0x38;
	[tilespmem:$0x13580] =	vst v63  }
0xda: {  	[tilespmem:$0x1FE20] =	vst v7;
	v7 =	vbroadcast v6, $0xE;
	v6 =	vbroadcast v6, $0xF;
	s19 =	spop (v2sf);
	(v2sf) =	vpush v16, $0x8  }
0xdb: {  	[tilespmem:$0x1FCA0] =	vst v46;
	s15 =	sand.u32 $0x1FFFFFF0, s17  }
0xdc: {  	[tilespmem:$0x1FE40] =	vst v6;
	s18 =	simm.s32 $0x1E80;
	s15 =	sadd.s32 s4, s15  }
0xdd: {  	v6 =	vbroadcast v5, $0x0;
	[tilespmem:s18], [sflag:$0x1] =	stream.linear.gather [hbm4b:s15+s3], $0x80, $0x38;
	[tilespmem:$0x13580] =	vst v63  }
0xde: {  	[tilespmem:$0x1FCB0] =	vst v47;
	s15 =	sand.u32 $0x1FFFFFF0, s19;
	s17 =	spop (v2sf);
	(v2sf) =	vpush v26, $0x8  }
0xdf: {  	[tilespmem:$0x1FE50] =	vst v6;
	v6 =	vbroadcast v5, $0x1;
	s20 =	simm.s32 $0x1700;
	s15 =	sadd.s32 s4, s15;
	s19 =	spop (v2sf)  }
0xe0: {  	(v2sf) =	vpush v16, $0x9;
	[tilespmem:s20], [sflag:$0x1] =	stream.linear.gather [hbm4b:s15+s3], $0x80, $0x38;
	[tilespmem:$0x13580] =	vst v63  }
0xe1: {  	[tilespmem:$0x1FE60] =	vst v6;
	v6 =	vbroadcast v5, $0x2;
	s15 =	sand.u32 $0x1FFFFFF0, s17;
	s17 =	spop (v2sf);
	(v2sf) =	vpush v26, $0x9  }
0xe2: {  	[tilespmem:$0x1FCC0] =	vst v48  }
0xe3: {  	[tilespmem:$0x1FE70] =	vst v6;
	v6 =	vbroadcast v5, $0x3  }
0xe4: {  	[tilespmem:$0x1FCD0] =	vst v49  }
0xe5: {  	[tilespmem:$0x1FE80] =	vst v6;
	v6 =	vbroadcast v5, $0x4  }
0xe6: {  	[tilespmem:$0x1FCE0] =	vst v50  }
0xe7: {  	[tilespmem:$0x1FE90] =	vst v6;
	s18 =	simm.s32 $0x1F00;
	s15 =	sadd.s32 s4, s15  }
0xe8: {  	v6 =	vbroadcast v5, $0x5;
	[tilespmem:s18], [sflag:$0x1] =	stream.linear.gather [hbm4b:s15+s3], $0x80, $0x38;
	[tilespmem:$0x13580] =	vst v63  }
0xe9: {  	[tilespmem:$0x1FCF0] =	vst v51;
	s15 =	sand.u32 $0x1FFFFFF0, s19;
	s19 =	spop (v2sf);
	(v2sf) =	vpush v16, $0xA  }
0xea: {  	[tilespmem:$0x1FEA0] =	vst v6;
	s20 =	simm.s32 $0x1780;
	s15 =	sadd.s32 s4, s15  }
0xeb: {  	v6 =	vbroadcast v5, $0x6;
	[tilespmem:s20], [sflag:$0x1] =	stream.linear.gather [hbm4b:s15+s3], $0x80, $0x38;
	[tilespmem:$0x13580] =	vst v63  }
0xec: {  	[tilespmem:$0x1FD00] =	vst v52;
	s15 =	sand.u32 $0x1FFFFFF0, s17  }
0xed: {  	[tilespmem:$0x1FEB0] =	vst v6;
	s18 =	simm.s32 $0x1F80;
	s15 =	sadd.s32 s4, s15;
	s17 =	spop (v2sf);
	(v2sf) =	vpush v26, $0xA  }
0xee: {  	v6 =	vbroadcast v5, $0x7;
	[tilespmem:s18], [sflag:$0x1] =	stream.linear.gather [hbm4b:s15+s3], $0x80, $0x38;
	[tilespmem:$0x13580] =	vst v63  }
0xef: {  	[tilespmem:$0x1FD30] =	vst v55;
	s15 =	sand.u32 $0x1FFFFFF0, s19;
	s19 =	spop (v2sf);
	(v2sf) =	vpush v16, $0xB  }
0xf0: {  	[tilespmem:$0x1FEC0] =	vst v6;
	s20 =	simm.s32 $0x1800;
	s15 =	sadd.s32 s4, s15;
	s16 =	spop (v2sf);
	(v2sf) =	vpush v26, $0xB  }
0xf1: {  	v6 =	vbroadcast v5, $0x8;
	[tilespmem:s20], [sflag:$0x1] =	stream.linear.gather [hbm4b:s15+s3], $0x80, $0x38;
	[tilespmem:$0x13580] =	vst v63  }
0xf2: {  	[tilespmem:$0x1FD40] =	vst v56;
	s15 =	sand.u32 $0x1FFFFFF0, s17;
	(v2sf) =	vpush v16, $0xC  }
0xf3: {  	[tilespmem:$0x1FED0] =	vst v6;
	s18 =	simm.s32 $0x2000;
	s15 =	sadd.s32 s4, s15  }
0xf4: {  	v6 =	vbroadcast v5, $0x9;
	[tilespmem:s18], [sflag:$0x1] =	stream.linear.gather [hbm4b:s15+s3], $0x80, $0x38;
	[tilespmem:$0x13580] =	vst v63  }
0xf5: {  	[tilespmem:$0x1FD50] =	vst v57;
	s15 =	sand.u32 $0x1FFFFFF0, s19  }
0xf6: {  	[tilespmem:$0x1FEE0] =	vst v6;
	s20 =	simm.s32 $0x1880;
	s15 =	sadd.s32 s4, s15  }
0xf7: {  	v6 =	vbroadcast v5, $0xA;
	[tilespmem:s20], [sflag:$0x1] =	stream.linear.gather [hbm4b:s15+s3], $0x80, $0x38;
	[tilespmem:$0x13580] =	vst v63  }
0xf8: {  	[tilespmem:$0x1FD60] =	vst v58;
	s15 =	sand.u32 $0x1FFFFFF0, s16;
	s17 =	spop (v2sf);
	(v2sf) =	vpush v26, $0xC  }
0xf9: {  	[tilespmem:$0x1FEF0] =	vst v6;
	s15 =	sadd.s32 s4, s15  }
0xfa: {  	v6 =	vbroadcast v5, $0xB;
	[tilespmem:s21], [sflag:$0x1] =	stream.linear.gather [hbm4b:s15+s3], $0x80, $0x38;
	[tilespmem:$0x13580] =	vst v63  }
0xfb: {  	[tilespmem:$0x1FD70] =	vst v59;
	s15 =	sand.u32 $0x1FFFFFF0, s17  }
0xfc: {  	[tilespmem:$0x1FF00] =	vst v6;
	s18 =	spop (v2sf);
	(v2sf) =	vpush v16, $0xD;
	s15 =	sadd.s32 s4, s15  }
0xfd: {  	v6 =	vbroadcast v5, $0xC;
	[tilespmem:s22], [sflag:$0x1] =	stream.linear.gather [hbm4b:s15+s3], $0x80, $0x38;
	[tilespmem:$0x13580] =	vst v63  }
0xfe: {  	[tilespmem:$0x1FD80] =	vst v60;
	s19 =	spop (v2sf);
	(v2sf) =	vpush v26, $0xD;
	s15 =	sand.u32 $0x1FFFFFF0, s18  }
0xff: {  	[tilespmem:$0x1FF10] =	vst v6;
	s20 =	spop (v2sf);
	(v2sf) =	vpush v16, $0xE;
	s15 =	sadd.s32 s4, s15  }
0x100: {  	v6 =	vbroadcast v5, $0xD;
	[tilespmem:s23], [sflag:$0x1] =	stream.linear.gather [hbm4b:s15+s3], $0x80, $0x38;
	[tilespmem:$0x13580] =	vst v63  }
0x101: {  	[tilespmem:$0x1FD90] =	vst v61;
	s16 =	spop (v2sf);
	(v2sf) =	vpush v26, $0xE;
	s15 =	sand.u32 $0x1FFFFFF0, s19  }
0x102: {  	[tilespmem:$0x1FF20] =	vst v6;
	s15 =	sadd.s32 s4, s15  }
0x103: {  	v6 =	vbroadcast v5, $0xE;
	v5 =	vbroadcast v5, $0xF;
	[tilespmem:s24], [sflag:$0x1] =	stream.linear.gather [hbm4b:s15+s3], $0x80, $0x38;
	[tilespmem:$0x13580] =	vst v63  }
0x104: {  	[tilespmem:$0x1FDA0] =	vst v62;
	s15 =	sand.u32 $0x1FFFFFF0, s20  }
0x105: {  	[tilespmem:$0x1FF40] =	vst v5;
	s15 =	sadd.s32 s4, s15  }
0x106: {  	v29 =	vbroadcast v3, $0xB;
	v5 =	vbroadcast v3, $0x0;
	[tilespmem:s25], [sflag:$0x1] =	stream.linear.gather [hbm4b:s15+s3], $0x80, $0x38;
	[tilespmem:$0x13580] =	vst v63  }
0x107: {  	v30 =	vbroadcast v3, $0xC;
	v31 =	vbroadcast v3, $0xD;
	[tilespmem:$0x1FDB0] =	vst v63;
	s15 =	sand.u32 $0x1FFFFFF0, s16;
	s17 =	spop (v2sf);
	(v2sf) =	vpush v16, $0xF  }
0x108: {  	v32 =	vbroadcast v3, $0xE;
	v33 =	vbroadcast v3, $0xF;
	[tilespmem:$0x1FF50] =	vst v5;
	s15 =	sadd.s32 s4, s15  }
0x109: {  	v34 =	vbroadcast v1, $0x0;
	v5 =	vbroadcast v3, $0x1;
	[tilespmem:s26], [sflag:$0x1] =	stream.linear.gather [hbm4b:s15+s3], $0x80, $0x38;
	[tilespmem:$0x13580] =	vst v63  }
0x10a: {  	v35 =	vbroadcast v1, $0x1;
	v36 =	vbroadcast v1, $0x2;
	[tilespmem:$0x1FD10] =	vst v53;
	s18 =	sand.u32 $0x1FFFFFF0, s17  }
0x10b: {  	v37 =	vbroadcast v1, $0x3;
	v38 =	vbroadcast v1, $0x4;
	[tilespmem:$0x1FF60] =	vst v5;
	s19 =	spop (v2sf);
	(v2sf) =	vpush v26, $0xF;
	s15 =	sadd.s32 s4, s18  }
0x10c: {  	v39 =	vbroadcast v1, $0x5;
	v5 =	vbroadcast v3, $0x2;
	[tilespmem:s28], [sflag:$0x1] =	stream.linear.gather [hbm4b:s15+s3], $0x80, $0x38;
	[tilespmem:$0x13580] =	vst v63  }
0x10d: {  	v40 =	vbroadcast v1, $0x6;
	v41 =	vbroadcast v1, $0x7;
	[tilespmem:$0x1FD20] =	vst v54;
	s20 =	spop (v2sf);
	s15 =	sand.u32 $0x1FFFFFF0, s19  }
0x10e: {  	v42 =	vbroadcast v1, $0x8;
	[tilespmem:$0x1FF70] =	vst v5;
	v5 =	vbroadcast v3, $0x3;
	s17 =	sand.u32 $0x1FFFFFF0, s20;
	s18 =	spop (v2sf);
	s15 =	sadd.s32 s4, s15  }
0x10f: {  	v43 =	vbroadcast v1, $0x9;
	v44 =	vbroadcast v1, $0xA;
	[tilespmem:s29], [sflag:$0x1] =	stream.linear.gather [hbm4b:s15+s3], $0x80, $0x38;
	[tilespmem:$0x13580] =	vst v63  }
0x110: {  	v45 =	vbroadcast v1, $0xB;
	[tilespmem:$0x1FF80] =	vst v5;
	v5 =	vbroadcast v3, $0x4;
	s19 =	sand.u32 $0x1FFFFFF0, s18;
	s20 =	spop (v2sf);
	s15 =	sadd.s32 s4, s17  }
0x111: {  	v46 =	vbroadcast v1, $0xC;
	v47 =	vbroadcast v1, $0xD;
	[tilespmem:s30], [sflag:$0x1] =	stream.linear.gather [hbm4b:s15+s3], $0x80, $0x38;
	[tilespmem:$0x13580] =	vst v63  }
0x112: {  	v48 =	vbroadcast v1, $0xE;
	[tilespmem:$0x1FF90] =	vst v5;
	v5 =	vbroadcast v3, $0x5;
	s17 =	sand.u32 $0x1FFFFFF0, s20;
	s15 =	sadd.s32 s4, s19  }
0x113: {  	v49 =	vbroadcast v1, $0xF;
	v50 =	vbroadcast v2, $0x0;
	[tilespmem:s31], [sflag:$0x1] =	stream.linear.gather [hbm4b:s15+s3], $0x80, $0x38;
	[tilespmem:$0x13580] =	vst v63  }
0x114: {  	v51 =	vbroadcast v2, $0x1;
	[tilespmem:$0x1FFA0] =	vst v5;
	v5 =	vbroadcast v3, $0x6;
	s15 =	sadd.s32 s4, s17  }
0x115: {  	v52 =	vbroadcast v2, $0x2;
	v55 =	vbroadcast v2, $0x5;
	[tilespmem:s0], [sflag:$0x1] =	stream.linear.gather [hbm4b:s15+s3], $0x80, $0x38;
	[tilespmem:$0x13580] =	vst v63  }
0x116: {  	v56 =	vbroadcast v2, $0x6;
	[tilespmem:$0x1FFB0] =	vst v5;
	v5 =	vbroadcast v3, $0x7;
	s18 =	spop (v2sf)  }
0x117: {  	v57 =	vbroadcast v2, $0x7;
	v58 =	vbroadcast v2, $0x8;
	[tilespmem:$0x1FE30] =	vst v7;
	s19 =	sand.u32 $0x1FFFFFF0, s18  }
0x118: {  	v59 =	vbroadcast v2, $0x9;
	[tilespmem:$0x1FFC0] =	vst v5;
	v5 =	vbroadcast v3, $0x8;
	s15 =	sadd.s32 s4, s19  }
0x119: {  	v60 =	vbroadcast v2, $0xA;
	v61 =	vbroadcast v2, $0xB;
	[tilespmem:s2], [sflag:$0x1] =	stream.linear.gather [hbm4b:s15+s3], $0x80, $0x38;
	[tilespmem:$0x13580] =	vst v63  }
.Ltmp2:
0x11a: {  	v62 =	vbroadcast v2, $0xC;
	[tilespmem:$0x1FFD0] =	vst v5;
	v5 =	vbroadcast v3, $0x9;
	s20 =	spop (v2sf);
	(pc) =	sbr.rel .LBB2_2-.Ltmp2, $4  }
0x11b: {  	v63 =	vbroadcast v2, $0xD;
	v1 =	vbroadcast v2, $0xE;
	[tilespmem:$0x1FF30] =	vst v6;
	s15 =	sand.u32 $0x1FFFFFF0, s20  }
0x11c: {  	v53 =	vbroadcast v2, $0x3;
	[tilespmem:$0x1FFE0] =	vst v5;
	v5 =	vbroadcast v3, $0xA;
	s15 =	sadd.s32 s4, s15  }
0x11d: {  	v54 =	vbroadcast v2, $0x4;
	v2 =	vbroadcast v2, $0xF;
	[tilespmem:s1], [sflag:$0x1] =	stream.linear.gather [hbm4b:s15+s3], $0x80, $0x38;
	[tilespmem:$0x13580] =	vst v63  }
0x11e: {  	v3 =	vbroadcast v4, $0x0;
	v4 =	vbroadcast v4, $0x1;
	[tilespmem:$0x1FFF0] =	vst v5;
	s16 =	simm.s32 $0x20;
	s17 =	simm.s32 $0x0;
	s15 =	simm.s32 $0x20  }
.LBB2_4:
0x11f: {  	s18 =	smul.u32 $0xAB, s17;
	_ =	sdelay $0x1  }
0x120: {  	s18 =	sshrl.u32 s18, $0x9  }
0x121: {  	s18 =	smul.u32 $0x3, s18;
	_ =	sdelay $0x1  }
0x122: {  	s18 =	ssub.s32 s17, s18  }
0x123: {  	s18 =	sshll.u32 s18, $0x5  }
0x124: {  	s18 =	sand.u32 $0xE0, s18  }
0x125: {  	v5 =	vmov s18;
	s18 =	sor.u32 $0x10, s18  }
0x126: {  	v5 =	vshll.u32 v5, $0x7;
	v6 =	vmov s18  }
0x127: {  	v7 =	vshll.u32 v6, $0x7;
	v6 =	vor.u32 v0, v5  }
0x128: {  	_ =	swait.ge [sflag:s11], $0x1000;
	v5 =	vor.u32 v0, v7  }
0x129: {  	v16 =	vld [tilespmem:$0x1FA50];
	v7 =	vor.u32 $0x1, v6  }
0x12a: {  	[sflag:s11] =	ssyncset.done $0x0;
	v19 =	vld [tilespmem:$0x1FA70];
	v10 =	vor.u32 $0x2, v6  }
0x12b: {  	v21 =	vld [tilespmem:$0x1FAB0];
	[sflag:s11] =	ssyncadd.s32 $0xFFFFF000;
	v13 =	vor.u32 $0x3, v6  }
0x12c: {  	v8 =	vor.u32 $0x1, v5;
	v9 =	vld.idx.msk [tilespmem:v6+s14+$0x0], $0xffff  }
0x12d: {  	v15 =	vor.u32 $0x4, v6;
	v11 =	vld.idx.msk [tilespmem:v5+s14+$0x0], $0xffff  }
0x12e: {  	v17 =	vor.u32 $0x5, v6;
	v7 =	vld.idx.msk [tilespmem:v7+s14+$0x0], $0xffff  }
0x12f: {  	v12 =	vor.u32 $0x2, v5;
	v10 =	vld.idx.msk [tilespmem:v10+s14+$0x0], $0xffff  }
0x130: {  	v23 =	vor.u32 $0x4, v5;
	v13 =	vld.idx.msk [tilespmem:v13+s14+$0x0], $0xffff  }
0x131: {  	v14 =	vor.u32 $0x3, v5;
	v8 =	vld.idx.msk [tilespmem:v8+s14+$0x0], $0xffff  }
0x132: {  	v18 =	vor.u32 $0x6, v6;
	v15 =	vld.idx.msk [tilespmem:v15+s14+$0x0], $0xffff  }
0x133: {  	v17 =	vld.idx.msk [tilespmem:v17+s14+$0x0], $0xffff  }
0x134: {  	v20 =	vor.u32 $0x7, v6;
	v22 =	vld.idx.msk [tilespmem:v12+s14+$0x0], $0xffff  }
0x135: {  	v26 =	vor.u32 $0x6, v5;
	v25 =	vld.idx.msk [tilespmem:v23+s14+$0x0], $0xffff  }
0x136: {  	v24 =	vor.u32 $0x5, v5;
	v7 =	vmul.f32 v8, v7;
	v8 =	vld.idx.msk [tilespmem:v14+s14+$0x0], $0xffff  }
0x137: {  	v18 =	vld.idx.msk [tilespmem:v18+s14+$0x0], $0xffff;
	v9 =	vmul.f32 v11, v9  }
0x138: {  	v23 =	vld [tilespmem:$0x1FA90];
	v14 =	vor.u32 $0x7, v5  }
0x139: {  	v20 =	vld.idx.msk [tilespmem:v20+s14+$0x0], $0xffff;
	v10 =	vmul.f32 v22, v10;
	v16 =	vmul.f32 v9, v16  }
0x13a: {  	v12 =	vld.idx.msk [tilespmem:v26+s14+$0x0], $0xffff;
	v11 =	vmul.f32 v25, v15;
	v25 =	vor.u32 $0x8, v5;
	v22 =	vor.u32 $0x9, v6  }
0x13b: {  	v19 =	vmul.f32 v7, v19;
	v16 =	vadd.f32 $0.0e+00, v16;
	v8 =	vmul.f32 v8, v13;
	v13 =	vld.idx.msk [tilespmem:v24+s14+$0x0], $0xffff  }
0x13c: {  	v26 =	vld [tilespmem:$0x1FAD0]  }
0x13d: {  	v16 =	vadd.f32 v19, v16;
	v19 =	vmul.f32 v10, v23;
	v14 =	vld.idx.msk [tilespmem:v14+s14+$0x0], $0xffff  }
0x13e: {  	v24 =	vor.u32 $0x8, v6;
	v23 =	vld [tilespmem:$0x1FAF0]  }
0x13f: {  	v15 =	vld.idx.msk [tilespmem:v25+s14+$0x0], $0xffff;
	v16 =	vadd.f32 v19, v16  }
0x140: {  	v22 =	vld.idx.msk [tilespmem:v22+s14+$0x0], $0xffff;
	v21 =	vmul.f32 v8, v21;
	v13 =	vmul.f32 v13, v17;
	v17 =	vor.u32 $0x9, v5  }
0x141: {  	v25 =	vld [tilespmem:$0x1FA60]  }
0x142: {  	v16 =	vadd.f32 v21, v16;
	v21 =	vmul.f32 v11, v26;
	v26 =	vld [tilespmem:$0x1FA80]  }
0x143: {  	v19 =	vld.idx.msk [tilespmem:v24+s14+$0x0], $0xffff  }
0x144: {  	v24 =	vld [tilespmem:$0x1FB10]  }
0x145: {  	v17 =	vld.idx.msk [tilespmem:v17+s14+$0x0], $0xffff  }
0x146: {  	v9 =	vmul.f32 v9, v25  }
0x147: {  	v25 =	vld [tilespmem:$0x1FB30];
	v16 =	vadd.f32 v21, v16;
	v23 =	vmul.f32 v13, v23  }
0x148: {  	v12 =	vmul.f32 v12, v18;
	v9 =	vadd.f32 $0.0e+00, v9;
	v7 =	vmul.f32 v7, v26  }
0x149: {  	v14 =	vmul.f32 v14, v20;
	v16 =	vadd.f32 v23, v16  }
0x14a: {  	v23 =	vmul.f32 v12, v24;
	v7 =	vadd.f32 v7, v9;
	v9 =	vmul.f32 v17, v22;
	v22 =	vld [tilespmem:$0x1FAA0];
	_ =	sdelay $0x1  }
0x14b: {  	v25 =	vmul.f32 v14, v25;
	v16 =	vadd.f32 v23, v16  }
0x14c: {  	v24 =	vor.u32 $0xB, v6  }
0x14d: {  	v20 =	vor.u32 $0xB, v5;
	v16 =	vadd.f32 v25, v16;
	v25 =	vld [tilespmem:$0x1FB50]  }
0x14e: {  	v10 =	vmul.f32 v10, v22;
	_ =	sdelay $0x1  }
0x14f: {  	v15 =	vmul.f32 v15, v19;
	v7 =	vadd.f32 v10, v7;
	v10 =	vld [tilespmem:$0x1FAC0]  }
0x150: {  	v24 =	vld.idx.msk [tilespmem:v24+s14+$0x0], $0xffff  }
0x151: {  	v17 =	vld.idx.msk [tilespmem:v20+s14+$0x0], $0xffff;
	v25 =	vmul.f32 v15, v25  }
0x152: {  	v18 =	vor.u32 $0xA, v5  }
0x153: {  	v21 =	vor.u32 $0xA, v6;
	v16 =	vadd.f32 v25, v16;
	v25 =	vld [tilespmem:$0x1FB70]  }
0x154: {  	v8 =	vmul.f32 v8, v10;
	_ =	sdelay $0x1  }
0x155: {  	v7 =	vadd.f32 v8, v7;
	v8 =	vmul.f32 v17, v24;
	v24 =	vld [tilespmem:$0x1FAE0]  }
0x156: {  	v18 =	vld.idx.msk [tilespmem:v18+s14+$0x0], $0xffff  }
0x157: {  	v21 =	vld.idx.msk [tilespmem:v21+s14+$0x0], $0xffff;
	v25 =	vmul.f32 v9, v25  }
0x158: {  	v20 =	vor.u32 $0xD, v5  }
0x159: {  	v26 =	vor.u32 $0xD, v6;
	v10 =	vadd.f32 v25, v16;
	v25 =	vld [tilespmem:$0x1FB90]  }
0x15a: {  	v11 =	vmul.f32 v11, v24;
	_ =	sdelay $0x1  }
0x15b: {  	v18 =	vmul.f32 v18, v21;
	v7 =	vadd.f32 v11, v7;
	v11 =	vld [tilespmem:$0x1FB00]  }
0x15c: {  	v17 =	vld.idx.msk [tilespmem:v20+s14+$0x0], $0xffff  }
0x15d: {  	v16 =	vmul.f32 v18, v25;
	v25 =	vld.idx.msk [tilespmem:v26+s14+$0x0], $0xffff  }
0x15e: {  	v19 =	vor.u32 $0xC, v5  }
0x15f: {  	v23 =	vor.u32 $0xC, v6;
	v24 =	vld [tilespmem:$0x1FBB0]  }
0x160: {  	v11 =	vmul.f32 v13, v11;
	_ =	sdelay $0x1  }
0x161: {  	v7 =	vadd.f32 v11, v7;
	v11 =	vmul.f32 v17, v25;
	v25 =	vld [tilespmem:$0x1FB20]  }
0x162: {  	v19 =	vld.idx.msk [tilespmem:v19+s14+$0x0], $0xffff  }
0x163: {  	v22 =	vld.idx.msk [tilespmem:v23+s14+$0x0], $0xffff;
	v10 =	vadd.f32 v16, v10;
	v24 =	vmul.f32 v8, v24  }
0x164: {  	v20 =	vor.u32 $0xF, v5  }
0x165: {  	v26 =	vor.u32 $0xF, v6;
	v10 =	vadd.f32 v24, v10;
	v24 =	vld [tilespmem:$0x1FBD0]  }
0x166: {  	v12 =	vmul.f32 v12, v25;
	_ =	sdelay $0x1  }
0x167: {  	v19 =	vmul.f32 v19, v22;
	v7 =	vadd.f32 v12, v7;
	v12 =	vld [tilespmem:$0x1FB40]  }
0x168: {  	v17 =	vld.idx.msk [tilespmem:v20+s14+$0x0], $0xffff  }
0x169: {  	v13 =	vmul.f32 v19, v24;
	v24 =	vld.idx.msk [tilespmem:v26+s14+$0x0], $0xffff  }
0x16a: {  	v21 =	vor.u32 $0xE, v5  }
0x16b: {  	v23 =	vor.u32 $0xE, v6;
	v25 =	vld [tilespmem:$0x1FBF0]  }
0x16c: {  	v12 =	vmul.f32 v14, v12;
	_ =	sdelay $0x1  }
0x16d: {  	v7 =	vadd.f32 v12, v7;
	v12 =	vmul.f32 v17, v24;
	v24 =	vld [tilespmem:$0x1FB60]  }
0x16e: {  	v21 =	vld.idx.msk [tilespmem:v21+s14+$0x0], $0xffff  }
0x16f: {  	v16 =	vld.idx.msk [tilespmem:v23+s14+$0x0], $0xffff;
	v10 =	vadd.f32 v13, v10;
	v25 =	vmul.f32 v11, v25  }
0x170: {  	v20 =	vor.u32 $0x11, v5  }
0x171: {  	v26 =	vor.u32 $0x11, v6;
	v10 =	vadd.f32 v25, v10;
	v25 =	vld [tilespmem:$0x1FC10]  }
0x172: {  	v15 =	vmul.f32 v15, v24;
	_ =	sdelay $0x1  }
0x173: {  	v16 =	vmul.f32 v21, v16;
	v7 =	vadd.f32 v15, v7;
	v15 =	vld [tilespmem:$0x1FB80]  }
0x174: {  	v17 =	vld.idx.msk [tilespmem:v20+s14+$0x0], $0xffff  }
0x175: {  	v14 =	vmul.f32 v16, v25;
	v25 =	vld.idx.msk [tilespmem:v26+s14+$0x0], $0xffff  }
0x176: {  	v22 =	vor.u32 $0x10, v5  }
0x177: {  	v23 =	vor.u32 $0x10, v6;
	v24 =	vld [tilespmem:$0x1FC30]  }
0x178: {  	v9 =	vmul.f32 v9, v15;
	_ =	sdelay $0x1  }
0x179: {  	v7 =	vadd.f32 v9, v7;
	v9 =	vmul.f32 v17, v25;
	v25 =	vld [tilespmem:$0x1FBA0]  }
0x17a: {  	v21 =	vld.idx.msk [tilespmem:v22+s14+$0x0], $0xffff  }
0x17b: {  	v13 =	vld.idx.msk [tilespmem:v23+s14+$0x0], $0xffff;
	v10 =	vadd.f32 v14, v10;
	v24 =	vmul.f32 v12, v24  }
0x17c: {  	v20 =	vor.u32 $0x13, v5  }
0x17d: {  	v26 =	vor.u32 $0x13, v6;
	v10 =	vadd.f32 v24, v10;
	v24 =	vld [tilespmem:$0x1FC50]  }
0x17e: {  	v18 =	vmul.f32 v18, v25;
	_ =	sdelay $0x1  }
0x17f: {  	v13 =	vmul.f32 v21, v13;
	v7 =	vadd.f32 v18, v7;
	v18 =	vld [tilespmem:$0x1FBC0]  }
0x180: {  	v17 =	vld.idx.msk [tilespmem:v20+s14+$0x0], $0xffff  }
0x181: {  	v15 =	vmul.f32 v13, v24;
	v24 =	vld.idx.msk [tilespmem:v26+s14+$0x0], $0xffff  }
0x182: {  	v22 =	vor.u32 $0x12, v5  }
0x183: {  	v23 =	vor.u32 $0x12, v6;
	v25 =	vld [tilespmem:$0x1FC70]  }
0x184: {  	v8 =	vmul.f32 v8, v18;
	_ =	sdelay $0x1  }
0x185: {  	v7 =	vadd.f32 v8, v7;
	v8 =	vmul.f32 v17, v24;
	v24 =	vld [tilespmem:$0x1FBE0]  }
0x186: {  	v21 =	vld.idx.msk [tilespmem:v22+s14+$0x0], $0xffff  }
0x187: {  	v14 =	vld.idx.msk [tilespmem:v23+s14+$0x0], $0xffff;
	v10 =	vadd.f32 v15, v10;
	v25 =	vmul.f32 v9, v25  }
0x188: {  	v20 =	vor.u32 $0x15, v5  }
0x189: {  	v26 =	vor.u32 $0x15, v6;
	v10 =	vadd.f32 v25, v10;
	v25 =	vld [tilespmem:$0x1FC90]  }
0x18a: {  	v19 =	vmul.f32 v19, v24;
	_ =	sdelay $0x1  }
0x18b: {  	v14 =	vmul.f32 v21, v14;
	v7 =	vadd.f32 v19, v7;
	v19 =	vld [tilespmem:$0x1FC00]  }
0x18c: {  	v17 =	vld.idx.msk [tilespmem:v20+s14+$0x0], $0xffff  }
0x18d: {  	v18 =	vmul.f32 v14, v25;
	v25 =	vld.idx.msk [tilespmem:v26+s14+$0x0], $0xffff  }
0x18e: {  	v22 =	vor.u32 $0x14, v5  }
0x18f: {  	v23 =	vor.u32 $0x14, v6;
	v24 =	vld [tilespmem:$0x1FCB0]  }
0x190: {  	v11 =	vmul.f32 v11, v19;
	_ =	sdelay $0x1  }
0x191: {  	v7 =	vadd.f32 v11, v7;
	v11 =	vmul.f32 v17, v25;
	v25 =	vld [tilespmem:$0x1FC20]  }
0x192: {  	v21 =	vld.idx.msk [tilespmem:v22+s14+$0x0], $0xffff  }
0x193: {  	v15 =	vld.idx.msk [tilespmem:v23+s14+$0x0], $0xffff;
	v10 =	vadd.f32 v18, v10;
	v24 =	vmul.f32 v8, v24  }
0x194: {  	v20 =	vor.u32 $0x17, v5  }
0x195: {  	v26 =	vor.u32 $0x17, v6;
	v10 =	vadd.f32 v24, v10;
	v24 =	vld [tilespmem:$0x1FCD0]  }
0x196: {  	v16 =	vmul.f32 v16, v25;
	_ =	sdelay $0x1  }
0x197: {  	v15 =	vmul.f32 v21, v15;
	v7 =	vadd.f32 v16, v7;
	v16 =	vld [tilespmem:$0x1FC40]  }
0x198: {  	v17 =	vld.idx.msk [tilespmem:v20+s14+$0x0], $0xffff  }
0x199: {  	v19 =	vmul.f32 v15, v24;
	v24 =	vld.idx.msk [tilespmem:v26+s14+$0x0], $0xffff  }
0x19a: {  	v22 =	vor.u32 $0x16, v5  }
0x19b: {  	v23 =	vor.u32 $0x16, v6;
	v25 =	vld [tilespmem:$0x1FCF0]  }
0x19c: {  	v12 =	vmul.f32 v12, v16;
	_ =	sdelay $0x1  }
0x19d: {  	v7 =	vadd.f32 v12, v7;
	v12 =	vmul.f32 v17, v24;
	v24 =	vld [tilespmem:$0x1FC60]  }
0x19e: {  	v21 =	vld.idx.msk [tilespmem:v22+s14+$0x0], $0xffff  }
0x19f: {  	v18 =	vld.idx.msk [tilespmem:v23+s14+$0x0], $0xffff;
	v10 =	vadd.f32 v19, v10;
	v25 =	vmul.f32 v11, v25  }
0x1a0: {  	v20 =	vor.u32 $0x19, v5  }
0x1a1: {  	v26 =	vor.u32 $0x19, v6;
	v10 =	vadd.f32 v25, v10;
	v25 =	vld [tilespmem:$0x1FD10]  }
0x1a2: {  	v13 =	vmul.f32 v13, v24;
	_ =	sdelay $0x1  }
0x1a3: {  	v18 =	vmul.f32 v21, v18;
	v7 =	vadd.f32 v13, v7;
	v13 =	vld [tilespmem:$0x1FC80]  }
0x1a4: {  	v17 =	vld.idx.msk [tilespmem:v20+s14+$0x0], $0xffff  }
0x1a5: {  	v16 =	vmul.f32 v18, v25;
	v25 =	vld.idx.msk [tilespmem:v26+s14+$0x0], $0xffff  }
0x1a6: {  	v22 =	vor.u32 $0x18, v5  }
0x1a7: {  	v23 =	vor.u32 $0x18, v6;
	v24 =	vld [tilespmem:$0x1FD30]  }
0x1a8: {  	v9 =	vmul.f32 v9, v13;
	_ =	sdelay $0x1  }
0x1a9: {  	v7 =	vadd.f32 v9, v7;
	v9 =	vmul.f32 v17, v25;
	v25 =	vld [tilespmem:$0x1FCA0]  }
0x1aa: {  	v21 =	vld.idx.msk [tilespmem:v22+s14+$0x0], $0xffff  }
0x1ab: {  	v19 =	vld.idx.msk [tilespmem:v23+s14+$0x0], $0xffff;
	v10 =	vadd.f32 v16, v10;
	v24 =	vmul.f32 v12, v24  }
0x1ac: {  	v20 =	vor.u32 $0x1B, v5  }
0x1ad: {  	v26 =	vor.u32 $0x1B, v6;
	v10 =	vadd.f32 v24, v10;
	v24 =	vld [tilespmem:$0x1FD50]  }
0x1ae: {  	v14 =	vmul.f32 v14, v25;
	_ =	sdelay $0x1  }
0x1af: {  	v19 =	vmul.f32 v21, v19;
	v7 =	vadd.f32 v14, v7;
	v14 =	vld [tilespmem:$0x1FCC0]  }
0x1b0: {  	v17 =	vld.idx.msk [tilespmem:v20+s14+$0x0], $0xffff  }
0x1b1: {  	v13 =	vmul.f32 v19, v24;
	v24 =	vld.idx.msk [tilespmem:v26+s14+$0x0], $0xffff  }
0x1b2: {  	v22 =	vor.u32 $0x1A, v5  }
0x1b3: {  	v23 =	vor.u32 $0x1A, v6;
	v25 =	vld [tilespmem:$0x1FD60]  }
0x1b4: {  	v8 =	vmul.f32 v8, v14;
	_ =	sdelay $0x1  }
0x1b5: {  	v7 =	vadd.f32 v8, v7;
	v8 =	vmul.f32 v17, v24;
	v24 =	vld [tilespmem:$0x1FCE0]  }
0x1b6: {  	v21 =	vld.idx.msk [tilespmem:v22+s14+$0x0], $0xffff  }
0x1b7: {  	v16 =	vld.idx.msk [tilespmem:v23+s14+$0x0], $0xffff;
	v10 =	vadd.f32 v13, v10;
	v25 =	vmul.f32 v9, v25  }
0x1b8: {  	v20 =	vor.u32 $0x1D, v5  }
0x1b9: {  	v26 =	vor.u32 $0x1D, v6;
	v10 =	vadd.f32 v25, v10;
	v25 =	vld [tilespmem:$0x1FD70]  }
0x1ba: {  	v15 =	vmul.f32 v15, v24;
	_ =	sdelay $0x1  }
0x1bb: {  	v16 =	vmul.f32 v21, v16;
	v7 =	vadd.f32 v15, v7;
	v15 =	vld [tilespmem:$0x1FD00]  }
0x1bc: {  	v17 =	vld.idx.msk [tilespmem:v20+s14+$0x0], $0xffff  }
0x1bd: {  	v14 =	vmul.f32 v16, v25;
	v25 =	vld.idx.msk [tilespmem:v26+s14+$0x0], $0xffff  }
0x1be: {  	v22 =	vor.u32 $0x1C, v5  }
0x1bf: {  	v23 =	vor.u32 $0x1C, v6;
	v24 =	vld [tilespmem:$0x1FD80]  }
0x1c0: {  	v11 =	vmul.f32 v11, v15;
	_ =	sdelay $0x1  }
0x1c1: {  	v7 =	vadd.f32 v11, v7;
	v11 =	vmul.f32 v17, v25;
	v25 =	vld [tilespmem:$0x1FD20]  }
0x1c2: {  	v21 =	vld.idx.msk [tilespmem:v22+s14+$0x0], $0xffff  }
0x1c3: {  	v13 =	vld.idx.msk [tilespmem:v23+s14+$0x0], $0xffff;
	v10 =	vadd.f32 v14, v10;
	v24 =	vmul.f32 v8, v24  }
0x1c4: {  	v20 =	vor.u32 $0x1F, v5  }
0x1c5: {  	v26 =	vor.u32 $0x1F, v6;
	v10 =	vadd.f32 v24, v10;
	v24 =	vld [tilespmem:$0x1FD90]  }
0x1c6: {  	v18 =	vmul.f32 v18, v25;
	_ =	sdelay $0x1  }
0x1c7: {  	v13 =	vmul.f32 v21, v13;
	v7 =	vadd.f32 v18, v7;
	v18 =	vld [tilespmem:$0x1FD40]  }
0x1c8: {  	v17 =	vld.idx.msk [tilespmem:v20+s14+$0x0], $0xffff  }
0x1c9: {  	v15 =	vmul.f32 v13, v24;
	v24 =	vld.idx.msk [tilespmem:v26+s14+$0x0], $0xffff  }
0x1ca: {  	v22 =	vor.u32 $0x1E, v5  }
0x1cb: {  	v23 =	vor.u32 $0x1E, v6;
	v25 =	vld [tilespmem:$0x1FDA0]  }
0x1cc: {  	v12 =	vmul.f32 v12, v18;
	_ =	sdelay $0x1  }
0x1cd: {  	v7 =	vadd.f32 v12, v7;
	v12 =	vmul.f32 v17, v24;
	v24 =	vld [tilespmem:$0x1FDD0]  }
0x1ce: {  	v21 =	vld.idx.msk [tilespmem:v22+s14+$0x0], $0xffff  }
0x1cf: {  	v14 =	vld.idx.msk [tilespmem:v23+s14+$0x0], $0xffff;
	v10 =	vadd.f32 v15, v10;
	v25 =	vmul.f32 v11, v25  }
0x1d0: {  	v20 =	vor.u32 $0x21, v5  }
0x1d1: {  	v26 =	vor.u32 $0x21, v6;
	v10 =	vadd.f32 v25, v10;
	v25 =	vld [tilespmem:$0x1FDB0]  }
0x1d2: {  	v19 =	vmul.f32 v19, v24;
	_ =	sdelay $0x1  }
0x1d3: {  	v14 =	vmul.f32 v21, v14;
	v7 =	vadd.f32 v19, v7;
	v19 =	vld [tilespmem:$0x1FDE0]  }
0x1d4: {  	v17 =	vld.idx.msk [tilespmem:v20+s14+$0x0], $0xffff  }
0x1d5: {  	v18 =	vmul.f32 v14, v25;
	v25 =	vld.idx.msk [tilespmem:v26+s14+$0x0], $0xffff  }
0x1d6: {  	v22 =	vor.u32 $0x20, v5  }
0x1d7: {  	v23 =	vor.u32 $0x20, v6;
	v24 =	vld [tilespmem:$0x1FDC0]  }
0x1d8: {  	v9 =	vmul.f32 v9, v19;
	_ =	sdelay $0x1  }
0x1d9: {  	v7 =	vadd.f32 v9, v7;
	v9 =	vmul.f32 v17, v25;
	v25 =	vld [tilespmem:$0x1FDF0]  }
0x1da: {  	v21 =	vld.idx.msk [tilespmem:v22+s14+$0x0], $0xffff  }
0x1db: {  	v15 =	vld.idx.msk [tilespmem:v23+s14+$0x0], $0xffff;
	v10 =	vadd.f32 v18, v10;
	v24 =	vmul.f32 v12, v24  }
0x1dc: {  	v20 =	vor.u32 $0x23, v5  }
0x1dd: {  	v26 =	vor.u32 $0x23, v6;
	v10 =	vadd.f32 v24, v10;
	v24 =	vld [tilespmem:$0x1FE50]  }
0x1de: {  	v16 =	vmul.f32 v16, v25;
	_ =	sdelay $0x1  }
0x1df: {  	v15 =	vmul.f32 v21, v15;
	v7 =	vadd.f32 v16, v7;
	v16 =	vld [tilespmem:$0x1FE00]  }
0x1e0: {  	v17 =	vld.idx.msk [tilespmem:v20+s14+$0x0], $0xffff  }
0x1e1: {  	v19 =	vmul.f32 v15, v24;
	v24 =	vld.idx.msk [tilespmem:v26+s14+$0x0], $0xffff  }
0x1e2: {  	v22 =	vor.u32 $0x22, v5  }
0x1e3: {  	v23 =	vor.u32 $0x22, v6;
	v25 =	vld [tilespmem:$0x1FE60]  }
0x1e4: {  	v8 =	vmul.f32 v8, v16;
	_ =	sdelay $0x1  }
0x1e5: {  	v7 =	vadd.f32 v8, v7;
	v8 =	vmul.f32 v17, v24;
	v24 =	vld [tilespmem:$0x1FE10]  }
0x1e6: {  	v21 =	vld.idx.msk [tilespmem:v22+s14+$0x0], $0xffff  }
0x1e7: {  	v18 =	vld.idx.msk [tilespmem:v23+s14+$0x0], $0xffff;
	v10 =	vadd.f32 v19, v10;
	v25 =	vmul.f32 v9, v25  }
0x1e8: {  	v20 =	vor.u32 $0x25, v5  }
0x1e9: {  	v26 =	vor.u32 $0x25, v6;
	v10 =	vadd.f32 v25, v10;
	v25 =	vld [tilespmem:$0x1FE70]  }
0x1ea: {  	v13 =	vmul.f32 v13, v24;
	_ =	sdelay $0x1  }
0x1eb: {  	v18 =	vmul.f32 v21, v18;
	v7 =	vadd.f32 v13, v7;
	v13 =	vld [tilespmem:$0x1FE20]  }
0x1ec: {  	v17 =	vld.idx.msk [tilespmem:v20+s14+$0x0], $0xffff  }
0x1ed: {  	v16 =	vmul.f32 v18, v25;
	v25 =	vld.idx.msk [tilespmem:v26+s14+$0x0], $0xffff  }
0x1ee: {  	v22 =	vor.u32 $0x24, v5  }
0x1ef: {  	v23 =	vor.u32 $0x24, v6;
	v24 =	vld [tilespmem:$0x1FE80]  }
0x1f0: {  	v11 =	vmul.f32 v11, v13;
	_ =	sdelay $0x1  }
0x1f1: {  	v7 =	vadd.f32 v11, v7;
	v11 =	vmul.f32 v17, v25;
	v25 =	vld [tilespmem:$0x1FE30]  }
0x1f2: {  	v21 =	vld.idx.msk [tilespmem:v22+s14+$0x0], $0xffff  }
0x1f3: {  	v19 =	vld.idx.msk [tilespmem:v23+s14+$0x0], $0xffff;
	v10 =	vadd.f32 v16, v10;
	v24 =	vmul.f32 v8, v24  }
0x1f4: {  	v20 =	vor.u32 $0x27, v5  }
0x1f5: {  	v26 =	vor.u32 $0x27, v6;
	v10 =	vadd.f32 v24, v10;
	v24 =	vld [tilespmem:$0x1FE90]  }
0x1f6: {  	v14 =	vmul.f32 v14, v25;
	_ =	sdelay $0x1  }
0x1f7: {  	v19 =	vmul.f32 v21, v19;
	v7 =	vadd.f32 v14, v7;
	v14 =	vld [tilespmem:$0x1FE40]  }
0x1f8: {  	v17 =	vld.idx.msk [tilespmem:v20+s14+$0x0], $0xffff  }
0x1f9: {  	v13 =	vmul.f32 v19, v24;
	v24 =	vld.idx.msk [tilespmem:v26+s14+$0x0], $0xffff  }
0x1fa: {  	v22 =	vor.u32 $0x26, v5  }
0x1fb: {  	v23 =	vor.u32 $0x26, v6;
	v25 =	vld [tilespmem:$0x1FEA0]  }
0x1fc: {  	v12 =	vmul.f32 v12, v14;
	_ =	sdelay $0x1  }
0x1fd: {  	v7 =	vadd.f32 v12, v7;
	v12 =	vmul.f32 v17, v24;
	v24 =	vld [tilespmem:$0x1FF50]  }
0x1fe: {  	v21 =	vld.idx.msk [tilespmem:v22+s14+$0x0], $0xffff  }
0x1ff: {  	v16 =	vld.idx.msk [tilespmem:v23+s14+$0x0], $0xffff;
	v10 =	vadd.f32 v13, v10;
	v25 =	vmul.f32 v11, v25  }
0x200: {  	v20 =	vor.u32 $0x29, v5  }
0x201: {  	v26 =	vor.u32 $0x29, v6;
	v10 =	vadd.f32 v25, v10;
	v25 =	vld [tilespmem:$0x1FEB0]  }
0x202: {  	v15 =	vmul.f32 v15, v24;
	_ =	sdelay $0x1  }
0x203: {  	v16 =	vmul.f32 v21, v16;
	v7 =	vadd.f32 v15, v7;
	v15 =	vld [tilespmem:$0x1FF60]  }
0x204: {  	v17 =	vld.idx.msk [tilespmem:v20+s14+$0x0], $0xffff  }
0x205: {  	v14 =	vmul.f32 v16, v25;
	v25 =	vld.idx.msk [tilespmem:v26+s14+$0x0], $0xffff  }
0x206: {  	v22 =	vor.u32 $0x28, v5  }
0x207: {  	v23 =	vor.u32 $0x28, v6;
	v24 =	vld [tilespmem:$0x1FEC0]  }
0x208: {  	v9 =	vmul.f32 v9, v15;
	_ =	sdelay $0x1  }
0x209: {  	v7 =	vadd.f32 v9, v7;
	v9 =	vmul.f32 v17, v25;
	v25 =	vld [tilespmem:$0x1FF70]  }
0x20a: {  	v21 =	vld.idx.msk [tilespmem:v22+s14+$0x0], $0xffff  }
0x20b: {  	v13 =	vld.idx.msk [tilespmem:v23+s14+$0x0], $0xffff;
	v10 =	vadd.f32 v14, v10;
	v24 =	vmul.f32 v12, v24  }
0x20c: {  	v20 =	vor.u32 $0x2B, v5  }
0x20d: {  	v26 =	vor.u32 $0x2B, v6;
	v10 =	vadd.f32 v24, v10;
	v24 =	vld [tilespmem:$0x1FED0]  }
0x20e: {  	v18 =	vmul.f32 v18, v25;
	_ =	sdelay $0x1  }
0x20f: {  	v13 =	vmul.f32 v21, v13;
	v7 =	vadd.f32 v18, v7;
	v18 =	vld [tilespmem:$0x1FF80]  }
0x210: {  	v17 =	vld.idx.msk [tilespmem:v20+s14+$0x0], $0xffff  }
0x211: {  	v15 =	vmul.f32 v13, v24;
	v24 =	vld.idx.msk [tilespmem:v26+s14+$0x0], $0xffff  }
0x212: {  	v22 =	vor.u32 $0x2A, v5  }
0x213: {  	v23 =	vor.u32 $0x2A, v6;
	v25 =	vld [tilespmem:$0x1FEE0]  }
0x214: {  	v8 =	vmul.f32 v8, v18;
	_ =	sdelay $0x1  }
0x215: {  	v7 =	vadd.f32 v8, v7;
	v8 =	vmul.f32 v17, v24;
	v24 =	vld [tilespmem:$0x1FF90]  }
0x216: {  	v21 =	vld.idx.msk [tilespmem:v22+s14+$0x0], $0xffff  }
0x217: {  	v14 =	vld.idx.msk [tilespmem:v23+s14+$0x0], $0xffff;
	v10 =	vadd.f32 v15, v10;
	v25 =	vmul.f32 v9, v25  }
0x218: {  	v20 =	vor.u32 $0x2D, v5  }
0x219: {  	v26 =	vor.u32 $0x2D, v6;
	v10 =	vadd.f32 v25, v10;
	v25 =	vld [tilespmem:$0x1FEF0]  }
0x21a: {  	v19 =	vmul.f32 v19, v24;
	_ =	sdelay $0x1  }
0x21b: {  	v22 =	vor.u32 $0x2C, v5;
	v14 =	vmul.f32 v21, v14;
	v7 =	vadd.f32 v19, v7;
	v19 =	vld [tilespmem:$0x1FFA0]  }
0x21c: {  	v23 =	vor.u32 $0x2C, v6;
	v17 =	vld.idx.msk [tilespmem:v20+s14+$0x0], $0xffff  }
0x21d: {  	v18 =	vmul.f32 v14, v25;
	v25 =	vld.idx.msk [tilespmem:v26+s14+$0x0], $0xffff;
	_ =	sdelay $0x1  }
0x21e: {  	v24 =	vld [tilespmem:$0x1FF00]  }
0x21f: {  	v21 =	vld.idx.msk [tilespmem:v22+s14+$0x0], $0xffff;
	v11 =	vmul.f32 v11, v19  }
0x220: {  	v15 =	vld.idx.msk [tilespmem:v23+s14+$0x0], $0xffff  }
0x221: {  	v22 =	vor.u32 $0x2E, v5;
	v7 =	vadd.f32 v11, v7;
	v11 =	vmul.f32 v17, v25;
	v25 =	vld [tilespmem:$0x1FFB0]  }
0x222: {  	v23 =	vor.u32 $0x2E, v6  }
0x223: {  	v10 =	vadd.f32 v18, v10;
	v24 =	vmul.f32 v8, v24  }
0x224: {  	v20 =	vor.u32 $0x2F, v5  }
0x225: {  	v26 =	vor.u32 $0x2F, v6;
	v10 =	vadd.f32 v24, v10;
	v24 =	vld [tilespmem:$0x1FF10]  }
0x226: {  	v15 =	vmul.f32 v21, v15;
	v21 =	vld.idx.msk [tilespmem:v22+s14+$0x0], $0xffff;
	v16 =	vmul.f32 v16, v25  }
0x227: {  	v18 =	vld.idx.msk [tilespmem:v23+s14+$0x0], $0xffff  }
0x228: {  	v22 =	vor.u32 $0x30, v5;
	v7 =	vadd.f32 v16, v7;
	v16 =	vld [tilespmem:$0x1FFC0]  }
0x229: {  	v23 =	vor.u32 $0x30, v6;
	v17 =	vld.idx.msk [tilespmem:v20+s14+$0x0], $0xffff  }
0x22a: {  	v19 =	vmul.f32 v15, v24;
	v24 =	vld.idx.msk [tilespmem:v26+s14+$0x0], $0xffff  }
0x22b: {  	v25 =	vld [tilespmem:$0x1FF20];
	_ =	sdelay $0x1  }
0x22c: {  	v18 =	vmul.f32 v21, v18;
	v21 =	vld.idx.msk [tilespmem:v22+s14+$0x0], $0xffff;
	v12 =	vmul.f32 v12, v16  }
0x22d: {  	v10 =	vadd.f32 v19, v10;
	v19 =	vld.idx.msk [tilespmem:v23+s14+$0x0], $0xffff  }
0x22e: {  	v22 =	vor.u32 $0x32, v5;
	v7 =	vadd.f32 v12, v7;
	v12 =	vmul.f32 v17, v24;
	v24 =	vld [tilespmem:$0x1FFD0]  }
0x22f: {  	v25 =	vmul.f32 v11, v25;
	_ =	sdelay $0x1  }
0x230: {  	v20 =	vor.u32 $0x31, v5;
	v10 =	vadd.f32 v25, v10;
	v25 =	vld [tilespmem:$0x1FF30]  }
0x231: {  	v26 =	vor.u32 $0x31, v6  }
0x232: {  	v23 =	vor.u32 $0x32, v6;
	v19 =	vmul.f32 v21, v19;
	v21 =	vld.idx.msk [tilespmem:v22+s14+$0x0], $0xffff;
	v13 =	vmul.f32 v13, v24  }
0x233: {  	v24 =	vld [tilespmem:$0x1FF40]  }
0x234: {  	v7 =	vadd.f32 v13, v7;
	v13 =	vld [tilespmem:$0x1FFE0]  }
0x235: {  	v17 =	vld.idx.msk [tilespmem:v20+s14+$0x0], $0xffff;
	v16 =	vmul.f32 v18, v25  }
0x236: {  	v25 =	vld.idx.msk [tilespmem:v26+s14+$0x0], $0xffff  }
0x237: {  	v22 =	vor.u32 $0x34, v5;
	v10 =	vadd.f32 v16, v10;
	v16 =	vld.idx.msk [tilespmem:v23+s14+$0x0], $0xffff  }
0x238: {  	v23 =	vor.u32 $0x34, v6;
	v24 =	vmul.f32 v12, v24  }
0x239: {  	v26 =	vor.u32 $0x33, v6;
	v9 =	vmul.f32 v9, v13  }
0x23a: {  	v20 =	vor.u32 $0x33, v5;
	v10 =	vadd.f32 v24, v10  }
0x23b: {  	v13 =	vmul.f32 v19, v34;
	v7 =	vadd.f32 v9, v7;
	v9 =	vmul.f32 v17, v25;
	v25 =	vld [tilespmem:$0x1FFF0]  }
0x23c: {  	v16 =	vmul.f32 v21, v16;
	v21 =	vld.idx.msk [tilespmem:v22+s14+$0x0], $0xffff  }
0x23d: {  	v22 =	vor.u32 $0x36, v5;
	v10 =	vadd.f32 v13, v10;
	v13 =	vld.idx.msk [tilespmem:v23+s14+$0x0], $0xffff  }
0x23e: {  	v24 =	vld.idx.msk [tilespmem:v26+s14+$0x0], $0xffff;
	v26 =	vor.u32 $0x35, v6  }
0x23f: {  	v17 =	vld.idx.msk [tilespmem:v20+s14+$0x0], $0xffff;
	v20 =	vor.u32 $0x35, v5  }
0x240: {  	v23 =	vor.u32 $0x36, v6;
	v14 =	vmul.f32 v14, v25  }
0x241: {  	v25 =	vmul.f32 v9, v35  }
0x242: {  	v8 =	vmul.f32 v8, v29;
	v13 =	vmul.f32 v21, v13;
	v21 =	vld.idx.msk [tilespmem:v22+s14+$0x0], $0xffff;
	v7 =	vadd.f32 v14, v7  }
0x243: {  	v10 =	vadd.f32 v25, v10;
	v14 =	vmul.f32 v16, v36;
	v25 =	vld.idx.msk [tilespmem:v26+s14+$0x0], $0xffff;
	v26 =	vor.u32 $0x37, v6  }
0x244: {  	v7 =	vadd.f32 v8, v7;
	v8 =	vmul.f32 v17, v24;
	v17 =	vld.idx.msk [tilespmem:v20+s14+$0x0], $0xffff;
	v20 =	vor.u32 $0x37, v5  }
0x245: {  	v15 =	vmul.f32 v15, v30;
	v10 =	vadd.f32 v14, v10;
	v14 =	vld.idx.msk [tilespmem:v23+s14+$0x0], $0xffff;
	v23 =	vor.u32 $0x38, v6  }
0x246: {  	v11 =	vmul.f32 v11, v31;
	v22 =	vor.u32 $0x38, v5;
	v24 =	vmul.f32 v8, v37  }
0x247: {  	v18 =	vmul.f32 v18, v32;
	v12 =	vmul.f32 v12, v33;
	v7 =	vadd.f32 v15, v7  }
0x248: {  	v15 =	vmul.f32 v13, v38;
	v10 =	vadd.f32 v24, v10;
	v24 =	vld.idx.msk [tilespmem:v26+s14+$0x0], $0xffff;
	v26 =	vor.u32 $0x39, v6  }
0x249: {  	v7 =	vadd.f32 v11, v7;
	v11 =	vmul.f32 v17, v25;
	v17 =	vld.idx.msk [tilespmem:v20+s14+$0x0], $0xffff;
	v20 =	vor.u32 $0x39, v5  }
0x24a: {  	v14 =	vmul.f32 v21, v14;
	v10 =	vadd.f32 v15, v10;
	v15 =	vld.idx.msk [tilespmem:v23+s14+$0x0], $0xffff;
	v23 =	vor.u32 $0x3A, v6  }
0x24b: {  	v21 =	vld.idx.msk [tilespmem:v22+s14+$0x0], $0xffff;
	v22 =	vor.u32 $0x3A, v5;
	v7 =	vadd.f32 v18, v7;
	v25 =	vmul.f32 v11, v39  }
0x24c: {  	v27 =	vor.u32 $0x3B, v5;
	v19 =	vmul.f32 v19, v50;
	v9 =	vmul.f32 v9, v51  }
0x24d: {  	v18 =	vor.u32 $0x3B, v6;
	v7 =	vadd.f32 v12, v7;
	v10 =	vadd.f32 v25, v10;
	v26 =	vld.idx.msk [tilespmem:v26+s14+$0x0], $0xffff  }
0x24e: {  	v25 =	vmul.f32 v14, v40;
	v12 =	vmul.f32 v17, v24;
	v17 =	vld.idx.msk [tilespmem:v20+s14+$0x0], $0xffff;
	v20 =	vor.u32 $0x3C, v6  }
0x24f: {  	v24 =	vor.u32 $0x3C, v5;
	v7 =	vadd.f32 v19, v7;
	v19 =	vor.u32 $0x3D, v5;
	v23 =	vld.idx.msk [tilespmem:v23+s14+$0x0], $0xffff  }
0x250: {  	v10 =	vadd.f32 v25, v10;
	v15 =	vmul.f32 v21, v15;
	v21 =	vld.idx.msk [tilespmem:v22+s14+$0x0], $0xffff;
	v25 =	vmul.f32 v12, v41  }
0x251: {  	v28 =	vor.u32 $0x3E, v6;
	v27 =	vld.idx.msk [tilespmem:v27+s14+$0x0], $0xffff;
	v22 =	vor.u32 $0x3D, v6  }
0x252: {  	v16 =	vmul.f32 v16, v52;
	v18 =	vld.idx.msk [tilespmem:v18+s14+$0x0], $0xffff;
	v7 =	vadd.f32 v9, v7;
	v10 =	vadd.f32 v25, v10  }
0x253: {  	v25 =	vmul.f32 v15, v42;
	v9 =	vmul.f32 v17, v26;
	v17 =	vld.idx.msk [tilespmem:v20+s14+$0x0], $0xffff;
	v20 =	vor.u32 $0x3E, v5  }
0x254: {  	v6 =	vor.u32 $0x3F, v6;
	v7 =	vadd.f32 v16, v7;
	v24 =	vld.idx.msk [tilespmem:v24+s14+$0x0], $0xffff;
	v5 =	vor.u32 $0x3F, v5  }
0x255: {  	v16 =	vld.idx.msk [tilespmem:v19+s14+$0x0], $0xffff;
	v10 =	vadd.f32 v25, v10;
	v21 =	vmul.f32 v21, v23;
	v25 =	vmul.f32 v9, v43  }
0x256: {  	v8 =	vmul.f32 v8, v53;
	v22 =	vld.idx.msk [tilespmem:v22+s14+$0x0], $0xffff  }
0x257: {  	v18 =	vmul.f32 v27, v18;
	v23 =	vld.idx.msk [tilespmem:v28+s14+$0x0], $0xffff;
	v26 =	vmul.f32 v21, v44;
	v10 =	vadd.f32 v25, v10  }
0x258: {  	v7 =	vadd.f32 v8, v7;
	v25 =	vmul.f32 v13, v54;
	v13 =	vld.idx.msk [tilespmem:v20+s14+$0x0], $0xffff  }
0x259: {  	v6 =	vld.idx.msk [tilespmem:v6+s14+$0x0], $0xffff;
	v17 =	vmul.f32 v24, v17;
	v10 =	vadd.f32 v26, v10;
	v26 =	vmul.f32 v18, v45  }
0x25a: {  	v20 =	vmul.f32 v11, v55;
	v5 =	vld.idx.msk [tilespmem:v5+s14+$0x0], $0xffff;
	v7 =	vadd.f32 v25, v7  }
0x25b: {  	v11 =	vmul.f32 v16, v22;
	v24 =	vmul.f32 v17, v46;
	v10 =	vadd.f32 v26, v10  }
0x25c: {  	v25 =	vmul.f32 v14, v56;
	v7 =	vadd.f32 v20, v7  }
0x25d: {  	v26 =	vmul.f32 v11, v47;
	v10 =	vadd.f32 v24, v10;
	v13 =	vmul.f32 v13, v23  }
0x25e: {  	v16 =	vmul.f32 v12, v57;
	v7 =	vadd.f32 v25, v7  }
0x25f: {  	v5 =	vmul.f32 v5, v6;
	v10 =	vadd.f32 v26, v10;
	v6 =	vmul.f32 v13, v48  }
0x260: {  	v19 =	vmul.f32 v15, v58;
	v7 =	vadd.f32 v16, v7  }
0x261: {  	v20 =	vmul.f32 v5, v49;
	v6 =	vadd.f32 v6, v10  }
0x262: {  	v22 =	vmul.f32 v9, v59;
	v7 =	vadd.f32 v19, v7  }
0x263: {  	v6 =	vadd.f32 v20, v6  }
0x264: {  	v23 =	vmul.f32 v21, v60;
	v7 =	vadd.f32 v22, v7  }
0x265: {  	v6 =	vadd.f32 v6, v3  }
0x266: {  	v24 =	vmul.f32 v18, v61;
	v7 =	vadd.f32 v23, v7  }
0x267: {  	v6 =	vsub.f32 $0.0e+00, v6  }
0x268: {  	v25 =	vmul.f32 v17, v62;
	v7 =	vadd.f32 v24, v7  }
0x269: {  	v6 =	vmul.f32 $1.442695020e+00, v6  }
0x26a: {  	v26 =	vmul.f32 v11, v63;
	v7 =	vadd.f32 v25, v7  }
0x26b: {  	(erf) = vpow2.f32 v6  }
0x26c: {  	v6 =	vadd.f32 v26, v7;
	v7 =	vmul.f32 v13, v1;
	_ =	sdelay $0x1  }
0x26d: {  	v5 =	vmul.f32 v5, v2;
	v6 =	vadd.f32 v7, v6;
	_ =	sdelay $0x1  }
0x26e: {  	v5 =	vadd.f32 v5, v6;
	_ =	sdelay $0x1  }
0x26f: {  	v5 =	vadd.f32 v5, v4;
	_ =	sdelay $0x1  }
0x270: {  	v5 =	vsub.f32 $0.0e+00, v5;
	v6 =	vpop (erf)  }
0x271: {  	v6 =	vadd.f32 $1.000000000e+00, v6  }
0x272: {  	v5 =	vmul.f32 $1.442695020e+00, v5  }
0x273: {  	(erf) = vrcp.f32 v6  }
0x274: {  	(erf) = vpow2.f32 v5;
	_ =	sdelay $0x7  }
0x275: {  	v5 =	vpop (erf)  }
0x276: {  	v6 =	vpop (erf)  }
0x277: {  	v6 =	vadd.f32 $1.000000000e+00, v6;
	_ =	sdelay $0x1  }
0x278: {  	(erf) = vrcp.f32 v6  }
0x279: {  	s20 =	sadd.s32 $0xFFFFFFE0, s16  }
0x27a: {  	v6 =	vmov s20  }
0x27b: {  	v6 =	vshll.u32 v6, $0x7  }
0x27c: {  	s17 =	sadd.s32 $0x1, s17;
	v6 =	vor.u32 v0, v6  }
0x27d: {  	p0 =	sne.s32 s17, $0x20;
	v7 =	vor.u32 $0x1, v6  }
.Ltmp3:
0x27e: {  	_ = 	snop;
	(pc) =	sbr.rel @!p0 .LBB2_5-.Ltmp3, $3  }
0x27f: {  	_ =	sdelay $0x1  }
0x280: {  	[tilespmem:v6+s12+$0x0] =	vst.idx.msk $0xffff, v5;
	v5 =	vpop (erf)  }
0x281: {  	s16 =	sadd.s32 $0x10, s16;
	s15 =	sadd.s32 $0x10, s15;
	[tilespmem:v7+s12+$0x0] =	vst.idx.msk $0xffff, v5  }
.LBB2_2:
0x282: {  	p0 =	sgt.u32 s17, $0x1D  }
.Ltmp4:
0x283: {  	_ = 	snop;
	(pc) =	sbr.rel @p0 .LBB2_4-.Ltmp4, $1  }
0x284: {  	_ =	sdelay $0x3  }
0x285: {  	v5 =	vld [tilespmem:s15+$0x0];
	_ =	sdelay $0x2  }
0x286: {  	s18 =	sand.u32 $0x3F0, s16  }
0x287: {  	v7 =	vld [tilespmem:s18+$0x200]  }
0x288: {  	v6 =	vshll.u32 v5, $0x4  }
0x289: {  	(v2sf) =	vpush v6, $0x0;
	_ =	sdelay $0x2  }
0x28a: {  	v5 =	vshll.u32 v7, $0x4  }
0x28b: {  	(v2sf) =	vpush v5, $0x0;
	_ =	sdelay $0x2  }
0x28c: {  	s20 =	sadd.s32 $0x2, s17  }
0x28d: {  	s19 =	smul.u32 $0xAB, s20;
	(v2sf) =	vpush v6, $0x1;
	_ =	sdelay $0x1  }
0x28e: {  	s19 =	sshrl.u32 s19, $0x9  }
0x28f: {  	s19 =	sand.u32 $0x7F, s19  }
0x290: {  	s19 =	smul.u32 $0x3, s19;
	(v2sf) =	vpush v5, $0x1;
	_ =	sdelay $0x1  }
0x291: {  	s18 =	ssub.s32 s20, s19  }
0x292: {  	s18 =	sand.u32 $0xFF, s18;
	s20 =	spop (v2sf)  }
0x293: {  	s18 =	sshll.u32 s18, $0xC;
	(v2sf) =	vpush v6, $0x2;
	s19 =	sand.u32 $0x1FFFFFF0, s20  }
0x294: {  	s20 =	sor.u32 $0x400, s18;
	s19 =	sadd.s32 s4, s19  }
0x295: {  	[tilespmem:s20], [sflag:$0x1] =	stream.linear.gather [hbm4b:s19+s3], $0x80, $0x38;
	[tilespmem:$0x13580] =	vst v63  }
0x296: {  	s20 =	spop (v2sf)  }
0x297: {  	(v2sf) =	vpush v5, $0x2;
	s19 =	sand.u32 $0x1FFFFFF0, s20  }
0x298: {  	s20 =	sor.u32 $0xC00, s18;
	s19 =	sadd.s32 s4, s19  }
0x299: {  	[tilespmem:s20], [sflag:$0x1] =	stream.linear.gather [hbm4b:s19+s3], $0x80, $0x38;
	[tilespmem:$0x13580] =	vst v63  }
0x29a: {  	s20 =	spop (v2sf)  }
0x29b: {  	(v2sf) =	vpush v6, $0x3;
	s19 =	sand.u32 $0x1FFFFFF0, s20  }
0x29c: {  	s20 =	sor.u32 $0x480, s18;
	s19 =	sadd.s32 s4, s19  }
0x29d: {  	[tilespmem:s20], [sflag:$0x1] =	stream.linear.gather [hbm4b:s19+s3], $0x80, $0x38;
	[tilespmem:$0x13580] =	vst v63  }
0x29e: {  	s20 =	spop (v2sf)  }
0x29f: {  	(v2sf) =	vpush v5, $0x3;
	s19 =	sand.u32 $0x1FFFFFF0, s20  }
0x2a0: {  	s20 =	sor.u32 $0xC80, s18;
	s19 =	sadd.s32 s4, s19  }
0x2a1: {  	[tilespmem:s20], [sflag:$0x1] =	stream.linear.gather [hbm4b:s19+s3], $0x80, $0x38;
	[tilespmem:$0x13580] =	vst v63  }
0x2a2: {  	s20 =	spop (v2sf)  }
0x2a3: {  	(v2sf) =	vpush v6, $0x4;
	s19 =	sand.u32 $0x1FFFFFF0, s20  }
0x2a4: {  	s20 =	sor.u32 $0x500, s18;
	s19 =	sadd.s32 s4, s19  }
0x2a5: {  	[tilespmem:s20], [sflag:$0x1] =	stream.linear.gather [hbm4b:s19+s3], $0x80, $0x38;
	[tilespmem:$0x13580] =	vst v63  }
0x2a6: {  	s20 =	spop (v2sf)  }
0x2a7: {  	(v2sf) =	vpush v5, $0x4;
	s19 =	sand.u32 $0x1FFFFFF0, s20  }
0x2a8: {  	s20 =	sor.u32 $0xD00, s18;
	s19 =	sadd.s32 s4, s19  }
0x2a9: {  	[tilespmem:s20], [sflag:$0x1] =	stream.linear.gather [hbm4b:s19+s3], $0x80, $0x38;
	[tilespmem:$0x13580] =	vst v63  }
0x2aa: {  	s20 =	spop (v2sf)  }
0x2ab: {  	(v2sf) =	vpush v6, $0x5;
	s19 =	sand.u32 $0x1FFFFFF0, s20  }
0x2ac: {  	s20 =	sor.u32 $0x580, s18;
	s19 =	sadd.s32 s4, s19  }
0x2ad: {  	[tilespmem:s20], [sflag:$0x1] =	stream.linear.gather [hbm4b:s19+s3], $0x80, $0x38;
	[tilespmem:$0x13580] =	vst v63  }
0x2ae: {  	s20 =	spop (v2sf)  }
0x2af: {  	(v2sf) =	vpush v5, $0x5;
	s19 =	sand.u32 $0x1FFFFFF0, s20  }
0x2b0: {  	s20 =	sor.u32 $0xD80, s18;
	s19 =	sadd.s32 s4, s19  }
0x2b1: {  	[tilespmem:s20], [sflag:$0x1] =	stream.linear.gather [hbm4b:s19+s3], $0x80, $0x38;
	[tilespmem:$0x13580] =	vst v63  }
0x2b2: {  	s20 =	spop (v2sf)  }
0x2b3: {  	(v2sf) =	vpush v6, $0x6;
	s19 =	sand.u32 $0x1FFFFFF0, s20  }
0x2b4: {  	s20 =	sor.u32 $0x600, s18;
	s19 =	sadd.s32 s4, s19  }
0x2b5: {  	[tilespmem:s20], [sflag:$0x1] =	stream.linear.gather [hbm4b:s19+s3], $0x80, $0x38;
	[tilespmem:$0x13580] =	vst v63  }
0x2b6: {  	s20 =	spop (v2sf)  }
0x2b7: {  	(v2sf) =	vpush v5, $0x6;
	s19 =	sand.u32 $0x1FFFFFF0, s20  }
0x2b8: {  	s20 =	sor.u32 $0xE00, s18;
	s19 =	sadd.s32 s4, s19  }
0x2b9: {  	[tilespmem:s20], [sflag:$0x1] =	stream.linear.gather [hbm4b:s19+s3], $0x80, $0x38;
	[tilespmem:$0x13580] =	vst v63  }
0x2ba: {  	s20 =	spop (v2sf)  }
0x2bb: {  	(v2sf) =	vpush v6, $0x7;
	s19 =	sand.u32 $0x1FFFFFF0, s20  }
0x2bc: {  	s20 =	sor.u32 $0x680, s18;
	s19 =	sadd.s32 s4, s19  }
0x2bd: {  	[tilespmem:s20], [sflag:$0x1] =	stream.linear.gather [hbm4b:s19+s3], $0x80, $0x38;
	[tilespmem:$0x13580] =	vst v63  }
0x2be: {  	s20 =	spop (v2sf)  }
0x2bf: {  	(v2sf) =	vpush v5, $0x7;
	s19 =	sand.u32 $0x1FFFFFF0, s20  }
0x2c0: {  	s20 =	sor.u32 $0xE80, s18;
	s19 =	sadd.s32 s4, s19  }
0x2c1: {  	[tilespmem:s20], [sflag:$0x1] =	stream.linear.gather [hbm4b:s19+s3], $0x80, $0x38;
	[tilespmem:$0x13580] =	vst v63  }
0x2c2: {  	s20 =	spop (v2sf)  }
0x2c3: {  	(v2sf) =	vpush v6, $0x8;
	s19 =	sand.u32 $0x1FFFFFF0, s20  }
0x2c4: {  	s20 =	sor.u32 $0x700, s18;
	s19 =	sadd.s32 s4, s19  }
0x2c5: {  	[tilespmem:s20], [sflag:$0x1] =	stream.linear.gather [hbm4b:s19+s3], $0x80, $0x38;
	[tilespmem:$0x13580] =	vst v63  }
0x2c6: {  	s20 =	spop (v2sf)  }
0x2c7: {  	(v2sf) =	vpush v5, $0x8;
	s19 =	sand.u32 $0x1FFFFFF0, s20  }
0x2c8: {  	s20 =	sor.u32 $0xF00, s18;
	s19 =	sadd.s32 s4, s19  }
0x2c9: {  	[tilespmem:s20], [sflag:$0x1] =	stream.linear.gather [hbm4b:s19+s3], $0x80, $0x38;
	[tilespmem:$0x13580] =	vst v63  }
0x2ca: {  	s20 =	spop (v2sf)  }
0x2cb: {  	(v2sf) =	vpush v6, $0x9;
	s19 =	sand.u32 $0x1FFFFFF0, s20  }
0x2cc: {  	s20 =	sor.u32 $0x780, s18;
	s19 =	sadd.s32 s4, s19  }
0x2cd: {  	[tilespmem:s20], [sflag:$0x1] =	stream.linear.gather [hbm4b:s19+s3], $0x80, $0x38;
	[tilespmem:$0x13580] =	vst v63  }
0x2ce: {  	s20 =	spop (v2sf)  }
0x2cf: {  	(v2sf) =	vpush v5, $0x9;
	s19 =	sand.u32 $0x1FFFFFF0, s20  }
0x2d0: {  	s20 =	sor.u32 $0xF80, s18;
	s19 =	sadd.s32 s4, s19  }
0x2d1: {  	[tilespmem:s20], [sflag:$0x1] =	stream.linear.gather [hbm4b:s19+s3], $0x80, $0x38;
	[tilespmem:$0x13580] =	vst v63  }
0x2d2: {  	s20 =	spop (v2sf)  }
0x2d3: {  	(v2sf) =	vpush v6, $0xA;
	s19 =	sand.u32 $0x1FFFFFF0, s20  }
0x2d4: {  	s20 =	sor.u32 $0x800, s18;
	s19 =	sadd.s32 s4, s19  }
0x2d5: {  	[tilespmem:s20], [sflag:$0x1] =	stream.linear.gather [hbm4b:s19+s3], $0x80, $0x38;
	[tilespmem:$0x13580] =	vst v63  }
0x2d6: {  	s20 =	spop (v2sf)  }
0x2d7: {  	(v2sf) =	vpush v5, $0xA;
	s19 =	sand.u32 $0x1FFFFFF0, s20  }
0x2d8: {  	s20 =	sadd.s32 $0x1000, s18;
	s19 =	sadd.s32 s4, s19  }
0x2d9: {  	[tilespmem:s20], [sflag:$0x1] =	stream.linear.gather [hbm4b:s19+s3], $0x80, $0x38;
	[tilespmem:$0x13580] =	vst v63  }
0x2da: {  	s20 =	spop (v2sf)  }
0x2db: {  	(v2sf) =	vpush v6, $0xB;
	s19 =	sand.u32 $0x1FFFFFF0, s20  }
0x2dc: {  	s20 =	sor.u32 $0x880, s18;
	s19 =	sadd.s32 s4, s19  }
0x2dd: {  	[tilespmem:s20], [sflag:$0x1] =	stream.linear.gather [hbm4b:s19+s3], $0x80, $0x38;
	[tilespmem:$0x13580] =	vst v63  }
0x2de: {  	s20 =	spop (v2sf)  }
0x2df: {  	(v2sf) =	vpush v5, $0xB;
	s19 =	sand.u32 $0x1FFFFFF0, s20  }
0x2e0: {  	s20 =	sadd.s32 $0x1080, s18;
	s19 =	sadd.s32 s4, s19  }
0x2e1: {  	[tilespmem:s20], [sflag:$0x1] =	stream.linear.gather [hbm4b:s19+s3], $0x80, $0x38;
	[tilespmem:$0x13580] =	vst v63  }
0x2e2: {  	s20 =	spop (v2sf)  }
0x2e3: {  	(v2sf) =	vpush v6, $0xC;
	s19 =	sand.u32 $0x1FFFFFF0, s20  }
0x2e4: {  	s20 =	sor.u32 $0x900, s18;
	s19 =	sadd.s32 s4, s19  }
0x2e5: {  	[tilespmem:s20], [sflag:$0x1] =	stream.linear.gather [hbm4b:s19+s3], $0x80, $0x38;
	[tilespmem:$0x13580] =	vst v63  }
0x2e6: {  	s20 =	spop (v2sf)  }
0x2e7: {  	(v2sf) =	vpush v5, $0xC;
	s19 =	sand.u32 $0x1FFFFFF0, s20  }
0x2e8: {  	s20 =	sadd.s32 $0x1100, s18;
	s19 =	sadd.s32 s4, s19  }
0x2e9: {  	[tilespmem:s20], [sflag:$0x1] =	stream.linear.gather [hbm4b:s19+s3], $0x80, $0x38;
	[tilespmem:$0x13580] =	vst v63  }
0x2ea: {  	s20 =	spop (v2sf)  }
0x2eb: {  	(v2sf) =	vpush v6, $0xD;
	s19 =	sand.u32 $0x1FFFFFF0, s20  }
0x2ec: {  	s20 =	sor.u32 $0x980, s18;
	s19 =	sadd.s32 s4, s19  }
0x2ed: {  	[tilespmem:s20], [sflag:$0x1] =	stream.linear.gather [hbm4b:s19+s3], $0x80, $0x38;
	[tilespmem:$0x13580] =	vst v63  }
0x2ee: {  	s20 =	spop (v2sf)  }
0x2ef: {  	(v2sf) =	vpush v5, $0xD;
	s19 =	sand.u32 $0x1FFFFFF0, s20  }
0x2f0: {  	s20 =	sadd.s32 $0x1180, s18;
	s19 =	sadd.s32 s4, s19  }
0x2f1: {  	[tilespmem:s20], [sflag:$0x1] =	stream.linear.gather [hbm4b:s19+s3], $0x80, $0x38;
	[tilespmem:$0x13580] =	vst v63  }
0x2f2: {  	s20 =	spop (v2sf)  }
0x2f3: {  	(v2sf) =	vpush v6, $0xE;
	s19 =	sand.u32 $0x1FFFFFF0, s20  }
0x2f4: {  	s20 =	sor.u32 $0xA00, s18;
	s19 =	sadd.s32 s4, s19  }
0x2f5: {  	[tilespmem:s20], [sflag:$0x1] =	stream.linear.gather [hbm4b:s19+s3], $0x80, $0x38;
	[tilespmem:$0x13580] =	vst v63  }
0x2f6: {  	s20 =	spop (v2sf)  }
0x2f7: {  	(v2sf) =	vpush v5, $0xE;
	s19 =	sand.u32 $0x1FFFFFF0, s20  }
0x2f8: {  	s20 =	sadd.s32 $0x1200, s18;
	s19 =	sadd.s32 s4, s19  }
0x2f9: {  	[tilespmem:s20], [sflag:$0x1] =	stream.linear.gather [hbm4b:s19+s3], $0x80, $0x38;
	[tilespmem:$0x13580] =	vst v63  }
0x2fa: {  	s20 =	spop (v2sf)  }
0x2fb: {  	(v2sf) =	vpush v6, $0xF;
	s19 =	sand.u32 $0x1FFFFFF0, s20  }
0x2fc: {  	s20 =	sor.u32 $0xA80, s18;
	s19 =	sadd.s32 s4, s19  }
0x2fd: {  	[tilespmem:s20], [sflag:$0x1] =	stream.linear.gather [hbm4b:s19+s3], $0x80, $0x38;
	[tilespmem:$0x13580] =	vst v63  }
0x2fe: {  	s20 =	spop (v2sf)  }
0x2ff: {  	s19 =	sand.u32 $0x1FFFFFF0, s20  }
0x300: {  	(v2sf) =	vpush v5, $0xF;
	s20 =	sadd.s32 $0x1280, s18;
	s19 =	sadd.s32 s4, s19  }
0x301: {  	[tilespmem:s20], [sflag:$0x1] =	stream.linear.gather [hbm4b:s19+s3], $0x80, $0x38;
	[tilespmem:$0x13580] =	vst v63  }
0x302: {  	s20 =	spop (v2sf)  }
0x303: {  	s19 =	sand.u32 $0x1FFFFFF0, s20  }
0x304: {  	s20 =	sor.u32 $0xB00, s18;
	s19 =	sadd.s32 s4, s19  }
0x305: {  	[tilespmem:s20], [sflag:$0x1] =	stream.linear.gather [hbm4b:s19+s3], $0x80, $0x38;
	[tilespmem:$0x13580] =	vst v63  }
0x306: {  	s20 =	spop (v2sf)  }
0x307: {  	s19 =	sand.u32 $0x1FFFFFF0, s20  }
0x308: {  	s20 =	sadd.s32 $0x1300, s18;
	s19 =	sadd.s32 s4, s19  }
0x309: {  	[tilespmem:s20], [sflag:$0x1] =	stream.linear.gather [hbm4b:s19+s3], $0x80, $0x38;
	[tilespmem:$0x13580] =	vst v63  }
0x30a: {  	s20 =	spop (v2sf)  }
0x30b: {  	s19 =	sand.u32 $0x1FFFFFF0, s20  }
0x30c: {  	s20 =	sor.u32 $0xB80, s18;
	s19 =	sadd.s32 s4, s19  }
0x30d: {  	[tilespmem:s20], [sflag:$0x1] =	stream.linear.gather [hbm4b:s19+s3], $0x80, $0x38;
	[tilespmem:$0x13580] =	vst v63  }
.Ltmp5:
0x30e: {  	_ = 	snop;
	(pc) =	sbr.rel .LBB2_4-.Ltmp5, $4  }
0x30f: {  	s20 =	spop (v2sf)  }
0x310: {  	s19 =	sand.u32 $0x1FFFFFF0, s20  }
0x311: {  	s18 =	sadd.s32 $0x1380, s18;
	s19 =	sadd.s32 s4, s19  }
0x312: {  	[tilespmem:s18], [sflag:$0x1] =	stream.linear.gather [hbm4b:s19+s3], $0x80, $0x38;
	[tilespmem:$0x13580] =	vst v63  }
.LBB2_6:
0x313: {  	_ =	sfence.sel $0x180000  }
0x314: {  	[bflag:$0x0] =	sbarrier.arrive $0xFFFF  }
0x315: {  	_ =	strace $0x90000047  }
0x316: {  	s0 =	stileid.u32;
	[bflag:$0x2] =	sbarrier.arrive $0xFFFF  }
0x317: {  	p0 =	sne.s32 s0, $0x0;
	s0 =	rddreg [dreg:$0x3]  }
0x318: {  	s0 =	sadd.s32 @!p0 $0x100000, s0  }
0x319: {  	[sflag:s0] =	ssyncadd.tile.s32 @!p0 $0x1;
	_ =	shalt  }
.Lfunc_end2:
_tile_overlayer_lowered:
.L_overlay_start_2:
0x31a: {  	(tag) =	ssettag $0x2  }
0x31b: {  	s0 =	rddreg [dreg:$0x0];
	s2 =	stileid.u32  }
0x31c: {  	s1 =	rddreg [dreg:$0x1];
	p0 =	sne.s32 s2, $0x0  }
0x31d: {  	s3 =	rddreg [dreg:$0x2];
	[bflag:$0x3] =	sbarrier.arrive $0xFFFF;
	s2 =	simm.s32 @!p0 $0x1C02  }
0x31e: {  	[timem:s3], [sflag:s2] =	dma.local @!p0 [hbm:s0], s1  }
0x31f: {  	s0 =	simm.s32 @!p0 $0x2  }
0x320: {  	_ =	swait.ge @!p0 [sflag:s0], s1  }
0x321: {  	s1 =	ssub.s32 @!p0 $0x0, s1;
	[sflag:s0] =	ssyncset.done @!p0 $0x0  }
0x322: {  	[sflag:s0] =	ssyncadd.s32 @!p0 s1  }
0x323: {  	[bflag:$0x3] =	sbarrier.arrive $0xFFFF  }
0x324: {  	_ =	shalt  }

</sc_bundles>
